<compile_context>
chip_gen: v7x
topology: tpu7x:2x2x1
jax: 0.10.2.dev20260603
libtpu: 0.0.44.dev20260713+nightly
codegen_flags: <defaults>
</compile_context>

<pallas_src>
import functools

import jax
import jax.numpy as jnp
from jax import lax
from jax.experimental import pallas as pl
from jax.experimental.pallas import tpu as pltpu
from jax.experimental.pallas import tpu_sc as plsc

_NUM_EXPERTS = 3
_B = 32768
_F = 16
_LANES = 16
_NC = 2
_NS = 16
_NW = _NC * _NS
_ROWS = _B // _NW
_GROUPS = _ROWS // _LANES

_mesh = plsc.VectorSubcoreMesh(core_axis_name="c", subcore_axis_name="s")


@functools.partial(
    pl.kernel,
    mesh=_mesh,
    compiler_params=pltpu.CompilerParams(needs_layout_passes=False),
    out_type=jax.ShapeDtypeStruct((_NUM_EXPERTS, _B), jnp.float32),
    scratch_types=[
        pltpu.VMEM((4, _ROWS), jnp.float32),
        pltpu.VMEM((1, _ROWS), jnp.float32),
        pltpu.VMEM((_NUM_EXPERTS, _ROWS), jnp.float32),
        pltpu.SemaphoreType.DMA,
        pltpu.SemaphoreType.DMA,
        pltpu.SemaphoreType.DMA,
        pltpu.SemaphoreType.DMA,
        pltpu.SemaphoreType.DMA,
    ],
)
def _gating_kernel(xt_hbm, out_hbm, v47, v11, out_v,
                   sem_a0, sem_b0, sem_a1, sem_b1, sem_o):
    wid = lax.axis_index("s") * _NC + lax.axis_index("c")
    base = wid * _ROWS
    half = _ROWS // 2

    in_sems = ((sem_a0, sem_b0), (sem_a1, sem_b1))
    cps = []
    for h in range(2):
        cps.append((
            pltpu.async_copy(
                xt_hbm.at[pl.ds(4, 4), pl.ds(base + h * half, half)],
                v47.at[:, pl.ds(h * half, half)], in_sems[h][0]),
            pltpu.async_copy(
                xt_hbm.at[pl.ds(11, 1), pl.ds(base + h * half, half)],
                v11.at[:, pl.ds(h * half, half)], in_sems[h][1]),
        ))

    out_cps = []
    for h in range(2):
        cps[h][0].wait()
        cps[h][1].wait()
        for g in range(h * _GROUPS // 2, (h + 1) * _GROUPS // 2):
            sl = pl.ds(g * _LANES, _LANES)
            t = v11[0, sl]
            a = v47[0, sl]
            b = v47[1, sl]
            c = v47[2, sl]
            d = v47[3, sl]
            trend = t > 0.5
            cyc = (a + b) > (c + d)
            w0 = jnp.where(trend, 1.0, 0.0).astype(jnp.float32)
            w1 = jnp.where(jnp.logical_and(jnp.logical_not(trend), cyc),
                           1.0, 0.0).astype(jnp.float32)
            w2 = 1.0 - w0 - w1
            out_v[0, sl] = w0
            out_v[1, sl] = w1
            out_v[2, sl] = w2
        out_cps.append(pltpu.async_copy(
            out_v.at[:, pl.ds(h * half, half)],
            out_hbm.at[:, pl.ds(base + h * half, half)], sem_o))

    for cp in out_cps:
        cp.wait()


def kernel(features):
    return _gating_kernel(features.T).T

# --- scband reference (transcript-rebuilt; emitter-appended) ---
"""Pipeline reference for scband-rule-based-gating-network-44057774523075 (READ-ONLY COPY).

The authoritative reference and input builder live on the scoring server;
editing this copy changes nothing except your own understanding.
"""

import jax, jax.numpy as jnp
import numpy as np

NUM_EXPERTS = 3
B = 32768
F = 16

def setup_inputs(seed: int = 0) -> dict:
    key = jax.random.key(seed)
    features = jax.random.normal(key, (B, F), dtype=jnp.float32)
    return {"features": features}

def reference(features):
    batch_size = features.shape[0]
    trend_strength = features[:, 11]
    cycle_energy = features[:, 4] + features[:, 5]
    highfreq_energy = features[:, 6] + features[:, 7]
    # rule-based expert selection (vectorized equivalent of the per-row loop)
    selected_expert = jnp.where(
        trend_strength > 0.5,
        jnp.int32(0),
        jnp.where(cycle_energy > highfreq_energy, jnp.int32(1), jnp.int32(2)),
    )
    # scatter 1.0 into one-hot gating weights (scatter-overwrite)
    gating_weights = jnp.zeros((batch_size, NUM_EXPERTS), dtype=jnp.float32)
    gating_weights = gating_weights.at[jnp.arange(batch_size), selected_expert].set(1.0)
    return gating_weights

if False:  # reference __main__ guard neutralized (emitter)
    out = reference(**setup_inputs())
    print(out.shape, out.sum())

if __name__ == "__main__":
    import jax
    _d = setup_inputs()
    print(jax.jit(kernel)(*tuple(_d.values())))

</pallas_src>

<mosaic_0001>
#map = affine_map<(d0, d1) -> (0, 0)>
module attributes {stable_mosaic.version = 14 : i64} {
  func.func @_gating_kernel(%arg0: i32, %arg1: i32, %arg2: memref<16x32768xf32, #tpu.memory_space<hbm>>, %arg3: memref<3x32768xf32, #tpu.memory_space<hbm>>, %arg4: memref<4x1024xf32, #tpu.memory_space<vmem>>, %arg5: memref<1x1024xf32, #tpu.memory_space<vmem>>, %arg6: memref<3x1024xf32, #tpu.memory_space<vmem>>, %arg7: memref<!tpu.dma_semaphore, #tpu.memory_space<semaphore_mem>>, %arg8: memref<!tpu.dma_semaphore, #tpu.memory_space<semaphore_mem>>, %arg9: memref<!tpu.dma_semaphore, #tpu.memory_space<semaphore_mem>>, %arg10: memref<!tpu.dma_semaphore, #tpu.memory_space<semaphore_mem>>, %arg11: memref<!tpu.dma_semaphore, #tpu.memory_space<semaphore_mem>>) attributes {dimension_semantics = [#tpu.dimension_semantics<core_parallel>, #tpu.dimension_semantics<subcore_parallel>], iteration_bounds = array<i64: 2, 16>, scalar_prefetch = 0 : i64, scratch_operands = 8 : i64, tpu.core_type = #tpu.core_type<sc_vector_subcore>, window_params = [{transform_indices = #map}, {transform_indices = #map}]} {
    %mul3A = arith.constant 2 : i32
    %mul3A_0 = arith.muli %arg1, %mul3A : i32
    %add3A = arith.addi %mul3A_0, %arg0 : i32
    %mul3A_1 = arith.constant 1024 : i32
    %mul3A_2 = arith.muli %add3A, %mul3A_1 : i32
    %add3A_3 = arith.constant 0 : i32
    %add3A_4 = arith.addi %mul3A_2, %add3A_3 : i32
    %dma_start3A = arith.constant 0 : i32
    %dma_start3A_5 = arith.constant 0 : i32
    %dma_start3A_6 = tpu.memref_slice %arg4[%dma_start3A, %dma_start3A_5] : memref<4x1024xf32, #tpu.memory_space<vmem>> -> memref<4x512xf32, #tpu.memory_space<vmem>>
    %dma_start3A_7 = arith.constant 4 : i32
    %dma_start3A_8 = tpu.memref_slice %arg2[%dma_start3A_7, %add3A_4] : memref<16x32768xf32, #tpu.memory_space<hbm>> -> memref<4x512xf32, #tpu.memory_space<hbm>>
    %dma_start3A_9 = arith.constant 0 : i32
    %dma_start3A_10 = arith.constant 0 : i32
    %dma_start3A_11 = tpu.memref_slice %arg4[%dma_start3A_9, %dma_start3A_10] : memref<4x1024xf32, #tpu.memory_space<vmem>> -> memref<4x512xf32, #tpu.memory_space<vmem>>
    %dma_start3A_12 = arith.constant 4 : i32
    %dma_start3A_13 = tpu.memref_slice %arg2[%dma_start3A_12, %add3A_4] : memref<16x32768xf32, #tpu.memory_space<hbm>> -> memref<4x512xf32, #tpu.memory_space<hbm>>
    tpu.enqueue_dma source(%dma_start3A_13 : memref<4x512xf32, #tpu.memory_space<hbm>>) target(%dma_start3A_11 : memref<4x512xf32, #tpu.memory_space<vmem>>) target_semaphore(%arg7 : memref<!tpu.dma_semaphore, #tpu.memory_space<semaphore_mem>>)
    %add3A_14 = arith.constant 0 : i32
    %add3A_15 = arith.addi %mul3A_2, %add3A_14 : i32
    %dma_start3A_16 = arith.constant 0 : i32
    %dma_start3A_17 = arith.constant 0 : i32
    %dma_start3A_18 = tpu.memref_slice %arg5[%dma_start3A_16, %dma_start3A_17] : memref<1x1024xf32, #tpu.memory_space<vmem>> -> memref<1x512xf32, #tpu.memory_space<vmem>>
    %dma_start3A_19 = arith.constant 11 : i32
    %dma_start3A_20 = tpu.memref_slice %arg2[%dma_start3A_19, %add3A_15] : memref<16x32768xf32, #tpu.memory_space<hbm>> -> memref<1x512xf32, #tpu.memory_space<hbm>>
    %dma_start3A_21 = arith.constant 0 : i32
    %dma_start3A_22 = arith.constant 0 : i32
    %dma_start3A_23 = tpu.memref_slice %arg5[%dma_start3A_21, %dma_start3A_22] : memref<1x1024xf32, #tpu.memory_space<vmem>> -> memref<1x512xf32, #tpu.memory_space<vmem>>
    %dma_start3A_24 = arith.constant 11 : i32
    %dma_start3A_25 = tpu.memref_slice %arg2[%dma_start3A_24, %add3A_15] : memref<16x32768xf32, #tpu.memory_space<hbm>> -> memref<1x512xf32, #tpu.memory_space<hbm>>
    tpu.enqueue_dma source(%dma_start3A_25 : memref<1x512xf32, #tpu.memory_space<hbm>>) target(%dma_start3A_23 : memref<1x512xf32, #tpu.memory_space<vmem>>) target_semaphore(%arg8 : memref<!tpu.dma_semaphore, #tpu.memory_space<semaphore_mem>>)
    %add3A_26 = arith.constant 512 : i32
    %add3A_27 = arith.addi %mul3A_2, %add3A_26 : i32
    %dma_start3A_28 = arith.constant 0 : i32
    %dma_start3A_29 = arith.constant 512 : i32
    %dma_start3A_30 = tpu.memref_slice %arg4[%dma_start3A_28, %dma_start3A_29] : memref<4x1024xf32, #tpu.memory_space<vmem>> -> memref<4x512xf32, #tpu.memory_space<vmem>>
    %dma_start3A_31 = arith.constant 4 : i32
    %dma_start3A_32 = tpu.memref_slice %arg2[%dma_start3A_31, %add3A_27] : memref<16x32768xf32, #tpu.memory_space<hbm>> -> memref<4x512xf32, #tpu.memory_space<hbm>>
    %dma_start3A_33 = arith.constant 0 : i32
    %dma_start3A_34 = arith.constant 512 : i32
    %dma_start3A_35 = tpu.memref_slice %arg4[%dma_start3A_33, %dma_start3A_34] : memref<4x1024xf32, #tpu.memory_space<vmem>> -> memref<4x512xf32, #tpu.memory_space<vmem>>
    %dma_start3A_36 = arith.constant 4 : i32
    %dma_start3A_37 = tpu.memref_slice %arg2[%dma_start3A_36, %add3A_27] : memref<16x32768xf32, #tpu.memory_space<hbm>> -> memref<4x512xf32, #tpu.memory_space<hbm>>
    tpu.enqueue_dma source(%dma_start3A_37 : memref<4x512xf32, #tpu.memory_space<hbm>>) target(%dma_start3A_35 : memref<4x512xf32, #tpu.memory_space<vmem>>) target_semaphore(%arg9 : memref<!tpu.dma_semaphore, #tpu.memory_space<semaphore_mem>>)
    %add3A_38 = arith.constant 512 : i32
    %add3A_39 = arith.addi %mul3A_2, %add3A_38 : i32
    %dma_start3A_40 = arith.constant 0 : i32
    %dma_start3A_41 = arith.constant 512 : i32
    %dma_start3A_42 = tpu.memref_slice %arg5[%dma_start3A_40, %dma_start3A_41] : memref<1x1024xf32, #tpu.memory_space<vmem>> -> memref<1x512xf32, #tpu.memory_space<vmem>>
    %dma_start3A_43 = arith.constant 11 : i32
    %dma_start3A_44 = tpu.memref_slice %arg2[%dma_start3A_43, %add3A_39] : memref<16x32768xf32, #tpu.memory_space<hbm>> -> memref<1x512xf32, #tpu.memory_space<hbm>>
    %dma_start3A_45 = arith.constant 0 : i32
    %dma_start3A_46 = arith.constant 512 : i32
    %dma_start3A_47 = tpu.memref_slice %arg5[%dma_start3A_45, %dma_start3A_46] : memref<1x1024xf32, #tpu.memory_space<vmem>> -> memref<1x512xf32, #tpu.memory_space<vmem>>
    %dma_start3A_48 = arith.constant 11 : i32
    %dma_start3A_49 = tpu.memref_slice %arg2[%dma_start3A_48, %add3A_39] : memref<16x32768xf32, #tpu.memory_space<hbm>> -> memref<1x512xf32, #tpu.memory_space<hbm>>
    tpu.enqueue_dma source(%dma_start3A_49 : memref<1x512xf32, #tpu.memory_space<hbm>>) target(%dma_start3A_47 : memref<1x512xf32, #tpu.memory_space<vmem>>) target_semaphore(%arg10 : memref<!tpu.dma_semaphore, #tpu.memory_space<semaphore_mem>>)
    %dma_wait3A = arith.constant 0 : i32
    %dma_wait3A_50 = arith.constant 0 : i32
    %dma_wait3A_51 = tpu.memref_slice %arg4[%dma_wait3A, %dma_wait3A_50] : memref<4x1024xf32, #tpu.memory_space<vmem>> -> memref<4x512xf32, #tpu.memory_space<vmem>>
    %dma_wait3A_52 = arith.constant 4 : i32
    %dma_wait3A_53 = tpu.memref_slice %arg2[%dma_wait3A_52, %add3A_4] : memref<16x32768xf32, #tpu.memory_space<hbm>> -> memref<4x512xf32, #tpu.memory_space<hbm>>
    %dma_wait3A_54 = arith.constant 0 : i32
    %dma_wait3A_55 = arith.constant 0 : i32
    %dma_wait3A_56 = tpu.memref_slice %arg4[%dma_wait3A_54, %dma_wait3A_55] : memref<4x1024xf32, #tpu.memory_space<vmem>> -> memref<4x512xf32, #tpu.memory_space<vmem>>
    %dma_wait3A_57 = arith.constant 4 : i32
    %dma_wait3A_58 = tpu.memref_slice %arg2[%dma_wait3A_57, %add3A_4] : memref<16x32768xf32, #tpu.memory_space<hbm>> -> memref<4x512xf32, #tpu.memory_space<hbm>>
    tpu.wait_dma2 semaphore(%arg7 : memref<!tpu.dma_semaphore, #tpu.memory_space<semaphore_mem>>) src(%dma_wait3A_58 : memref<4x512xf32, #tpu.memory_space<hbm>>) dst(%dma_wait3A_56 : memref<4x512xf32, #tpu.memory_space<vmem>>)
    %dma_wait3A_59 = arith.constant 0 : i32
    %dma_wait3A_60 = arith.constant 0 : i32
    %dma_wait3A_61 = tpu.memref_slice %arg5[%dma_wait3A_59, %dma_wait3A_60] : memref<1x1024xf32, #tpu.memory_space<vmem>> -> memref<1x512xf32, #tpu.memory_space<vmem>>
    %dma_wait3A_62 = arith.constant 11 : i32
    %dma_wait3A_63 = tpu.memref_slice %arg2[%dma_wait3A_62, %add3A_15] : memref<16x32768xf32, #tpu.memory_space<hbm>> -> memref<1x512xf32, #tpu.memory_space<hbm>>
    %dma_wait3A_64 = arith.constant 0 : i32
    %dma_wait3A_65 = arith.constant 0 : i32
    %dma_wait3A_66 = tpu.memref_slice %arg5[%dma_wait3A_64, %dma_wait3A_65] : memref<1x1024xf32, #tpu.memory_space<vmem>> -> memref<1x512xf32, #tpu.memory_space<vmem>>
    %dma_wait3A_67 = arith.constant 11 : i32
    %dma_wait3A_68 = tpu.memref_slice %arg2[%dma_wait3A_67, %add3A_15] : memref<16x32768xf32, #tpu.memory_space<hbm>> -> memref<1x512xf32, #tpu.memory_space<hbm>>
    tpu.wait_dma2 semaphore(%arg8 : memref<!tpu.dma_semaphore, #tpu.memory_space<semaphore_mem>>) src(%dma_wait3A_68 : memref<1x512xf32, #tpu.memory_space<hbm>>) dst(%dma_wait3A_66 : memref<1x512xf32, #tpu.memory_space<vmem>>)
    %get3A = arith.constant 0 : i32
    %get3A_69 = arith.index_cast %get3A : i32 to index
    %get3A_70 = arith.constant 0 : index
    %get3A_71 = tpu.vector_load %arg5[%get3A_69, %get3A_70] {strides = array<i32>} : memref<1x1024xf32, #tpu.memory_space<vmem>>, vector<16xf32>,
    %get3A_72 = arith.constant 0 : i32
    %get3A_73 = arith.index_cast %get3A_72 : i32 to index
    %get3A_74 = arith.constant 0 : index
    %get3A_75 = tpu.vector_load %arg4[%get3A_73, %get3A_74] {strides = array<i32>} : memref<4x1024xf32, #tpu.memory_space<vmem>>, vector<16xf32>,
    %get3A_76 = arith.constant 1 : i32
    %get3A_77 = arith.index_cast %get3A_76 : i32 to index
    %get3A_78 = arith.constant 0 : index
    %get3A_79 = tpu.vector_load %arg4[%get3A_77, %get3A_78] {strides = array<i32>} : memref<4x1024xf32, #tpu.memory_space<vmem>>, vector<16xf32>,
    %get3A_80 = arith.constant 2 : i32
    %get3A_81 = arith.index_cast %get3A_80 : i32 to index
    %get3A_82 = arith.constant 0 : index
    %get3A_83 = tpu.vector_load %arg4[%get3A_81, %get3A_82] {strides = array<i32>} : memref<4x1024xf32, #tpu.memory_space<vmem>>, vector<16xf32>,
    %get3A_84 = arith.constant 3 : i32
    %get3A_85 = arith.index_cast %get3A_84 : i32 to index
    %get3A_86 = arith.constant 0 : index
    %get3A_87 = tpu.vector_load %arg4[%get3A_85, %get3A_86] {strides = array<i32>} : memref<4x1024xf32, #tpu.memory_space<vmem>>, vector<16xf32>,
    %gt3A = arith.constant 5.000000e-01 : f32
    %gt3A_88 = vector.broadcast %gt3A : f32 to vector<16xf32>
    %gt3A_89 = arith.cmpf ogt, %get3A_71, %gt3A_88 : vector<16xf32>
    %add3A_90 = arith.addf %get3A_75, %get3A_79 : vector<16xf32>
    %add3A_91 = arith.addf %get3A_83, %get3A_87 : vector<16xf32>
    %gt3A_92 = arith.cmpf ogt, %add3A_90, %add3A_91 : vector<16xf32>
    %jit3A = arith.constant 1.000000e+00 : f32
    %jit3A_93 = arith.constant 0.000000e+00 : f32
    %broadcast_in_dim3A = vector.broadcast %jit3A : f32 to vector<16xf32>
    %broadcast_in_dim3A_94 = vector.broadcast %jit3A_93 : f32 to vector<16xf32>
    %select_n3A = arith.select %gt3A_89, %broadcast_in_dim3A, %broadcast_in_dim3A_94 : vector<16xi1>, vector<16xf32>
    %not3A = arith.constant dense<true> : vector<16xi1>
    %not3A_95 = arith.xori %gt3A_89, %not3A : vector<16xi1>
    %and3A = arith.andi %not3A_95, %gt3A_92 : vector<16xi1>
    %jit3A_96 = arith.constant 1.000000e+00 : f32
    %jit3A_97 = arith.constant 0.000000e+00 : f32
    %broadcast_in_dim3A_98 = vector.broadcast %jit3A_96 : f32 to vector<16xf32>
    %broadcast_in_dim3A_99 = vector.broadcast %jit3A_97 : f32 to vector<16xf32>
    %select_n3A_100 = arith.select %and3A, %broadcast_in_dim3A_98, %broadcast_in_dim3A_99 : vector<16xi1>, vector<16xf32>
    %sub3A = arith.constant 1.000000e+00 : f32
    %sub3A_101 = vector.broadcast %sub3A : f32 to vector<16xf32>
    %sub3A_102 = arith.subf %sub3A_101, %select_n3A : vector<16xf32>
    %sub3A_103 = arith.subf %sub3A_102, %select_n3A_100 : vector<16xf32>
    %swap3A = arith.constant 0 : i32
    %swap3A_104 = arith.index_cast %swap3A : i32 to index
    %swap3A_105 = arith.constant 0 : index
    %swap3A_106 = tpu.vector_load %arg6[%swap3A_104, %swap3A_105] {strides = array<i32>} : memref<3x1024xf32, #tpu.memory_space<vmem>>, vector<16xf32>,
    tpu.vector_store %arg6[%swap3A_104, %swap3A_105], %select_n3A {strides = array<i32>} : memref<3x1024xf32, #tpu.memory_space<vmem>>, vector<16xf32>,
    %swap3A_107 = arith.constant 1 : i32
    %swap3A_108 = arith.index_cast %swap3A_107 : i32 to index
    %swap3A_109 = arith.constant 0 : index
    %swap3A_110 = tpu.vector_load %arg6[%swap3A_108, %swap3A_109] {strides = array<i32>} : memref<3x1024xf32, #tpu.memory_space<vmem>>, vector<16xf32>,
    tpu.vector_store %arg6[%swap3A_108, %swap3A_109], %select_n3A_100 {strides = array<i32>} : memref<3x1024xf32, #tpu.memory_space<vmem>>, vector<16xf32>,
    %swap3A_111 = arith.constant 2 : i32
    %swap3A_112 = arith.index_cast %swap3A_111 : i32 to index
    %swap3A_113 = arith.constant 0 : index
    %swap3A_114 = tpu.vector_load %arg6[%swap3A_112, %swap3A_113] {strides = array<i32>} : memref<3x1024xf32, #tpu.memory_space<vmem>>, vector<16xf32>,
    tpu.vector_store %arg6[%swap3A_112, %swap3A_113], %sub3A_103 {strides = array<i32>} : memref<3x1024xf32, #tpu.memory_space<vmem>>, vector<16xf32>,
    %get3A_115 = arith.constant 0 : i32
    %get3A_116 = arith.index_cast %get3A_115 : i32 to index
    %get3A_117 = arith.constant 16 : index
    %get3A_118 = tpu.vector_load %arg5[%get3A_116, %get3A_117] {strides = array<i32>} : memref<1x1024xf32, #tpu.memory_space<vmem>>, vector<16xf32>,
    %get3A_119 = arith.constant 0 : i32
    %get3A_120 = arith.index_cast %get3A_119 : i32 to index
    %get3A_121 = arith.constant 16 : index
    %get3A_122 = tpu.vector_load %arg4[%get3A_120, %get3A_121] {strides = array<i32>} : memref<4x1024xf32, #tpu.memory_space<vmem>>, vector<16xf32>,
    %get3A_123 = arith.constant 1 : i32
    %get3A_124 = arith.index_cast %get3A_123 : i32 to index
    %get3A_125 = arith.constant 16 : index
    %get3A_126 = tpu.vector_load %arg4[%get3A_124, %get3A_125] {strides = array<i32>} : memref<4x1024xf32, #tpu.memory_space<vmem>>, vector<16xf32>,
    %get3A_127 = arith.constant 2 : i32
    %get3A_128 = arith.index_cast %get3A_127 : i32 to index
    %get3A_129 = arith.constant 16 : index
    %get3A_130 = tpu.vector_load %arg4[%get3A_128, %get3A_129] {strides = array<i32>} : memref<4x1024xf32, #tpu.memory_space<vmem>>, vector<16xf32>,
    %get3A_131 = arith.constant 3 : i32
    %get3A_132 = arith.index_cast %get3A_131 : i32 to index
    %get3A_133 = arith.constant 16 : index
    %get3A_134 = tpu.vector_load %arg4[%get3A_132, %get3A_133] {strides = array<i32>} : memref<4x1024xf32, #tpu.memory_space<vmem>>, vector<16xf32>,
    %gt3A_135 = arith.constant 5.000000e-01 : f32
    %gt3A_136 = vector.broadcast %gt3A_135 : f32 to vector<16xf32>
    %gt3A_137 = arith.cmpf ogt, %get3A_118, %gt3A_136 : vector<16xf32>
    %add3A_138 = arith.addf %get3A_122, %get3A_126 : vector<16xf32>
    %add3A_139 = arith.addf %get3A_130, %get3A_134 : vector<16xf32>
    %gt3A_140 = arith.cmpf ogt, %add3A_138, %add3A_139 : vector<16xf32>
    %jit3A_141 = arith.constant 1.000000e+00 : f32
    %jit3A_142 = arith.constant 0.000000e+00 : f32
    %broadcast_in_dim3A_143 = vector.broadcast %jit3A_141 : f32 to vector<16xf32>
    %broadcast_in_dim3A_144 = vector.broadcast %jit3A_142 : f32 to vector<16xf32>
    %select_n3A_145 = arith.select %gt3A_137, %broadcast_in_dim3A_143, %broadcast_in_dim3A_144 : vector<16xi1>, vector<16xf32>
    %not3A_146 = arith.constant dense<true> : vector<16xi1>
    %not3A_147 = arith.xori %gt3A_137, %not3A_146 : vector<16xi1>
    %and3A_148 = arith.andi %not3A_147, %gt3A_140 : vector<16xi1>
    %jit3A_149 = arith.constant 1.000000e+00 : f32
    %jit3A_150 = arith.constant 0.000000e+00 : f32
    %broadcast_in_dim3A_151 = vector.broadcast %jit3A_149 : f32 to vector<16xf32>
    %broadcast_in_dim3A_152 = vector.broadcast %jit3A_150 : f32 to vector<16xf32>
    %select_n3A_153 = arith.select %and3A_148, %broadcast_in_dim3A_151, %broadcast_in_dim3A_152 : vector<16xi1>, vector<16xf32>
    %sub3A_154 = arith.constant 1.000000e+00 : f32
    %sub3A_155 = vector.broadcast %sub3A_154 : f32 to vector<16xf32>
    %sub3A_156 = arith.subf %sub3A_155, %select_n3A_145 : vector<16xf32>
    %sub3A_157 = arith.subf %sub3A_156, %select_n3A_153 : vector<16xf32>
    %swap3A_158 = arith.constant 0 : i32
    %swap3A_159 = arith.index_cast %swap3A_158 : i32 to index
    %swap3A_160 = arith.constant 16 : index
    %swap3A_161 = tpu.vector_load %arg6[%swap3A_159, %swap3A_160] {strides = array<i32>} : memref<3x1024xf32, #tpu.memory_space<vmem>>, vector<16xf32>,
    tpu.vector_store %arg6[%swap3A_159, %swap3A_160], %select_n3A_145 {strides = array<i32>} : memref<3x1024xf32, #tpu.memory_space<vmem>>, vector<16xf32>,
    %swap3A_162 = arith.constant 1 : i32
    %swap3A_163 = arith.index_cast %swap3A_162 : i32 to index
    %swap3A_164 = arith.constant 16 : index
    %swap3A_165 = tpu.vector_load %arg6[%swap3A_163, %swap3A_164] {strides = array<i32>} : memref<3x1024xf32, #tpu.memory_space<vmem>>, vector<16xf32>,
    tpu.vector_store %arg6[%swap3A_163, %swap3A_164], %select_n3A_153 {strides = array<i32>} : memref<3x1024xf32, #tpu.memory_space<vmem>>, vector<16xf32>,
    %swap3A_166 = arith.constant 2 : i32
    %swap3A_167 = arith.index_cast %swap3A_166 : i32 to index
    %swap3A_168 = arith.constant 16 : index
    %swap3A_169 = tpu.vector_load %arg6[%swap3A_167, %swap3A_168] {strides = array<i32>} : memref<3x1024xf32, #tpu.memory_space<vmem>>, vector<16xf32>,
    tpu.vector_store %arg6[%swap3A_167, %swap3A_168], %sub3A_157 {strides = array<i32>} : memref<3x1024xf32, #tpu.memory_space<vmem>>, vector<16xf32>,
    %get3A_170 = arith.constant 0 : i32
    %get3A_171 = arith.index_cast %get3A_170 : i32 to index
    %get3A_172 = arith.constant 32 : index
    %get3A_173 = tpu.vector_load %arg5[%get3A_171, %get3A_172] {strides = array<i32>} : memref<1x1024xf32, #tpu.memory_space<vmem>>, vector<16xf32>,
    %get3A_174 = arith.constant 0 : i32
    %get3A_175 = arith.index_cast %get3A_174 : i32 to index
    %get3A_176 = arith.constant 32 : index
    %get3A_177 = tpu.vector_load %arg4[%get3A_175, %get3A_176] {strides = array<i32>} : memref<4x1024xf32, #tpu.memory_space<vmem>>, vector<16xf32>,
    %get3A_178 = arith.constant 1 : i32
    %get3A_179 = arith.index_cast %get3A_178 : i32 to index
    %get3A_180 = arith.constant 32 : index
    %get3A_181 = tpu.vector_load %arg4[%get3A_179, %get3A_180] {strides = array<i32>} : memref<4x1024xf32, #tpu.memory_space<vmem>>, vector<16xf32>,
    %get3A_182 = arith.constant 2 : i32
    %get3A_183 = arith.index_cast %get3A_182 : i32 to index
    %get3A_184 = arith.constant 32 : index
    %get3A_185 = tpu.vector_load %arg4[%get3A_183, %get3A_184] {strides = array<i32>} : memref<4x1024xf32, #tpu.memory_space<vmem>>, vector<16xf32>,
    %get3A_186 = arith.constant 3 : i32
    %get3A_187 = arith.index_cast %get3A_186 : i32 to index
    %get3A_188 = arith.constant 32 : index
    %get3A_189 = tpu.vector_load %arg4[%get3A_187, %get3A_188] {strides = array<i32>} : memref<4x1024xf32, #tpu.memory_space<vmem>>, vector<16xf32>,
    %gt3A_190 = arith.constant 5.000000e-01 : f32
    %gt3A_191 = vector.broadcast %gt3A_190 : f32 to vector<16xf32>
    %gt3A_192 = arith.cmpf ogt, %get3A_173, %gt3A_191 : vector<16xf32>
    %add3A_193 = arith.addf %get3A_177, %get3A_181 : vector<16xf32>
    %add3A_194 = arith.addf %get3A_185, %get3A_189 : vector<16xf32>
    %gt3A_195 = arith.cmpf ogt, %add3A_193, %add3A_194 : vector<16xf32>
    %jit3A_196 = arith.constant 1.000000e+00 : f32
    %jit3A_197 = arith.constant 0.000000e+00 : f32
    %broadcast_in_dim3A_198 = vector.broadcast %jit3A_196 : f32 to vector<16xf32>
    %broadcast_in_dim3A_199 = vector.broadcast %jit3A_197 : f32 to vector<16xf32>
    %select_n3A_200 = arith.select %gt3A_192, %broadcast_in_dim3A_198, %broadcast_in_dim3A_199 : vector<16xi1>, vector<16xf32>
    %not3A_201 = arith.constant dense<true> : vector<16xi1>
    %not3A_202 = arith.xori %gt3A_192, %not3A_201 : vector<16xi1>
    %and3A_203 = arith.andi %not3A_202, %gt3A_195 : vector<16xi1>
    %jit3A_204 = arith.constant 1.000000e+00 : f32
    %jit3A_205 = arith.constant 0.000000e+00 : f32
    %broadcast_in_dim3A_206 = vector.broadcast %jit3A_204 : f32 to vector<16xf32>
    %broadcast_in_dim3A_207 = vector.broadcast %jit3A_205 : f32 to vector<16xf32>
    %select_n3A_208 = arith.select %and3A_203, %broadcast_in_dim3A_206, %broadcast_in_dim3A_207 : vector<16xi1>, vector<16xf32>
    %sub3A_209 = arith.constant 1.000000e+00 : f32
    %sub3A_210 = vector.broadcast %sub3A_209 : f32 to vector<16xf32>
    %sub3A_211 = arith.subf %sub3A_210, %select_n3A_200 : vector<16xf32>
    %sub3A_212 = arith.subf %sub3A_211, %select_n3A_208 : vector<16xf32>
    %swap3A_213 = arith.constant 0 : i32
    %swap3A_214 = arith.index_cast %swap3A_213 : i32 to index
    %swap3A_215 = arith.constant 32 : index
    %swap3A_216 = tpu.vector_load %arg6[%swap3A_214, %swap3A_215] {strides = array<i32>} : memref<3x1024xf32, #tpu.memory_space<vmem>>, vector<16xf32>,
    tpu.vector_store %arg6[%swap3A_214, %swap3A_215], %select_n3A_200 {strides = array<i32>} : memref<3x1024xf32, #tpu.memory_space<vmem>>, vector<16xf32>,
    %swap3A_217 = arith.constant 1 : i32
    %swap3A_218 = arith.index_cast %swap3A_217 : i32 to index
    %swap3A_219 = arith.constant 32 : index
    %swap3A_220 = tpu.vector_load %arg6[%swap3A_218, %swap3A_219] {strides = array<i32>} : memref<3x1024xf32, #tpu.memory_space<vmem>>, vector<16xf32>,
    tpu.vector_store %arg6[%swap3A_218, %swap3A_219], %select_n3A_208 {strides = array<i32>} : memref<3x1024xf32, #tpu.memory_space<vmem>>, vector<16xf32>,
    %swap3A_221 = arith.constant 2 : i32
    %swap3A_222 = arith.index_cast %swap3A_221 : i32 to index
    %swap3A_223 = arith.constant 32 : index
    %swap3A_224 = tpu.vector_load %arg6[%swap3A_222, %swap3A_223] {strides = array<i32>} : memref<3x1024xf32, #tpu.memory_space<vmem>>, vector<16xf32>,
    tpu.vector_store %arg6[%swap3A_222, %swap3A_223], %sub3A_212 {strides = array<i32>} : memref<3x1024xf32, #tpu.memory_space<vmem>>, vector<16xf32>,
    %get3A_225 = arith.constant 0 : i32
    %get3A_226 = arith.index_cast %get3A_225 : i32 to index
    %get3A_227 = arith.constant 48 : index
    %get3A_228 = tpu.vector_load %arg5[%get3A_226, %get3A_227] {strides = array<i32>} : memref<1x1024xf32, #tpu.memory_space<vmem>>, vector<16xf32>,
    %get3A_229 = arith.constant 0 : i32
    %get3A_230 = arith.index_cast %get3A_229 : i32 to index
    %get3A_231 = arith.constant 48 : index
    %get3A_232 = tpu.vector_load %arg4[%get3A_230, %get3A_231] {strides = array<i32>} : memref<4x1024xf32, #tpu.memory_space<vmem>>, vector<16xf32>,
    %get3A_233 = arith.constant 1 : i32
    %get3A_234 = arith.index_cast %get3A_233 : i32 to index
    %get3A_235 = arith.constant 48 : index
    %get3A_236 = tpu.vector_load %arg4[%get3A_234, %get3A_235] {strides = array<i32>} : memref<4x1024xf32, #tpu.memory_space<vmem>>, vector<16xf32>,
    %get3A_237 = arith.constant 2 : i32
    %get3A_238 = arith.index_cast %get3A_237 : i32 to index
    %get3A_239 = arith.constant 48 : index
    %get3A_240 = tpu.vector_load %arg4[%get3A_238, %get3A_239] {strides = array<i32>} : memref<4x1024xf32, #tpu.memory_space<vmem>>, vector<16xf32>,
    %get3A_241 = arith.constant 3 : i32
    %get3A_242 = arith.index_cast %get3A_241 : i32 to index
    %get3A_243 = arith.constant 48 : index
    %get3A_244 = tpu.vector_load %arg4[%get3A_242, %get3A_243] {strides = array<i32>} : memref<4x1024xf32, #tpu.memory_space<vmem>>, vector<16xf32>,
    %gt3A_245 = arith.constant 5.000000e-01 : f32
    %gt3A_246 = vector.broadcast %gt3A_245 : f32 to vector<16xf32>
    %gt3A_247 = arith.cmpf ogt, %get3A_228, %gt3A_246 : vector<16xf32>
    %add3A_248 = arith.addf %get3A_232, %get3A_236 : vector<16xf32>
    %add3A_249 = arith.addf %get3A_240, %get3A_244 : vector<16xf32>
    %gt3A_250 = arith.cmpf ogt, %add3A_248, %add3A_249 : vector<16xf32>
    %jit3A_251 = arith.constant 1.000000e+00 : f32
    %jit3A_252 = arith.constant 0.000000e+00 : f32
    %broadcast_in_dim3A_253 = vector.broadcast %jit3A_251 : f32 to vector<16xf32>
    %broadcast_in_dim3A_254 = vector.broadcast %jit3A_252 : f32 to vector<16xf32>
    %select_n3A_255 = arith.select %gt3A_247, %broadcast_in_dim3A_253, %broadcast_in_dim3A_254 : vector<16xi1>, vector<16xf32>
    %not3A_256 = arith.constant dense<true> : vector<16xi1>
    %not3A_257 = arith.xori %gt3A_247, %not3A_256 : vector<16xi1>
    %and3A_258 = arith.andi %not3A_257, %gt3A_250 : vector<16xi1>
    %jit3A_259 = arith.constant 1.000000e+00 : f32
    %jit3A_260 = arith.constant 0.000000e+00 : f32
    %broadcast_in_dim3A_261 = vector.broadcast %jit3A_259 : f32 to vector<16xf32>
    %broadcast_in_dim3A_262 = vector.broadcast %jit3A_260 : f32 to vector<16xf32>
    %select_n3A_263 = arith.select %and3A_258, %broadcast_in_dim3A_261, %broadcast_in_dim3A_262 : vector<16xi1>, vector<16xf32>
    %sub3A_264 = arith.constant 1.000000e+00 : f32
    %sub3A_265 = vector.broadcast %sub3A_264 : f32 to vector<16xf32>
    %sub3A_266 = arith.subf %sub3A_265, %select_n3A_255 : vector<16xf32>
    %sub3A_267 = arith.subf %sub3A_266, %select_n3A_263 : vector<16xf32>
    %swap3A_268 = arith.constant 0 : i32
    %swap3A_269 = arith.index_cast %swap3A_268 : i32 to index
    %swap3A_270 = arith.constant 48 : index
    %swap3A_271 = tpu.vector_load %arg6[%swap3A_269, %swap3A_270] {strides = array<i32>} : memref<3x1024xf32, #tpu.memory_space<vmem>>, vector<16xf32>,
    tpu.vector_store %arg6[%swap3A_269, %swap3A_270], %select_n3A_255 {strides = array<i32>} : memref<3x1024xf32, #tpu.memory_space<vmem>>, vector<16xf32>,
    %swap3A_272 = arith.constant 1 : i32
    %swap3A_273 = arith.index_cast %swap3A_272 : i32 to index
    %swap3A_274 = arith.constant 48 : index
    %swap3A_275 = tpu.vector_load %arg6[%swap3A_273, %swap3A_274] {strides = array<i32>} : memref<3x1024xf32, #tpu.memory_space<vmem>>, vector<16xf32>,
    tpu.vector_store %arg6[%swap3A_273, %swap3A_274], %select_n3A_263 {strides = array<i32>} : memref<3x1024xf32, #tpu.memory_space<vmem>>, vector<16xf32>,
    %swap3A_276 = arith.constant 2 : i32
    %swap3A_277 = arith.index_cast %swap3A_276 : i32 to index
    %swap3A_278 = arith.constant 48 : index
    %swap3A_279 = tpu.vector_load %arg6[%swap3A_277, %swap3A_278] {strides = array<i32>} : memref<3x1024xf32, #tpu.memory_space<vmem>>, vector<16xf32>,
    tpu.vector_store %arg6[%swap3A_277, %swap3A_278], %sub3A_267 {strides = array<i32>} : memref<3x1024xf32, #tpu.memory_space<vmem>>, vector<16xf32>,
    %get3A_280 = arith.constant 0 : i32
    %get3A_281 = arith.index_cast %get3A_280 : i32 to index
    %get3A_282 = arith.constant 64 : index
    %get3A_283 = tpu.vector_load %arg5[%get3A_281, %get3A_282] {strides = array<i32>} : memref<1x1024xf32, #tpu.memory_space<vmem>>, vector<16xf32>,
    %get3A_284 = arith.constant 0 : i32
    %get3A_285 = arith.index_cast %get3A_284 : i32 to index
    %get3A_286 = arith.constant 64 : index
    %get3A_287 = tpu.vector_load %arg4[%get3A_285, %get3A_286] {strides = array<i32>} : memref<4x1024xf32, #tpu.memory_space<vmem>>, vector<16xf32>,
    %get3A_288 = arith.constant 1 : i32
    %get3A_289 = arith.index_cast %get3A_288 : i32 to index
    %get3A_290 = arith.constant 64 : index
    %get3A_291 = tpu.vector_load %arg4[%get3A_289, %get3A_290] {strides = array<i32>} : memref<4x1024xf32, #tpu.memory_space<vmem>>, vector<16xf32>,
    %get3A_292 = arith.constant 2 : i32
    %get3A_293 = arith.index_cast %get3A_292 : i32 to index
    %get3A_294 = arith.constant 64 : index
    %get3A_295 = tpu.vector_load %arg4[%get3A_293, %get3A_294] {strides = array<i32>} : memref<4x1024xf32, #tpu.memory_space<vmem>>, vector<16xf32>,
    %get3A_296 = arith.constant 3 : i32
    %get3A_297 = arith.index_cast %get3A_296 : i32 to index
    %get3A_298 = arith.constant 64 : index
    %get3A_299 = tpu.vector_load %arg4[%get3A_297, %get3A_298] {strides = array<i32>} : memref<4x1024xf32, #tpu.memory_space<vmem>>, vector<16xf32>,
    %gt3A_300 = arith.constant 5.000000e-01 : f32
    %gt3A_301 = vector.broadcast %gt3A_300 : f32 to vector<16xf32>
    %gt3A_302 = arith.cmpf ogt, %get3A_283, %gt3A_301 : vector<16xf32>
    %add3A_303 = arith.addf %get3A_287, %get3A_291 : vector<16xf32>
    %add3A_304 = arith.addf %get3A_295, %get3A_299 : vector<16xf32>
    %gt3A_305 = arith.cmpf ogt, %add3A_303, %add3A_304 : vector<16xf32>
    %jit3A_306 = arith.constant 1.000000e+00 : f32
    %jit3A_307 = arith.constant 0.000000e+00 : f32
    %broadcast_in_dim3A_308 = vector.broadcast %jit3A_306 : f32 to vector<16xf32>
    %broadcast_in_dim3A_309 = vector.broadcast %jit3A_307 : f32 to vector<16xf32>
    %select_n3A_310 = arith.select %gt3A_302, %broadcast_in_dim3A_308, %broadcast_in_dim3A_309 : vector<16xi1>, vector<16xf32>
    %not3A_311 = arith.constant dense<true> : vector<16xi1>
    %not3A_312 = arith.xori %gt3A_302, %not3A_311 : vector<16xi1>
    %and3A_313 = arith.andi %not3A_312, %gt3A_305 : vector<16xi1>
    %jit3A_314 = arith.constant 1.000000e+00 : f32
    %jit3A_315 = arith.constant 0.000000e+00 : f32
    %broadcast_in_dim3A_316 = vector.broadcast %jit3A_314 : f32 to vector<16xf32>
    %broadcast_in_dim3A_317 = vector.broadcast %jit3A_315 : f32 to vector<16xf32>
    %select_n3A_318 = arith.select %and3A_313, %broadcast_in_dim3A_316, %broadcast_in_dim3A_317 : vector<16xi1>, vector<16xf32>
    %sub3A_319 = arith.constant 1.000000e+00 : f32
    %sub3A_320 = vector.broadcast %sub3A_319 : f32 to vector<16xf32>
    %sub3A_321 = arith.subf %sub3A_320, %select_n3A_310 : vector<16xf32>
    %sub3A_322 = arith.subf %sub3A_321, %select_n3A_318 : vector<16xf32>
    %swap3A_323 = arith.constant 0 : i32
    %swap3A_324 = arith.index_cast %swap3A_323 : i32 to index
    %swap3A_325 = arith.constant 64 : index
    %swap3A_326 = tpu.vector_load %arg6[%swap3A_324, %swap3A_325] {strides = array<i32>} : memref<3x1024xf32, #tpu.memory_space<vmem>>, vector<16xf32>,
    tpu.vector_store %arg6[%swap3A_324, %swap3A_325], %select_n3A_310 {strides = array<i32>} : memref<3x1024xf32, #tpu.memory_space<vmem>>, vector<16xf32>,
    %swap3A_327 = arith.constant 1 : i32
    %swap3A_328 = arith.index_cast %swap3A_327 : i32 to index
    %swap3A_329 = arith.constant 64 : index
    %swap3A_330 = tpu.vector_load %arg6[%swap3A_328, %swap3A_329] {strides = array<i32>} : memref<3x1024xf32, #tpu.memory_space<vmem>>, vector<16xf32>,
    tpu.vector_store %arg6[%swap3A_328, %swap3A_329], %select_n3A_318 {strides = array<i32>} : memref<3x1024xf32, #tpu.memory_space<vmem>>, vector<16xf32>,
    %swap3A_331 = arith.constant 2 : i32
    %swap3A_332 = arith.index_cast %swap3A_331 : i32 to index
    %swap3A_333 = arith.constant 64 : index
    %swap3A_334 = tpu.vector_load %arg6[%swap3A_332, %swap3A_333] {strides = array<i32>} : memref<3x1024xf32, #tpu.memory_space<vmem>>, vector<16xf32>,
    tpu.vector_store %arg6[%swap3A_332, %swap3A_333], %sub3A_322 {strides = array<i32>} : memref<3x1024xf32, #tpu.memory_space<vmem>>, vector<16xf32>,
    %get3A_335 = arith.constant 0 : i32
    %get3A_336 = arith.index_cast %get3A_335 : i32 to index
    %get3A_337 = arith.constant 80 : index
    %get3A_338 = tpu.vector_load %arg5[%get3A_336, %get3A_337] {strides = array<i32>} : memref<1x1024xf32, #tpu.memory_space<vmem>>, vector<16xf32>,
    %get3A_339 = arith.constant 0 : i32
    %get3A_340 = arith.index_cast %get3A_339 : i32 to index
    %get3A_341 = arith.constant 80 : index
    %get3A_342 = tpu.vector_load %arg4[%get3A_340, %get3A_341] {strides = array<i32>} : memref<4x1024xf32, #tpu.memory_space<vmem>>, vector<16xf32>,
    %get3A_343 = arith.constant 1 : i32
    %get3A_344 = arith.index_cast %get3A_343 : i32 to index
    %get3A_345 = arith.constant 80 : index
    %get3A_346 = tpu.vector_load %arg4[%get3A_344, %get3A_345] {strides = array<i32>} : memref<4x1024xf32, #tpu.memory_space<vmem>>, vector<16xf32>,
    %get3A_347 = arith.constant 2 : i32
    %get3A_348 = arith.index_cast %get3A_347 : i32 to index
    %get3A_349 = arith.constant 80 : index
    %get3A_350 = tpu.vector_load %arg4[%get3A_348, %get3A_349] {strides = array<i32>} : memref<4x1024xf32, #tpu.memory_space<vmem>>, vector<16xf32>,
    %get3A_351 = arith.constant 3 : i32
    %get3A_352 = arith.index_cast %get3A_351 : i32 to index
    %get3A_353 = arith.constant 80 : index
    %get3A_354 = tpu.vector_load %arg4[%get3A_352, %get3A_353] {strides = array<i32>} : memref<4x1024xf32, #tpu.memory_space<vmem>>, vector<16xf32>,
    %gt3A_355 = arith.constant 5.000000e-01 : f32
    %gt3A_356 = vector.broadcast %gt3A_355 : f32 to vector<16xf32>
    %gt3A_357 = arith.cmpf ogt, %get3A_338, %gt3A_356 : vector<16xf32>
    %add3A_358 = arith.addf %get3A_342, %get3A_346 : vector<16xf32>
    %add3A_359 = arith.addf %get3A_350, %get3A_354 : vector<16xf32>
    %gt3A_360 = arith.cmpf ogt, %add3A_358, %add3A_359 : vector<16xf32>
    %jit3A_361 = arith.constant 1.000000e+00 : f32
    %jit3A_362 = arith.constant 0.000000e+00 : f32
    %broadcast_in_dim3A_363 = vector.broadcast %jit3A_361 : f32 to vector<16xf32>
    %broadcast_in_dim3A_364 = vector.broadcast %jit3A_362 : f32 to vector<16xf32>
    %select_n3A_365 = arith.select %gt3A_357, %broadcast_in_dim3A_363, %broadcast_in_dim3A_364 : vector<16xi1>, vector<16xf32>
    %not3A_366 = arith.constant dense<true> : vector<16xi1>
    %not3A_367 = arith.xori %gt3A_357, %not3A_366 : vector<16xi1>
    %and3A_368 = arith.andi %not3A_367, %gt3A_360 : vector<16xi1>
    %jit3A_369 = arith.constant 1.000000e+00 : f32
    %jit3A_370 = arith.constant 0.000000e+00 : f32
    %broadcast_in_dim3A_371 = vector.broadcast %jit3A_369 : f32 to vector<16xf32>
    %broadcast_in_dim3A_372 = vector.broadcast %jit3A_370 : f32 to vector<16xf32>
    %select_n3A_373 = arith.select %and3A_368, %broadcast_in_dim3A_371, %broadcast_in_dim3A_372 : vector<16xi1>, vector<16xf32>
    %sub3A_374 = arith.constant 1.000000e+00 : f32
    %sub3A_375 = vector.broadcast %sub3A_374 : f32 to vector<16xf32>
    %sub3A_376 = arith.subf %sub3A_375, %select_n3A_365 : vector<16xf32>
    %sub3A_377 = arith.subf %sub3A_376, %select_n3A_373 : vector<16xf32>
    %swap3A_378 = arith.constant 0 : i32
    %swap3A_379 = arith.index_cast %swap3A_378 : i32 to index
    %swap3A_380 = arith.constant 80 : index
    %swap3A_381 = tpu.vector_load %arg6[%swap3A_379, %swap3A_380] {strides = array<i32>} : memref<3x1024xf32, #tpu.memory_space<vmem>>, vector<16xf32>,
    tpu.vector_store %arg6[%swap3A_379, %swap3A_380], %select_n3A_365 {strides = array<i32>} : memref<3x1024xf32, #tpu.memory_space<vmem>>, vector<16xf32>,
    %swap3A_382 = arith.constant 1 : i32
    %swap3A_383 = arith.index_cast %swap3A_382 : i32 to index
    %swap3A_384 = arith.constant 80 : index
    %swap3A_385 = tpu.vector_load %arg6[%swap3A_383, %swap3A_384] {strides = array<i32>} : memref<3x1024xf32, #tpu.memory_space<vmem>>, vector<16xf32>,
    tpu.vector_store %arg6[%swap3A_383, %swap3A_384], %select_n3A_373 {strides = array<i32>} : memref<3x1024xf32, #tpu.memory_space<vmem>>, vector<16xf32>,
    %swap3A_386 = arith.constant 2 : i32
    %swap3A_387 = arith.index_cast %swap3A_386 : i32 to index
    %swap3A_388 = arith.constant 80 : index
    %swap3A_389 = tpu.vector_load %arg6[%swap3A_387, %swap3A_388] {strides = array<i32>} : memref<3x1024xf32, #tpu.memory_space<vmem>>, vector<16xf32>,
    tpu.vector_store %arg6[%swap3A_387, %swap3A_388], %sub3A_377 {strides = array<i32>} : memref<3x1024xf32, #tpu.memory_space<vmem>>, vector<16xf32>,
    %get3A_390 = arith.constant 0 : i32
    %get3A_391 = arith.index_cast %get3A_390 : i32 to index
    %get3A_392 = arith.constant 96 : index
    %get3A_393 = tpu.vector_load %arg5[%get3A_391, %get3A_392] {strides = array<i32>} : memref<1x1024xf32, #tpu.memory_space<vmem>>, vector<16xf32>,
    %get3A_394 = arith.constant 0 : i32
    %get3A_395 = arith.index_cast %get3A_394 : i32 to index
    %get3A_396 = arith.constant 96 : index
    %get3A_397 = tpu.vector_load %arg4[%get3A_395, %get3A_396] {strides = array<i32>} : memref<4x1024xf32, #tpu.memory_space<vmem>>, vector<16xf32>,
    %get3A_398 = arith.constant 1 : i32
    %get3A_399 = arith.index_cast %get3A_398 : i32 to index
    %get3A_400 = arith.constant 96 : index
    %get3A_401 = tpu.vector_load %arg4[%get3A_399, %get3A_400] {strides = array<i32>} : memref<4x1024xf32, #tpu.memory_space<vmem>>, vector<16xf32>,
    %get3A_402 = arith.constant 2 : i32
    %get3A_403 = arith.index_cast %get3A_402 : i32 to index
    %get3A_404 = arith.constant 96 : index
    %get3A_405 = tpu.vector_load %arg4[%get3A_403, %get3A_404] {strides = array<i32>} : memref<4x1024xf32, #tpu.memory_space<vmem>>, vector<16xf32>,
    %get3A_406 = arith.constant 3 : i32
    %get3A_407 = arith.index_cast %get3A_406 : i32 to index
    %get3A_408 = arith.constant 96 : index
    %get3A_409 = tpu.vector_load %arg4[%get3A_407, %get3A_408] {strides = array<i32>} : memref<4x1024xf32, #tpu.memory_space<vmem>>, vector<16xf32>,
    %gt3A_410 = arith.constant 5.000000e-01 : f32
    %gt3A_411 = vector.broadcast %gt3A_410 : f32 to vector<16xf32>
    %gt3A_412 = arith.cmpf ogt, %get3A_393, %gt3A_411 : vector<16xf32>
    %add3A_413 = arith.addf %get3A_397, %get3A_401 : vector<16xf32>
    %add3A_414 = arith.addf %get3A_405, %get3A_409 : vector<16xf32>
    %gt3A_415 = arith.cmpf ogt, %add3A_413, %add3A_414 : vector<16xf32>
    %jit3A_416 = arith.constant 1.000000e+00 : f32
    %jit3A_417 = arith.constant 0.000000e+00 : f32
    %broadcast_in_dim3A_418 = vector.broadcast %jit3A_416 : f32 to vector<16xf32>
    %broadcast_in_dim3A_419 = vector.broadcast %jit3A_417 : f32 to vector<16xf32>
    %select_n3A_420 = arith.select %gt3A_412, %broadcast_in_dim3A_418, %broadcast_in_dim3A_419 : vector<16xi1>, vector<16xf32>
    %not3A_421 = arith.constant dense<true> : vector<16xi1>
    %not3A_422 = arith.xori %gt3A_412, %not3A_421 : vector<16xi1>
    %and3A_423 = arith.andi %not3A_422, %gt3A_415 : vector<16xi1>
    %jit3A_424 = arith.constant 1.000000e+00 : f32
    %jit3A_425 = arith.constant 0.000000e+00 : f32
    %broadcast_in_dim3A_426 = vector.broadcast %jit3A_424 : f32 to vector<16xf32>
    %broadcast_in_dim3A_427 = vector.broadcast %jit3A_425 : f32 to vector<16xf32>
    %select_n3A_428 = arith.select %and3A_423, %broadcast_in_dim3A_426, %broadcast_in_dim3A_427 : vector<16xi1>, vector<16xf32>
    %sub3A_429 = arith.constant 1.000000e+00 : f32
    %sub3A_430 = vector.broadcast %sub3A_429 : f32 to vector<16xf32>
    %sub3A_431 = arith.subf %sub3A_430, %select_n3A_420 : vector<16xf32>
    %sub3A_432 = arith.subf %sub3A_431, %select_n3A_428 : vector<16xf32>
    %swap3A_433 = arith.constant 0 : i32
    %swap3A_434 = arith.index_cast %swap3A_433 : i32 to index
    %swap3A_435 = arith.constant 96 : index
    %swap3A_436 = tpu.vector_load %arg6[%swap3A_434, %swap3A_435] {strides = array<i32>} : memref<3x1024xf32, #tpu.memory_space<vmem>>, vector<16xf32>,
    tpu.vector_store %arg6[%swap3A_434, %swap3A_435], %select_n3A_420 {strides = array<i32>} : memref<3x1024xf32, #tpu.memory_space<vmem>>, vector<16xf32>,
    %swap3A_437 = arith.constant 1 : i32
    %swap3A_438 = arith.index_cast %swap3A_437 : i32 to index
    %swap3A_439 = arith.constant 96 : index
    %swap3A_440 = tpu.vector_load %arg6[%swap3A_438, %swap3A_439] {strides = array<i32>} : memref<3x1024xf32, #tpu.memory_space<vmem>>, vector<16xf32>,
    tpu.vector_store %arg6[%swap3A_438, %swap3A_439], %select_n3A_428 {strides = array<i32>} : memref<3x1024xf32, #tpu.memory_space<vmem>>, vector<16xf32>,
    %swap3A_441 = arith.constant 2 : i32
    %swap3A_442 = arith.index_cast %swap3A_441 : i32 to index
    %swap3A_443 = arith.constant 96 : index
    %swap3A_444 = tpu.vector_load %arg6[%swap3A_442, %swap3A_443] {strides = array<i32>} : memref<3x1024xf32, #tpu.memory_space<vmem>>, vector<16xf32>,
    tpu.vector_store %arg6[%swap3A_442, %swap3A_443], %sub3A_432 {strides = array<i32>} : memref<3x1024xf32, #tpu.memory_space<vmem>>, vector<16xf32>,
    %get3A_445 = arith.constant 0 : i32
    %get3A_446 = arith.index_cast %get3A_445 : i32 to index
    %get3A_447 = arith.constant 112 : index
    %get3A_448 = tpu.vector_load %arg5[%get3A_446, %get3A_447] {strides = array<i32>} : memref<1x1024xf32, #tpu.memory_space<vmem>>, vector<16xf32>,
    %get3A_449 = arith.constant 0 : i32
    %get3A_450 = arith.index_cast %get3A_449 : i32 to index
    %get3A_451 = arith.constant 112 : index
    %get3A_452 = tpu.vector_load %arg4[%get3A_450, %get3A_451] {strides = array<i32>} : memref<4x1024xf32, #tpu.memory_space<vmem>>, vector<16xf32>,
    %get3A_453 = arith.constant 1 : i32
    %get3A_454 = arith.index_cast %get3A_453 : i32 to index
    %get3A_455 = arith.constant 112 : index
    %get3A_456 = tpu.vector_load %arg4[%get3A_454, %get3A_455] {strides = array<i32>} : memref<4x1024xf32, #tpu.memory_space<vmem>>, vector<16xf32>,
    %get3A_457 = arith.constant 2 : i32
    %get3A_458 = arith.index_cast %get3A_457 : i32 to index
    %get3A_459 = arith.constant 112 : index
    %get3A_460 = tpu.vector_load %arg4[%get3A_458, %get3A_459] {strides = array<i32>} : memref<4x1024xf32, #tpu.memory_space<vmem>>, vector<16xf32>,
    %get3A_461 = arith.constant 3 : i32
    %get3A_462 = arith.index_cast %get3A_461 : i32 to index
    %get3A_463 = arith.constant 112 : index
    %get3A_464 = tpu.vector_load %arg4[%get3A_462, %get3A_463] {strides = array<i32>} : memref<4x1024xf32, #tpu.memory_space<vmem>>, vector<16xf32>,
    %gt3A_465 = arith.constant 5.000000e-01 : f32
    %gt3A_466 = vector.broadcast %gt3A_465 : f32 to vector<16xf32>
    %gt3A_467 = arith.cmpf ogt, %get3A_448, %gt3A_466 : vector<16xf32>
    %add3A_468 = arith.addf %get3A_452, %get3A_456 : vector<16xf32>
    %add3A_469 = arith.addf %get3A_460, %get3A_464 : vector<16xf32>
    %gt3A_470 = arith.cmpf ogt, %add3A_468, %add3A_469 : vector<16xf32>
    %jit3A_471 = arith.constant 1.000000e+00 : f32
    %jit3A_472 = arith.constant 0.000000e+00 : f32
    %broadcast_in_dim3A_473 = vector.broadcast %jit3A_471 : f32 to vector<16xf32>
    %broadcast_in_dim3A_474 = vector.broadcast %jit3A_472 : f32 to vector<16xf32>
    %select_n3A_475 = arith.select %gt3A_467, %broadcast_in_dim3A_473, %broadcast_in_dim3A_474 : vector<16xi1>, vector<16xf32>
    %not3A_476 = arith.constant dense<true> : vector<16xi1>
    %not3A_477 = arith.xori %gt3A_467, %not3A_476 : vector<16xi1>
    %and3A_478 = arith.andi %not3A_477, %gt3A_470 : vector<16xi1>
    %jit3A_479 = arith.constant 1.000000e+00 : f32
    %jit3A_480 = arith.constant 0.000000e+00 : f32
    %broadcast_in_dim3A_481 = vector.broadcast %jit3A_479 : f32 to vector<16xf32>
    %broadcast_in_dim3A_482 = vector.broadcast %jit3A_480 : f32 to vector<16xf32>
    %select_n3A_483 = arith.select %and3A_478, %broadcast_in_dim3A_481, %broadcast_in_dim3A_482 : vector<16xi1>, vector<16xf32>
    %sub3A_484 = arith.constant 1.000000e+00 : f32
    %sub3A_485 = vector.broadcast %sub3A_484 : f32 to vector<16xf32>
    %sub3A_486 = arith.subf %sub3A_485, %select_n3A_475 : vector<16xf32>
    %sub3A_487 = arith.subf %sub3A_486, %select_n3A_483 : vector<16xf32>
    %swap3A_488 = arith.constant 0 : i32
    %swap3A_489 = arith.index_cast %swap3A_488 : i32 to index
    %swap3A_490 = arith.constant 112 : index
    %swap3A_491 = tpu.vector_load %arg6[%swap3A_489, %swap3A_490] {strides = array<i32>} : memref<3x1024xf32, #tpu.memory_space<vmem>>, vector<16xf32>,
    tpu.vector_store %arg6[%swap3A_489, %swap3A_490], %select_n3A_475 {strides = array<i32>} : memref<3x1024xf32, #tpu.memory_space<vmem>>, vector<16xf32>,
    %swap3A_492 = arith.constant 1 : i32
    %swap3A_493 = arith.index_cast %swap3A_492 : i32 to index
    %swap3A_494 = arith.constant 112 : index
    %swap3A_495 = tpu.vector_load %arg6[%swap3A_493, %swap3A_494] {strides = array<i32>} : memref<3x1024xf32, #tpu.memory_space<vmem>>, vector<16xf32>,
    tpu.vector_store %arg6[%swap3A_493, %swap3A_494], %select_n3A_483 {strides = array<i32>} : memref<3x1024xf32, #tpu.memory_space<vmem>>, vector<16xf32>,
    %swap3A_496 = arith.constant 2 : i32
    %swap3A_497 = arith.index_cast %swap3A_496 : i32 to index
    %swap3A_498 = arith.constant 112 : index
    %swap3A_499 = tpu.vector_load %arg6[%swap3A_497, %swap3A_498] {strides = array<i32>} : memref<3x1024xf32, #tpu.memory_space<vmem>>, vector<16xf32>,
    tpu.vector_store %arg6[%swap3A_497, %swap3A_498], %sub3A_487 {strides = array<i32>} : memref<3x1024xf32, #tpu.memory_space<vmem>>, vector<16xf32>,
    %get3A_500 = arith.constant 0 : i32
    %get3A_501 = arith.index_cast %get3A_500 : i32 to index
    %get3A_502 = arith.constant 128 : index
    %get3A_503 = tpu.vector_load %arg5[%get3A_501, %get3A_502] {strides = array<i32>} : memref<1x1024xf32, #tpu.memory_space<vmem>>, vector<16xf32>,
    %get3A_504 = arith.constant 0 : i32
    %get3A_505 = arith.index_cast %get3A_504 : i32 to index
    %get3A_506 = arith.constant 128 : index
    %get3A_507 = tpu.vector_load %arg4[%get3A_505, %get3A_506] {strides = array<i32>} : memref<4x1024xf32, #tpu.memory_space<vmem>>, vector<16xf32>,
    %get3A_508 = arith.constant 1 : i32
    %get3A_509 = arith.index_cast %get3A_508 : i32 to index
    %get3A_510 = arith.constant 128 : index
    %get3A_511 = tpu.vector_load %arg4[%get3A_509, %get3A_510] {strides = array<i32>} : memref<4x1024xf32, #tpu.memory_space<vmem>>, vector<16xf32>,
    %get3A_512 = arith.constant 2 : i32
    %get3A_513 = arith.index_cast %get3A_512 : i32 to index
    %get3A_514 = arith.constant 128 : index
    %get3A_515 = tpu.vector_load %arg4[%get3A_513, %get3A_514] {strides = array<i32>} : memref<4x1024xf32, #tpu.memory_space<vmem>>, vector<16xf32>,
    %get3A_516 = arith.constant 3 : i32
    %get3A_517 = arith.index_cast %get3A_516 : i32 to index
    %get3A_518 = arith.constant 128 : index
    %get3A_519 = tpu.vector_load %arg4[%get3A_517, %get3A_518] {strides = array<i32>} : memref<4x1024xf32, #tpu.memory_space<vmem>>, vector<16xf32>,
    %gt3A_520 = arith.constant 5.000000e-01 : f32
    %gt3A_521 = vector.broadcast %gt3A_520 : f32 to vector<16xf32>
    %gt3A_522 = arith.cmpf ogt, %get3A_503, %gt3A_521 : vector<16xf32>
    %add3A_523 = arith.addf %get3A_507, %get3A_511 : vector<16xf32>
    %add3A_524 = arith.addf %get3A_515, %get3A_519 : vector<16xf32>
    %gt3A_525 = arith.cmpf ogt, %add3A_523, %add3A_524 : vector<16xf32>
    %jit3A_526 = arith.constant 1.000000e+00 : f32
    %jit3A_527 = arith.constant 0.000000e+00 : f32
    %broadcast_in_dim3A_528 = vector.broadcast %jit3A_526 : f32 to vector<16xf32>
    %broadcast_in_dim3A_529 = vector.broadcast %jit3A_527 : f32 to vector<16xf32>
    %select_n3A_530 = arith.select %gt3A_522, %broadcast_in_dim3A_528, %broadcast_in_dim3A_529 : vector<16xi1>, vector<16xf32>
    %not3A_531 = arith.constant dense<true> : vector<16xi1>
    %not3A_532 = arith.xori %gt3A_522, %not3A_531 : vector<16xi1>
    %and3A_533 = arith.andi %not3A_532, %gt3A_525 : vector<16xi1>
    %jit3A_534 = arith.constant 1.000000e+00 : f32
    %jit3A_535 = arith.constant 0.000000e+00 : f32
    %broadcast_in_dim3A_536 = vector.broadcast %jit3A_534 : f32 to vector<16xf32>
    %broadcast_in_dim3A_537 = vector.broadcast %jit3A_535 : f32 to vector<16xf32>
    %select_n3A_538 = arith.select %and3A_533, %broadcast_in_dim3A_536, %broadcast_in_dim3A_537 : vector<16xi1>, vector<16xf32>
    %sub3A_539 = arith.constant 1.000000e+00 : f32
    %sub3A_540 = vector.broadcast %sub3A_539 : f32 to vector<16xf32>
    %sub3A_541 = arith.subf %sub3A_540, %select_n3A_530 : vector<16xf32>
    %sub3A_542 = arith.subf %sub3A_541, %select_n3A_538 : vector<16xf32>
    %swap3A_543 = arith.constant 0 : i32
    %swap3A_544 = arith.index_cast %swap3A_543 : i32 to index
    %swap3A_545 = arith.constant 128 : index
    %swap3A_546 = tpu.vector_load %arg6[%swap3A_544, %swap3A_545] {strides = array<i32>} : memref<3x1024xf32, #tpu.memory_space<vmem>>, vector<16xf32>,
    tpu.vector_store %arg6[%swap3A_544, %swap3A_545], %select_n3A_530 {strides = array<i32>} : memref<3x1024xf32, #tpu.memory_space<vmem>>, vector<16xf32>,
    %swap3A_547 = arith.constant 1 : i32
    %swap3A_548 = arith.index_cast %swap3A_547 : i32 to index
    %swap3A_549 = arith.constant 128 : index
    %swap3A_550 = tpu.vector_load %arg6[%swap3A_548, %swap3A_549] {strides = array<i32>} : memref<3x1024xf32, #tpu.memory_space<vmem>>, vector<16xf32>,
    tpu.vector_store %arg6[%swap3A_548, %swap3A_549], %select_n3A_538 {strides = array<i32>} : memref<3x1024xf32, #tpu.memory_space<vmem>>, vector<16xf32>,
    %swap3A_551 = arith.constant 2 : i32
    %swap3A_552 = arith.index_cast %swap3A_551 : i32 to index
    %swap3A_553 = arith.constant 128 : index
    %swap3A_554 = tpu.vector_load %arg6[%swap3A_552, %swap3A_553] {strides = array<i32>} : memref<3x1024xf32, #tpu.memory_space<vmem>>, vector<16xf32>,
    tpu.vector_store %arg6[%swap3A_552, %swap3A_553], %sub3A_542 {strides = array<i32>} : memref<3x1024xf32, #tpu.memory_space<vmem>>, vector<16xf32>,
    %get3A_555 = arith.constant 0 : i32
    %get3A_556 = arith.index_cast %get3A_555 : i32 to index
    %get3A_557 = arith.constant 144 : index
    %get3A_558 = tpu.vector_load %arg5[%get3A_556, %get3A_557] {strides = array<i32>} : memref<1x1024xf32, #tpu.memory_space<vmem>>, vector<16xf32>,
    %get3A_559 = arith.constant 0 : i32
    %get3A_560 = arith.index_cast %get3A_559 : i32 to index
    %get3A_561 = arith.constant 144 : index
    %get3A_562 = tpu.vector_load %arg4[%get3A_560, %get3A_561] {strides = array<i32>} : memref<4x1024xf32, #tpu.memory_space<vmem>>, vector<16xf32>,
    %get3A_563 = arith.constant 1 : i32
    %get3A_564 = arith.index_cast %get3A_563 : i32 to index
    %get3A_565 = arith.constant 144 : index
    %get3A_566 = tpu.vector_load %arg4[%get3A_564, %get3A_565] {strides = array<i32>} : memref<4x1024xf32, #tpu.memory_space<vmem>>, vector<16xf32>,
    %get3A_567 = arith.constant 2 : i32
    %get3A_568 = arith.index_cast %get3A_567 : i32 to index
    %get3A_569 = arith.constant 144 : index
    %get3A_570 = tpu.vector_load %arg4[%get3A_568, %get3A_569] {strides = array<i32>} : memref<4x1024xf32, #tpu.memory_space<vmem>>, vector<16xf32>,
    %get3A_571 = arith.constant 3 : i32
    %get3A_572 = arith.index_cast %get3A_571 : i32 to index
    %get3A_573 = arith.constant 144 : index
    %get3A_574 = tpu.vector_load %arg4[%get3A_572, %get3A_573] {strides = array<i32>} : memref<4x1024xf32, #tpu.memory_space<vmem>>, vector<16xf32>,
    %gt3A_575 = arith.constant 5.000000e-01 : f32
    %gt3A_576 = vector.broadcast %gt3A_575 : f32 to vector<16xf32>
    %gt3A_577 = arith.cmpf ogt, %get3A_558, %gt3A_576 : vector<16xf32>
    %add3A_578 = arith.addf %get3A_562, %get3A_566 : vector<16xf32>
    %add3A_579 = arith.addf %get3A_570, %get3A_574 : vector<16xf32>
    %gt3A_580 = arith.cmpf ogt, %add3A_578, %add3A_579 : vector<16xf32>
    %jit3A_581 = arith.constant 1.000000e+00 : f32
    %jit3A_582 = arith.constant 0.000000e+00 : f32
    %broadcast_in_dim3A_583 = vector.broadcast %jit3A_581 : f32 to vector<16xf32>
    %broadcast_in_dim3A_584 = vector.broadcast %jit3A_582 : f32 to vector<16xf32>
    %select_n3A_585 = arith.select %gt3A_577, %broadcast_in_dim3A_583, %broadcast_in_dim3A_584 : vector<16xi1>, vector<16xf32>
    %not3A_586 = arith.constant dense<true> : vector<16xi1>
    %not3A_587 = arith.xori %gt3A_577, %not3A_586 : vector<16xi1>
    %and3A_588 = arith.andi %not3A_587, %gt3A_580 : vector<16xi1>
    %jit3A_589 = arith.constant 1.000000e+00 : f32
    %jit3A_590 = arith.constant 0.000000e+00 : f32
    %broadcast_in_dim3A_591 = vector.broadcast %jit3A_589 : f32 to vector<16xf32>
    %broadcast_in_dim3A_592 = vector.broadcast %jit3A_590 : f32 to vector<16xf32>
    %select_n3A_593 = arith.select %and3A_588, %broadcast_in_dim3A_591, %broadcast_in_dim3A_592 : vector<16xi1>, vector<16xf32>
    %sub3A_594 = arith.constant 1.000000e+00 : f32
    %sub3A_595 = vector.broadcast %sub3A_594 : f32 to vector<16xf32>
    %sub3A_596 = arith.subf %sub3A_595, %select_n3A_585 : vector<16xf32>
    %sub3A_597 = arith.subf %sub3A_596, %select_n3A_593 : vector<16xf32>
    %swap3A_598 = arith.constant 0 : i32
    %swap3A_599 = arith.index_cast %swap3A_598 : i32 to index
    %swap3A_600 = arith.constant 144 : index
    %swap3A_601 = tpu.vector_load %arg6[%swap3A_599, %swap3A_600] {strides = array<i32>} : memref<3x1024xf32, #tpu.memory_space<vmem>>, vector<16xf32>,
    tpu.vector_store %arg6[%swap3A_599, %swap3A_600], %select_n3A_585 {strides = array<i32>} : memref<3x1024xf32, #tpu.memory_space<vmem>>, vector<16xf32>,
    %swap3A_602 = arith.constant 1 : i32
    %swap3A_603 = arith.index_cast %swap3A_602 : i32 to index
    %swap3A_604 = arith.constant 144 : index
    %swap3A_605 = tpu.vector_load %arg6[%swap3A_603, %swap3A_604] {strides = array<i32>} : memref<3x1024xf32, #tpu.memory_space<vmem>>, vector<16xf32>,
    tpu.vector_store %arg6[%swap3A_603, %swap3A_604], %select_n3A_593 {strides = array<i32>} : memref<3x1024xf32, #tpu.memory_space<vmem>>, vector<16xf32>,
    %swap3A_606 = arith.constant 2 : i32
    %swap3A_607 = arith.index_cast %swap3A_606 : i32 to index
    %swap3A_608 = arith.constant 144 : index
    %swap3A_609 = tpu.vector_load %arg6[%swap3A_607, %swap3A_608] {strides = array<i32>} : memref<3x1024xf32, #tpu.memory_space<vmem>>, vector<16xf32>,
    tpu.vector_store %arg6[%swap3A_607, %swap3A_608], %sub3A_597 {strides = array<i32>} : memref<3x1024xf32, #tpu.memory_space<vmem>>, vector<16xf32>,
    %get3A_610 = arith.constant 0 : i32
    %get3A_611 = arith.index_cast %get3A_610 : i32 to index
    %get3A_612 = arith.constant 160 : index
    %get3A_613 = tpu.vector_load %arg5[%get3A_611, %get3A_612] {strides = array<i32>} : memref<1x1024xf32, #tpu.memory_space<vmem>>, vector<16xf32>,
    %get3A_614 = arith.constant 0 : i32
    %get3A_615 = arith.index_cast %get3A_614 : i32 to index
    %get3A_616 = arith.constant 160 : index
    %get3A_617 = tpu.vector_load %arg4[%get3A_615, %get3A_616] {strides = array<i32>} : memref<4x1024xf32, #tpu.memory_space<vmem>>, vector<16xf32>,
    %get3A_618 = arith.constant 1 : i32
    %get3A_619 = arith.index_cast %get3A_618 : i32 to index
    %get3A_620 = arith.constant 160 : index
    %get3A_621 = tpu.vector_load %arg4[%get3A_619, %get3A_620] {strides = array<i32>} : memref<4x1024xf32, #tpu.memory_space<vmem>>, vector<16xf32>,
    %get3A_622 = arith.constant 2 : i32
    %get3A_623 = arith.index_cast %get3A_622 : i32 to index
    %get3A_624 = arith.constant 160 : index
    %get3A_625 = tpu.vector_load %arg4[%get3A_623, %get3A_624] {strides = array<i32>} : memref<4x1024xf32, #tpu.memory_space<vmem>>, vector<16xf32>,
    %get3A_626 = arith.constant 3 : i32
    %get3A_627 = arith.index_cast %get3A_626 : i32 to index
    %get3A_628 = arith.constant 160 : index
    %get3A_629 = tpu.vector_load %arg4[%get3A_627, %get3A_628] {strides = array<i32>} : memref<4x1024xf32, #tpu.memory_space<vmem>>, vector<16xf32>,
    %gt3A_630 = arith.constant 5.000000e-01 : f32
    %gt3A_631 = vector.broadcast %gt3A_630 : f32 to vector<16xf32>
    %gt3A_632 = arith.cmpf ogt, %get3A_613, %gt3A_631 : vector<16xf32>
    %add3A_633 = arith.addf %get3A_617, %get3A_621 : vector<16xf32>
    %add3A_634 = arith.addf %get3A_625, %get3A_629 : vector<16xf32>
    %gt3A_635 = arith.cmpf ogt, %add3A_633, %add3A_634 : vector<16xf32>
    %jit3A_636 = arith.constant 1.000000e+00 : f32
    %jit3A_637 = arith.constant 0.000000e+00 : f32
    %broadcast_in_dim3A_638 = vector.broadcast %jit3A_636 : f32 to vector<16xf32>
    %broadcast_in_dim3A_639 = vector.broadcast %jit3A_637 : f32 to vector<16xf32>
    %select_n3A_640 = arith.select %gt3A_632, %broadcast_in_dim3A_638, %broadcast_in_dim3A_639 : vector<16xi1>, vector<16xf32>
    %not3A_641 = arith.constant dense<true> : vector<16xi1>
    %not3A_642 = arith.xori %gt3A_632, %not3A_641 : vector<16xi1>
    %and3A_643 = arith.andi %not3A_642, %gt3A_635 : vector<16xi1>
    %jit3A_644 = arith.constant 1.000000e+00 : f32
    %jit3A_645 = arith.constant 0.000000e+00 : f32
    %broadcast_in_dim3A_646 = vector.broadcast %jit3A_644 : f32 to vector<16xf32>
    %broadcast_in_dim3A_647 = vector.broadcast %jit3A_645 : f32 to vector<16xf32>
    %select_n3A_648 = arith.select %and3A_643, %broadcast_in_dim3A_646, %broadcast_in_dim3A_647 : vector<16xi1>, vector<16xf32>
    %sub3A_649 = arith.constant 1.000000e+00 : f32
    %sub3A_650 = vector.broadcast %sub3A_649 : f32 to vector<16xf32>
    %sub3A_651 = arith.subf %sub3A_650, %select_n3A_640 : vector<16xf32>
    %sub3A_652 = arith.subf %sub3A_651, %select_n3A_648 : vector<16xf32>
    %swap3A_653 = arith.constant 0 : i32
    %swap3A_654 = arith.index_cast %swap3A_653 : i32 to index
    %swap3A_655 = arith.constant 160 : index
    %swap3A_656 = tpu.vector_load %arg6[%swap3A_654, %swap3A_655] {strides = array<i32>} : memref<3x1024xf32, #tpu.memory_space<vmem>>, vector<16xf32>,
    tpu.vector_store %arg6[%swap3A_654, %swap3A_655], %select_n3A_640 {strides = array<i32>} : memref<3x1024xf32, #tpu.memory_space<vmem>>, vector<16xf32>,
    %swap3A_657 = arith.constant 1 : i32
    %swap3A_658 = arith.index_cast %swap3A_657 : i32 to index
    %swap3A_659 = arith.constant 160 : index
    %swap3A_660 = tpu.vector_load %arg6[%swap3A_658, %swap3A_659] {strides = array<i32>} : memref<3x1024xf32, #tpu.memory_space<vmem>>, vector<16xf32>,
    tpu.vector_store %arg6[%swap3A_658, %swap3A_659], %select_n3A_648 {strides = array<i32>} : memref<3x1024xf32, #tpu.memory_space<vmem>>, vector<16xf32>,
    %swap3A_661 = arith.constant 2 : i32
    %swap3A_662 = arith.index_cast %swap3A_661 : i32 to index
    %swap3A_663 = arith.constant 160 : index
    %swap3A_664 = tpu.vector_load %arg6[%swap3A_662, %swap3A_663] {strides = array<i32>} : memref<3x1024xf32, #tpu.memory_space<vmem>>, vector<16xf32>,
    tpu.vector_store %arg6[%swap3A_662, %swap3A_663], %sub3A_652 {strides = array<i32>} : memref<3x1024xf32, #tpu.memory_space<vmem>>, vector<16xf32>,
    %get3A_665 = arith.constant 0 : i32
    %get3A_666 = arith.index_cast %get3A_665 : i32 to index
    %get3A_667 = arith.constant 176 : index
    %get3A_668 = tpu.vector_load %arg5[%get3A_666, %get3A_667] {strides = array<i32>} : memref<1x1024xf32, #tpu.memory_space<vmem>>, vector<16xf32>,
    %get3A_669 = arith.constant 0 : i32
    %get3A_670 = arith.index_cast %get3A_669 : i32 to index
    %get3A_671 = arith.constant 176 : index
    %get3A_672 = tpu.vector_load %arg4[%get3A_670, %get3A_671] {strides = array<i32>} : memref<4x1024xf32, #tpu.memory_space<vmem>>, vector<16xf32>,
    %get3A_673 = arith.constant 1 : i32
    %get3A_674 = arith.index_cast %get3A_673 : i32 to index
    %get3A_675 = arith.constant 176 : index
    %get3A_676 = tpu.vector_load %arg4[%get3A_674, %get3A_675] {strides = array<i32>} : memref<4x1024xf32, #tpu.memory_space<vmem>>, vector<16xf32>,
    %get3A_677 = arith.constant 2 : i32
    %get3A_678 = arith.index_cast %get3A_677 : i32 to index
    %get3A_679 = arith.constant 176 : index
    %get3A_680 = tpu.vector_load %arg4[%get3A_678, %get3A_679] {strides = array<i32>} : memref<4x1024xf32, #tpu.memory_space<vmem>>, vector<16xf32>,
    %get3A_681 = arith.constant 3 : i32
    %get3A_682 = arith.index_cast %get3A_681 : i32 to index
    %get3A_683 = arith.constant 176 : index
    %get3A_684 = tpu.vector_load %arg4[%get3A_682, %get3A_683] {strides = array<i32>} : memref<4x1024xf32, #tpu.memory_space<vmem>>, vector<16xf32>,
    %gt3A_685 = arith.constant 5.000000e-01 : f32
    %gt3A_686 = vector.broadcast %gt3A_685 : f32 to vector<16xf32>
    %gt3A_687 = arith.cmpf ogt, %get3A_668, %gt3A_686 : vector<16xf32>
    %add3A_688 = arith.addf %get3A_672, %get3A_676 : vector<16xf32>
    %add3A_689 = arith.addf %get3A_680, %get3A_684 : vector<16xf32>
    %gt3A_690 = arith.cmpf ogt, %add3A_688, %add3A_689 : vector<16xf32>
    %jit3A_691 = arith.constant 1.000000e+00 : f32
    %jit3A_692 = arith.constant 0.000000e+00 : f32
    %broadcast_in_dim3A_693 = vector.broadcast %jit3A_691 : f32 to vector<16xf32>
    %broadcast_in_dim3A_694 = vector.broadcast %jit3A_692 : f32 to vector<16xf32>
    %select_n3A_695 = arith.select %gt3A_687, %broadcast_in_dim3A_693, %broadcast_in_dim3A_694 : vector<16xi1>, vector<16xf32>
    %not3A_696 = arith.constant dense<true> : vector<16xi1>
    %not3A_697 = arith.xori %gt3A_687, %not3A_696 : vector<16xi1>
    %and3A_698 = arith.andi %not3A_697, %gt3A_690 : vector<16xi1>
    %jit3A_699 = arith.constant 1.000000e+00 : f32
    %jit3A_700 = arith.constant 0.000000e+00 : f32
    %broadcast_in_dim3A_701 = vector.broadcast %jit3A_699 : f32 to vector<16xf32>
    %broadcast_in_dim3A_702 = vector.broadcast %jit3A_700 : f32 to vector<16xf32>
    %select_n3A_703 = arith.select %and3A_698, %broadcast_in_dim3A_701, %broadcast_in_dim3A_702 : vector<16xi1>, vector<16xf32>
    %sub3A_704 = arith.constant 1.000000e+00 : f32
    %sub3A_705 = vector.broadcast %sub3A_704 : f32 to vector<16xf32>
    %sub3A_706 = arith.subf %sub3A_705, %select_n3A_695 : vector<16xf32>
    %sub3A_707 = arith.subf %sub3A_706, %select_n3A_703 : vector<16xf32>
    %swap3A_708 = arith.constant 0 : i32
    %swap3A_709 = arith.index_cast %swap3A_708 : i32 to index
    %swap3A_710 = arith.constant 176 : index
    %swap3A_711 = tpu.vector_load %arg6[%swap3A_709, %swap3A_710] {strides = array<i32>} : memref<3x1024xf32, #tpu.memory_space<vmem>>, vector<16xf32>,
    tpu.vector_store %arg6[%swap3A_709, %swap3A_710], %select_n3A_695 {strides = array<i32>} : memref<3x1024xf32, #tpu.memory_space<vmem>>, vector<16xf32>,
    %swap3A_712 = arith.constant 1 : i32
    %swap3A_713 = arith.index_cast %swap3A_712 : i32 to index
    %swap3A_714 = arith.constant 176 : index
    %swap3A_715 = tpu.vector_load %arg6[%swap3A_713, %swap3A_714] {strides = array<i32>} : memref<3x1024xf32, #tpu.memory_space<vmem>>, vector<16xf32>,
    tpu.vector_store %arg6[%swap3A_713, %swap3A_714], %select_n3A_703 {strides = array<i32>} : memref<3x1024xf32, #tpu.memory_space<vmem>>, vector<16xf32>,
    %swap3A_716 = arith.constant 2 : i32
    %swap3A_717 = arith.index_cast %swap3A_716 : i32 to index
    %swap3A_718 = arith.constant 176 : index
    %swap3A_719 = tpu.vector_load %arg6[%swap3A_717, %swap3A_718] {strides = array<i32>} : memref<3x1024xf32, #tpu.memory_space<vmem>>, vector<16xf32>,
    tpu.vector_store %arg6[%swap3A_717, %swap3A_718], %sub3A_707 {strides = array<i32>} : memref<3x1024xf32, #tpu.memory_space<vmem>>, vector<16xf32>,
    %get3A_720 = arith.constant 0 : i32
    %get3A_721 = arith.index_cast %get3A_720 : i32 to index
    %get3A_722 = arith.constant 192 : index
    %get3A_723 = tpu.vector_load %arg5[%get3A_721, %get3A_722] {strides = array<i32>} : memref<1x1024xf32, #tpu.memory_space<vmem>>, vector<16xf32>,
    %get3A_724 = arith.constant 0 : i32
    %get3A_725 = arith.index_cast %get3A_724 : i32 to index
    %get3A_726 = arith.constant 192 : index
    %get3A_727 = tpu.vector_load %arg4[%get3A_725, %get3A_726] {strides = array<i32>} : memref<4x1024xf32, #tpu.memory_space<vmem>>, vector<16xf32>,
    %get3A_728 = arith.constant 1 : i32
    %get3A_729 = arith.index_cast %get3A_728 : i32 to index
    %get3A_730 = arith.constant 192 : index
    %get3A_731 = tpu.vector_load %arg4[%get3A_729, %get3A_730] {strides = array<i32>} : memref<4x1024xf32, #tpu.memory_space<vmem>>, vector<16xf32>,
    %get3A_732 = arith.constant 2 : i32
    %get3A_733 = arith.index_cast %get3A_732 : i32 to index
    %get3A_734 = arith.constant 192 : index
    %get3A_735 = tpu.vector_load %arg4[%get3A_733, %get3A_734] {strides = array<i32>} : memref<4x1024xf32, #tpu.memory_space<vmem>>, vector<16xf32>,
    %get3A_736 = arith.constant 3 : i32
    %get3A_737 = arith.index_cast %get3A_736 : i32 to index
    %get3A_738 = arith.constant 192 : index
    %get3A_739 = tpu.vector_load %arg4[%get3A_737, %get3A_738] {strides = array<i32>} : memref<4x1024xf32, #tpu.memory_space<vmem>>, vector<16xf32>,
    %gt3A_740 = arith.constant 5.000000e-01 : f32
    %gt3A_741 = vector.broadcast %gt3A_740 : f32 to vector<16xf32>
    %gt3A_742 = arith.cmpf ogt, %get3A_723, %gt3A_741 : vector<16xf32>
    %add3A_743 = arith.addf %get3A_727, %get3A_731 : vector<16xf32>
    %add3A_744 = arith.addf %get3A_735, %get3A_739 : vector<16xf32>
    %gt3A_745 = arith.cmpf ogt, %add3A_743, %add3A_744 : vector<16xf32>
    %jit3A_746 = arith.constant 1.000000e+00 : f32
    %jit3A_747 = arith.constant 0.000000e+00 : f32
    %broadcast_in_dim3A_748 = vector.broadcast %jit3A_746 : f32 to vector<16xf32>
    %broadcast_in_dim3A_749 = vector.broadcast %jit3A_747 : f32 to vector<16xf32>
    %select_n3A_750 = arith.select %gt3A_742, %broadcast_in_dim3A_748, %broadcast_in_dim3A_749 : vector<16xi1>, vector<16xf32>
    %not3A_751 = arith.constant dense<true> : vector<16xi1>
    %not3A_752 = arith.xori %gt3A_742, %not3A_751 : vector<16xi1>
    %and3A_753 = arith.andi %not3A_752, %gt3A_745 : vector<16xi1>
    %jit3A_754 = arith.constant 1.000000e+00 : f32
    %jit3A_755 = arith.constant 0.000000e+00 : f32
    %broadcast_in_dim3A_756 = vector.broadcast %jit3A_754 : f32 to vector<16xf32>
    %broadcast_in_dim3A_757 = vector.broadcast %jit3A_755 : f32 to vector<16xf32>
    %select_n3A_758 = arith.select %and3A_753, %broadcast_in_dim3A_756, %broadcast_in_dim3A_757 : vector<16xi1>, vector<16xf32>
    %sub3A_759 = arith.constant 1.000000e+00 : f32
    %sub3A_760 = vector.broadcast %sub3A_759 : f32 to vector<16xf32>
    %sub3A_761 = arith.subf %sub3A_760, %select_n3A_750 : vector<16xf32>
    %sub3A_762 = arith.subf %sub3A_761, %select_n3A_758 : vector<16xf32>
    %swap3A_763 = arith.constant 0 : i32
    %swap3A_764 = arith.index_cast %swap3A_763 : i32 to index
    %swap3A_765 = arith.constant 192 : index
    %swap3A_766 = tpu.vector_load %arg6[%swap3A_764, %swap3A_765] {strides = array<i32>} : memref<3x1024xf32, #tpu.memory_space<vmem>>, vector<16xf32>,
    tpu.vector_store %arg6[%swap3A_764, %swap3A_765], %select_n3A_750 {strides = array<i32>} : memref<3x1024xf32, #tpu.memory_space<vmem>>, vector<16xf32>,
    %swap3A_767 = arith.constant 1 : i32
    %swap3A_768 = arith.index_cast %swap3A_767 : i32 to index
    %swap3A_769 = arith.constant 192 : index
    %swap3A_770 = tpu.vector_load %arg6[%swap3A_768, %swap3A_769] {strides = array<i32>} : memref<3x1024xf32, #tpu.memory_space<vmem>>, vector<16xf32>,
    tpu.vector_store %arg6[%swap3A_768, %swap3A_769], %select_n3A_758 {strides = array<i32>} : memref<3x1024xf32, #tpu.memory_space<vmem>>, vector<16xf32>,
    %swap3A_771 = arith.constant 2 : i32
    %swap3A_772 = arith.index_cast %swap3A_771 : i32 to index
    %swap3A_773 = arith.constant 192 : index
    %swap3A_774 = tpu.vector_load %arg6[%swap3A_772, %swap3A_773] {strides = array<i32>} : memref<3x1024xf32, #tpu.memory_space<vmem>>, vector<16xf32>,
    tpu.vector_store %arg6[%swap3A_772, %swap3A_773], %sub3A_762 {strides = array<i32>} : memref<3x1024xf32, #tpu.memory_space<vmem>>, vector<16xf32>,
    %get3A_775 = arith.constant 0 : i32
    %get3A_776 = arith.index_cast %get3A_775 : i32 to index
    %get3A_777 = arith.constant 208 : index
    %get3A_778 = tpu.vector_load %arg5[%get3A_776, %get3A_777] {strides = array<i32>} : memref<1x1024xf32, #tpu.memory_space<vmem>>, vector<16xf32>,
    %get3A_779 = arith.constant 0 : i32
    %get3A_780 = arith.index_cast %get3A_779 : i32 to index
    %get3A_781 = arith.constant 208 : index
    %get3A_782 = tpu.vector_load %arg4[%get3A_780, %get3A_781] {strides = array<i32>} : memref<4x1024xf32, #tpu.memory_space<vmem>>, vector<16xf32>,
    %get3A_783 = arith.constant 1 : i32
    %get3A_784 = arith.index_cast %get3A_783 : i32 to index
    %get3A_785 = arith.constant 208 : index
    %get3A_786 = tpu.vector_load %arg4[%get3A_784, %get3A_785] {strides = array<i32>} : memref<4x1024xf32, #tpu.memory_space<vmem>>, vector<16xf32>,
    %get3A_787 = arith.constant 2 : i32
    %get3A_788 = arith.index_cast %get3A_787 : i32 to index
    %get3A_789 = arith.constant 208 : index
    %get3A_790 = tpu.vector_load %arg4[%get3A_788, %get3A_789] {strides = array<i32>} : memref<4x1024xf32, #tpu.memory_space<vmem>>, vector<16xf32>,
    %get3A_791 = arith.constant 3 : i32
    %get3A_792 = arith.index_cast %get3A_791 : i32 to index
    %get3A_793 = arith.constant 208 : index
    %get3A_794 = tpu.vector_load %arg4[%get3A_792, %get3A_793] {strides = array<i32>} : memref<4x1024xf32, #tpu.memory_space<vmem>>, vector<16xf32>,
    %gt3A_795 = arith.constant 5.000000e-01 : f32
    %gt3A_796 = vector.broadcast %gt3A_795 : f32 to vector<16xf32>
    %gt3A_797 = arith.cmpf ogt, %get3A_778, %gt3A_796 : vector<16xf32>
    %add3A_798 = arith.addf %get3A_782, %get3A_786 : vector<16xf32>
    %add3A_799 = arith.addf %get3A_790, %get3A_794 : vector<16xf32>
    %gt3A_800 = arith.cmpf ogt, %add3A_798, %add3A_799 : vector<16xf32>
    %jit3A_801 = arith.constant 1.000000e+00 : f32
    %jit3A_802 = arith.constant 0.000000e+00 : f32
    %broadcast_in_dim3A_803 = vector.broadcast %jit3A_801 : f32 to vector<16xf32>
    %broadcast_in_dim3A_804 = vector.broadcast %jit3A_802 : f32 to vector<16xf32>
    %select_n3A_805 = arith.select %gt3A_797, %broadcast_in_dim3A_803, %broadcast_in_dim3A_804 : vector<16xi1>, vector<16xf32>
    %not3A_806 = arith.constant dense<true> : vector<16xi1>
    %not3A_807 = arith.xori %gt3A_797, %not3A_806 : vector<16xi1>
    %and3A_808 = arith.andi %not3A_807, %gt3A_800 : vector<16xi1>
    %jit3A_809 = arith.constant 1.000000e+00 : f32
    %jit3A_810 = arith.constant 0.000000e+00 : f32
    %broadcast_in_dim3A_811 = vector.broadcast %jit3A_809 : f32 to vector<16xf32>
    %broadcast_in_dim3A_812 = vector.broadcast %jit3A_810 : f32 to vector<16xf32>
    %select_n3A_813 = arith.select %and3A_808, %broadcast_in_dim3A_811, %broadcast_in_dim3A_812 : vector<16xi1>, vector<16xf32>
    %sub3A_814 = arith.constant 1.000000e+00 : f32
    %sub3A_815 = vector.broadcast %sub3A_814 : f32 to vector<16xf32>
    %sub3A_816 = arith.subf %sub3A_815, %select_n3A_805 : vector<16xf32>
    %sub3A_817 = arith.subf %sub3A_816, %select_n3A_813 : vector<16xf32>
    %swap3A_818 = arith.constant 0 : i32
    %swap3A_819 = arith.index_cast %swap3A_818 : i32 to index
    %swap3A_820 = arith.constant 208 : index
    %swap3A_821 = tpu.vector_load %arg6[%swap3A_819, %swap3A_820] {strides = array<i32>} : memref<3x1024xf32, #tpu.memory_space<vmem>>, vector<16xf32>,
    tpu.vector_store %arg6[%swap3A_819, %swap3A_820], %select_n3A_805 {strides = array<i32>} : memref<3x1024xf32, #tpu.memory_space<vmem>>, vector<16xf32>,
    %swap3A_822 = arith.constant 1 : i32
    %swap3A_823 = arith.index_cast %swap3A_822 : i32 to index
    %swap3A_824 = arith.constant 208 : index
    %swap3A_825 = tpu.vector_load %arg6[%swap3A_823, %swap3A_824] {strides = array<i32>} : memref<3x1024xf32, #tpu.memory_space<vmem>>, vector<16xf32>,
    tpu.vector_store %arg6[%swap3A_823, %swap3A_824], %select_n3A_813 {strides = array<i32>} : memref<3x1024xf32, #tpu.memory_space<vmem>>, vector<16xf32>,
    %swap3A_826 = arith.constant 2 : i32
    %swap3A_827 = arith.index_cast %swap3A_826 : i32 to index
    %swap3A_828 = arith.constant 208 : index
    %swap3A_829 = tpu.vector_load %arg6[%swap3A_827, %swap3A_828] {strides = array<i32>} : memref<3x1024xf32, #tpu.memory_space<vmem>>, vector<16xf32>,
    tpu.vector_store %arg6[%swap3A_827, %swap3A_828], %sub3A_817 {strides = array<i32>} : memref<3x1024xf32, #tpu.memory_space<vmem>>, vector<16xf32>,
    %get3A_830 = arith.constant 0 : i32
    %get3A_831 = arith.index_cast %get3A_830 : i32 to index
    %get3A_832 = arith.constant 224 : index
    %get3A_833 = tpu.vector_load %arg5[%get3A_831, %get3A_832] {strides = array<i32>} : memref<1x1024xf32, #tpu.memory_space<vmem>>, vector<16xf32>,
    %get3A_834 = arith.constant 0 : i32
    %get3A_835 = arith.index_cast %get3A_834 : i32 to index
    %get3A_836 = arith.constant 224 : index
    %get3A_837 = tpu.vector_load %arg4[%get3A_835, %get3A_836] {strides = array<i32>} : memref<4x1024xf32, #tpu.memory_space<vmem>>, vector<16xf32>,
    %get3A_838 = arith.constant 1 : i32
    %get3A_839 = arith.index_cast %get3A_838 : i32 to index
    %get3A_840 = arith.constant 224 : index
    %get3A_841 = tpu.vector_load %arg4[%get3A_839, %get3A_840] {strides = array<i32>} : memref<4x1024xf32, #tpu.memory_space<vmem>>, vector<16xf32>,
    %get3A_842 = arith.constant 2 : i32
    %get3A_843 = arith.index_cast %get3A_842 : i32 to index
    %get3A_844 = arith.constant 224 : index
    %get3A_845 = tpu.vector_load %arg4[%get3A_843, %get3A_844] {strides = array<i32>} : memref<4x1024xf32, #tpu.memory_space<vmem>>, vector<16xf32>,
    %get3A_846 = arith.constant 3 : i32
    %get3A_847 = arith.index_cast %get3A_846 : i32 to index
    %get3A_848 = arith.constant 224 : index
    %get3A_849 = tpu.vector_load %arg4[%get3A_847, %get3A_848] {strides = array<i32>} : memref<4x1024xf32, #tpu.memory_space<vmem>>, vector<16xf32>,
    %gt3A_850 = arith.constant 5.000000e-01 : f32
    %gt3A_851 = vector.broadcast %gt3A_850 : f32 to vector<16xf32>
    %gt3A_852 = arith.cmpf ogt, %get3A_833, %gt3A_851 : vector<16xf32>
    %add3A_853 = arith.addf %get3A_837, %get3A_841 : vector<16xf32>
    %add3A_854 = arith.addf %get3A_845, %get3A_849 : vector<16xf32>
    %gt3A_855 = arith.cmpf ogt, %add3A_853, %add3A_854 : vector<16xf32>
    %jit3A_856 = arith.constant 1.000000e+00 : f32
    %jit3A_857 = arith.constant 0.000000e+00 : f32
    %broadcast_in_dim3A_858 = vector.broadcast %jit3A_856 : f32 to vector<16xf32>
    %broadcast_in_dim3A_859 = vector.broadcast %jit3A_857 : f32 to vector<16xf32>
    %select_n3A_860 = arith.select %gt3A_852, %broadcast_in_dim3A_858, %broadcast_in_dim3A_859 : vector<16xi1>, vector<16xf32>
    %not3A_861 = arith.constant dense<true> : vector<16xi1>
    %not3A_862 = arith.xori %gt3A_852, %not3A_861 : vector<16xi1>
    %and3A_863 = arith.andi %not3A_862, %gt3A_855 : vector<16xi1>
    %jit3A_864 = arith.constant 1.000000e+00 : f32
    %jit3A_865 = arith.constant 0.000000e+00 : f32
    %broadcast_in_dim3A_866 = vector.broadcast %jit3A_864 : f32 to vector<16xf32>
    %broadcast_in_dim3A_867 = vector.broadcast %jit3A_865 : f32 to vector<16xf32>
    %select_n3A_868 = arith.select %and3A_863, %broadcast_in_dim3A_866, %broadcast_in_dim3A_867 : vector<16xi1>, vector<16xf32>
    %sub3A_869 = arith.constant 1.000000e+00 : f32
    %sub3A_870 = vector.broadcast %sub3A_869 : f32 to vector<16xf32>
    %sub3A_871 = arith.subf %sub3A_870, %select_n3A_860 : vector<16xf32>
    %sub3A_872 = arith.subf %sub3A_871, %select_n3A_868 : vector<16xf32>
    %swap3A_873 = arith.constant 0 : i32
    %swap3A_874 = arith.index_cast %swap3A_873 : i32 to index
    %swap3A_875 = arith.constant 224 : index
    %swap3A_876 = tpu.vector_load %arg6[%swap3A_874, %swap3A_875] {strides = array<i32>} : memref<3x1024xf32, #tpu.memory_space<vmem>>, vector<16xf32>,
    tpu.vector_store %arg6[%swap3A_874, %swap3A_875], %select_n3A_860 {strides = array<i32>} : memref<3x1024xf32, #tpu.memory_space<vmem>>, vector<16xf32>,
    %swap3A_877 = arith.constant 1 : i32
    %swap3A_878 = arith.index_cast %swap3A_877 : i32 to index
    %swap3A_879 = arith.constant 224 : index
    %swap3A_880 = tpu.vector_load %arg6[%swap3A_878, %swap3A_879] {strides = array<i32>} : memref<3x1024xf32, #tpu.memory_space<vmem>>, vector<16xf32>,
    tpu.vector_store %arg6[%swap3A_878, %swap3A_879], %select_n3A_868 {strides = array<i32>} : memref<3x1024xf32, #tpu.memory_space<vmem>>, vector<16xf32>,
    %swap3A_881 = arith.constant 2 : i32
    %swap3A_882 = arith.index_cast %swap3A_881 : i32 to index
    %swap3A_883 = arith.constant 224 : index
    %swap3A_884 = tpu.vector_load %arg6[%swap3A_882, %swap3A_883] {strides = array<i32>} : memref<3x1024xf32, #tpu.memory_space<vmem>>, vector<16xf32>,
    tpu.vector_store %arg6[%swap3A_882, %swap3A_883], %sub3A_872 {strides = array<i32>} : memref<3x1024xf32, #tpu.memory_space<vmem>>, vector<16xf32>,
    %get3A_885 = arith.constant 0 : i32
    %get3A_886 = arith.index_cast %get3A_885 : i32 to index
    %get3A_887 = arith.constant 240 : index
    %get3A_888 = tpu.vector_load %arg5[%get3A_886, %get3A_887] {strides = array<i32>} : memref<1x1024xf32, #tpu.memory_space<vmem>>, vector<16xf32>,
    %get3A_889 = arith.constant 0 : i32
    %get3A_890 = arith.index_cast %get3A_889 : i32 to index
    %get3A_891 = arith.constant 240 : index
    %get3A_892 = tpu.vector_load %arg4[%get3A_890, %get3A_891] {strides = array<i32>} : memref<4x1024xf32, #tpu.memory_space<vmem>>, vector<16xf32>,
    %get3A_893 = arith.constant 1 : i32
    %get3A_894 = arith.index_cast %get3A_893 : i32 to index
    %get3A_895 = arith.constant 240 : index
    %get3A_896 = tpu.vector_load %arg4[%get3A_894, %get3A_895] {strides = array<i32>} : memref<4x1024xf32, #tpu.memory_space<vmem>>, vector<16xf32>,
    %get3A_897 = arith.constant 2 : i32
    %get3A_898 = arith.index_cast %get3A_897 : i32 to index
    %get3A_899 = arith.constant 240 : index
    %get3A_900 = tpu.vector_load %arg4[%get3A_898, %get3A_899] {strides = array<i32>} : memref<4x1024xf32, #tpu.memory_space<vmem>>, vector<16xf32>,
    %get3A_901 = arith.constant 3 : i32
    %get3A_902 = arith.index_cast %get3A_901 : i32 to index
    %get3A_903 = arith.constant 240 : index
    %get3A_904 = tpu.vector_load %arg4[%get3A_902, %get3A_903] {strides = array<i32>} : memref<4x1024xf32, #tpu.memory_space<vmem>>, vector<16xf32>,
    %gt3A_905 = arith.constant 5.000000e-01 : f32
    %gt3A_906 = vector.broadcast %gt3A_905 : f32 to vector<16xf32>
    %gt3A_907 = arith.cmpf ogt, %get3A_888, %gt3A_906 : vector<16xf32>
    %add3A_908 = arith.addf %get3A_892, %get3A_896 : vector<16xf32>
    %add3A_909 = arith.addf %get3A_900, %get3A_904 : vector<16xf32>
    %gt3A_910 = arith.cmpf ogt, %add3A_908, %add3A_909 : vector<16xf32>
    %jit3A_911 = arith.constant 1.000000e+00 : f32
    %jit3A_912 = arith.constant 0.000000e+00 : f32
    %broadcast_in_dim3A_913 = vector.broadcast %jit3A_911 : f32 to vector<16xf32>
    %broadcast_in_dim3A_914 = vector.broadcast %jit3A_912 : f32 to vector<16xf32>
    %select_n3A_915 = arith.select %gt3A_907, %broadcast_in_dim3A_913, %broadcast_in_dim3A_914 : vector<16xi1>, vector<16xf32>
    %not3A_916 = arith.constant dense<true> : vector<16xi1>
    %not3A_917 = arith.xori %gt3A_907, %not3A_916 : vector<16xi1>
    %and3A_918 = arith.andi %not3A_917, %gt3A_910 : vector<16xi1>
    %jit3A_919 = arith.constant 1.000000e+00 : f32
    %jit3A_920 = arith.constant 0.000000e+00 : f32
    %broadcast_in_dim3A_921 = vector.broadcast %jit3A_919 : f32 to vector<16xf32>
    %broadcast_in_dim3A_922 = vector.broadcast %jit3A_920 : f32 to vector<16xf32>
    %select_n3A_923 = arith.select %and3A_918, %broadcast_in_dim3A_921, %broadcast_in_dim3A_922 : vector<16xi1>, vector<16xf32>
    %sub3A_924 = arith.constant 1.000000e+00 : f32
    %sub3A_925 = vector.broadcast %sub3A_924 : f32 to vector<16xf32>
    %sub3A_926 = arith.subf %sub3A_925, %select_n3A_915 : vector<16xf32>
    %sub3A_927 = arith.subf %sub3A_926, %select_n3A_923 : vector<16xf32>
    %swap3A_928 = arith.constant 0 : i32
    %swap3A_929 = arith.index_cast %swap3A_928 : i32 to index
    %swap3A_930 = arith.constant 240 : index
    %swap3A_931 = tpu.vector_load %arg6[%swap3A_929, %swap3A_930] {strides = array<i32>} : memref<3x1024xf32, #tpu.memory_space<vmem>>, vector<16xf32>,
    tpu.vector_store %arg6[%swap3A_929, %swap3A_930], %select_n3A_915 {strides = array<i32>} : memref<3x1024xf32, #tpu.memory_space<vmem>>, vector<16xf32>,
    %swap3A_932 = arith.constant 1 : i32
    %swap3A_933 = arith.index_cast %swap3A_932 : i32 to index
    %swap3A_934 = arith.constant 240 : index
    %swap3A_935 = tpu.vector_load %arg6[%swap3A_933, %swap3A_934] {strides = array<i32>} : memref<3x1024xf32, #tpu.memory_space<vmem>>, vector<16xf32>,
    tpu.vector_store %arg6[%swap3A_933, %swap3A_934], %select_n3A_923 {strides = array<i32>} : memref<3x1024xf32, #tpu.memory_space<vmem>>, vector<16xf32>,
    %swap3A_936 = arith.constant 2 : i32
    %swap3A_937 = arith.index_cast %swap3A_936 : i32 to index
    %swap3A_938 = arith.constant 240 : index
    %swap3A_939 = tpu.vector_load %arg6[%swap3A_937, %swap3A_938] {strides = array<i32>} : memref<3x1024xf32, #tpu.memory_space<vmem>>, vector<16xf32>,
    tpu.vector_store %arg6[%swap3A_937, %swap3A_938], %sub3A_927 {strides = array<i32>} : memref<3x1024xf32, #tpu.memory_space<vmem>>, vector<16xf32>,
    %get3A_940 = arith.constant 0 : i32
    %get3A_941 = arith.index_cast %get3A_940 : i32 to index
    %get3A_942 = arith.constant 256 : index
    %get3A_943 = tpu.vector_load %arg5[%get3A_941, %get3A_942] {strides = array<i32>} : memref<1x1024xf32, #tpu.memory_space<vmem>>, vector<16xf32>,
    %get3A_944 = arith.constant 0 : i32
    %get3A_945 = arith.index_cast %get3A_944 : i32 to index
    %get3A_946 = arith.constant 256 : index
    %get3A_947 = tpu.vector_load %arg4[%get3A_945, %get3A_946] {strides = array<i32>} : memref<4x1024xf32, #tpu.memory_space<vmem>>, vector<16xf32>,
    %get3A_948 = arith.constant 1 : i32
    %get3A_949 = arith.index_cast %get3A_948 : i32 to index
    %get3A_950 = arith.constant 256 : index
    %get3A_951 = tpu.vector_load %arg4[%get3A_949, %get3A_950] {strides = array<i32>} : memref<4x1024xf32, #tpu.memory_space<vmem>>, vector<16xf32>,
    %get3A_952 = arith.constant 2 : i32
    %get3A_953 = arith.index_cast %get3A_952 : i32 to index
    %get3A_954 = arith.constant 256 : index
    %get3A_955 = tpu.vector_load %arg4[%get3A_953, %get3A_954] {strides = array<i32>} : memref<4x1024xf32, #tpu.memory_space<vmem>>, vector<16xf32>,
    %get3A_956 = arith.constant 3 : i32
    %get3A_957 = arith.index_cast %get3A_956 : i32 to index
    %get3A_958 = arith.constant 256 : index
    %get3A_959 = tpu.vector_load %arg4[%get3A_957, %get3A_958] {strides = array<i32>} : memref<4x1024xf32, #tpu.memory_space<vmem>>, vector<16xf32>,
    %gt3A_960 = arith.constant 5.000000e-01 : f32
    %gt3A_961 = vector.broadcast %gt3A_960 : f32 to vector<16xf32>
    %gt3A_962 = arith.cmpf ogt, %get3A_943, %gt3A_961 : vector<16xf32>
    %add3A_963 = arith.addf %get3A_947, %get3A_951 : vector<16xf32>
    %add3A_964 = arith.addf %get3A_955, %get3A_959 : vector<16xf32>
    %gt3A_965 = arith.cmpf ogt, %add3A_963, %add3A_964 : vector<16xf32>
    %jit3A_966 = arith.constant 1.000000e+00 : f32
    %jit3A_967 = arith.constant 0.000000e+00 : f32
    %broadcast_in_dim3A_968 = vector.broadcast %jit3A_966 : f32 to vector<16xf32>
    %broadcast_in_dim3A_969 = vector.broadcast %jit3A_967 : f32 to vector<16xf32>
    %select_n3A_970 = arith.select %gt3A_962, %broadcast_in_dim3A_968, %broadcast_in_dim3A_969 : vector<16xi1>, vector<16xf32>
    %not3A_971 = arith.constant dense<true> : vector<16xi1>
    %not3A_972 = arith.xori %gt3A_962, %not3A_971 : vector<16xi1>
    %and3A_973 = arith.andi %not3A_972, %gt3A_965 : vector<16xi1>
    %jit3A_974 = arith.constant 1.000000e+00 : f32
    %jit3A_975 = arith.constant 0.000000e+00 : f32
    %broadcast_in_dim3A_976 = vector.broadcast %jit3A_974 : f32 to vector<16xf32>
    %broadcast_in_dim3A_977 = vector.broadcast %jit3A_975 : f32 to vector<16xf32>
    %select_n3A_978 = arith.select %and3A_973, %broadcast_in_dim3A_976, %broadcast_in_dim3A_977 : vector<16xi1>, vector<16xf32>
    %sub3A_979 = arith.constant 1.000000e+00 : f32
    %sub3A_980 = vector.broadcast %sub3A_979 : f32 to vector<16xf32>
    %sub3A_981 = arith.subf %sub3A_980, %select_n3A_970 : vector<16xf32>
    %sub3A_982 = arith.subf %sub3A_981, %select_n3A_978 : vector<16xf32>
    %swap3A_983 = arith.constant 0 : i32
    %swap3A_984 = arith.index_cast %swap3A_983 : i32 to index
    %swap3A_985 = arith.constant 256 : index
    %swap3A_986 = tpu.vector_load %arg6[%swap3A_984, %swap3A_985] {strides = array<i32>} : memref<3x1024xf32, #tpu.memory_space<vmem>>, vector<16xf32>,
    tpu.vector_store %arg6[%swap3A_984, %swap3A_985], %select_n3A_970 {strides = array<i32>} : memref<3x1024xf32, #tpu.memory_space<vmem>>, vector<16xf32>,
    %swap3A_987 = arith.constant 1 : i32
    %swap3A_988 = arith.index_cast %swap3A_987 : i32 to index
    %swap3A_989 = arith.constant 256 : index
    %swap3A_990 = tpu.vector_load %arg6[%swap3A_988, %swap3A_989] {strides = array<i32>} : memref<3x1024xf32, #tpu.memory_space<vmem>>, vector<16xf32>,
    tpu.vector_store %arg6[%swap3A_988, %swap3A_989], %select_n3A_978 {strides = array<i32>} : memref<3x1024xf32, #tpu.memory_space<vmem>>, vector<16xf32>,
    %swap3A_991 = arith.constant 2 : i32
    %swap3A_992 = arith.index_cast %swap3A_991 : i32 to index
    %swap3A_993 = arith.constant 256 : index
    %swap3A_994 = tpu.vector_load %arg6[%swap3A_992, %swap3A_993] {strides = array<i32>} : memref<3x1024xf32, #tpu.memory_space<vmem>>, vector<16xf32>,
    tpu.vector_store %arg6[%swap3A_992, %swap3A_993], %sub3A_982 {strides = array<i32>} : memref<3x1024xf32, #tpu.memory_space<vmem>>, vector<16xf32>,
    %get3A_995 = arith.constant 0 : i32
    %get3A_996 = arith.index_cast %get3A_995 : i32 to index
    %get3A_997 = arith.constant 272 : index
    %get3A_998 = tpu.vector_load %arg5[%get3A_996, %get3A_997] {strides = array<i32>} : memref<1x1024xf32, #tpu.memory_space<vmem>>, vector<16xf32>,
    %get3A_999 = arith.constant 0 : i32
    %get3A_1000 = arith.index_cast %get3A_999 : i32 to index
    %get3A_1001 = arith.constant 272 : index
    %get3A_1002 = tpu.vector_load %arg4[%get3A_1000, %get3A_1001] {strides = array<i32>} : memref<4x1024xf32, #tpu.memory_space<vmem>>, vector<16xf32>,
    %get3A_1003 = arith.constant 1 : i32
    %get3A_1004 = arith.index_cast %get3A_1003 : i32 to index
    %get3A_1005 = arith.constant 272 : index
    %get3A_1006 = tpu.vector_load %arg4[%get3A_1004, %get3A_1005] {strides = array<i32>} : memref<4x1024xf32, #tpu.memory_space<vmem>>, vector<16xf32>,
    %get3A_1007 = arith.constant 2 : i32
    %get3A_1008 = arith.index_cast %get3A_1007 : i32 to index
    %get3A_1009 = arith.constant 272 : index
    %get3A_1010 = tpu.vector_load %arg4[%get3A_1008, %get3A_1009] {strides = array<i32>} : memref<4x1024xf32, #tpu.memory_space<vmem>>, vector<16xf32>,
    %get3A_1011 = arith.constant 3 : i32
    %get3A_1012 = arith.index_cast %get3A_1011 : i32 to index
    %get3A_1013 = arith.constant 272 : index
    %get3A_1014 = tpu.vector_load %arg4[%get3A_1012, %get3A_1013] {strides = array<i32>} : memref<4x1024xf32, #tpu.memory_space<vmem>>, vector<16xf32>,
    %gt3A_1015 = arith.constant 5.000000e-01 : f32
    %gt3A_1016 = vector.broadcast %gt3A_1015 : f32 to vector<16xf32>
    %gt3A_1017 = arith.cmpf ogt, %get3A_998, %gt3A_1016 : vector<16xf32>
    %add3A_1018 = arith.addf %get3A_1002, %get3A_1006 : vector<16xf32>
    %add3A_1019 = arith.addf %get3A_1010, %get3A_1014 : vector<16xf32>
    %gt3A_1020 = arith.cmpf ogt, %add3A_1018, %add3A_1019 : vector<16xf32>
    %jit3A_1021 = arith.constant 1.000000e+00 : f32
    %jit3A_1022 = arith.constant 0.000000e+00 : f32
    %broadcast_in_dim3A_1023 = vector.broadcast %jit3A_1021 : f32 to vector<16xf32>
    %broadcast_in_dim3A_1024 = vector.broadcast %jit3A_1022 : f32 to vector<16xf32>
    %select_n3A_1025 = arith.select %gt3A_1017, %broadcast_in_dim3A_1023, %broadcast_in_dim3A_1024 : vector<16xi1>, vector<16xf32>
    %not3A_1026 = arith.constant dense<true> : vector<16xi1>
    %not3A_1027 = arith.xori %gt3A_1017, %not3A_1026 : vector<16xi1>
    %and3A_1028 = arith.andi %not3A_1027, %gt3A_1020 : vector<16xi1>
    %jit3A_1029 = arith.constant 1.000000e+00 : f32
    %jit3A_1030 = arith.constant 0.000000e+00 : f32
    %broadcast_in_dim3A_1031 = vector.broadcast %jit3A_1029 : f32 to vector<16xf32>
    %broadcast_in_dim3A_1032 = vector.broadcast %jit3A_1030 : f32 to vector<16xf32>
    %select_n3A_1033 = arith.select %and3A_1028, %broadcast_in_dim3A_1031, %broadcast_in_dim3A_1032 : vector<16xi1>, vector<16xf32>
    %sub3A_1034 = arith.constant 1.000000e+00 : f32
    %sub3A_1035 = vector.broadcast %sub3A_1034 : f32 to vector<16xf32>
    %sub3A_1036 = arith.subf %sub3A_1035, %select_n3A_1025 : vector<16xf32>
    %sub3A_1037 = arith.subf %sub3A_1036, %select_n3A_1033 : vector<16xf32>
    %swap3A_1038 = arith.constant 0 : i32
    %swap3A_1039 = arith.index_cast %swap3A_1038 : i32 to index
    %swap3A_1040 = arith.constant 272 : index
    %swap3A_1041 = tpu.vector_load %arg6[%swap3A_1039, %swap3A_1040] {strides = array<i32>} : memref<3x1024xf32, #tpu.memory_space<vmem>>, vector<16xf32>,
    tpu.vector_store %arg6[%swap3A_1039, %swap3A_1040], %select_n3A_1025 {strides = array<i32>} : memref<3x1024xf32, #tpu.memory_space<vmem>>, vector<16xf32>,
    %swap3A_1042 = arith.constant 1 : i32
    %swap3A_1043 = arith.index_cast %swap3A_1042 : i32 to index
    %swap3A_1044 = arith.constant 272 : index
    %swap3A_1045 = tpu.vector_load %arg6[%swap3A_1043, %swap3A_1044] {strides = array<i32>} : memref<3x1024xf32, #tpu.memory_space<vmem>>, vector<16xf32>,
    tpu.vector_store %arg6[%swap3A_1043, %swap3A_1044], %select_n3A_1033 {strides = array<i32>} : memref<3x1024xf32, #tpu.memory_space<vmem>>, vector<16xf32>,
    %swap3A_1046 = arith.constant 2 : i32
    %swap3A_1047 = arith.index_cast %swap3A_1046 : i32 to index
    %swap3A_1048 = arith.constant 272 : index
    %swap3A_1049 = tpu.vector_load %arg6[%swap3A_1047, %swap3A_1048] {strides = array<i32>} : memref<3x1024xf32, #tpu.memory_space<vmem>>, vector<16xf32>,
    tpu.vector_store %arg6[%swap3A_1047, %swap3A_1048], %sub3A_1037 {strides = array<i32>} : memref<3x1024xf32, #tpu.memory_space<vmem>>, vector<16xf32>,
    %get3A_1050 = arith.constant 0 : i32
    %get3A_1051 = arith.index_cast %get3A_1050 : i32 to index
    %get3A_1052 = arith.constant 288 : index
    %get3A_1053 = tpu.vector_load %arg5[%get3A_1051, %get3A_1052] {strides = array<i32>} : memref<1x1024xf32, #tpu.memory_space<vmem>>, vector<16xf32>,
    %get3A_1054 = arith.constant 0 : i32
    %get3A_1055 = arith.index_cast %get3A_1054 : i32 to index
    %get3A_1056 = arith.constant 288 : index
    %get3A_1057 = tpu.vector_load %arg4[%get3A_1055, %get3A_1056] {strides = array<i32>} : memref<4x1024xf32, #tpu.memory_space<vmem>>, vector<16xf32>,
    %get3A_1058 = arith.constant 1 : i32
    %get3A_1059 = arith.index_cast %get3A_1058 : i32 to index
    %get3A_1060 = arith.constant 288 : index
    %get3A_1061 = tpu.vector_load %arg4[%get3A_1059, %get3A_1060] {strides = array<i32>} : memref<4x1024xf32, #tpu.memory_space<vmem>>, vector<16xf32>,
    %get3A_1062 = arith.constant 2 : i32
    %get3A_1063 = arith.index_cast %get3A_1062 : i32 to index
    %get3A_1064 = arith.constant 288 : index
    %get3A_1065 = tpu.vector_load %arg4[%get3A_1063, %get3A_1064] {strides = array<i32>} : memref<4x1024xf32, #tpu.memory_space<vmem>>, vector<16xf32>,
    %get3A_1066 = arith.constant 3 : i32
    %get3A_1067 = arith.index_cast %get3A_1066 : i32 to index
    %get3A_1068 = arith.constant 288 : index
    %get3A_1069 = tpu.vector_load %arg4[%get3A_1067, %get3A_1068] {strides = array<i32>} : memref<4x1024xf32, #tpu.memory_space<vmem>>, vector<16xf32>,
    %gt3A_1070 = arith.constant 5.000000e-01 : f32
    %gt3A_1071 = vector.broadcast %gt3A_1070 : f32 to vector<16xf32>
    %gt3A_1072 = arith.cmpf ogt, %get3A_1053, %gt3A_1071 : vector<16xf32>
    %add3A_1073 = arith.addf %get3A_1057, %get3A_1061 : vector<16xf32>
    %add3A_1074 = arith.addf %get3A_1065, %get3A_1069 : vector<16xf32>
    %gt3A_1075 = arith.cmpf ogt, %add3A_1073, %add3A_1074 : vector<16xf32>
    %jit3A_1076 = arith.constant 1.000000e+00 : f32
    %jit3A_1077 = arith.constant 0.000000e+00 : f32
    %broadcast_in_dim3A_1078 = vector.broadcast %jit3A_1076 : f32 to vector<16xf32>
    %broadcast_in_dim3A_1079 = vector.broadcast %jit3A_1077 : f32 to vector<16xf32>
    %select_n3A_1080 = arith.select %gt3A_1072, %broadcast_in_dim3A_1078, %broadcast_in_dim3A_1079 : vector<16xi1>, vector<16xf32>
    %not3A_1081 = arith.constant dense<true> : vector<16xi1>
    %not3A_1082 = arith.xori %gt3A_1072, %not3A_1081 : vector<16xi1>
    %and3A_1083 = arith.andi %not3A_1082, %gt3A_1075 : vector<16xi1>
    %jit3A_1084 = arith.constant 1.000000e+00 : f32
    %jit3A_1085 = arith.constant 0.000000e+00 : f32
    %broadcast_in_dim3A_1086 = vector.broadcast %jit3A_1084 : f32 to vector<16xf32>
    %broadcast_in_dim3A_1087 = vector.broadcast %jit3A_1085 : f32 to vector<16xf32>
    %select_n3A_1088 = arith.select %and3A_1083, %broadcast_in_dim3A_1086, %broadcast_in_dim3A_1087 : vector<16xi1>, vector<16xf32>
    %sub3A_1089 = arith.constant 1.000000e+00 : f32
    %sub3A_1090 = vector.broadcast %sub3A_1089 : f32 to vector<16xf32>
    %sub3A_1091 = arith.subf %sub3A_1090, %select_n3A_1080 : vector<16xf32>
    %sub3A_1092 = arith.subf %sub3A_1091, %select_n3A_1088 : vector<16xf32>
    %swap3A_1093 = arith.constant 0 : i32
    %swap3A_1094 = arith.index_cast %swap3A_1093 : i32 to index
    %swap3A_1095 = arith.constant 288 : index
    %swap3A_1096 = tpu.vector_load %arg6[%swap3A_1094, %swap3A_1095] {strides = array<i32>} : memref<3x1024xf32, #tpu.memory_space<vmem>>, vector<16xf32>,
    tpu.vector_store %arg6[%swap3A_1094, %swap3A_1095], %select_n3A_1080 {strides = array<i32>} : memref<3x1024xf32, #tpu.memory_space<vmem>>, vector<16xf32>,
    %swap3A_1097 = arith.constant 1 : i32
    %swap3A_1098 = arith.index_cast %swap3A_1097 : i32 to index
    %swap3A_1099 = arith.constant 288 : index
    %swap3A_1100 = tpu.vector_load %arg6[%swap3A_1098, %swap3A_1099] {strides = array<i32>} : memref<3x1024xf32, #tpu.memory_space<vmem>>, vector<16xf32>,
    tpu.vector_store %arg6[%swap3A_1098, %swap3A_1099], %select_n3A_1088 {strides = array<i32>} : memref<3x1024xf32, #tpu.memory_space<vmem>>, vector<16xf32>,
    %swap3A_1101 = arith.constant 2 : i32
    %swap3A_1102 = arith.index_cast %swap3A_1101 : i32 to index
    %swap3A_1103 = arith.constant 288 : index
    %swap3A_1104 = tpu.vector_load %arg6[%swap3A_1102, %swap3A_1103] {strides = array<i32>} : memref<3x1024xf32, #tpu.memory_space<vmem>>, vector<16xf32>,
    tpu.vector_store %arg6[%swap3A_1102, %swap3A_1103], %sub3A_1092 {strides = array<i32>} : memref<3x1024xf32, #tpu.memory_space<vmem>>, vector<16xf32>,
    %get3A_1105 = arith.constant 0 : i32
    %get3A_1106 = arith.index_cast %get3A_1105 : i32 to index
    %get3A_1107 = arith.constant 304 : index
    %get3A_1108 = tpu.vector_load %arg5[%get3A_1106, %get3A_1107] {strides = array<i32>} : memref<1x1024xf32, #tpu.memory_space<vmem>>, vector<16xf32>,
    %get3A_1109 = arith.constant 0 : i32
    %get3A_1110 = arith.index_cast %get3A_1109 : i32 to index
    %get3A_1111 = arith.constant 304 : index
    %get3A_1112 = tpu.vector_load %arg4[%get3A_1110, %get3A_1111] {strides = array<i32>} : memref<4x1024xf32, #tpu.memory_space<vmem>>, vector<16xf32>,
    %get3A_1113 = arith.constant 1 : i32
    %get3A_1114 = arith.index_cast %get3A_1113 : i32 to index
    %get3A_1115 = arith.constant 304 : index
    %get3A_1116 = tpu.vector_load %arg4[%get3A_1114, %get3A_1115] {strides = array<i32>} : memref<4x1024xf32, #tpu.memory_space<vmem>>, vector<16xf32>,
    %get3A_1117 = arith.constant 2 : i32
    %get3A_1118 = arith.index_cast %get3A_1117 : i32 to index
    %get3A_1119 = arith.constant 304 : index
    %get3A_1120 = tpu.vector_load %arg4[%get3A_1118, %get3A_1119] {strides = array<i32>} : memref<4x1024xf32, #tpu.memory_space<vmem>>, vector<16xf32>,
    %get3A_1121 = arith.constant 3 : i32
    %get3A_1122 = arith.index_cast %get3A_1121 : i32 to index
    %get3A_1123 = arith.constant 304 : index
    %get3A_1124 = tpu.vector_load %arg4[%get3A_1122, %get3A_1123] {strides = array<i32>} : memref<4x1024xf32, #tpu.memory_space<vmem>>, vector<16xf32>,
    %gt3A_1125 = arith.constant 5.000000e-01 : f32
    %gt3A_1126 = vector.broadcast %gt3A_1125 : f32 to vector<16xf32>
    %gt3A_1127 = arith.cmpf ogt, %get3A_1108, %gt3A_1126 : vector<16xf32>
    %add3A_1128 = arith.addf %get3A_1112, %get3A_1116 : vector<16xf32>
    %add3A_1129 = arith.addf %get3A_1120, %get3A_1124 : vector<16xf32>
    %gt3A_1130 = arith.cmpf ogt, %add3A_1128, %add3A_1129 : vector<16xf32>
    %jit3A_1131 = arith.constant 1.000000e+00 : f32
    %jit3A_1132 = arith.constant 0.000000e+00 : f32
    %broadcast_in_dim3A_1133 = vector.broadcast %jit3A_1131 : f32 to vector<16xf32>
    %broadcast_in_dim3A_1134 = vector.broadcast %jit3A_1132 : f32 to vector<16xf32>
    %select_n3A_1135 = arith.select %gt3A_1127, %broadcast_in_dim3A_1133, %broadcast_in_dim3A_1134 : vector<16xi1>, vector<16xf32>
    %not3A_1136 = arith.constant dense<true> : vector<16xi1>
    %not3A_1137 = arith.xori %gt3A_1127, %not3A_1136 : vector<16xi1>
    %and3A_1138 = arith.andi %not3A_1137, %gt3A_1130 : vector<16xi1>
    %jit3A_1139 = arith.constant 1.000000e+00 : f32
    %jit3A_1140 = arith.constant 0.000000e+00 : f32
    %broadcast_in_dim3A_1141 = vector.broadcast %jit3A_1139 : f32 to vector<16xf32>
    %broadcast_in_dim3A_1142 = vector.broadcast %jit3A_1140 : f32 to vector<16xf32>
    %select_n3A_1143 = arith.select %and3A_1138, %broadcast_in_dim3A_1141, %broadcast_in_dim3A_1142 : vector<16xi1>, vector<16xf32>
    %sub3A_1144 = arith.constant 1.000000e+00 : f32
    %sub3A_1145 = vector.broadcast %sub3A_1144 : f32 to vector<16xf32>
    %sub3A_1146 = arith.subf %sub3A_1145, %select_n3A_1135 : vector<16xf32>
    %sub3A_1147 = arith.subf %sub3A_1146, %select_n3A_1143 : vector<16xf32>
    %swap3A_1148 = arith.constant 0 : i32
    %swap3A_1149 = arith.index_cast %swap3A_1148 : i32 to index
    %swap3A_1150 = arith.constant 304 : index
    %swap3A_1151 = tpu.vector_load %arg6[%swap3A_1149, %swap3A_1150] {strides = array<i32>} : memref<3x1024xf32, #tpu.memory_space<vmem>>, vector<16xf32>,
    tpu.vector_store %arg6[%swap3A_1149, %swap3A_1150], %select_n3A_1135 {strides = array<i32>} : memref<3x1024xf32, #tpu.memory_space<vmem>>, vector<16xf32>,
    %swap3A_1152 = arith.constant 1 : i32
    %swap3A_1153 = arith.index_cast %swap3A_1152 : i32 to index
    %swap3A_1154 = arith.constant 304 : index
    %swap3A_1155 = tpu.vector_load %arg6[%swap3A_1153, %swap3A_1154] {strides = array<i32>} : memref<3x1024xf32, #tpu.memory_space<vmem>>, vector<16xf32>,
    tpu.vector_store %arg6[%swap3A_1153, %swap3A_1154], %select_n3A_1143 {strides = array<i32>} : memref<3x1024xf32, #tpu.memory_space<vmem>>, vector<16xf32>,
    %swap3A_1156 = arith.constant 2 : i32
    %swap3A_1157 = arith.index_cast %swap3A_1156 : i32 to index
    %swap3A_1158 = arith.constant 304 : index
    %swap3A_1159 = tpu.vector_load %arg6[%swap3A_1157, %swap3A_1158] {strides = array<i32>} : memref<3x1024xf32, #tpu.memory_space<vmem>>, vector<16xf32>,
    tpu.vector_store %arg6[%swap3A_1157, %swap3A_1158], %sub3A_1147 {strides = array<i32>} : memref<3x1024xf32, #tpu.memory_space<vmem>>, vector<16xf32>,
    %get3A_1160 = arith.constant 0 : i32
    %get3A_1161 = arith.index_cast %get3A_1160 : i32 to index
    %get3A_1162 = arith.constant 320 : index
    %get3A_1163 = tpu.vector_load %arg5[%get3A_1161, %get3A_1162] {strides = array<i32>} : memref<1x1024xf32, #tpu.memory_space<vmem>>, vector<16xf32>,
    %get3A_1164 = arith.constant 0 : i32
    %get3A_1165 = arith.index_cast %get3A_1164 : i32 to index
    %get3A_1166 = arith.constant 320 : index
    %get3A_1167 = tpu.vector_load %arg4[%get3A_1165, %get3A_1166] {strides = array<i32>} : memref<4x1024xf32, #tpu.memory_space<vmem>>, vector<16xf32>,
    %get3A_1168 = arith.constant 1 : i32
    %get3A_1169 = arith.index_cast %get3A_1168 : i32 to index
    %get3A_1170 = arith.constant 320 : index
    %get3A_1171 = tpu.vector_load %arg4[%get3A_1169, %get3A_1170] {strides = array<i32>} : memref<4x1024xf32, #tpu.memory_space<vmem>>, vector<16xf32>,
    %get3A_1172 = arith.constant 2 : i32
    %get3A_1173 = arith.index_cast %get3A_1172 : i32 to index
    %get3A_1174 = arith.constant 320 : index
    %get3A_1175 = tpu.vector_load %arg4[%get3A_1173, %get3A_1174] {strides = array<i32>} : memref<4x1024xf32, #tpu.memory_space<vmem>>, vector<16xf32>,
    %get3A_1176 = arith.constant 3 : i32
    %get3A_1177 = arith.index_cast %get3A_1176 : i32 to index
    %get3A_1178 = arith.constant 320 : index
    %get3A_1179 = tpu.vector_load %arg4[%get3A_1177, %get3A_1178] {strides = array<i32>} : memref<4x1024xf32, #tpu.memory_space<vmem>>, vector<16xf32>,
    %gt3A_1180 = arith.constant 5.000000e-01 : f32
    %gt3A_1181 = vector.broadcast %gt3A_1180 : f32 to vector<16xf32>
    %gt3A_1182 = arith.cmpf ogt, %get3A_1163, %gt3A_1181 : vector<16xf32>
    %add3A_1183 = arith.addf %get3A_1167, %get3A_1171 : vector<16xf32>
    %add3A_1184 = arith.addf %get3A_1175, %get3A_1179 : vector<16xf32>
    %gt3A_1185 = arith.cmpf ogt, %add3A_1183, %add3A_1184 : vector<16xf32>
    %jit3A_1186 = arith.constant 1.000000e+00 : f32
    %jit3A_1187 = arith.constant 0.000000e+00 : f32
    %broadcast_in_dim3A_1188 = vector.broadcast %jit3A_1186 : f32 to vector<16xf32>
    %broadcast_in_dim3A_1189 = vector.broadcast %jit3A_1187 : f32 to vector<16xf32>
    %select_n3A_1190 = arith.select %gt3A_1182, %broadcast_in_dim3A_1188, %broadcast_in_dim3A_1189 : vector<16xi1>, vector<16xf32>
    %not3A_1191 = arith.constant dense<true> : vector<16xi1>
    %not3A_1192 = arith.xori %gt3A_1182, %not3A_1191 : vector<16xi1>
    %and3A_1193 = arith.andi %not3A_1192, %gt3A_1185 : vector<16xi1>
    %jit3A_1194 = arith.constant 1.000000e+00 : f32
    %jit3A_1195 = arith.constant 0.000000e+00 : f32
    %broadcast_in_dim3A_1196 = vector.broadcast %jit3A_1194 : f32 to vector<16xf32>
    %broadcast_in_dim3A_1197 = vector.broadcast %jit3A_1195 : f32 to vector<16xf32>
    %select_n3A_1198 = arith.select %and3A_1193, %broadcast_in_dim3A_1196, %broadcast_in_dim3A_1197 : vector<16xi1>, vector<16xf32>
    %sub3A_1199 = arith.constant 1.000000e+00 : f32
    %sub3A_1200 = vector.broadcast %sub3A_1199 : f32 to vector<16xf32>
    %sub3A_1201 = arith.subf %sub3A_1200, %select_n3A_1190 : vector<16xf32>
    %sub3A_1202 = arith.subf %sub3A_1201, %select_n3A_1198 : vector<16xf32>
    %swap3A_1203 = arith.constant 0 : i32
    %swap3A_1204 = arith.index_cast %swap3A_1203 : i32 to index
    %swap3A_1205 = arith.constant 320 : index
    %swap3A_1206 = tpu.vector_load %arg6[%swap3A_1204, %swap3A_1205] {strides = array<i32>} : memref<3x1024xf32, #tpu.memory_space<vmem>>, vector<16xf32>,
    tpu.vector_store %arg6[%swap3A_1204, %swap3A_1205], %select_n3A_1190 {strides = array<i32>} : memref<3x1024xf32, #tpu.memory_space<vmem>>, vector<16xf32>,
    %swap3A_1207 = arith.constant 1 : i32
    %swap3A_1208 = arith.index_cast %swap3A_1207 : i32 to index
    %swap3A_1209 = arith.constant 320 : index
    %swap3A_1210 = tpu.vector_load %arg6[%swap3A_1208, %swap3A_1209] {strides = array<i32>} : memref<3x1024xf32, #tpu.memory_space<vmem>>, vector<16xf32>,
    tpu.vector_store %arg6[%swap3A_1208, %swap3A_1209], %select_n3A_1198 {strides = array<i32>} : memref<3x1024xf32, #tpu.memory_space<vmem>>, vector<16xf32>,
    %swap3A_1211 = arith.constant 2 : i32
    %swap3A_1212 = arith.index_cast %swap3A_1211 : i32 to index
    %swap3A_1213 = arith.constant 320 : index
    %swap3A_1214 = tpu.vector_load %arg6[%swap3A_1212, %swap3A_1213] {strides = array<i32>} : memref<3x1024xf32, #tpu.memory_space<vmem>>, vector<16xf32>,
    tpu.vector_store %arg6[%swap3A_1212, %swap3A_1213], %sub3A_1202 {strides = array<i32>} : memref<3x1024xf32, #tpu.memory_space<vmem>>, vector<16xf32>,
    %get3A_1215 = arith.constant 0 : i32
    %get3A_1216 = arith.index_cast %get3A_1215 : i32 to index
    %get3A_1217 = arith.constant 336 : index
    %get3A_1218 = tpu.vector_load %arg5[%get3A_1216, %get3A_1217] {strides = array<i32>} : memref<1x1024xf32, #tpu.memory_space<vmem>>, vector<16xf32>,
    %get3A_1219 = arith.constant 0 : i32
    %get3A_1220 = arith.index_cast %get3A_1219 : i32 to index
    %get3A_1221 = arith.constant 336 : index
    %get3A_1222 = tpu.vector_load %arg4[%get3A_1220, %get3A_1221] {strides = array<i32>} : memref<4x1024xf32, #tpu.memory_space<vmem>>, vector<16xf32>,
    %get3A_1223 = arith.constant 1 : i32
    %get3A_1224 = arith.index_cast %get3A_1223 : i32 to index
    %get3A_1225 = arith.constant 336 : index
    %get3A_1226 = tpu.vector_load %arg4[%get3A_1224, %get3A_1225] {strides = array<i32>} : memref<4x1024xf32, #tpu.memory_space<vmem>>, vector<16xf32>,
    %get3A_1227 = arith.constant 2 : i32
    %get3A_1228 = arith.index_cast %get3A_1227 : i32 to index
    %get3A_1229 = arith.constant 336 : index
    %get3A_1230 = tpu.vector_load %arg4[%get3A_1228, %get3A_1229] {strides = array<i32>} : memref<4x1024xf32, #tpu.memory_space<vmem>>, vector<16xf32>,
    %get3A_1231 = arith.constant 3 : i32
    %get3A_1232 = arith.index_cast %get3A_1231 : i32 to index
    %get3A_1233 = arith.constant 336 : index
    %get3A_1234 = tpu.vector_load %arg4[%get3A_1232, %get3A_1233] {strides = array<i32>} : memref<4x1024xf32, #tpu.memory_space<vmem>>, vector<16xf32>,
    %gt3A_1235 = arith.constant 5.000000e-01 : f32
    %gt3A_1236 = vector.broadcast %gt3A_1235 : f32 to vector<16xf32>
    %gt3A_1237 = arith.cmpf ogt, %get3A_1218, %gt3A_1236 : vector<16xf32>
    %add3A_1238 = arith.addf %get3A_1222, %get3A_1226 : vector<16xf32>
    %add3A_1239 = arith.addf %get3A_1230, %get3A_1234 : vector<16xf32>
    %gt3A_1240 = arith.cmpf ogt, %add3A_1238, %add3A_1239 : vector<16xf32>
    %jit3A_1241 = arith.constant 1.000000e+00 : f32
    %jit3A_1242 = arith.constant 0.000000e+00 : f32
    %broadcast_in_dim3A_1243 = vector.broadcast %jit3A_1241 : f32 to vector<16xf32>
    %broadcast_in_dim3A_1244 = vector.broadcast %jit3A_1242 : f32 to vector<16xf32>
    %select_n3A_1245 = arith.select %gt3A_1237, %broadcast_in_dim3A_1243, %broadcast_in_dim3A_1244 : vector<16xi1>, vector<16xf32>
    %not3A_1246 = arith.constant dense<true> : vector<16xi1>
    %not3A_1247 = arith.xori %gt3A_1237, %not3A_1246 : vector<16xi1>
    %and3A_1248 = arith.andi %not3A_1247, %gt3A_1240 : vector<16xi1>
    %jit3A_1249 = arith.constant 1.000000e+00 : f32
    %jit3A_1250 = arith.constant 0.000000e+00 : f32
    %broadcast_in_dim3A_1251 = vector.broadcast %jit3A_1249 : f32 to vector<16xf32>
    %broadcast_in_dim3A_1252 = vector.broadcast %jit3A_1250 : f32 to vector<16xf32>
    %select_n3A_1253 = arith.select %and3A_1248, %broadcast_in_dim3A_1251, %broadcast_in_dim3A_1252 : vector<16xi1>, vector<16xf32>
    %sub3A_1254 = arith.constant 1.000000e+00 : f32
    %sub3A_1255 = vector.broadcast %sub3A_1254 : f32 to vector<16xf32>
    %sub3A_1256 = arith.subf %sub3A_1255, %select_n3A_1245 : vector<16xf32>
    %sub3A_1257 = arith.subf %sub3A_1256, %select_n3A_1253 : vector<16xf32>
    %swap3A_1258 = arith.constant 0 : i32
    %swap3A_1259 = arith.index_cast %swap3A_1258 : i32 to index
    %swap3A_1260 = arith.constant 336 : index
    %swap3A_1261 = tpu.vector_load %arg6[%swap3A_1259, %swap3A_1260] {strides = array<i32>} : memref<3x1024xf32, #tpu.memory_space<vmem>>, vector<16xf32>,
    tpu.vector_store %arg6[%swap3A_1259, %swap3A_1260], %select_n3A_1245 {strides = array<i32>} : memref<3x1024xf32, #tpu.memory_space<vmem>>, vector<16xf32>,
    %swap3A_1262 = arith.constant 1 : i32
    %swap3A_1263 = arith.index_cast %swap3A_1262 : i32 to index
    %swap3A_1264 = arith.constant 336 : index
    %swap3A_1265 = tpu.vector_load %arg6[%swap3A_1263, %swap3A_1264] {strides = array<i32>} : memref<3x1024xf32, #tpu.memory_space<vmem>>, vector<16xf32>,
    tpu.vector_store %arg6[%swap3A_1263, %swap3A_1264], %select_n3A_1253 {strides = array<i32>} : memref<3x1024xf32, #tpu.memory_space<vmem>>, vector<16xf32>,
    %swap3A_1266 = arith.constant 2 : i32
    %swap3A_1267 = arith.index_cast %swap3A_1266 : i32 to index
    %swap3A_1268 = arith.constant 336 : index
    %swap3A_1269 = tpu.vector_load %arg6[%swap3A_1267, %swap3A_1268] {strides = array<i32>} : memref<3x1024xf32, #tpu.memory_space<vmem>>, vector<16xf32>,
    tpu.vector_store %arg6[%swap3A_1267, %swap3A_1268], %sub3A_1257 {strides = array<i32>} : memref<3x1024xf32, #tpu.memory_space<vmem>>, vector<16xf32>,
    %get3A_1270 = arith.constant 0 : i32
    %get3A_1271 = arith.index_cast %get3A_1270 : i32 to index
    %get3A_1272 = arith.constant 352 : index
    %get3A_1273 = tpu.vector_load %arg5[%get3A_1271, %get3A_1272] {strides = array<i32>} : memref<1x1024xf32, #tpu.memory_space<vmem>>, vector<16xf32>,
    %get3A_1274 = arith.constant 0 : i32
    %get3A_1275 = arith.index_cast %get3A_1274 : i32 to index
    %get3A_1276 = arith.constant 352 : index
    %get3A_1277 = tpu.vector_load %arg4[%get3A_1275, %get3A_1276] {strides = array<i32>} : memref<4x1024xf32, #tpu.memory_space<vmem>>, vector<16xf32>,
    %get3A_1278 = arith.constant 1 : i32
    %get3A_1279 = arith.index_cast %get3A_1278 : i32 to index
    %get3A_1280 = arith.constant 352 : index
    %get3A_1281 = tpu.vector_load %arg4[%get3A_1279, %get3A_1280] {strides = array<i32>} : memref<4x1024xf32, #tpu.memory_space<vmem>>, vector<16xf32>,
    %get3A_1282 = arith.constant 2 : i32
    %get3A_1283 = arith.index_cast %get3A_1282 : i32 to index
    %get3A_1284 = arith.constant 352 : index
    %get3A_1285 = tpu.vector_load %arg4[%get3A_1283, %get3A_1284] {strides = array<i32>} : memref<4x1024xf32, #tpu.memory_space<vmem>>, vector<16xf32>,
    %get3A_1286 = arith.constant 3 : i32
    %get3A_1287 = arith.index_cast %get3A_1286 : i32 to index
    %get3A_1288 = arith.constant 352 : index
    %get3A_1289 = tpu.vector_load %arg4[%get3A_1287, %get3A_1288] {strides = array<i32>} : memref<4x1024xf32, #tpu.memory_space<vmem>>, vector<16xf32>,
    %gt3A_1290 = arith.constant 5.000000e-01 : f32
    %gt3A_1291 = vector.broadcast %gt3A_1290 : f32 to vector<16xf32>
    %gt3A_1292 = arith.cmpf ogt, %get3A_1273, %gt3A_1291 : vector<16xf32>
    %add3A_1293 = arith.addf %get3A_1277, %get3A_1281 : vector<16xf32>
    %add3A_1294 = arith.addf %get3A_1285, %get3A_1289 : vector<16xf32>
    %gt3A_1295 = arith.cmpf ogt, %add3A_1293, %add3A_1294 : vector<16xf32>
    %jit3A_1296 = arith.constant 1.000000e+00 : f32
    %jit3A_1297 = arith.constant 0.000000e+00 : f32
    %broadcast_in_dim3A_1298 = vector.broadcast %jit3A_1296 : f32 to vector<16xf32>
    %broadcast_in_dim3A_1299 = vector.broadcast %jit3A_1297 : f32 to vector<16xf32>
    %select_n3A_1300 = arith.select %gt3A_1292, %broadcast_in_dim3A_1298, %broadcast_in_dim3A_1299 : vector<16xi1>, vector<16xf32>
    %not3A_1301 = arith.constant dense<true> : vector<16xi1>
    %not3A_1302 = arith.xori %gt3A_1292, %not3A_1301 : vector<16xi1>
    %and3A_1303 = arith.andi %not3A_1302, %gt3A_1295 : vector<16xi1>
    %jit3A_1304 = arith.constant 1.000000e+00 : f32
    %jit3A_1305 = arith.constant 0.000000e+00 : f32
    %broadcast_in_dim3A_1306 = vector.broadcast %jit3A_1304 : f32 to vector<16xf32>
    %broadcast_in_dim3A_1307 = vector.broadcast %jit3A_1305 : f32 to vector<16xf32>
    %select_n3A_1308 = arith.select %and3A_1303, %broadcast_in_dim3A_1306, %broadcast_in_dim3A_1307 : vector<16xi1>, vector<16xf32>
    %sub3A_1309 = arith.constant 1.000000e+00 : f32
    %sub3A_1310 = vector.broadcast %sub3A_1309 : f32 to vector<16xf32>
    %sub3A_1311 = arith.subf %sub3A_1310, %select_n3A_1300 : vector<16xf32>
    %sub3A_1312 = arith.subf %sub3A_1311, %select_n3A_1308 : vector<16xf32>
    %swap3A_1313 = arith.constant 0 : i32
    %swap3A_1314 = arith.index_cast %swap3A_1313 : i32 to index
    %swap3A_1315 = arith.constant 352 : index
    %swap3A_1316 = tpu.vector_load %arg6[%swap3A_1314, %swap3A_1315] {strides = array<i32>} : memref<3x1024xf32, #tpu.memory_space<vmem>>, vector<16xf32>,
    tpu.vector_store %arg6[%swap3A_1314, %swap3A_1315], %select_n3A_1300 {strides = array<i32>} : memref<3x1024xf32, #tpu.memory_space<vmem>>, vector<16xf32>,
    %swap3A_1317 = arith.constant 1 : i32
    %swap3A_1318 = arith.index_cast %swap3A_1317 : i32 to index
    %swap3A_1319 = arith.constant 352 : index
    %swap3A_1320 = tpu.vector_load %arg6[%swap3A_1318, %swap3A_1319] {strides = array<i32>} : memref<3x1024xf32, #tpu.memory_space<vmem>>, vector<16xf32>,
    tpu.vector_store %arg6[%swap3A_1318, %swap3A_1319], %select_n3A_1308 {strides = array<i32>} : memref<3x1024xf32, #tpu.memory_space<vmem>>, vector<16xf32>,
    %swap3A_1321 = arith.constant 2 : i32
    %swap3A_1322 = arith.index_cast %swap3A_1321 : i32 to index
    %swap3A_1323 = arith.constant 352 : index
    %swap3A_1324 = tpu.vector_load %arg6[%swap3A_1322, %swap3A_1323] {strides = array<i32>} : memref<3x1024xf32, #tpu.memory_space<vmem>>, vector<16xf32>,
    tpu.vector_store %arg6[%swap3A_1322, %swap3A_1323], %sub3A_1312 {strides = array<i32>} : memref<3x1024xf32, #tpu.memory_space<vmem>>, vector<16xf32>,
    %get3A_1325 = arith.constant 0 : i32
    %get3A_1326 = arith.index_cast %get3A_1325 : i32 to index
    %get3A_1327 = arith.constant 368 : index
    %get3A_1328 = tpu.vector_load %arg5[%get3A_1326, %get3A_1327] {strides = array<i32>} : memref<1x1024xf32, #tpu.memory_space<vmem>>, vector<16xf32>,
    %get3A_1329 = arith.constant 0 : i32
    %get3A_1330 = arith.index_cast %get3A_1329 : i32 to index
    %get3A_1331 = arith.constant 368 : index
    %get3A_1332 = tpu.vector_load %arg4[%get3A_1330, %get3A_1331] {strides = array<i32>} : memref<4x1024xf32, #tpu.memory_space<vmem>>, vector<16xf32>,
    %get3A_1333 = arith.constant 1 : i32
    %get3A_1334 = arith.index_cast %get3A_1333 : i32 to index
    %get3A_1335 = arith.constant 368 : index
    %get3A_1336 = tpu.vector_load %arg4[%get3A_1334, %get3A_1335] {strides = array<i32>} : memref<4x1024xf32, #tpu.memory_space<vmem>>, vector<16xf32>,
    %get3A_1337 = arith.constant 2 : i32
    %get3A_1338 = arith.index_cast %get3A_1337 : i32 to index
    %get3A_1339 = arith.constant 368 : index
    %get3A_1340 = tpu.vector_load %arg4[%get3A_1338, %get3A_1339] {strides = array<i32>} : memref<4x1024xf32, #tpu.memory_space<vmem>>, vector<16xf32>,
    %get3A_1341 = arith.constant 3 : i32
    %get3A_1342 = arith.index_cast %get3A_1341 : i32 to index
    %get3A_1343 = arith.constant 368 : index
    %get3A_1344 = tpu.vector_load %arg4[%get3A_1342, %get3A_1343] {strides = array<i32>} : memref<4x1024xf32, #tpu.memory_space<vmem>>, vector<16xf32>,
    %gt3A_1345 = arith.constant 5.000000e-01 : f32
    %gt3A_1346 = vector.broadcast %gt3A_1345 : f32 to vector<16xf32>
    %gt3A_1347 = arith.cmpf ogt, %get3A_1328, %gt3A_1346 : vector<16xf32>
    %add3A_1348 = arith.addf %get3A_1332, %get3A_1336 : vector<16xf32>
    %add3A_1349 = arith.addf %get3A_1340, %get3A_1344 : vector<16xf32>
    %gt3A_1350 = arith.cmpf ogt, %add3A_1348, %add3A_1349 : vector<16xf32>
    %jit3A_1351 = arith.constant 1.000000e+00 : f32
    %jit3A_1352 = arith.constant 0.000000e+00 : f32
    %broadcast_in_dim3A_1353 = vector.broadcast %jit3A_1351 : f32 to vector<16xf32>
    %broadcast_in_dim3A_1354 = vector.broadcast %jit3A_1352 : f32 to vector<16xf32>
    %select_n3A_1355 = arith.select %gt3A_1347, %broadcast_in_dim3A_1353, %broadcast_in_dim3A_1354 : vector<16xi1>, vector<16xf32>
    %not3A_1356 = arith.constant dense<true> : vector<16xi1>
    %not3A_1357 = arith.xori %gt3A_1347, %not3A_1356 : vector<16xi1>
    %and3A_1358 = arith.andi %not3A_1357, %gt3A_1350 : vector<16xi1>
    %jit3A_1359 = arith.constant 1.000000e+00 : f32
    %jit3A_1360 = arith.constant 0.000000e+00 : f32
    %broadcast_in_dim3A_1361 = vector.broadcast %jit3A_1359 : f32 to vector<16xf32>
    %broadcast_in_dim3A_1362 = vector.broadcast %jit3A_1360 : f32 to vector<16xf32>
    %select_n3A_1363 = arith.select %and3A_1358, %broadcast_in_dim3A_1361, %broadcast_in_dim3A_1362 : vector<16xi1>, vector<16xf32>
    %sub3A_1364 = arith.constant 1.000000e+00 : f32
    %sub3A_1365 = vector.broadcast %sub3A_1364 : f32 to vector<16xf32>
    %sub3A_1366 = arith.subf %sub3A_1365, %select_n3A_1355 : vector<16xf32>
    %sub3A_1367 = arith.subf %sub3A_1366, %select_n3A_1363 : vector<16xf32>
    %swap3A_1368 = arith.constant 0 : i32
    %swap3A_1369 = arith.index_cast %swap3A_1368 : i32 to index
    %swap3A_1370 = arith.constant 368 : index
    %swap3A_1371 = tpu.vector_load %arg6[%swap3A_1369, %swap3A_1370] {strides = array<i32>} : memref<3x1024xf32, #tpu.memory_space<vmem>>, vector<16xf32>,
    tpu.vector_store %arg6[%swap3A_1369, %swap3A_1370], %select_n3A_1355 {strides = array<i32>} : memref<3x1024xf32, #tpu.memory_space<vmem>>, vector<16xf32>,
    %swap3A_1372 = arith.constant 1 : i32
    %swap3A_1373 = arith.index_cast %swap3A_1372 : i32 to index
    %swap3A_1374 = arith.constant 368 : index
    %swap3A_1375 = tpu.vector_load %arg6[%swap3A_1373, %swap3A_1374] {strides = array<i32>} : memref<3x1024xf32, #tpu.memory_space<vmem>>, vector<16xf32>,
    tpu.vector_store %arg6[%swap3A_1373, %swap3A_1374], %select_n3A_1363 {strides = array<i32>} : memref<3x1024xf32, #tpu.memory_space<vmem>>, vector<16xf32>,
    %swap3A_1376 = arith.constant 2 : i32
    %swap3A_1377 = arith.index_cast %swap3A_1376 : i32 to index
    %swap3A_1378 = arith.constant 368 : index
    %swap3A_1379 = tpu.vector_load %arg6[%swap3A_1377, %swap3A_1378] {strides = array<i32>} : memref<3x1024xf32, #tpu.memory_space<vmem>>, vector<16xf32>,
    tpu.vector_store %arg6[%swap3A_1377, %swap3A_1378], %sub3A_1367 {strides = array<i32>} : memref<3x1024xf32, #tpu.memory_space<vmem>>, vector<16xf32>,
    %get3A_1380 = arith.constant 0 : i32
    %get3A_1381 = arith.index_cast %get3A_1380 : i32 to index
    %get3A_1382 = arith.constant 384 : index
    %get3A_1383 = tpu.vector_load %arg5[%get3A_1381, %get3A_1382] {strides = array<i32>} : memref<1x1024xf32, #tpu.memory_space<vmem>>, vector<16xf32>,
    %get3A_1384 = arith.constant 0 : i32
    %get3A_1385 = arith.index_cast %get3A_1384 : i32 to index
    %get3A_1386 = arith.constant 384 : index
    %get3A_1387 = tpu.vector_load %arg4[%get3A_1385, %get3A_1386] {strides = array<i32>} : memref<4x1024xf32, #tpu.memory_space<vmem>>, vector<16xf32>,
    %get3A_1388 = arith.constant 1 : i32
    %get3A_1389 = arith.index_cast %get3A_1388 : i32 to index
    %get3A_1390 = arith.constant 384 : index
    %get3A_1391 = tpu.vector_load %arg4[%get3A_1389, %get3A_1390] {strides = array<i32>} : memref<4x1024xf32, #tpu.memory_space<vmem>>, vector<16xf32>,
    %get3A_1392 = arith.constant 2 : i32
    %get3A_1393 = arith.index_cast %get3A_1392 : i32 to index
    %get3A_1394 = arith.constant 384 : index
    %get3A_1395 = tpu.vector_load %arg4[%get3A_1393, %get3A_1394] {strides = array<i32>} : memref<4x1024xf32, #tpu.memory_space<vmem>>, vector<16xf32>,
    %get3A_1396 = arith.constant 3 : i32
    %get3A_1397 = arith.index_cast %get3A_1396 : i32 to index
    %get3A_1398 = arith.constant 384 : index
    %get3A_1399 = tpu.vector_load %arg4[%get3A_1397, %get3A_1398] {strides = array<i32>} : memref<4x1024xf32, #tpu.memory_space<vmem>>, vector<16xf32>,
    %gt3A_1400 = arith.constant 5.000000e-01 : f32
    %gt3A_1401 = vector.broadcast %gt3A_1400 : f32 to vector<16xf32>
    %gt3A_1402 = arith.cmpf ogt, %get3A_1383, %gt3A_1401 : vector<16xf32>
    %add3A_1403 = arith.addf %get3A_1387, %get3A_1391 : vector<16xf32>
    %add3A_1404 = arith.addf %get3A_1395, %get3A_1399 : vector<16xf32>
    %gt3A_1405 = arith.cmpf ogt, %add3A_1403, %add3A_1404 : vector<16xf32>
    %jit3A_1406 = arith.constant 1.000000e+00 : f32
    %jit3A_1407 = arith.constant 0.000000e+00 : f32
    %broadcast_in_dim3A_1408 = vector.broadcast %jit3A_1406 : f32 to vector<16xf32>
    %broadcast_in_dim3A_1409 = vector.broadcast %jit3A_1407 : f32 to vector<16xf32>
    %select_n3A_1410 = arith.select %gt3A_1402, %broadcast_in_dim3A_1408, %broadcast_in_dim3A_1409 : vector<16xi1>, vector<16xf32>
    %not3A_1411 = arith.constant dense<true> : vector<16xi1>
    %not3A_1412 = arith.xori %gt3A_1402, %not3A_1411 : vector<16xi1>
    %and3A_1413 = arith.andi %not3A_1412, %gt3A_1405 : vector<16xi1>
    %jit3A_1414 = arith.constant 1.000000e+00 : f32
    %jit3A_1415 = arith.constant 0.000000e+00 : f32
    %broadcast_in_dim3A_1416 = vector.broadcast %jit3A_1414 : f32 to vector<16xf32>
    %broadcast_in_dim3A_1417 = vector.broadcast %jit3A_1415 : f32 to vector<16xf32>
    %select_n3A_1418 = arith.select %and3A_1413, %broadcast_in_dim3A_1416, %broadcast_in_dim3A_1417 : vector<16xi1>, vector<16xf32>
    %sub3A_1419 = arith.constant 1.000000e+00 : f32
    %sub3A_1420 = vector.broadcast %sub3A_1419 : f32 to vector<16xf32>
    %sub3A_1421 = arith.subf %sub3A_1420, %select_n3A_1410 : vector<16xf32>
    %sub3A_1422 = arith.subf %sub3A_1421, %select_n3A_1418 : vector<16xf32>
    %swap3A_1423 = arith.constant 0 : i32
    %swap3A_1424 = arith.index_cast %swap3A_1423 : i32 to index
    %swap3A_1425 = arith.constant 384 : index
    %swap3A_1426 = tpu.vector_load %arg6[%swap3A_1424, %swap3A_1425] {strides = array<i32>} : memref<3x1024xf32, #tpu.memory_space<vmem>>, vector<16xf32>,
    tpu.vector_store %arg6[%swap3A_1424, %swap3A_1425], %select_n3A_1410 {strides = array<i32>} : memref<3x1024xf32, #tpu.memory_space<vmem>>, vector<16xf32>,
    %swap3A_1427 = arith.constant 1 : i32
    %swap3A_1428 = arith.index_cast %swap3A_1427 : i32 to index
    %swap3A_1429 = arith.constant 384 : index
    %swap3A_1430 = tpu.vector_load %arg6[%swap3A_1428, %swap3A_1429] {strides = array<i32>} : memref<3x1024xf32, #tpu.memory_space<vmem>>, vector<16xf32>,
    tpu.vector_store %arg6[%swap3A_1428, %swap3A_1429], %select_n3A_1418 {strides = array<i32>} : memref<3x1024xf32, #tpu.memory_space<vmem>>, vector<16xf32>,
    %swap3A_1431 = arith.constant 2 : i32
    %swap3A_1432 = arith.index_cast %swap3A_1431 : i32 to index
    %swap3A_1433 = arith.constant 384 : index
    %swap3A_1434 = tpu.vector_load %arg6[%swap3A_1432, %swap3A_1433] {strides = array<i32>} : memref<3x1024xf32, #tpu.memory_space<vmem>>, vector<16xf32>,
    tpu.vector_store %arg6[%swap3A_1432, %swap3A_1433], %sub3A_1422 {strides = array<i32>} : memref<3x1024xf32, #tpu.memory_space<vmem>>, vector<16xf32>,
    %get3A_1435 = arith.constant 0 : i32
    %get3A_1436 = arith.index_cast %get3A_1435 : i32 to index
    %get3A_1437 = arith.constant 400 : index
    %get3A_1438 = tpu.vector_load %arg5[%get3A_1436, %get3A_1437] {strides = array<i32>} : memref<1x1024xf32, #tpu.memory_space<vmem>>, vector<16xf32>,
    %get3A_1439 = arith.constant 0 : i32
    %get3A_1440 = arith.index_cast %get3A_1439 : i32 to index
    %get3A_1441 = arith.constant 400 : index
    %get3A_1442 = tpu.vector_load %arg4[%get3A_1440, %get3A_1441] {strides = array<i32>} : memref<4x1024xf32, #tpu.memory_space<vmem>>, vector<16xf32>,
    %get3A_1443 = arith.constant 1 : i32
    %get3A_1444 = arith.index_cast %get3A_1443 : i32 to index
    %get3A_1445 = arith.constant 400 : index
    %get3A_1446 = tpu.vector_load %arg4[%get3A_1444, %get3A_1445] {strides = array<i32>} : memref<4x1024xf32, #tpu.memory_space<vmem>>, vector<16xf32>,
    %get3A_1447 = arith.constant 2 : i32
    %get3A_1448 = arith.index_cast %get3A_1447 : i32 to index
    %get3A_1449 = arith.constant 400 : index
    %get3A_1450 = tpu.vector_load %arg4[%get3A_1448, %get3A_1449] {strides = array<i32>} : memref<4x1024xf32, #tpu.memory_space<vmem>>, vector<16xf32>,
    %get3A_1451 = arith.constant 3 : i32
    %get3A_1452 = arith.index_cast %get3A_1451 : i32 to index
    %get3A_1453 = arith.constant 400 : index
    %get3A_1454 = tpu.vector_load %arg4[%get3A_1452, %get3A_1453] {strides = array<i32>} : memref<4x1024xf32, #tpu.memory_space<vmem>>, vector<16xf32>,
    %gt3A_1455 = arith.constant 5.000000e-01 : f32
    %gt3A_1456 = vector.broadcast %gt3A_1455 : f32 to vector<16xf32>
    %gt3A_1457 = arith.cmpf ogt, %get3A_1438, %gt3A_1456 : vector<16xf32>
    %add3A_1458 = arith.addf %get3A_1442, %get3A_1446 : vector<16xf32>
    %add3A_1459 = arith.addf %get3A_1450, %get3A_1454 : vector<16xf32>
    %gt3A_1460 = arith.cmpf ogt, %add3A_1458, %add3A_1459 : vector<16xf32>
    %jit3A_1461 = arith.constant 1.000000e+00 : f32
    %jit3A_1462 = arith.constant 0.000000e+00 : f32
    %broadcast_in_dim3A_1463 = vector.broadcast %jit3A_1461 : f32 to vector<16xf32>
    %broadcast_in_dim3A_1464 = vector.broadcast %jit3A_1462 : f32 to vector<16xf32>
    %select_n3A_1465 = arith.select %gt3A_1457, %broadcast_in_dim3A_1463, %broadcast_in_dim3A_1464 : vector<16xi1>, vector<16xf32>
    %not3A_1466 = arith.constant dense<true> : vector<16xi1>
    %not3A_1467 = arith.xori %gt3A_1457, %not3A_1466 : vector<16xi1>
    %and3A_1468 = arith.andi %not3A_1467, %gt3A_1460 : vector<16xi1>
    %jit3A_1469 = arith.constant 1.000000e+00 : f32
    %jit3A_1470 = arith.constant 0.000000e+00 : f32
    %broadcast_in_dim3A_1471 = vector.broadcast %jit3A_1469 : f32 to vector<16xf32>
    %broadcast_in_dim3A_1472 = vector.broadcast %jit3A_1470 : f32 to vector<16xf32>
    %select_n3A_1473 = arith.select %and3A_1468, %broadcast_in_dim3A_1471, %broadcast_in_dim3A_1472 : vector<16xi1>, vector<16xf32>
    %sub3A_1474 = arith.constant 1.000000e+00 : f32
    %sub3A_1475 = vector.broadcast %sub3A_1474 : f32 to vector<16xf32>
    %sub3A_1476 = arith.subf %sub3A_1475, %select_n3A_1465 : vector<16xf32>
    %sub3A_1477 = arith.subf %sub3A_1476, %select_n3A_1473 : vector<16xf32>
    %swap3A_1478 = arith.constant 0 : i32
    %swap3A_1479 = arith.index_cast %swap3A_1478 : i32 to index
    %swap3A_1480 = arith.constant 400 : index
    %swap3A_1481 = tpu.vector_load %arg6[%swap3A_1479, %swap3A_1480] {strides = array<i32>} : memref<3x1024xf32, #tpu.memory_space<vmem>>, vector<16xf32>,
    tpu.vector_store %arg6[%swap3A_1479, %swap3A_1480], %select_n3A_1465 {strides = array<i32>} : memref<3x1024xf32, #tpu.memory_space<vmem>>, vector<16xf32>,
    %swap3A_1482 = arith.constant 1 : i32
    %swap3A_1483 = arith.index_cast %swap3A_1482 : i32 to index
    %swap3A_1484 = arith.constant 400 : index
    %swap3A_1485 = tpu.vector_load %arg6[%swap3A_1483, %swap3A_1484] {strides = array<i32>} : memref<3x1024xf32, #tpu.memory_space<vmem>>, vector<16xf32>,
    tpu.vector_store %arg6[%swap3A_1483, %swap3A_1484], %select_n3A_1473 {strides = array<i32>} : memref<3x1024xf32, #tpu.memory_space<vmem>>, vector<16xf32>,
    %swap3A_1486 = arith.constant 2 : i32
    %swap3A_1487 = arith.index_cast %swap3A_1486 : i32 to index
    %swap3A_1488 = arith.constant 400 : index
    %swap3A_1489 = tpu.vector_load %arg6[%swap3A_1487, %swap3A_1488] {strides = array<i32>} : memref<3x1024xf32, #tpu.memory_space<vmem>>, vector<16xf32>,
    tpu.vector_store %arg6[%swap3A_1487, %swap3A_1488], %sub3A_1477 {strides = array<i32>} : memref<3x1024xf32, #tpu.memory_space<vmem>>, vector<16xf32>,
    %get3A_1490 = arith.constant 0 : i32
    %get3A_1491 = arith.index_cast %get3A_1490 : i32 to index
    %get3A_1492 = arith.constant 416 : index
    %get3A_1493 = tpu.vector_load %arg5[%get3A_1491, %get3A_1492] {strides = array<i32>} : memref<1x1024xf32, #tpu.memory_space<vmem>>, vector<16xf32>,
    %get3A_1494 = arith.constant 0 : i32
    %get3A_1495 = arith.index_cast %get3A_1494 : i32 to index
    %get3A_1496 = arith.constant 416 : index
    %get3A_1497 = tpu.vector_load %arg4[%get3A_1495, %get3A_1496] {strides = array<i32>} : memref<4x1024xf32, #tpu.memory_space<vmem>>, vector<16xf32>,
    %get3A_1498 = arith.constant 1 : i32
    %get3A_1499 = arith.index_cast %get3A_1498 : i32 to index
    %get3A_1500 = arith.constant 416 : index
    %get3A_1501 = tpu.vector_load %arg4[%get3A_1499, %get3A_1500] {strides = array<i32>} : memref<4x1024xf32, #tpu.memory_space<vmem>>, vector<16xf32>,
    %get3A_1502 = arith.constant 2 : i32
    %get3A_1503 = arith.index_cast %get3A_1502 : i32 to index
    %get3A_1504 = arith.constant 416 : index
    %get3A_1505 = tpu.vector_load %arg4[%get3A_1503, %get3A_1504] {strides = array<i32>} : memref<4x1024xf32, #tpu.memory_space<vmem>>, vector<16xf32>,
    %get3A_1506 = arith.constant 3 : i32
    %get3A_1507 = arith.index_cast %get3A_1506 : i32 to index
    %get3A_1508 = arith.constant 416 : index
    %get3A_1509 = tpu.vector_load %arg4[%get3A_1507, %get3A_1508] {strides = array<i32>} : memref<4x1024xf32, #tpu.memory_space<vmem>>, vector<16xf32>,
    %gt3A_1510 = arith.constant 5.000000e-01 : f32
    %gt3A_1511 = vector.broadcast %gt3A_1510 : f32 to vector<16xf32>
    %gt3A_1512 = arith.cmpf ogt, %get3A_1493, %gt3A_1511 : vector<16xf32>
    %add3A_1513 = arith.addf %get3A_1497, %get3A_1501 : vector<16xf32>
    %add3A_1514 = arith.addf %get3A_1505, %get3A_1509 : vector<16xf32>
    %gt3A_1515 = arith.cmpf ogt, %add3A_1513, %add3A_1514 : vector<16xf32>
    %jit3A_1516 = arith.constant 1.000000e+00 : f32
    %jit3A_1517 = arith.constant 0.000000e+00 : f32
    %broadcast_in_dim3A_1518 = vector.broadcast %jit3A_1516 : f32 to vector<16xf32>
    %broadcast_in_dim3A_1519 = vector.broadcast %jit3A_1517 : f32 to vector<16xf32>
    %select_n3A_1520 = arith.select %gt3A_1512, %broadcast_in_dim3A_1518, %broadcast_in_dim3A_1519 : vector<16xi1>, vector<16xf32>
    %not3A_1521 = arith.constant dense<true> : vector<16xi1>
    %not3A_1522 = arith.xori %gt3A_1512, %not3A_1521 : vector<16xi1>
    %and3A_1523 = arith.andi %not3A_1522, %gt3A_1515 : vector<16xi1>
    %jit3A_1524 = arith.constant 1.000000e+00 : f32
    %jit3A_1525 = arith.constant 0.000000e+00 : f32
    %broadcast_in_dim3A_1526 = vector.broadcast %jit3A_1524 : f32 to vector<16xf32>
    %broadcast_in_dim3A_1527 = vector.broadcast %jit3A_1525 : f32 to vector<16xf32>
    %select_n3A_1528 = arith.select %and3A_1523, %broadcast_in_dim3A_1526, %broadcast_in_dim3A_1527 : vector<16xi1>, vector<16xf32>
    %sub3A_1529 = arith.constant 1.000000e+00 : f32
    %sub3A_1530 = vector.broadcast %sub3A_1529 : f32 to vector<16xf32>
    %sub3A_1531 = arith.subf %sub3A_1530, %select_n3A_1520 : vector<16xf32>
    %sub3A_1532 = arith.subf %sub3A_1531, %select_n3A_1528 : vector<16xf32>
    %swap3A_1533 = arith.constant 0 : i32
    %swap3A_1534 = arith.index_cast %swap3A_1533 : i32 to index
    %swap3A_1535 = arith.constant 416 : index
    %swap3A_1536 = tpu.vector_load %arg6[%swap3A_1534, %swap3A_1535] {strides = array<i32>} : memref<3x1024xf32, #tpu.memory_space<vmem>>, vector<16xf32>,
    tpu.vector_store %arg6[%swap3A_1534, %swap3A_1535], %select_n3A_1520 {strides = array<i32>} : memref<3x1024xf32, #tpu.memory_space<vmem>>, vector<16xf32>,
    %swap3A_1537 = arith.constant 1 : i32
    %swap3A_1538 = arith.index_cast %swap3A_1537 : i32 to index
    %swap3A_1539 = arith.constant 416 : index
    %swap3A_1540 = tpu.vector_load %arg6[%swap3A_1538, %swap3A_1539] {strides = array<i32>} : memref<3x1024xf32, #tpu.memory_space<vmem>>, vector<16xf32>,
    tpu.vector_store %arg6[%swap3A_1538, %swap3A_1539], %select_n3A_1528 {strides = array<i32>} : memref<3x1024xf32, #tpu.memory_space<vmem>>, vector<16xf32>,
    %swap3A_1541 = arith.constant 2 : i32
    %swap3A_1542 = arith.index_cast %swap3A_1541 : i32 to index
    %swap3A_1543 = arith.constant 416 : index
    %swap3A_1544 = tpu.vector_load %arg6[%swap3A_1542, %swap3A_1543] {strides = array<i32>} : memref<3x1024xf32, #tpu.memory_space<vmem>>, vector<16xf32>,
    tpu.vector_store %arg6[%swap3A_1542, %swap3A_1543], %sub3A_1532 {strides = array<i32>} : memref<3x1024xf32, #tpu.memory_space<vmem>>, vector<16xf32>,
    %get3A_1545 = arith.constant 0 : i32
    %get3A_1546 = arith.index_cast %get3A_1545 : i32 to index
    %get3A_1547 = arith.constant 432 : index
    %get3A_1548 = tpu.vector_load %arg5[%get3A_1546, %get3A_1547] {strides = array<i32>} : memref<1x1024xf32, #tpu.memory_space<vmem>>, vector<16xf32>,
    %get3A_1549 = arith.constant 0 : i32
    %get3A_1550 = arith.index_cast %get3A_1549 : i32 to index
    %get3A_1551 = arith.constant 432 : index
    %get3A_1552 = tpu.vector_load %arg4[%get3A_1550, %get3A_1551] {strides = array<i32>} : memref<4x1024xf32, #tpu.memory_space<vmem>>, vector<16xf32>,
    %get3A_1553 = arith.constant 1 : i32
    %get3A_1554 = arith.index_cast %get3A_1553 : i32 to index
    %get3A_1555 = arith.constant 432 : index
    %get3A_1556 = tpu.vector_load %arg4[%get3A_1554, %get3A_1555] {strides = array<i32>} : memref<4x1024xf32, #tpu.memory_space<vmem>>, vector<16xf32>,
    %get3A_1557 = arith.constant 2 : i32
    %get3A_1558 = arith.index_cast %get3A_1557 : i32 to index
    %get3A_1559 = arith.constant 432 : index
    %get3A_1560 = tpu.vector_load %arg4[%get3A_1558, %get3A_1559] {strides = array<i32>} : memref<4x1024xf32, #tpu.memory_space<vmem>>, vector<16xf32>,
    %get3A_1561 = arith.constant 3 : i32
    %get3A_1562 = arith.index_cast %get3A_1561 : i32 to index
    %get3A_1563 = arith.constant 432 : index
    %get3A_1564 = tpu.vector_load %arg4[%get3A_1562, %get3A_1563] {strides = array<i32>} : memref<4x1024xf32, #tpu.memory_space<vmem>>, vector<16xf32>,
    %gt3A_1565 = arith.constant 5.000000e-01 : f32
    %gt3A_1566 = vector.broadcast %gt3A_1565 : f32 to vector<16xf32>
    %gt3A_1567 = arith.cmpf ogt, %get3A_1548, %gt3A_1566 : vector<16xf32>
    %add3A_1568 = arith.addf %get3A_1552, %get3A_1556 : vector<16xf32>
    %add3A_1569 = arith.addf %get3A_1560, %get3A_1564 : vector<16xf32>
    %gt3A_1570 = arith.cmpf ogt, %add3A_1568, %add3A_1569 : vector<16xf32>
    %jit3A_1571 = arith.constant 1.000000e+00 : f32
    %jit3A_1572 = arith.constant 0.000000e+00 : f32
    %broadcast_in_dim3A_1573 = vector.broadcast %jit3A_1571 : f32 to vector<16xf32>
    %broadcast_in_dim3A_1574 = vector.broadcast %jit3A_1572 : f32 to vector<16xf32>
    %select_n3A_1575 = arith.select %gt3A_1567, %broadcast_in_dim3A_1573, %broadcast_in_dim3A_1574 : vector<16xi1>, vector<16xf32>
    %not3A_1576 = arith.constant dense<true> : vector<16xi1>
    %not3A_1577 = arith.xori %gt3A_1567, %not3A_1576 : vector<16xi1>
    %and3A_1578 = arith.andi %not3A_1577, %gt3A_1570 : vector<16xi1>
    %jit3A_1579 = arith.constant 1.000000e+00 : f32
    %jit3A_1580 = arith.constant 0.000000e+00 : f32
    %broadcast_in_dim3A_1581 = vector.broadcast %jit3A_1579 : f32 to vector<16xf32>
    %broadcast_in_dim3A_1582 = vector.broadcast %jit3A_1580 : f32 to vector<16xf32>
    %select_n3A_1583 = arith.select %and3A_1578, %broadcast_in_dim3A_1581, %broadcast_in_dim3A_1582 : vector<16xi1>, vector<16xf32>
    %sub3A_1584 = arith.constant 1.000000e+00 : f32
    %sub3A_1585 = vector.broadcast %sub3A_1584 : f32 to vector<16xf32>
    %sub3A_1586 = arith.subf %sub3A_1585, %select_n3A_1575 : vector<16xf32>
    %sub3A_1587 = arith.subf %sub3A_1586, %select_n3A_1583 : vector<16xf32>
    %swap3A_1588 = arith.constant 0 : i32
    %swap3A_1589 = arith.index_cast %swap3A_1588 : i32 to index
    %swap3A_1590 = arith.constant 432 : index
    %swap3A_1591 = tpu.vector_load %arg6[%swap3A_1589, %swap3A_1590] {strides = array<i32>} : memref<3x1024xf32, #tpu.memory_space<vmem>>, vector<16xf32>,
    tpu.vector_store %arg6[%swap3A_1589, %swap3A_1590], %select_n3A_1575 {strides = array<i32>} : memref<3x1024xf32, #tpu.memory_space<vmem>>, vector<16xf32>,
    %swap3A_1592 = arith.constant 1 : i32
    %swap3A_1593 = arith.index_cast %swap3A_1592 : i32 to index
    %swap3A_1594 = arith.constant 432 : index
    %swap3A_1595 = tpu.vector_load %arg6[%swap3A_1593, %swap3A_1594] {strides = array<i32>} : memref<3x1024xf32, #tpu.memory_space<vmem>>, vector<16xf32>,
    tpu.vector_store %arg6[%swap3A_1593, %swap3A_1594], %select_n3A_1583 {strides = array<i32>} : memref<3x1024xf32, #tpu.memory_space<vmem>>, vector<16xf32>,
    %swap3A_1596 = arith.constant 2 : i32
    %swap3A_1597 = arith.index_cast %swap3A_1596 : i32 to index
    %swap3A_1598 = arith.constant 432 : index
    %swap3A_1599 = tpu.vector_load %arg6[%swap3A_1597, %swap3A_1598] {strides = array<i32>} : memref<3x1024xf32, #tpu.memory_space<vmem>>, vector<16xf32>,
    tpu.vector_store %arg6[%swap3A_1597, %swap3A_1598], %sub3A_1587 {strides = array<i32>} : memref<3x1024xf32, #tpu.memory_space<vmem>>, vector<16xf32>,
    %get3A_1600 = arith.constant 0 : i32
    %get3A_1601 = arith.index_cast %get3A_1600 : i32 to index
    %get3A_1602 = arith.constant 448 : index
    %get3A_1603 = tpu.vector_load %arg5[%get3A_1601, %get3A_1602] {strides = array<i32>} : memref<1x1024xf32, #tpu.memory_space<vmem>>, vector<16xf32>,
    %get3A_1604 = arith.constant 0 : i32
    %get3A_1605 = arith.index_cast %get3A_1604 : i32 to index
    %get3A_1606 = arith.constant 448 : index
    %get3A_1607 = tpu.vector_load %arg4[%get3A_1605, %get3A_1606] {strides = array<i32>} : memref<4x1024xf32, #tpu.memory_space<vmem>>, vector<16xf32>,
    %get3A_1608 = arith.constant 1 : i32
    %get3A_1609 = arith.index_cast %get3A_1608 : i32 to index
    %get3A_1610 = arith.constant 448 : index
    %get3A_1611 = tpu.vector_load %arg4[%get3A_1609, %get3A_1610] {strides = array<i32>} : memref<4x1024xf32, #tpu.memory_space<vmem>>, vector<16xf32>,
    %get3A_1612 = arith.constant 2 : i32
    %get3A_1613 = arith.index_cast %get3A_1612 : i32 to index
    %get3A_1614 = arith.constant 448 : index
    %get3A_1615 = tpu.vector_load %arg4[%get3A_1613, %get3A_1614] {strides = array<i32>} : memref<4x1024xf32, #tpu.memory_space<vmem>>, vector<16xf32>,
    %get3A_1616 = arith.constant 3 : i32
    %get3A_1617 = arith.index_cast %get3A_1616 : i32 to index
    %get3A_1618 = arith.constant 448 : index
    %get3A_1619 = tpu.vector_load %arg4[%get3A_1617, %get3A_1618] {strides = array<i32>} : memref<4x1024xf32, #tpu.memory_space<vmem>>, vector<16xf32>,
    %gt3A_1620 = arith.constant 5.000000e-01 : f32
    %gt3A_1621 = vector.broadcast %gt3A_1620 : f32 to vector<16xf32>
    %gt3A_1622 = arith.cmpf ogt, %get3A_1603, %gt3A_1621 : vector<16xf32>
    %add3A_1623 = arith.addf %get3A_1607, %get3A_1611 : vector<16xf32>
    %add3A_1624 = arith.addf %get3A_1615, %get3A_1619 : vector<16xf32>
    %gt3A_1625 = arith.cmpf ogt, %add3A_1623, %add3A_1624 : vector<16xf32>
    %jit3A_1626 = arith.constant 1.000000e+00 : f32
    %jit3A_1627 = arith.constant 0.000000e+00 : f32
    %broadcast_in_dim3A_1628 = vector.broadcast %jit3A_1626 : f32 to vector<16xf32>
    %broadcast_in_dim3A_1629 = vector.broadcast %jit3A_1627 : f32 to vector<16xf32>
    %select_n3A_1630 = arith.select %gt3A_1622, %broadcast_in_dim3A_1628, %broadcast_in_dim3A_1629 : vector<16xi1>, vector<16xf32>
    %not3A_1631 = arith.constant dense<true> : vector<16xi1>
    %not3A_1632 = arith.xori %gt3A_1622, %not3A_1631 : vector<16xi1>
    %and3A_1633 = arith.andi %not3A_1632, %gt3A_1625 : vector<16xi1>
    %jit3A_1634 = arith.constant 1.000000e+00 : f32
    %jit3A_1635 = arith.constant 0.000000e+00 : f32
    %broadcast_in_dim3A_1636 = vector.broadcast %jit3A_1634 : f32 to vector<16xf32>
    %broadcast_in_dim3A_1637 = vector.broadcast %jit3A_1635 : f32 to vector<16xf32>
    %select_n3A_1638 = arith.select %and3A_1633, %broadcast_in_dim3A_1636, %broadcast_in_dim3A_1637 : vector<16xi1>, vector<16xf32>
    %sub3A_1639 = arith.constant 1.000000e+00 : f32
    %sub3A_1640 = vector.broadcast %sub3A_1639 : f32 to vector<16xf32>
    %sub3A_1641 = arith.subf %sub3A_1640, %select_n3A_1630 : vector<16xf32>
    %sub3A_1642 = arith.subf %sub3A_1641, %select_n3A_1638 : vector<16xf32>
    %swap3A_1643 = arith.constant 0 : i32
    %swap3A_1644 = arith.index_cast %swap3A_1643 : i32 to index
    %swap3A_1645 = arith.constant 448 : index
    %swap3A_1646 = tpu.vector_load %arg6[%swap3A_1644, %swap3A_1645] {strides = array<i32>} : memref<3x1024xf32, #tpu.memory_space<vmem>>, vector<16xf32>,
    tpu.vector_store %arg6[%swap3A_1644, %swap3A_1645], %select_n3A_1630 {strides = array<i32>} : memref<3x1024xf32, #tpu.memory_space<vmem>>, vector<16xf32>,
    %swap3A_1647 = arith.constant 1 : i32
    %swap3A_1648 = arith.index_cast %swap3A_1647 : i32 to index
    %swap3A_1649 = arith.constant 448 : index
    %swap3A_1650 = tpu.vector_load %arg6[%swap3A_1648, %swap3A_1649] {strides = array<i32>} : memref<3x1024xf32, #tpu.memory_space<vmem>>, vector<16xf32>,
    tpu.vector_store %arg6[%swap3A_1648, %swap3A_1649], %select_n3A_1638 {strides = array<i32>} : memref<3x1024xf32, #tpu.memory_space<vmem>>, vector<16xf32>,
    %swap3A_1651 = arith.constant 2 : i32
    %swap3A_1652 = arith.index_cast %swap3A_1651 : i32 to index
    %swap3A_1653 = arith.constant 448 : index
    %swap3A_1654 = tpu.vector_load %arg6[%swap3A_1652, %swap3A_1653] {strides = array<i32>} : memref<3x1024xf32, #tpu.memory_space<vmem>>, vector<16xf32>,
    tpu.vector_store %arg6[%swap3A_1652, %swap3A_1653], %sub3A_1642 {strides = array<i32>} : memref<3x1024xf32, #tpu.memory_space<vmem>>, vector<16xf32>,
    %get3A_1655 = arith.constant 0 : i32
    %get3A_1656 = arith.index_cast %get3A_1655 : i32 to index
    %get3A_1657 = arith.constant 464 : index
    %get3A_1658 = tpu.vector_load %arg5[%get3A_1656, %get3A_1657] {strides = array<i32>} : memref<1x1024xf32, #tpu.memory_space<vmem>>, vector<16xf32>,
    %get3A_1659 = arith.constant 0 : i32
    %get3A_1660 = arith.index_cast %get3A_1659 : i32 to index
    %get3A_1661 = arith.constant 464 : index
    %get3A_1662 = tpu.vector_load %arg4[%get3A_1660, %get3A_1661] {strides = array<i32>} : memref<4x1024xf32, #tpu.memory_space<vmem>>, vector<16xf32>,
    %get3A_1663 = arith.constant 1 : i32
    %get3A_1664 = arith.index_cast %get3A_1663 : i32 to index
    %get3A_1665 = arith.constant 464 : index
    %get3A_1666 = tpu.vector_load %arg4[%get3A_1664, %get3A_1665] {strides = array<i32>} : memref<4x1024xf32, #tpu.memory_space<vmem>>, vector<16xf32>,
    %get3A_1667 = arith.constant 2 : i32
    %get3A_1668 = arith.index_cast %get3A_1667 : i32 to index
    %get3A_1669 = arith.constant 464 : index
    %get3A_1670 = tpu.vector_load %arg4[%get3A_1668, %get3A_1669] {strides = array<i32>} : memref<4x1024xf32, #tpu.memory_space<vmem>>, vector<16xf32>,
    %get3A_1671 = arith.constant 3 : i32
    %get3A_1672 = arith.index_cast %get3A_1671 : i32 to index
    %get3A_1673 = arith.constant 464 : index
    %get3A_1674 = tpu.vector_load %arg4[%get3A_1672, %get3A_1673] {strides = array<i32>} : memref<4x1024xf32, #tpu.memory_space<vmem>>, vector<16xf32>,
    %gt3A_1675 = arith.constant 5.000000e-01 : f32
    %gt3A_1676 = vector.broadcast %gt3A_1675 : f32 to vector<16xf32>
    %gt3A_1677 = arith.cmpf ogt, %get3A_1658, %gt3A_1676 : vector<16xf32>
    %add3A_1678 = arith.addf %get3A_1662, %get3A_1666 : vector<16xf32>
    %add3A_1679 = arith.addf %get3A_1670, %get3A_1674 : vector<16xf32>
    %gt3A_1680 = arith.cmpf ogt, %add3A_1678, %add3A_1679 : vector<16xf32>
    %jit3A_1681 = arith.constant 1.000000e+00 : f32
    %jit3A_1682 = arith.constant 0.000000e+00 : f32
    %broadcast_in_dim3A_1683 = vector.broadcast %jit3A_1681 : f32 to vector<16xf32>
    %broadcast_in_dim3A_1684 = vector.broadcast %jit3A_1682 : f32 to vector<16xf32>
    %select_n3A_1685 = arith.select %gt3A_1677, %broadcast_in_dim3A_1683, %broadcast_in_dim3A_1684 : vector<16xi1>, vector<16xf32>
    %not3A_1686 = arith.constant dense<true> : vector<16xi1>
    %not3A_1687 = arith.xori %gt3A_1677, %not3A_1686 : vector<16xi1>
    %and3A_1688 = arith.andi %not3A_1687, %gt3A_1680 : vector<16xi1>
    %jit3A_1689 = arith.constant 1.000000e+00 : f32
    %jit3A_1690 = arith.constant 0.000000e+00 : f32
    %broadcast_in_dim3A_1691 = vector.broadcast %jit3A_1689 : f32 to vector<16xf32>
    %broadcast_in_dim3A_1692 = vector.broadcast %jit3A_1690 : f32 to vector<16xf32>
    %select_n3A_1693 = arith.select %and3A_1688, %broadcast_in_dim3A_1691, %broadcast_in_dim3A_1692 : vector<16xi1>, vector<16xf32>
    %sub3A_1694 = arith.constant 1.000000e+00 : f32
    %sub3A_1695 = vector.broadcast %sub3A_1694 : f32 to vector<16xf32>
    %sub3A_1696 = arith.subf %sub3A_1695, %select_n3A_1685 : vector<16xf32>
    %sub3A_1697 = arith.subf %sub3A_1696, %select_n3A_1693 : vector<16xf32>
    %swap3A_1698 = arith.constant 0 : i32
    %swap3A_1699 = arith.index_cast %swap3A_1698 : i32 to index
    %swap3A_1700 = arith.constant 464 : index
    %swap3A_1701 = tpu.vector_load %arg6[%swap3A_1699, %swap3A_1700] {strides = array<i32>} : memref<3x1024xf32, #tpu.memory_space<vmem>>, vector<16xf32>,
    tpu.vector_store %arg6[%swap3A_1699, %swap3A_1700], %select_n3A_1685 {strides = array<i32>} : memref<3x1024xf32, #tpu.memory_space<vmem>>, vector<16xf32>,
    %swap3A_1702 = arith.constant 1 : i32
    %swap3A_1703 = arith.index_cast %swap3A_1702 : i32 to index
    %swap3A_1704 = arith.constant 464 : index
    %swap3A_1705 = tpu.vector_load %arg6[%swap3A_1703, %swap3A_1704] {strides = array<i32>} : memref<3x1024xf32, #tpu.memory_space<vmem>>, vector<16xf32>,
    tpu.vector_store %arg6[%swap3A_1703, %swap3A_1704], %select_n3A_1693 {strides = array<i32>} : memref<3x1024xf32, #tpu.memory_space<vmem>>, vector<16xf32>,
    %swap3A_1706 = arith.constant 2 : i32
    %swap3A_1707 = arith.index_cast %swap3A_1706 : i32 to index
    %swap3A_1708 = arith.constant 464 : index
    %swap3A_1709 = tpu.vector_load %arg6[%swap3A_1707, %swap3A_1708] {strides = array<i32>} : memref<3x1024xf32, #tpu.memory_space<vmem>>, vector<16xf32>,
    tpu.vector_store %arg6[%swap3A_1707, %swap3A_1708], %sub3A_1697 {strides = array<i32>} : memref<3x1024xf32, #tpu.memory_space<vmem>>, vector<16xf32>,
    %get3A_1710 = arith.constant 0 : i32
    %get3A_1711 = arith.index_cast %get3A_1710 : i32 to index
    %get3A_1712 = arith.constant 480 : index
    %get3A_1713 = tpu.vector_load %arg5[%get3A_1711, %get3A_1712] {strides = array<i32>} : memref<1x1024xf32, #tpu.memory_space<vmem>>, vector<16xf32>,
    %get3A_1714 = arith.constant 0 : i32
    %get3A_1715 = arith.index_cast %get3A_1714 : i32 to index
    %get3A_1716 = arith.constant 480 : index
    %get3A_1717 = tpu.vector_load %arg4[%get3A_1715, %get3A_1716] {strides = array<i32>} : memref<4x1024xf32, #tpu.memory_space<vmem>>, vector<16xf32>,
    %get3A_1718 = arith.constant 1 : i32
    %get3A_1719 = arith.index_cast %get3A_1718 : i32 to index
    %get3A_1720 = arith.constant 480 : index
    %get3A_1721 = tpu.vector_load %arg4[%get3A_1719, %get3A_1720] {strides = array<i32>} : memref<4x1024xf32, #tpu.memory_space<vmem>>, vector<16xf32>,
    %get3A_1722 = arith.constant 2 : i32
    %get3A_1723 = arith.index_cast %get3A_1722 : i32 to index
    %get3A_1724 = arith.constant 480 : index
    %get3A_1725 = tpu.vector_load %arg4[%get3A_1723, %get3A_1724] {strides = array<i32>} : memref<4x1024xf32, #tpu.memory_space<vmem>>, vector<16xf32>,
    %get3A_1726 = arith.constant 3 : i32
    %get3A_1727 = arith.index_cast %get3A_1726 : i32 to index
    %get3A_1728 = arith.constant 480 : index
    %get3A_1729 = tpu.vector_load %arg4[%get3A_1727, %get3A_1728] {strides = array<i32>} : memref<4x1024xf32, #tpu.memory_space<vmem>>, vector<16xf32>,
    %gt3A_1730 = arith.constant 5.000000e-01 : f32
    %gt3A_1731 = vector.broadcast %gt3A_1730 : f32 to vector<16xf32>
    %gt3A_1732 = arith.cmpf ogt, %get3A_1713, %gt3A_1731 : vector<16xf32>
    %add3A_1733 = arith.addf %get3A_1717, %get3A_1721 : vector<16xf32>
    %add3A_1734 = arith.addf %get3A_1725, %get3A_1729 : vector<16xf32>
    %gt3A_1735 = arith.cmpf ogt, %add3A_1733, %add3A_1734 : vector<16xf32>
    %jit3A_1736 = arith.constant 1.000000e+00 : f32
    %jit3A_1737 = arith.constant 0.000000e+00 : f32
    %broadcast_in_dim3A_1738 = vector.broadcast %jit3A_1736 : f32 to vector<16xf32>
    %broadcast_in_dim3A_1739 = vector.broadcast %jit3A_1737 : f32 to vector<16xf32>
    %select_n3A_1740 = arith.select %gt3A_1732, %broadcast_in_dim3A_1738, %broadcast_in_dim3A_1739 : vector<16xi1>, vector<16xf32>
    %not3A_1741 = arith.constant dense<true> : vector<16xi1>
    %not3A_1742 = arith.xori %gt3A_1732, %not3A_1741 : vector<16xi1>
    %and3A_1743 = arith.andi %not3A_1742, %gt3A_1735 : vector<16xi1>
    %jit3A_1744 = arith.constant 1.000000e+00 : f32
    %jit3A_1745 = arith.constant 0.000000e+00 : f32
    %broadcast_in_dim3A_1746 = vector.broadcast %jit3A_1744 : f32 to vector<16xf32>
    %broadcast_in_dim3A_1747 = vector.broadcast %jit3A_1745 : f32 to vector<16xf32>
    %select_n3A_1748 = arith.select %and3A_1743, %broadcast_in_dim3A_1746, %broadcast_in_dim3A_1747 : vector<16xi1>, vector<16xf32>
    %sub3A_1749 = arith.constant 1.000000e+00 : f32
    %sub3A_1750 = vector.broadcast %sub3A_1749 : f32 to vector<16xf32>
    %sub3A_1751 = arith.subf %sub3A_1750, %select_n3A_1740 : vector<16xf32>
    %sub3A_1752 = arith.subf %sub3A_1751, %select_n3A_1748 : vector<16xf32>
    %swap3A_1753 = arith.constant 0 : i32
    %swap3A_1754 = arith.index_cast %swap3A_1753 : i32 to index
    %swap3A_1755 = arith.constant 480 : index
    %swap3A_1756 = tpu.vector_load %arg6[%swap3A_1754, %swap3A_1755] {strides = array<i32>} : memref<3x1024xf32, #tpu.memory_space<vmem>>, vector<16xf32>,
    tpu.vector_store %arg6[%swap3A_1754, %swap3A_1755], %select_n3A_1740 {strides = array<i32>} : memref<3x1024xf32, #tpu.memory_space<vmem>>, vector<16xf32>,
    %swap3A_1757 = arith.constant 1 : i32
    %swap3A_1758 = arith.index_cast %swap3A_1757 : i32 to index
    %swap3A_1759 = arith.constant 480 : index
    %swap3A_1760 = tpu.vector_load %arg6[%swap3A_1758, %swap3A_1759] {strides = array<i32>} : memref<3x1024xf32, #tpu.memory_space<vmem>>, vector<16xf32>,
    tpu.vector_store %arg6[%swap3A_1758, %swap3A_1759], %select_n3A_1748 {strides = array<i32>} : memref<3x1024xf32, #tpu.memory_space<vmem>>, vector<16xf32>,
    %swap3A_1761 = arith.constant 2 : i32
    %swap3A_1762 = arith.index_cast %swap3A_1761 : i32 to index
    %swap3A_1763 = arith.constant 480 : index
    %swap3A_1764 = tpu.vector_load %arg6[%swap3A_1762, %swap3A_1763] {strides = array<i32>} : memref<3x1024xf32, #tpu.memory_space<vmem>>, vector<16xf32>,
    tpu.vector_store %arg6[%swap3A_1762, %swap3A_1763], %sub3A_1752 {strides = array<i32>} : memref<3x1024xf32, #tpu.memory_space<vmem>>, vector<16xf32>,
    %get3A_1765 = arith.constant 0 : i32
    %get3A_1766 = arith.index_cast %get3A_1765 : i32 to index
    %get3A_1767 = arith.constant 496 : index
    %get3A_1768 = tpu.vector_load %arg5[%get3A_1766, %get3A_1767] {strides = array<i32>} : memref<1x1024xf32, #tpu.memory_space<vmem>>, vector<16xf32>,
    %get3A_1769 = arith.constant 0 : i32
    %get3A_1770 = arith.index_cast %get3A_1769 : i32 to index
    %get3A_1771 = arith.constant 496 : index
    %get3A_1772 = tpu.vector_load %arg4[%get3A_1770, %get3A_1771] {strides = array<i32>} : memref<4x1024xf32, #tpu.memory_space<vmem>>, vector<16xf32>,
    %get3A_1773 = arith.constant 1 : i32
    %get3A_1774 = arith.index_cast %get3A_1773 : i32 to index
    %get3A_1775 = arith.constant 496 : index
    %get3A_1776 = tpu.vector_load %arg4[%get3A_1774, %get3A_1775] {strides = array<i32>} : memref<4x1024xf32, #tpu.memory_space<vmem>>, vector<16xf32>,
    %get3A_1777 = arith.constant 2 : i32
    %get3A_1778 = arith.index_cast %get3A_1777 : i32 to index
    %get3A_1779 = arith.constant 496 : index
    %get3A_1780 = tpu.vector_load %arg4[%get3A_1778, %get3A_1779] {strides = array<i32>} : memref<4x1024xf32, #tpu.memory_space<vmem>>, vector<16xf32>,
    %get3A_1781 = arith.constant 3 : i32
    %get3A_1782 = arith.index_cast %get3A_1781 : i32 to index
    %get3A_1783 = arith.constant 496 : index
    %get3A_1784 = tpu.vector_load %arg4[%get3A_1782, %get3A_1783] {strides = array<i32>} : memref<4x1024xf32, #tpu.memory_space<vmem>>, vector<16xf32>,
    %gt3A_1785 = arith.constant 5.000000e-01 : f32
    %gt3A_1786 = vector.broadcast %gt3A_1785 : f32 to vector<16xf32>
    %gt3A_1787 = arith.cmpf ogt, %get3A_1768, %gt3A_1786 : vector<16xf32>
    %add3A_1788 = arith.addf %get3A_1772, %get3A_1776 : vector<16xf32>
    %add3A_1789 = arith.addf %get3A_1780, %get3A_1784 : vector<16xf32>
    %gt3A_1790 = arith.cmpf ogt, %add3A_1788, %add3A_1789 : vector<16xf32>
    %jit3A_1791 = arith.constant 1.000000e+00 : f32
    %jit3A_1792 = arith.constant 0.000000e+00 : f32
    %broadcast_in_dim3A_1793 = vector.broadcast %jit3A_1791 : f32 to vector<16xf32>
    %broadcast_in_dim3A_1794 = vector.broadcast %jit3A_1792 : f32 to vector<16xf32>
    %select_n3A_1795 = arith.select %gt3A_1787, %broadcast_in_dim3A_1793, %broadcast_in_dim3A_1794 : vector<16xi1>, vector<16xf32>
    %not3A_1796 = arith.constant dense<true> : vector<16xi1>
    %not3A_1797 = arith.xori %gt3A_1787, %not3A_1796 : vector<16xi1>
    %and3A_1798 = arith.andi %not3A_1797, %gt3A_1790 : vector<16xi1>
    %jit3A_1799 = arith.constant 1.000000e+00 : f32
    %jit3A_1800 = arith.constant 0.000000e+00 : f32
    %broadcast_in_dim3A_1801 = vector.broadcast %jit3A_1799 : f32 to vector<16xf32>
    %broadcast_in_dim3A_1802 = vector.broadcast %jit3A_1800 : f32 to vector<16xf32>
    %select_n3A_1803 = arith.select %and3A_1798, %broadcast_in_dim3A_1801, %broadcast_in_dim3A_1802 : vector<16xi1>, vector<16xf32>
    %sub3A_1804 = arith.constant 1.000000e+00 : f32
    %sub3A_1805 = vector.broadcast %sub3A_1804 : f32 to vector<16xf32>
    %sub3A_1806 = arith.subf %sub3A_1805, %select_n3A_1795 : vector<16xf32>
    %sub3A_1807 = arith.subf %sub3A_1806, %select_n3A_1803 : vector<16xf32>
    %swap3A_1808 = arith.constant 0 : i32
    %swap3A_1809 = arith.index_cast %swap3A_1808 : i32 to index
    %swap3A_1810 = arith.constant 496 : index
    %swap3A_1811 = tpu.vector_load %arg6[%swap3A_1809, %swap3A_1810] {strides = array<i32>} : memref<3x1024xf32, #tpu.memory_space<vmem>>, vector<16xf32>,
    tpu.vector_store %arg6[%swap3A_1809, %swap3A_1810], %select_n3A_1795 {strides = array<i32>} : memref<3x1024xf32, #tpu.memory_space<vmem>>, vector<16xf32>,
    %swap3A_1812 = arith.constant 1 : i32
    %swap3A_1813 = arith.index_cast %swap3A_1812 : i32 to index
    %swap3A_1814 = arith.constant 496 : index
    %swap3A_1815 = tpu.vector_load %arg6[%swap3A_1813, %swap3A_1814] {strides = array<i32>} : memref<3x1024xf32, #tpu.memory_space<vmem>>, vector<16xf32>,
    tpu.vector_store %arg6[%swap3A_1813, %swap3A_1814], %select_n3A_1803 {strides = array<i32>} : memref<3x1024xf32, #tpu.memory_space<vmem>>, vector<16xf32>,
    %swap3A_1816 = arith.constant 2 : i32
    %swap3A_1817 = arith.index_cast %swap3A_1816 : i32 to index
    %swap3A_1818 = arith.constant 496 : index
    %swap3A_1819 = tpu.vector_load %arg6[%swap3A_1817, %swap3A_1818] {strides = array<i32>} : memref<3x1024xf32, #tpu.memory_space<vmem>>, vector<16xf32>,
    tpu.vector_store %arg6[%swap3A_1817, %swap3A_1818], %sub3A_1807 {strides = array<i32>} : memref<3x1024xf32, #tpu.memory_space<vmem>>, vector<16xf32>,
    %add3A_1820 = arith.constant 0 : i32
    %add3A_1821 = arith.addi %mul3A_2, %add3A_1820 : i32
    %dma_start3A_1822 = arith.constant 0 : i32
    %dma_start3A_1823 = arith.constant 0 : i32
    %dma_start3A_1824 = tpu.memref_slice %arg6[%dma_start3A_1822, %dma_start3A_1823] : memref<3x1024xf32, #tpu.memory_space<vmem>> -> memref<3x512xf32, #tpu.memory_space<vmem>>
    %dma_start3A_1825 = arith.constant 0 : i32
    %dma_start3A_1826 = tpu.memref_slice %arg3[%dma_start3A_1825, %add3A_1821] : memref<3x32768xf32, #tpu.memory_space<hbm>> -> memref<3x512xf32, #tpu.memory_space<hbm>>
    %dma_start3A_1827 = arith.constant 0 : i32
    %dma_start3A_1828 = tpu.memref_slice %arg3[%dma_start3A_1827, %add3A_1821] : memref<3x32768xf32, #tpu.memory_space<hbm>> -> memref<3x512xf32, #tpu.memory_space<hbm>>
    %dma_start3A_1829 = arith.constant 0 : i32
    %dma_start3A_1830 = arith.constant 0 : i32
    %dma_start3A_1831 = tpu.memref_slice %arg6[%dma_start3A_1829, %dma_start3A_1830] : memref<3x1024xf32, #tpu.memory_space<vmem>> -> memref<3x512xf32, #tpu.memory_space<vmem>>
    tpu.enqueue_dma source(%dma_start3A_1831 : memref<3x512xf32, #tpu.memory_space<vmem>>) target(%dma_start3A_1828 : memref<3x512xf32, #tpu.memory_space<hbm>>) target_semaphore(%arg11 : memref<!tpu.dma_semaphore, #tpu.memory_space<semaphore_mem>>)
    %dma_wait3A_1832 = arith.constant 0 : i32
    %dma_wait3A_1833 = arith.constant 512 : i32
    %dma_wait3A_1834 = tpu.memref_slice %arg4[%dma_wait3A_1832, %dma_wait3A_1833] : memref<4x1024xf32, #tpu.memory_space<vmem>> -> memref<4x512xf32, #tpu.memory_space<vmem>>
    %dma_wait3A_1835 = arith.constant 4 : i32
    %dma_wait3A_1836 = tpu.memref_slice %arg2[%dma_wait3A_1835, %add3A_27] : memref<16x32768xf32, #tpu.memory_space<hbm>> -> memref<4x512xf32, #tpu.memory_space<hbm>>
    %dma_wait3A_1837 = arith.constant 0 : i32
    %dma_wait3A_1838 = arith.constant 512 : i32
    %dma_wait3A_1839 = tpu.memref_slice %arg4[%dma_wait3A_1837, %dma_wait3A_1838] : memref<4x1024xf32, #tpu.memory_space<vmem>> -> memref<4x512xf32, #tpu.memory_space<vmem>>
    %dma_wait3A_1840 = arith.constant 4 : i32
    %dma_wait3A_1841 = tpu.memref_slice %arg2[%dma_wait3A_1840, %add3A_27] : memref<16x32768xf32, #tpu.memory_space<hbm>> -> memref<4x512xf32, #tpu.memory_space<hbm>>
    tpu.wait_dma2 semaphore(%arg9 : memref<!tpu.dma_semaphore, #tpu.memory_space<semaphore_mem>>) src(%dma_wait3A_1841 : memref<4x512xf32, #tpu.memory_space<hbm>>) dst(%dma_wait3A_1839 : memref<4x512xf32, #tpu.memory_space<vmem>>)
    %dma_wait3A_1842 = arith.constant 0 : i32
    %dma_wait3A_1843 = arith.constant 512 : i32
    %dma_wait3A_1844 = tpu.memref_slice %arg5[%dma_wait3A_1842, %dma_wait3A_1843] : memref<1x1024xf32, #tpu.memory_space<vmem>> -> memref<1x512xf32, #tpu.memory_space<vmem>>
    %dma_wait3A_1845 = arith.constant 11 : i32
    %dma_wait3A_1846 = tpu.memref_slice %arg2[%dma_wait3A_1845, %add3A_39] : memref<16x32768xf32, #tpu.memory_space<hbm>> -> memref<1x512xf32, #tpu.memory_space<hbm>>
    %dma_wait3A_1847 = arith.constant 0 : i32
    %dma_wait3A_1848 = arith.constant 512 : i32
    %dma_wait3A_1849 = tpu.memref_slice %arg5[%dma_wait3A_1847, %dma_wait3A_1848] : memref<1x1024xf32, #tpu.memory_space<vmem>> -> memref<1x512xf32, #tpu.memory_space<vmem>>
    %dma_wait3A_1850 = arith.constant 11 : i32
    %dma_wait3A_1851 = tpu.memref_slice %arg2[%dma_wait3A_1850, %add3A_39] : memref<16x32768xf32, #tpu.memory_space<hbm>> -> memref<1x512xf32, #tpu.memory_space<hbm>>
    tpu.wait_dma2 semaphore(%arg10 : memref<!tpu.dma_semaphore, #tpu.memory_space<semaphore_mem>>) src(%dma_wait3A_1851 : memref<1x512xf32, #tpu.memory_space<hbm>>) dst(%dma_wait3A_1849 : memref<1x512xf32, #tpu.memory_space<vmem>>)
    %get3A_1852 = arith.constant 0 : i32
    %get3A_1853 = arith.index_cast %get3A_1852 : i32 to index
    %get3A_1854 = arith.constant 512 : index
    %get3A_1855 = tpu.vector_load %arg5[%get3A_1853, %get3A_1854] {strides = array<i32>} : memref<1x1024xf32, #tpu.memory_space<vmem>>, vector<16xf32>,
    %get3A_1856 = arith.constant 0 : i32
    %get3A_1857 = arith.index_cast %get3A_1856 : i32 to index
    %get3A_1858 = arith.constant 512 : index
    %get3A_1859 = tpu.vector_load %arg4[%get3A_1857, %get3A_1858] {strides = array<i32>} : memref<4x1024xf32, #tpu.memory_space<vmem>>, vector<16xf32>,
    %get3A_1860 = arith.constant 1 : i32
    %get3A_1861 = arith.index_cast %get3A_1860 : i32 to index
    %get3A_1862 = arith.constant 512 : index
    %get3A_1863 = tpu.vector_load %arg4[%get3A_1861, %get3A_1862] {strides = array<i32>} : memref<4x1024xf32, #tpu.memory_space<vmem>>, vector<16xf32>,
    %get3A_1864 = arith.constant 2 : i32
    %get3A_1865 = arith.index_cast %get3A_1864 : i32 to index
    %get3A_1866 = arith.constant 512 : index
    %get3A_1867 = tpu.vector_load %arg4[%get3A_1865, %get3A_1866] {strides = array<i32>} : memref<4x1024xf32, #tpu.memory_space<vmem>>, vector<16xf32>,
    %get3A_1868 = arith.constant 3 : i32
    %get3A_1869 = arith.index_cast %get3A_1868 : i32 to index
    %get3A_1870 = arith.constant 512 : index
    %get3A_1871 = tpu.vector_load %arg4[%get3A_1869, %get3A_1870] {strides = array<i32>} : memref<4x1024xf32, #tpu.memory_space<vmem>>, vector<16xf32>,
    %gt3A_1872 = arith.constant 5.000000e-01 : f32
    %gt3A_1873 = vector.broadcast %gt3A_1872 : f32 to vector<16xf32>
    %gt3A_1874 = arith.cmpf ogt, %get3A_1855, %gt3A_1873 : vector<16xf32>
    %add3A_1875 = arith.addf %get3A_1859, %get3A_1863 : vector<16xf32>
    %add3A_1876 = arith.addf %get3A_1867, %get3A_1871 : vector<16xf32>
    %gt3A_1877 = arith.cmpf ogt, %add3A_1875, %add3A_1876 : vector<16xf32>
    %jit3A_1878 = arith.constant 1.000000e+00 : f32
    %jit3A_1879 = arith.constant 0.000000e+00 : f32
    %broadcast_in_dim3A_1880 = vector.broadcast %jit3A_1878 : f32 to vector<16xf32>
    %broadcast_in_dim3A_1881 = vector.broadcast %jit3A_1879 : f32 to vector<16xf32>
    %select_n3A_1882 = arith.select %gt3A_1874, %broadcast_in_dim3A_1880, %broadcast_in_dim3A_1881 : vector<16xi1>, vector<16xf32>
    %not3A_1883 = arith.constant dense<true> : vector<16xi1>
    %not3A_1884 = arith.xori %gt3A_1874, %not3A_1883 : vector<16xi1>
    %and3A_1885 = arith.andi %not3A_1884, %gt3A_1877 : vector<16xi1>
    %jit3A_1886 = arith.constant 1.000000e+00 : f32
    %jit3A_1887 = arith.constant 0.000000e+00 : f32
    %broadcast_in_dim3A_1888 = vector.broadcast %jit3A_1886 : f32 to vector<16xf32>
    %broadcast_in_dim3A_1889 = vector.broadcast %jit3A_1887 : f32 to vector<16xf32>
    %select_n3A_1890 = arith.select %and3A_1885, %broadcast_in_dim3A_1888, %broadcast_in_dim3A_1889 : vector<16xi1>, vector<16xf32>
    %sub3A_1891 = arith.constant 1.000000e+00 : f32
    %sub3A_1892 = vector.broadcast %sub3A_1891 : f32 to vector<16xf32>
    %sub3A_1893 = arith.subf %sub3A_1892, %select_n3A_1882 : vector<16xf32>
    %sub3A_1894 = arith.subf %sub3A_1893, %select_n3A_1890 : vector<16xf32>
    %swap3A_1895 = arith.constant 0 : i32
    %swap3A_1896 = arith.index_cast %swap3A_1895 : i32 to index
    %swap3A_1897 = arith.constant 512 : index
    %swap3A_1898 = tpu.vector_load %arg6[%swap3A_1896, %swap3A_1897] {strides = array<i32>} : memref<3x1024xf32, #tpu.memory_space<vmem>>, vector<16xf32>,
    tpu.vector_store %arg6[%swap3A_1896, %swap3A_1897], %select_n3A_1882 {strides = array<i32>} : memref<3x1024xf32, #tpu.memory_space<vmem>>, vector<16xf32>,
    %swap3A_1899 = arith.constant 1 : i32
    %swap3A_1900 = arith.index_cast %swap3A_1899 : i32 to index
    %swap3A_1901 = arith.constant 512 : index
    %swap3A_1902 = tpu.vector_load %arg6[%swap3A_1900, %swap3A_1901] {strides = array<i32>} : memref<3x1024xf32, #tpu.memory_space<vmem>>, vector<16xf32>,
    tpu.vector_store %arg6[%swap3A_1900, %swap3A_1901], %select_n3A_1890 {strides = array<i32>} : memref<3x1024xf32, #tpu.memory_space<vmem>>, vector<16xf32>,
    %swap3A_1903 = arith.constant 2 : i32
    %swap3A_1904 = arith.index_cast %swap3A_1903 : i32 to index
    %swap3A_1905 = arith.constant 512 : index
    %swap3A_1906 = tpu.vector_load %arg6[%swap3A_1904, %swap3A_1905] {strides = array<i32>} : memref<3x1024xf32, #tpu.memory_space<vmem>>, vector<16xf32>,
    tpu.vector_store %arg6[%swap3A_1904, %swap3A_1905], %sub3A_1894 {strides = array<i32>} : memref<3x1024xf32, #tpu.memory_space<vmem>>, vector<16xf32>,
    %get3A_1907 = arith.constant 0 : i32
    %get3A_1908 = arith.index_cast %get3A_1907 : i32 to index
    %get3A_1909 = arith.constant 528 : index
    %get3A_1910 = tpu.vector_load %arg5[%get3A_1908, %get3A_1909] {strides = array<i32>} : memref<1x1024xf32, #tpu.memory_space<vmem>>, vector<16xf32>,
    %get3A_1911 = arith.constant 0 : i32
    %get3A_1912 = arith.index_cast %get3A_1911 : i32 to index
    %get3A_1913 = arith.constant 528 : index
    %get3A_1914 = tpu.vector_load %arg4[%get3A_1912, %get3A_1913] {strides = array<i32>} : memref<4x1024xf32, #tpu.memory_space<vmem>>, vector<16xf32>,
    %get3A_1915 = arith.constant 1 : i32
    %get3A_1916 = arith.index_cast %get3A_1915 : i32 to index
    %get3A_1917 = arith.constant 528 : index
    %get3A_1918 = tpu.vector_load %arg4[%get3A_1916, %get3A_1917] {strides = array<i32>} : memref<4x1024xf32, #tpu.memory_space<vmem>>, vector<16xf32>,
    %get3A_1919 = arith.constant 2 : i32
    %get3A_1920 = arith.index_cast %get3A_1919 : i32 to index
    %get3A_1921 = arith.constant 528 : index
    %get3A_1922 = tpu.vector_load %arg4[%get3A_1920, %get3A_1921] {strides = array<i32>} : memref<4x1024xf32, #tpu.memory_space<vmem>>, vector<16xf32>,
    %get3A_1923 = arith.constant 3 : i32
    %get3A_1924 = arith.index_cast %get3A_1923 : i32 to index
    %get3A_1925 = arith.constant 528 : index
    %get3A_1926 = tpu.vector_load %arg4[%get3A_1924, %get3A_1925] {strides = array<i32>} : memref<4x1024xf32, #tpu.memory_space<vmem>>, vector<16xf32>,
    %gt3A_1927 = arith.constant 5.000000e-01 : f32
    %gt3A_1928 = vector.broadcast %gt3A_1927 : f32 to vector<16xf32>
    %gt3A_1929 = arith.cmpf ogt, %get3A_1910, %gt3A_1928 : vector<16xf32>
    %add3A_1930 = arith.addf %get3A_1914, %get3A_1918 : vector<16xf32>
    %add3A_1931 = arith.addf %get3A_1922, %get3A_1926 : vector<16xf32>
    %gt3A_1932 = arith.cmpf ogt, %add3A_1930, %add3A_1931 : vector<16xf32>
    %jit3A_1933 = arith.constant 1.000000e+00 : f32
    %jit3A_1934 = arith.constant 0.000000e+00 : f32
    %broadcast_in_dim3A_1935 = vector.broadcast %jit3A_1933 : f32 to vector<16xf32>
    %broadcast_in_dim3A_1936 = vector.broadcast %jit3A_1934 : f32 to vector<16xf32>
    %select_n3A_1937 = arith.select %gt3A_1929, %broadcast_in_dim3A_1935, %broadcast_in_dim3A_1936 : vector<16xi1>, vector<16xf32>
    %not3A_1938 = arith.constant dense<true> : vector<16xi1>
    %not3A_1939 = arith.xori %gt3A_1929, %not3A_1938 : vector<16xi1>
    %and3A_1940 = arith.andi %not3A_1939, %gt3A_1932 : vector<16xi1>
    %jit3A_1941 = arith.constant 1.000000e+00 : f32
    %jit3A_1942 = arith.constant 0.000000e+00 : f32
    %broadcast_in_dim3A_1943 = vector.broadcast %jit3A_1941 : f32 to vector<16xf32>
    %broadcast_in_dim3A_1944 = vector.broadcast %jit3A_1942 : f32 to vector<16xf32>
    %select_n3A_1945 = arith.select %and3A_1940, %broadcast_in_dim3A_1943, %broadcast_in_dim3A_1944 : vector<16xi1>, vector<16xf32>
    %sub3A_1946 = arith.constant 1.000000e+00 : f32
    %sub3A_1947 = vector.broadcast %sub3A_1946 : f32 to vector<16xf32>
    %sub3A_1948 = arith.subf %sub3A_1947, %select_n3A_1937 : vector<16xf32>
    %sub3A_1949 = arith.subf %sub3A_1948, %select_n3A_1945 : vector<16xf32>
    %swap3A_1950 = arith.constant 0 : i32
    %swap3A_1951 = arith.index_cast %swap3A_1950 : i32 to index
    %swap3A_1952 = arith.constant 528 : index
    %swap3A_1953 = tpu.vector_load %arg6[%swap3A_1951, %swap3A_1952] {strides = array<i32>} : memref<3x1024xf32, #tpu.memory_space<vmem>>, vector<16xf32>,
    tpu.vector_store %arg6[%swap3A_1951, %swap3A_1952], %select_n3A_1937 {strides = array<i32>} : memref<3x1024xf32, #tpu.memory_space<vmem>>, vector<16xf32>,
    %swap3A_1954 = arith.constant 1 : i32
    %swap3A_1955 = arith.index_cast %swap3A_1954 : i32 to index
    %swap3A_1956 = arith.constant 528 : index
    %swap3A_1957 = tpu.vector_load %arg6[%swap3A_1955, %swap3A_1956] {strides = array<i32>} : memref<3x1024xf32, #tpu.memory_space<vmem>>, vector<16xf32>,
    tpu.vector_store %arg6[%swap3A_1955, %swap3A_1956], %select_n3A_1945 {strides = array<i32>} : memref<3x1024xf32, #tpu.memory_space<vmem>>, vector<16xf32>,
    %swap3A_1958 = arith.constant 2 : i32
    %swap3A_1959 = arith.index_cast %swap3A_1958 : i32 to index
    %swap3A_1960 = arith.constant 528 : index
    %swap3A_1961 = tpu.vector_load %arg6[%swap3A_1959, %swap3A_1960] {strides = array<i32>} : memref<3x1024xf32, #tpu.memory_space<vmem>>, vector<16xf32>,
    tpu.vector_store %arg6[%swap3A_1959, %swap3A_1960], %sub3A_1949 {strides = array<i32>} : memref<3x1024xf32, #tpu.memory_space<vmem>>, vector<16xf32>,
    %get3A_1962 = arith.constant 0 : i32
    %get3A_1963 = arith.index_cast %get3A_1962 : i32 to index
    %get3A_1964 = arith.constant 544 : index
    %get3A_1965 = tpu.vector_load %arg5[%get3A_1963, %get3A_1964] {strides = array<i32>} : memref<1x1024xf32, #tpu.memory_space<vmem>>, vector<16xf32>,
    %get3A_1966 = arith.constant 0 : i32
    %get3A_1967 = arith.index_cast %get3A_1966 : i32 to index
    %get3A_1968 = arith.constant 544 : index
    %get3A_1969 = tpu.vector_load %arg4[%get3A_1967, %get3A_1968] {strides = array<i32>} : memref<4x1024xf32, #tpu.memory_space<vmem>>, vector<16xf32>,
    %get3A_1970 = arith.constant 1 : i32
    %get3A_1971 = arith.index_cast %get3A_1970 : i32 to index
    %get3A_1972 = arith.constant 544 : index
    %get3A_1973 = tpu.vector_load %arg4[%get3A_1971, %get3A_1972] {strides = array<i32>} : memref<4x1024xf32, #tpu.memory_space<vmem>>, vector<16xf32>,
    %get3A_1974 = arith.constant 2 : i32
    %get3A_1975 = arith.index_cast %get3A_1974 : i32 to index
    %get3A_1976 = arith.constant 544 : index
    %get3A_1977 = tpu.vector_load %arg4[%get3A_1975, %get3A_1976] {strides = array<i32>} : memref<4x1024xf32, #tpu.memory_space<vmem>>, vector<16xf32>,
    %get3A_1978 = arith.constant 3 : i32
    %get3A_1979 = arith.index_cast %get3A_1978 : i32 to index
    %get3A_1980 = arith.constant 544 : index
    %get3A_1981 = tpu.vector_load %arg4[%get3A_1979, %get3A_1980] {strides = array<i32>} : memref<4x1024xf32, #tpu.memory_space<vmem>>, vector<16xf32>,
    %gt3A_1982 = arith.constant 5.000000e-01 : f32
    %gt3A_1983 = vector.broadcast %gt3A_1982 : f32 to vector<16xf32>
    %gt3A_1984 = arith.cmpf ogt, %get3A_1965, %gt3A_1983 : vector<16xf32>
    %add3A_1985 = arith.addf %get3A_1969, %get3A_1973 : vector<16xf32>
    %add3A_1986 = arith.addf %get3A_1977, %get3A_1981 : vector<16xf32>
    %gt3A_1987 = arith.cmpf ogt, %add3A_1985, %add3A_1986 : vector<16xf32>
    %jit3A_1988 = arith.constant 1.000000e+00 : f32
    %jit3A_1989 = arith.constant 0.000000e+00 : f32
    %broadcast_in_dim3A_1990 = vector.broadcast %jit3A_1988 : f32 to vector<16xf32>
    %broadcast_in_dim3A_1991 = vector.broadcast %jit3A_1989 : f32 to vector<16xf32>
    %select_n3A_1992 = arith.select %gt3A_1984, %broadcast_in_dim3A_1990, %broadcast_in_dim3A_1991 : vector<16xi1>, vector<16xf32>
    %not3A_1993 = arith.constant dense<true> : vector<16xi1>
    %not3A_1994 = arith.xori %gt3A_1984, %not3A_1993 : vector<16xi1>
    %and3A_1995 = arith.andi %not3A_1994, %gt3A_1987 : vector<16xi1>
    %jit3A_1996 = arith.constant 1.000000e+00 : f32
    %jit3A_1997 = arith.constant 0.000000e+00 : f32
    %broadcast_in_dim3A_1998 = vector.broadcast %jit3A_1996 : f32 to vector<16xf32>
    %broadcast_in_dim3A_1999 = vector.broadcast %jit3A_1997 : f32 to vector<16xf32>
    %select_n3A_2000 = arith.select %and3A_1995, %broadcast_in_dim3A_1998, %broadcast_in_dim3A_1999 : vector<16xi1>, vector<16xf32>
    %sub3A_2001 = arith.constant 1.000000e+00 : f32
    %sub3A_2002 = vector.broadcast %sub3A_2001 : f32 to vector<16xf32>
    %sub3A_2003 = arith.subf %sub3A_2002, %select_n3A_1992 : vector<16xf32>
    %sub3A_2004 = arith.subf %sub3A_2003, %select_n3A_2000 : vector<16xf32>
    %swap3A_2005 = arith.constant 0 : i32
    %swap3A_2006 = arith.index_cast %swap3A_2005 : i32 to index
    %swap3A_2007 = arith.constant 544 : index
    %swap3A_2008 = tpu.vector_load %arg6[%swap3A_2006, %swap3A_2007] {strides = array<i32>} : memref<3x1024xf32, #tpu.memory_space<vmem>>, vector<16xf32>,
    tpu.vector_store %arg6[%swap3A_2006, %swap3A_2007], %select_n3A_1992 {strides = array<i32>} : memref<3x1024xf32, #tpu.memory_space<vmem>>, vector<16xf32>,
    %swap3A_2009 = arith.constant 1 : i32
    %swap3A_2010 = arith.index_cast %swap3A_2009 : i32 to index
    %swap3A_2011 = arith.constant 544 : index
    %swap3A_2012 = tpu.vector_load %arg6[%swap3A_2010, %swap3A_2011] {strides = array<i32>} : memref<3x1024xf32, #tpu.memory_space<vmem>>, vector<16xf32>,
    tpu.vector_store %arg6[%swap3A_2010, %swap3A_2011], %select_n3A_2000 {strides = array<i32>} : memref<3x1024xf32, #tpu.memory_space<vmem>>, vector<16xf32>,
    %swap3A_2013 = arith.constant 2 : i32
    %swap3A_2014 = arith.index_cast %swap3A_2013 : i32 to index
    %swap3A_2015 = arith.constant 544 : index
    %swap3A_2016 = tpu.vector_load %arg6[%swap3A_2014, %swap3A_2015] {strides = array<i32>} : memref<3x1024xf32, #tpu.memory_space<vmem>>, vector<16xf32>,
    tpu.vector_store %arg6[%swap3A_2014, %swap3A_2015], %sub3A_2004 {strides = array<i32>} : memref<3x1024xf32, #tpu.memory_space<vmem>>, vector<16xf32>,
    %get3A_2017 = arith.constant 0 : i32
    %get3A_2018 = arith.index_cast %get3A_2017 : i32 to index
    %get3A_2019 = arith.constant 560 : index
    %get3A_2020 = tpu.vector_load %arg5[%get3A_2018, %get3A_2019] {strides = array<i32>} : memref<1x1024xf32, #tpu.memory_space<vmem>>, vector<16xf32>,
    %get3A_2021 = arith.constant 0 : i32
    %get3A_2022 = arith.index_cast %get3A_2021 : i32 to index
    %get3A_2023 = arith.constant 560 : index
    %get3A_2024 = tpu.vector_load %arg4[%get3A_2022, %get3A_2023] {strides = array<i32>} : memref<4x1024xf32, #tpu.memory_space<vmem>>, vector<16xf32>,
    %get3A_2025 = arith.constant 1 : i32
    %get3A_2026 = arith.index_cast %get3A_2025 : i32 to index
    %get3A_2027 = arith.constant 560 : index
    %get3A_2028 = tpu.vector_load %arg4[%get3A_2026, %get3A_2027] {strides = array<i32>} : memref<4x1024xf32, #tpu.memory_space<vmem>>, vector<16xf32>,
    %get3A_2029 = arith.constant 2 : i32
    %get3A_2030 = arith.index_cast %get3A_2029 : i32 to index
    %get3A_2031 = arith.constant 560 : index
    %get3A_2032 = tpu.vector_load %arg4[%get3A_2030, %get3A_2031] {strides = array<i32>} : memref<4x1024xf32, #tpu.memory_space<vmem>>, vector<16xf32>,
    %get3A_2033 = arith.constant 3 : i32
    %get3A_2034 = arith.index_cast %get3A_2033 : i32 to index
    %get3A_2035 = arith.constant 560 : index
    %get3A_2036 = tpu.vector_load %arg4[%get3A_2034, %get3A_2035] {strides = array<i32>} : memref<4x1024xf32, #tpu.memory_space<vmem>>, vector<16xf32>,
    %gt3A_2037 = arith.constant 5.000000e-01 : f32
    %gt3A_2038 = vector.broadcast %gt3A_2037 : f32 to vector<16xf32>
    %gt3A_2039 = arith.cmpf ogt, %get3A_2020, %gt3A_2038 : vector<16xf32>
    %add3A_2040 = arith.addf %get3A_2024, %get3A_2028 : vector<16xf32>
    %add3A_2041 = arith.addf %get3A_2032, %get3A_2036 : vector<16xf32>
    %gt3A_2042 = arith.cmpf ogt, %add3A_2040, %add3A_2041 : vector<16xf32>
    %jit3A_2043 = arith.constant 1.000000e+00 : f32
    %jit3A_2044 = arith.constant 0.000000e+00 : f32
    %broadcast_in_dim3A_2045 = vector.broadcast %jit3A_2043 : f32 to vector<16xf32>
    %broadcast_in_dim3A_2046 = vector.broadcast %jit3A_2044 : f32 to vector<16xf32>
    %select_n3A_2047 = arith.select %gt3A_2039, %broadcast_in_dim3A_2045, %broadcast_in_dim3A_2046 : vector<16xi1>, vector<16xf32>
    %not3A_2048 = arith.constant dense<true> : vector<16xi1>
    %not3A_2049 = arith.xori %gt3A_2039, %not3A_2048 : vector<16xi1>
    %and3A_2050 = arith.andi %not3A_2049, %gt3A_2042 : vector<16xi1>
    %jit3A_2051 = arith.constant 1.000000e+00 : f32
    %jit3A_2052 = arith.constant 0.000000e+00 : f32
    %broadcast_in_dim3A_2053 = vector.broadcast %jit3A_2051 : f32 to vector<16xf32>
    %broadcast_in_dim3A_2054 = vector.broadcast %jit3A_2052 : f32 to vector<16xf32>
    %select_n3A_2055 = arith.select %and3A_2050, %broadcast_in_dim3A_2053, %broadcast_in_dim3A_2054 : vector<16xi1>, vector<16xf32>
    %sub3A_2056 = arith.constant 1.000000e+00 : f32
    %sub3A_2057 = vector.broadcast %sub3A_2056 : f32 to vector<16xf32>
    %sub3A_2058 = arith.subf %sub3A_2057, %select_n3A_2047 : vector<16xf32>
    %sub3A_2059 = arith.subf %sub3A_2058, %select_n3A_2055 : vector<16xf32>
    %swap3A_2060 = arith.constant 0 : i32
    %swap3A_2061 = arith.index_cast %swap3A_2060 : i32 to index
    %swap3A_2062 = arith.constant 560 : index
    %swap3A_2063 = tpu.vector_load %arg6[%swap3A_2061, %swap3A_2062] {strides = array<i32>} : memref<3x1024xf32, #tpu.memory_space<vmem>>, vector<16xf32>,
    tpu.vector_store %arg6[%swap3A_2061, %swap3A_2062], %select_n3A_2047 {strides = array<i32>} : memref<3x1024xf32, #tpu.memory_space<vmem>>, vector<16xf32>,
    %swap3A_2064 = arith.constant 1 : i32
    %swap3A_2065 = arith.index_cast %swap3A_2064 : i32 to index
    %swap3A_2066 = arith.constant 560 : index
    %swap3A_2067 = tpu.vector_load %arg6[%swap3A_2065, %swap3A_2066] {strides = array<i32>} : memref<3x1024xf32, #tpu.memory_space<vmem>>, vector<16xf32>,
    tpu.vector_store %arg6[%swap3A_2065, %swap3A_2066], %select_n3A_2055 {strides = array<i32>} : memref<3x1024xf32, #tpu.memory_space<vmem>>, vector<16xf32>,
    %swap3A_2068 = arith.constant 2 : i32
    %swap3A_2069 = arith.index_cast %swap3A_2068 : i32 to index
    %swap3A_2070 = arith.constant 560 : index
    %swap3A_2071 = tpu.vector_load %arg6[%swap3A_2069, %swap3A_2070] {strides = array<i32>} : memref<3x1024xf32, #tpu.memory_space<vmem>>, vector<16xf32>,
    tpu.vector_store %arg6[%swap3A_2069, %swap3A_2070], %sub3A_2059 {strides = array<i32>} : memref<3x1024xf32, #tpu.memory_space<vmem>>, vector<16xf32>,
    %get3A_2072 = arith.constant 0 : i32
    %get3A_2073 = arith.index_cast %get3A_2072 : i32 to index
    %get3A_2074 = arith.constant 576 : index
    %get3A_2075 = tpu.vector_load %arg5[%get3A_2073, %get3A_2074] {strides = array<i32>} : memref<1x1024xf32, #tpu.memory_space<vmem>>, vector<16xf32>,
    %get3A_2076 = arith.constant 0 : i32
    %get3A_2077 = arith.index_cast %get3A_2076 : i32 to index
    %get3A_2078 = arith.constant 576 : index
    %get3A_2079 = tpu.vector_load %arg4[%get3A_2077, %get3A_2078] {strides = array<i32>} : memref<4x1024xf32, #tpu.memory_space<vmem>>, vector<16xf32>,
    %get3A_2080 = arith.constant 1 : i32
    %get3A_2081 = arith.index_cast %get3A_2080 : i32 to index
    %get3A_2082 = arith.constant 576 : index
    %get3A_2083 = tpu.vector_load %arg4[%get3A_2081, %get3A_2082] {strides = array<i32>} : memref<4x1024xf32, #tpu.memory_space<vmem>>, vector<16xf32>,
    %get3A_2084 = arith.constant 2 : i32
    %get3A_2085 = arith.index_cast %get3A_2084 : i32 to index
    %get3A_2086 = arith.constant 576 : index
    %get3A_2087 = tpu.vector_load %arg4[%get3A_2085, %get3A_2086] {strides = array<i32>} : memref<4x1024xf32, #tpu.memory_space<vmem>>, vector<16xf32>,
    %get3A_2088 = arith.constant 3 : i32
    %get3A_2089 = arith.index_cast %get3A_2088 : i32 to index
    %get3A_2090 = arith.constant 576 : index
    %get3A_2091 = tpu.vector_load %arg4[%get3A_2089, %get3A_2090] {strides = array<i32>} : memref<4x1024xf32, #tpu.memory_space<vmem>>, vector<16xf32>,
    %gt3A_2092 = arith.constant 5.000000e-01 : f32
    %gt3A_2093 = vector.broadcast %gt3A_2092 : f32 to vector<16xf32>
    %gt3A_2094 = arith.cmpf ogt, %get3A_2075, %gt3A_2093 : vector<16xf32>
    %add3A_2095 = arith.addf %get3A_2079, %get3A_2083 : vector<16xf32>
    %add3A_2096 = arith.addf %get3A_2087, %get3A_2091 : vector<16xf32>
    %gt3A_2097 = arith.cmpf ogt, %add3A_2095, %add3A_2096 : vector<16xf32>
    %jit3A_2098 = arith.constant 1.000000e+00 : f32
    %jit3A_2099 = arith.constant 0.000000e+00 : f32
    %broadcast_in_dim3A_2100 = vector.broadcast %jit3A_2098 : f32 to vector<16xf32>
    %broadcast_in_dim3A_2101 = vector.broadcast %jit3A_2099 : f32 to vector<16xf32>
    %select_n3A_2102 = arith.select %gt3A_2094, %broadcast_in_dim3A_2100, %broadcast_in_dim3A_2101 : vector<16xi1>, vector<16xf32>
    %not3A_2103 = arith.constant dense<true> : vector<16xi1>
    %not3A_2104 = arith.xori %gt3A_2094, %not3A_2103 : vector<16xi1>
    %and3A_2105 = arith.andi %not3A_2104, %gt3A_2097 : vector<16xi1>
    %jit3A_2106 = arith.constant 1.000000e+00 : f32
    %jit3A_2107 = arith.constant 0.000000e+00 : f32
    %broadcast_in_dim3A_2108 = vector.broadcast %jit3A_2106 : f32 to vector<16xf32>
    %broadcast_in_dim3A_2109 = vector.broadcast %jit3A_2107 : f32 to vector<16xf32>
    %select_n3A_2110 = arith.select %and3A_2105, %broadcast_in_dim3A_2108, %broadcast_in_dim3A_2109 : vector<16xi1>, vector<16xf32>
    %sub3A_2111 = arith.constant 1.000000e+00 : f32
    %sub3A_2112 = vector.broadcast %sub3A_2111 : f32 to vector<16xf32>
    %sub3A_2113 = arith.subf %sub3A_2112, %select_n3A_2102 : vector<16xf32>
    %sub3A_2114 = arith.subf %sub3A_2113, %select_n3A_2110 : vector<16xf32>
    %swap3A_2115 = arith.constant 0 : i32
    %swap3A_2116 = arith.index_cast %swap3A_2115 : i32 to index
    %swap3A_2117 = arith.constant 576 : index
    %swap3A_2118 = tpu.vector_load %arg6[%swap3A_2116, %swap3A_2117] {strides = array<i32>} : memref<3x1024xf32, #tpu.memory_space<vmem>>, vector<16xf32>,
    tpu.vector_store %arg6[%swap3A_2116, %swap3A_2117], %select_n3A_2102 {strides = array<i32>} : memref<3x1024xf32, #tpu.memory_space<vmem>>, vector<16xf32>,
    %swap3A_2119 = arith.constant 1 : i32
    %swap3A_2120 = arith.index_cast %swap3A_2119 : i32 to index
    %swap3A_2121 = arith.constant 576 : index
    %swap3A_2122 = tpu.vector_load %arg6[%swap3A_2120, %swap3A_2121] {strides = array<i32>} : memref<3x1024xf32, #tpu.memory_space<vmem>>, vector<16xf32>,
    tpu.vector_store %arg6[%swap3A_2120, %swap3A_2121], %select_n3A_2110 {strides = array<i32>} : memref<3x1024xf32, #tpu.memory_space<vmem>>, vector<16xf32>,
    %swap3A_2123 = arith.constant 2 : i32
    %swap3A_2124 = arith.index_cast %swap3A_2123 : i32 to index
    %swap3A_2125 = arith.constant 576 : index
    %swap3A_2126 = tpu.vector_load %arg6[%swap3A_2124, %swap3A_2125] {strides = array<i32>} : memref<3x1024xf32, #tpu.memory_space<vmem>>, vector<16xf32>,
    tpu.vector_store %arg6[%swap3A_2124, %swap3A_2125], %sub3A_2114 {strides = array<i32>} : memref<3x1024xf32, #tpu.memory_space<vmem>>, vector<16xf32>,
    %get3A_2127 = arith.constant 0 : i32
    %get3A_2128 = arith.index_cast %get3A_2127 : i32 to index
    %get3A_2129 = arith.constant 592 : index
    %get3A_2130 = tpu.vector_load %arg5[%get3A_2128, %get3A_2129] {strides = array<i32>} : memref<1x1024xf32, #tpu.memory_space<vmem>>, vector<16xf32>,
    %get3A_2131 = arith.constant 0 : i32
    %get3A_2132 = arith.index_cast %get3A_2131 : i32 to index
    %get3A_2133 = arith.constant 592 : index
    %get3A_2134 = tpu.vector_load %arg4[%get3A_2132, %get3A_2133] {strides = array<i32>} : memref<4x1024xf32, #tpu.memory_space<vmem>>, vector<16xf32>,
    %get3A_2135 = arith.constant 1 : i32
    %get3A_2136 = arith.index_cast %get3A_2135 : i32 to index
    %get3A_2137 = arith.constant 592 : index
    %get3A_2138 = tpu.vector_load %arg4[%get3A_2136, %get3A_2137] {strides = array<i32>} : memref<4x1024xf32, #tpu.memory_space<vmem>>, vector<16xf32>,
    %get3A_2139 = arith.constant 2 : i32
    %get3A_2140 = arith.index_cast %get3A_2139 : i32 to index
    %get3A_2141 = arith.constant 592 : index
    %get3A_2142 = tpu.vector_load %arg4[%get3A_2140, %get3A_2141] {strides = array<i32>} : memref<4x1024xf32, #tpu.memory_space<vmem>>, vector<16xf32>,
    %get3A_2143 = arith.constant 3 : i32
    %get3A_2144 = arith.index_cast %get3A_2143 : i32 to index
    %get3A_2145 = arith.constant 592 : index
    %get3A_2146 = tpu.vector_load %arg4[%get3A_2144, %get3A_2145] {strides = array<i32>} : memref<4x1024xf32, #tpu.memory_space<vmem>>, vector<16xf32>,
    %gt3A_2147 = arith.constant 5.000000e-01 : f32
    %gt3A_2148 = vector.broadcast %gt3A_2147 : f32 to vector<16xf32>
    %gt3A_2149 = arith.cmpf ogt, %get3A_2130, %gt3A_2148 : vector<16xf32>
    %add3A_2150 = arith.addf %get3A_2134, %get3A_2138 : vector<16xf32>
    %add3A_2151 = arith.addf %get3A_2142, %get3A_2146 : vector<16xf32>
    %gt3A_2152 = arith.cmpf ogt, %add3A_2150, %add3A_2151 : vector<16xf32>
    %jit3A_2153 = arith.constant 1.000000e+00 : f32
    %jit3A_2154 = arith.constant 0.000000e+00 : f32
    %broadcast_in_dim3A_2155 = vector.broadcast %jit3A_2153 : f32 to vector<16xf32>
    %broadcast_in_dim3A_2156 = vector.broadcast %jit3A_2154 : f32 to vector<16xf32>
    %select_n3A_2157 = arith.select %gt3A_2149, %broadcast_in_dim3A_2155, %broadcast_in_dim3A_2156 : vector<16xi1>, vector<16xf32>
    %not3A_2158 = arith.constant dense<true> : vector<16xi1>
    %not3A_2159 = arith.xori %gt3A_2149, %not3A_2158 : vector<16xi1>
    %and3A_2160 = arith.andi %not3A_2159, %gt3A_2152 : vector<16xi1>
    %jit3A_2161 = arith.constant 1.000000e+00 : f32
    %jit3A_2162 = arith.constant 0.000000e+00 : f32
    %broadcast_in_dim3A_2163 = vector.broadcast %jit3A_2161 : f32 to vector<16xf32>
    %broadcast_in_dim3A_2164 = vector.broadcast %jit3A_2162 : f32 to vector<16xf32>
    %select_n3A_2165 = arith.select %and3A_2160, %broadcast_in_dim3A_2163, %broadcast_in_dim3A_2164 : vector<16xi1>, vector<16xf32>
    %sub3A_2166 = arith.constant 1.000000e+00 : f32
    %sub3A_2167 = vector.broadcast %sub3A_2166 : f32 to vector<16xf32>
    %sub3A_2168 = arith.subf %sub3A_2167, %select_n3A_2157 : vector<16xf32>
    %sub3A_2169 = arith.subf %sub3A_2168, %select_n3A_2165 : vector<16xf32>
    %swap3A_2170 = arith.constant 0 : i32
    %swap3A_2171 = arith.index_cast %swap3A_2170 : i32 to index
    %swap3A_2172 = arith.constant 592 : index
    %swap3A_2173 = tpu.vector_load %arg6[%swap3A_2171, %swap3A_2172] {strides = array<i32>} : memref<3x1024xf32, #tpu.memory_space<vmem>>, vector<16xf32>,
    tpu.vector_store %arg6[%swap3A_2171, %swap3A_2172], %select_n3A_2157 {strides = array<i32>} : memref<3x1024xf32, #tpu.memory_space<vmem>>, vector<16xf32>,
    %swap3A_2174 = arith.constant 1 : i32
    %swap3A_2175 = arith.index_cast %swap3A_2174 : i32 to index
    %swap3A_2176 = arith.constant 592 : index
    %swap3A_2177 = tpu.vector_load %arg6[%swap3A_2175, %swap3A_2176] {strides = array<i32>} : memref<3x1024xf32, #tpu.memory_space<vmem>>, vector<16xf32>,
    tpu.vector_store %arg6[%swap3A_2175, %swap3A_2176], %select_n3A_2165 {strides = array<i32>} : memref<3x1024xf32, #tpu.memory_space<vmem>>, vector<16xf32>,
    %swap3A_2178 = arith.constant 2 : i32
    %swap3A_2179 = arith.index_cast %swap3A_2178 : i32 to index
    %swap3A_2180 = arith.constant 592 : index
    %swap3A_2181 = tpu.vector_load %arg6[%swap3A_2179, %swap3A_2180] {strides = array<i32>} : memref<3x1024xf32, #tpu.memory_space<vmem>>, vector<16xf32>,
    tpu.vector_store %arg6[%swap3A_2179, %swap3A_2180], %sub3A_2169 {strides = array<i32>} : memref<3x1024xf32, #tpu.memory_space<vmem>>, vector<16xf32>,
    %get3A_2182 = arith.constant 0 : i32
    %get3A_2183 = arith.index_cast %get3A_2182 : i32 to index
    %get3A_2184 = arith.constant 608 : index
    %get3A_2185 = tpu.vector_load %arg5[%get3A_2183, %get3A_2184] {strides = array<i32>} : memref<1x1024xf32, #tpu.memory_space<vmem>>, vector<16xf32>,
    %get3A_2186 = arith.constant 0 : i32
    %get3A_2187 = arith.index_cast %get3A_2186 : i32 to index
    %get3A_2188 = arith.constant 608 : index
    %get3A_2189 = tpu.vector_load %arg4[%get3A_2187, %get3A_2188] {strides = array<i32>} : memref<4x1024xf32, #tpu.memory_space<vmem>>, vector<16xf32>,
    %get3A_2190 = arith.constant 1 : i32
    %get3A_2191 = arith.index_cast %get3A_2190 : i32 to index
    %get3A_2192 = arith.constant 608 : index
    %get3A_2193 = tpu.vector_load %arg4[%get3A_2191, %get3A_2192] {strides = array<i32>} : memref<4x1024xf32, #tpu.memory_space<vmem>>, vector<16xf32>,
    %get3A_2194 = arith.constant 2 : i32
    %get3A_2195 = arith.index_cast %get3A_2194 : i32 to index
    %get3A_2196 = arith.constant 608 : index
    %get3A_2197 = tpu.vector_load %arg4[%get3A_2195, %get3A_2196] {strides = array<i32>} : memref<4x1024xf32, #tpu.memory_space<vmem>>, vector<16xf32>,
    %get3A_2198 = arith.constant 3 : i32
    %get3A_2199 = arith.index_cast %get3A_2198 : i32 to index
    %get3A_2200 = arith.constant 608 : index
    %get3A_2201 = tpu.vector_load %arg4[%get3A_2199, %get3A_2200] {strides = array<i32>} : memref<4x1024xf32, #tpu.memory_space<vmem>>, vector<16xf32>,
    %gt3A_2202 = arith.constant 5.000000e-01 : f32
    %gt3A_2203 = vector.broadcast %gt3A_2202 : f32 to vector<16xf32>
    %gt3A_2204 = arith.cmpf ogt, %get3A_2185, %gt3A_2203 : vector<16xf32>
    %add3A_2205 = arith.addf %get3A_2189, %get3A_2193 : vector<16xf32>
    %add3A_2206 = arith.addf %get3A_2197, %get3A_2201 : vector<16xf32>
    %gt3A_2207 = arith.cmpf ogt, %add3A_2205, %add3A_2206 : vector<16xf32>
    %jit3A_2208 = arith.constant 1.000000e+00 : f32
    %jit3A_2209 = arith.constant 0.000000e+00 : f32
    %broadcast_in_dim3A_2210 = vector.broadcast %jit3A_2208 : f32 to vector<16xf32>
    %broadcast_in_dim3A_2211 = vector.broadcast %jit3A_2209 : f32 to vector<16xf32>
    %select_n3A_2212 = arith.select %gt3A_2204, %broadcast_in_dim3A_2210, %broadcast_in_dim3A_2211 : vector<16xi1>, vector<16xf32>
    %not3A_2213 = arith.constant dense<true> : vector<16xi1>
    %not3A_2214 = arith.xori %gt3A_2204, %not3A_2213 : vector<16xi1>
    %and3A_2215 = arith.andi %not3A_2214, %gt3A_2207 : vector<16xi1>
    %jit3A_2216 = arith.constant 1.000000e+00 : f32
    %jit3A_2217 = arith.constant 0.000000e+00 : f32
    %broadcast_in_dim3A_2218 = vector.broadcast %jit3A_2216 : f32 to vector<16xf32>
    %broadcast_in_dim3A_2219 = vector.broadcast %jit3A_2217 : f32 to vector<16xf32>
    %select_n3A_2220 = arith.select %and3A_2215, %broadcast_in_dim3A_2218, %broadcast_in_dim3A_2219 : vector<16xi1>, vector<16xf32>
    %sub3A_2221 = arith.constant 1.000000e+00 : f32
    %sub3A_2222 = vector.broadcast %sub3A_2221 : f32 to vector<16xf32>
    %sub3A_2223 = arith.subf %sub3A_2222, %select_n3A_2212 : vector<16xf32>
    %sub3A_2224 = arith.subf %sub3A_2223, %select_n3A_2220 : vector<16xf32>
    %swap3A_2225 = arith.constant 0 : i32
    %swap3A_2226 = arith.index_cast %swap3A_2225 : i32 to index
    %swap3A_2227 = arith.constant 608 : index
    %swap3A_2228 = tpu.vector_load %arg6[%swap3A_2226, %swap3A_2227] {strides = array<i32>} : memref<3x1024xf32, #tpu.memory_space<vmem>>, vector<16xf32>,
    tpu.vector_store %arg6[%swap3A_2226, %swap3A_2227], %select_n3A_2212 {strides = array<i32>} : memref<3x1024xf32, #tpu.memory_space<vmem>>, vector<16xf32>,
    %swap3A_2229 = arith.constant 1 : i32
    %swap3A_2230 = arith.index_cast %swap3A_2229 : i32 to index
    %swap3A_2231 = arith.constant 608 : index
    %swap3A_2232 = tpu.vector_load %arg6[%swap3A_2230, %swap3A_2231] {strides = array<i32>} : memref<3x1024xf32, #tpu.memory_space<vmem>>, vector<16xf32>,
    tpu.vector_store %arg6[%swap3A_2230, %swap3A_2231], %select_n3A_2220 {strides = array<i32>} : memref<3x1024xf32, #tpu.memory_space<vmem>>, vector<16xf32>,
    %swap3A_2233 = arith.constant 2 : i32
    %swap3A_2234 = arith.index_cast %swap3A_2233 : i32 to index
    %swap3A_2235 = arith.constant 608 : index
    %swap3A_2236 = tpu.vector_load %arg6[%swap3A_2234, %swap3A_2235] {strides = array<i32>} : memref<3x1024xf32, #tpu.memory_space<vmem>>, vector<16xf32>,
    tpu.vector_store %arg6[%swap3A_2234, %swap3A_2235], %sub3A_2224 {strides = array<i32>} : memref<3x1024xf32, #tpu.memory_space<vmem>>, vector<16xf32>,
    %get3A_2237 = arith.constant 0 : i32
    %get3A_2238 = arith.index_cast %get3A_2237 : i32 to index
    %get3A_2239 = arith.constant 624 : index
    %get3A_2240 = tpu.vector_load %arg5[%get3A_2238, %get3A_2239] {strides = array<i32>} : memref<1x1024xf32, #tpu.memory_space<vmem>>, vector<16xf32>,
    %get3A_2241 = arith.constant 0 : i32
    %get3A_2242 = arith.index_cast %get3A_2241 : i32 to index
    %get3A_2243 = arith.constant 624 : index
    %get3A_2244 = tpu.vector_load %arg4[%get3A_2242, %get3A_2243] {strides = array<i32>} : memref<4x1024xf32, #tpu.memory_space<vmem>>, vector<16xf32>,
    %get3A_2245 = arith.constant 1 : i32
    %get3A_2246 = arith.index_cast %get3A_2245 : i32 to index
    %get3A_2247 = arith.constant 624 : index
    %get3A_2248 = tpu.vector_load %arg4[%get3A_2246, %get3A_2247] {strides = array<i32>} : memref<4x1024xf32, #tpu.memory_space<vmem>>, vector<16xf32>,
    %get3A_2249 = arith.constant 2 : i32
    %get3A_2250 = arith.index_cast %get3A_2249 : i32 to index
    %get3A_2251 = arith.constant 624 : index
    %get3A_2252 = tpu.vector_load %arg4[%get3A_2250, %get3A_2251] {strides = array<i32>} : memref<4x1024xf32, #tpu.memory_space<vmem>>, vector<16xf32>,
    %get3A_2253 = arith.constant 3 : i32
    %get3A_2254 = arith.index_cast %get3A_2253 : i32 to index
    %get3A_2255 = arith.constant 624 : index
    %get3A_2256 = tpu.vector_load %arg4[%get3A_2254, %get3A_2255] {strides = array<i32>} : memref<4x1024xf32, #tpu.memory_space<vmem>>, vector<16xf32>,
    %gt3A_2257 = arith.constant 5.000000e-01 : f32
    %gt3A_2258 = vector.broadcast %gt3A_2257 : f32 to vector<16xf32>
    %gt3A_2259 = arith.cmpf ogt, %get3A_2240, %gt3A_2258 : vector<16xf32>
    %add3A_2260 = arith.addf %get3A_2244, %get3A_2248 : vector<16xf32>
    %add3A_2261 = arith.addf %get3A_2252, %get3A_2256 : vector<16xf32>
    %gt3A_2262 = arith.cmpf ogt, %add3A_2260, %add3A_2261 : vector<16xf32>
    %jit3A_2263 = arith.constant 1.000000e+00 : f32
    %jit3A_2264 = arith.constant 0.000000e+00 : f32
    %broadcast_in_dim3A_2265 = vector.broadcast %jit3A_2263 : f32 to vector<16xf32>
    %broadcast_in_dim3A_2266 = vector.broadcast %jit3A_2264 : f32 to vector<16xf32>
    %select_n3A_2267 = arith.select %gt3A_2259, %broadcast_in_dim3A_2265, %broadcast_in_dim3A_2266 : vector<16xi1>, vector<16xf32>
    %not3A_2268 = arith.constant dense<true> : vector<16xi1>
    %not3A_2269 = arith.xori %gt3A_2259, %not3A_2268 : vector<16xi1>
    %and3A_2270 = arith.andi %not3A_2269, %gt3A_2262 : vector<16xi1>
    %jit3A_2271 = arith.constant 1.000000e+00 : f32
    %jit3A_2272 = arith.constant 0.000000e+00 : f32
    %broadcast_in_dim3A_2273 = vector.broadcast %jit3A_2271 : f32 to vector<16xf32>
    %broadcast_in_dim3A_2274 = vector.broadcast %jit3A_2272 : f32 to vector<16xf32>
    %select_n3A_2275 = arith.select %and3A_2270, %broadcast_in_dim3A_2273, %broadcast_in_dim3A_2274 : vector<16xi1>, vector<16xf32>
    %sub3A_2276 = arith.constant 1.000000e+00 : f32
    %sub3A_2277 = vector.broadcast %sub3A_2276 : f32 to vector<16xf32>
    %sub3A_2278 = arith.subf %sub3A_2277, %select_n3A_2267 : vector<16xf32>
    %sub3A_2279 = arith.subf %sub3A_2278, %select_n3A_2275 : vector<16xf32>
    %swap3A_2280 = arith.constant 0 : i32
    %swap3A_2281 = arith.index_cast %swap3A_2280 : i32 to index
    %swap3A_2282 = arith.constant 624 : index
    %swap3A_2283 = tpu.vector_load %arg6[%swap3A_2281, %swap3A_2282] {strides = array<i32>} : memref<3x1024xf32, #tpu.memory_space<vmem>>, vector<16xf32>,
    tpu.vector_store %arg6[%swap3A_2281, %swap3A_2282], %select_n3A_2267 {strides = array<i32>} : memref<3x1024xf32, #tpu.memory_space<vmem>>, vector<16xf32>,
    %swap3A_2284 = arith.constant 1 : i32
    %swap3A_2285 = arith.index_cast %swap3A_2284 : i32 to index
    %swap3A_2286 = arith.constant 624 : index
    %swap3A_2287 = tpu.vector_load %arg6[%swap3A_2285, %swap3A_2286] {strides = array<i32>} : memref<3x1024xf32, #tpu.memory_space<vmem>>, vector<16xf32>,
    tpu.vector_store %arg6[%swap3A_2285, %swap3A_2286], %select_n3A_2275 {strides = array<i32>} : memref<3x1024xf32, #tpu.memory_space<vmem>>, vector<16xf32>,
    %swap3A_2288 = arith.constant 2 : i32
    %swap3A_2289 = arith.index_cast %swap3A_2288 : i32 to index
    %swap3A_2290 = arith.constant 624 : index
    %swap3A_2291 = tpu.vector_load %arg6[%swap3A_2289, %swap3A_2290] {strides = array<i32>} : memref<3x1024xf32, #tpu.memory_space<vmem>>, vector<16xf32>,
    tpu.vector_store %arg6[%swap3A_2289, %swap3A_2290], %sub3A_2279 {strides = array<i32>} : memref<3x1024xf32, #tpu.memory_space<vmem>>, vector<16xf32>,
    %get3A_2292 = arith.constant 0 : i32
    %get3A_2293 = arith.index_cast %get3A_2292 : i32 to index
    %get3A_2294 = arith.constant 640 : index
    %get3A_2295 = tpu.vector_load %arg5[%get3A_2293, %get3A_2294] {strides = array<i32>} : memref<1x1024xf32, #tpu.memory_space<vmem>>, vector<16xf32>,
    %get3A_2296 = arith.constant 0 : i32
    %get3A_2297 = arith.index_cast %get3A_2296 : i32 to index
    %get3A_2298 = arith.constant 640 : index
    %get3A_2299 = tpu.vector_load %arg4[%get3A_2297, %get3A_2298] {strides = array<i32>} : memref<4x1024xf32, #tpu.memory_space<vmem>>, vector<16xf32>,
    %get3A_2300 = arith.constant 1 : i32
    %get3A_2301 = arith.index_cast %get3A_2300 : i32 to index
    %get3A_2302 = arith.constant 640 : index
    %get3A_2303 = tpu.vector_load %arg4[%get3A_2301, %get3A_2302] {strides = array<i32>} : memref<4x1024xf32, #tpu.memory_space<vmem>>, vector<16xf32>,
    %get3A_2304 = arith.constant 2 : i32
    %get3A_2305 = arith.index_cast %get3A_2304 : i32 to index
    %get3A_2306 = arith.constant 640 : index
    %get3A_2307 = tpu.vector_load %arg4[%get3A_2305, %get3A_2306] {strides = array<i32>} : memref<4x1024xf32, #tpu.memory_space<vmem>>, vector<16xf32>,
    %get3A_2308 = arith.constant 3 : i32
    %get3A_2309 = arith.index_cast %get3A_2308 : i32 to index
    %get3A_2310 = arith.constant 640 : index
    %get3A_2311 = tpu.vector_load %arg4[%get3A_2309, %get3A_2310] {strides = array<i32>} : memref<4x1024xf32, #tpu.memory_space<vmem>>, vector<16xf32>,
    %gt3A_2312 = arith.constant 5.000000e-01 : f32
    %gt3A_2313 = vector.broadcast %gt3A_2312 : f32 to vector<16xf32>
    %gt3A_2314 = arith.cmpf ogt, %get3A_2295, %gt3A_2313 : vector<16xf32>
    %add3A_2315 = arith.addf %get3A_2299, %get3A_2303 : vector<16xf32>
    %add3A_2316 = arith.addf %get3A_2307, %get3A_2311 : vector<16xf32>
    %gt3A_2317 = arith.cmpf ogt, %add3A_2315, %add3A_2316 : vector<16xf32>
    %jit3A_2318 = arith.constant 1.000000e+00 : f32
    %jit3A_2319 = arith.constant 0.000000e+00 : f32
    %broadcast_in_dim3A_2320 = vector.broadcast %jit3A_2318 : f32 to vector<16xf32>
    %broadcast_in_dim3A_2321 = vector.broadcast %jit3A_2319 : f32 to vector<16xf32>
    %select_n3A_2322 = arith.select %gt3A_2314, %broadcast_in_dim3A_2320, %broadcast_in_dim3A_2321 : vector<16xi1>, vector<16xf32>
    %not3A_2323 = arith.constant dense<true> : vector<16xi1>
    %not3A_2324 = arith.xori %gt3A_2314, %not3A_2323 : vector<16xi1>
    %and3A_2325 = arith.andi %not3A_2324, %gt3A_2317 : vector<16xi1>
    %jit3A_2326 = arith.constant 1.000000e+00 : f32
    %jit3A_2327 = arith.constant 0.000000e+00 : f32
    %broadcast_in_dim3A_2328 = vector.broadcast %jit3A_2326 : f32 to vector<16xf32>
    %broadcast_in_dim3A_2329 = vector.broadcast %jit3A_2327 : f32 to vector<16xf32>
    %select_n3A_2330 = arith.select %and3A_2325, %broadcast_in_dim3A_2328, %broadcast_in_dim3A_2329 : vector<16xi1>, vector<16xf32>
    %sub3A_2331 = arith.constant 1.000000e+00 : f32
    %sub3A_2332 = vector.broadcast %sub3A_2331 : f32 to vector<16xf32>
    %sub3A_2333 = arith.subf %sub3A_2332, %select_n3A_2322 : vector<16xf32>
    %sub3A_2334 = arith.subf %sub3A_2333, %select_n3A_2330 : vector<16xf32>
    %swap3A_2335 = arith.constant 0 : i32
    %swap3A_2336 = arith.index_cast %swap3A_2335 : i32 to index
    %swap3A_2337 = arith.constant 640 : index
    %swap3A_2338 = tpu.vector_load %arg6[%swap3A_2336, %swap3A_2337] {strides = array<i32>} : memref<3x1024xf32, #tpu.memory_space<vmem>>, vector<16xf32>,
    tpu.vector_store %arg6[%swap3A_2336, %swap3A_2337], %select_n3A_2322 {strides = array<i32>} : memref<3x1024xf32, #tpu.memory_space<vmem>>, vector<16xf32>,
    %swap3A_2339 = arith.constant 1 : i32
    %swap3A_2340 = arith.index_cast %swap3A_2339 : i32 to index
    %swap3A_2341 = arith.constant 640 : index
    %swap3A_2342 = tpu.vector_load %arg6[%swap3A_2340, %swap3A_2341] {strides = array<i32>} : memref<3x1024xf32, #tpu.memory_space<vmem>>, vector<16xf32>,
    tpu.vector_store %arg6[%swap3A_2340, %swap3A_2341], %select_n3A_2330 {strides = array<i32>} : memref<3x1024xf32, #tpu.memory_space<vmem>>, vector<16xf32>,
    %swap3A_2343 = arith.constant 2 : i32
    %swap3A_2344 = arith.index_cast %swap3A_2343 : i32 to index
    %swap3A_2345 = arith.constant 640 : index
    %swap3A_2346 = tpu.vector_load %arg6[%swap3A_2344, %swap3A_2345] {strides = array<i32>} : memref<3x1024xf32, #tpu.memory_space<vmem>>, vector<16xf32>,
    tpu.vector_store %arg6[%swap3A_2344, %swap3A_2345], %sub3A_2334 {strides = array<i32>} : memref<3x1024xf32, #tpu.memory_space<vmem>>, vector<16xf32>,
    %get3A_2347 = arith.constant 0 : i32
    %get3A_2348 = arith.index_cast %get3A_2347 : i32 to index
    %get3A_2349 = arith.constant 656 : index
    %get3A_2350 = tpu.vector_load %arg5[%get3A_2348, %get3A_2349] {strides = array<i32>} : memref<1x1024xf32, #tpu.memory_space<vmem>>, vector<16xf32>,
    %get3A_2351 = arith.constant 0 : i32
    %get3A_2352 = arith.index_cast %get3A_2351 : i32 to index
    %get3A_2353 = arith.constant 656 : index
    %get3A_2354 = tpu.vector_load %arg4[%get3A_2352, %get3A_2353] {strides = array<i32>} : memref<4x1024xf32, #tpu.memory_space<vmem>>, vector<16xf32>,
    %get3A_2355 = arith.constant 1 : i32
    %get3A_2356 = arith.index_cast %get3A_2355 : i32 to index
    %get3A_2357 = arith.constant 656 : index
    %get3A_2358 = tpu.vector_load %arg4[%get3A_2356, %get3A_2357] {strides = array<i32>} : memref<4x1024xf32, #tpu.memory_space<vmem>>, vector<16xf32>,
    %get3A_2359 = arith.constant 2 : i32
    %get3A_2360 = arith.index_cast %get3A_2359 : i32 to index
    %get3A_2361 = arith.constant 656 : index
    %get3A_2362 = tpu.vector_load %arg4[%get3A_2360, %get3A_2361] {strides = array<i32>} : memref<4x1024xf32, #tpu.memory_space<vmem>>, vector<16xf32>,
    %get3A_2363 = arith.constant 3 : i32
    %get3A_2364 = arith.index_cast %get3A_2363 : i32 to index
    %get3A_2365 = arith.constant 656 : index
    %get3A_2366 = tpu.vector_load %arg4[%get3A_2364, %get3A_2365] {strides = array<i32>} : memref<4x1024xf32, #tpu.memory_space<vmem>>, vector<16xf32>,
    %gt3A_2367 = arith.constant 5.000000e-01 : f32
    %gt3A_2368 = vector.broadcast %gt3A_2367 : f32 to vector<16xf32>
    %gt3A_2369 = arith.cmpf ogt, %get3A_2350, %gt3A_2368 : vector<16xf32>
    %add3A_2370 = arith.addf %get3A_2354, %get3A_2358 : vector<16xf32>
    %add3A_2371 = arith.addf %get3A_2362, %get3A_2366 : vector<16xf32>
    %gt3A_2372 = arith.cmpf ogt, %add3A_2370, %add3A_2371 : vector<16xf32>
    %jit3A_2373 = arith.constant 1.000000e+00 : f32
    %jit3A_2374 = arith.constant 0.000000e+00 : f32
    %broadcast_in_dim3A_2375 = vector.broadcast %jit3A_2373 : f32 to vector<16xf32>
    %broadcast_in_dim3A_2376 = vector.broadcast %jit3A_2374 : f32 to vector<16xf32>
    %select_n3A_2377 = arith.select %gt3A_2369, %broadcast_in_dim3A_2375, %broadcast_in_dim3A_2376 : vector<16xi1>, vector<16xf32>
    %not3A_2378 = arith.constant dense<true> : vector<16xi1>
    %not3A_2379 = arith.xori %gt3A_2369, %not3A_2378 : vector<16xi1>
    %and3A_2380 = arith.andi %not3A_2379, %gt3A_2372 : vector<16xi1>
    %jit3A_2381 = arith.constant 1.000000e+00 : f32
    %jit3A_2382 = arith.constant 0.000000e+00 : f32
    %broadcast_in_dim3A_2383 = vector.broadcast %jit3A_2381 : f32 to vector<16xf32>
    %broadcast_in_dim3A_2384 = vector.broadcast %jit3A_2382 : f32 to vector<16xf32>
    %select_n3A_2385 = arith.select %and3A_2380, %broadcast_in_dim3A_2383, %broadcast_in_dim3A_2384 : vector<16xi1>, vector<16xf32>
    %sub3A_2386 = arith.constant 1.000000e+00 : f32
    %sub3A_2387 = vector.broadcast %sub3A_2386 : f32 to vector<16xf32>
    %sub3A_2388 = arith.subf %sub3A_2387, %select_n3A_2377 : vector<16xf32>
    %sub3A_2389 = arith.subf %sub3A_2388, %select_n3A_2385 : vector<16xf32>
    %swap3A_2390 = arith.constant 0 : i32
    %swap3A_2391 = arith.index_cast %swap3A_2390 : i32 to index
    %swap3A_2392 = arith.constant 656 : index
    %swap3A_2393 = tpu.vector_load %arg6[%swap3A_2391, %swap3A_2392] {strides = array<i32>} : memref<3x1024xf32, #tpu.memory_space<vmem>>, vector<16xf32>,
    tpu.vector_store %arg6[%swap3A_2391, %swap3A_2392], %select_n3A_2377 {strides = array<i32>} : memref<3x1024xf32, #tpu.memory_space<vmem>>, vector<16xf32>,
    %swap3A_2394 = arith.constant 1 : i32
    %swap3A_2395 = arith.index_cast %swap3A_2394 : i32 to index
    %swap3A_2396 = arith.constant 656 : index
    %swap3A_2397 = tpu.vector_load %arg6[%swap3A_2395, %swap3A_2396] {strides = array<i32>} : memref<3x1024xf32, #tpu.memory_space<vmem>>, vector<16xf32>,
    tpu.vector_store %arg6[%swap3A_2395, %swap3A_2396], %select_n3A_2385 {strides = array<i32>} : memref<3x1024xf32, #tpu.memory_space<vmem>>, vector<16xf32>,
    %swap3A_2398 = arith.constant 2 : i32
    %swap3A_2399 = arith.index_cast %swap3A_2398 : i32 to index
    %swap3A_2400 = arith.constant 656 : index
    %swap3A_2401 = tpu.vector_load %arg6[%swap3A_2399, %swap3A_2400] {strides = array<i32>} : memref<3x1024xf32, #tpu.memory_space<vmem>>, vector<16xf32>,
    tpu.vector_store %arg6[%swap3A_2399, %swap3A_2400], %sub3A_2389 {strides = array<i32>} : memref<3x1024xf32, #tpu.memory_space<vmem>>, vector<16xf32>,
    %get3A_2402 = arith.constant 0 : i32
    %get3A_2403 = arith.index_cast %get3A_2402 : i32 to index
    %get3A_2404 = arith.constant 672 : index
    %get3A_2405 = tpu.vector_load %arg5[%get3A_2403, %get3A_2404] {strides = array<i32>} : memref<1x1024xf32, #tpu.memory_space<vmem>>, vector<16xf32>,
    %get3A_2406 = arith.constant 0 : i32
    %get3A_2407 = arith.index_cast %get3A_2406 : i32 to index
    %get3A_2408 = arith.constant 672 : index
    %get3A_2409 = tpu.vector_load %arg4[%get3A_2407, %get3A_2408] {strides = array<i32>} : memref<4x1024xf32, #tpu.memory_space<vmem>>, vector<16xf32>,
    %get3A_2410 = arith.constant 1 : i32
    %get3A_2411 = arith.index_cast %get3A_2410 : i32 to index
    %get3A_2412 = arith.constant 672 : index
    %get3A_2413 = tpu.vector_load %arg4[%get3A_2411, %get3A_2412] {strides = array<i32>} : memref<4x1024xf32, #tpu.memory_space<vmem>>, vector<16xf32>,
    %get3A_2414 = arith.constant 2 : i32
    %get3A_2415 = arith.index_cast %get3A_2414 : i32 to index
    %get3A_2416 = arith.constant 672 : index
    %get3A_2417 = tpu.vector_load %arg4[%get3A_2415, %get3A_2416] {strides = array<i32>} : memref<4x1024xf32, #tpu.memory_space<vmem>>, vector<16xf32>,
    %get3A_2418 = arith.constant 3 : i32
    %get3A_2419 = arith.index_cast %get3A_2418 : i32 to index
    %get3A_2420 = arith.constant 672 : index
    %get3A_2421 = tpu.vector_load %arg4[%get3A_2419, %get3A_2420] {strides = array<i32>} : memref<4x1024xf32, #tpu.memory_space<vmem>>, vector<16xf32>,
    %gt3A_2422 = arith.constant 5.000000e-01 : f32
    %gt3A_2423 = vector.broadcast %gt3A_2422 : f32 to vector<16xf32>
    %gt3A_2424 = arith.cmpf ogt, %get3A_2405, %gt3A_2423 : vector<16xf32>
    %add3A_2425 = arith.addf %get3A_2409, %get3A_2413 : vector<16xf32>
    %add3A_2426 = arith.addf %get3A_2417, %get3A_2421 : vector<16xf32>
    %gt3A_2427 = arith.cmpf ogt, %add3A_2425, %add3A_2426 : vector<16xf32>
    %jit3A_2428 = arith.constant 1.000000e+00 : f32
    %jit3A_2429 = arith.constant 0.000000e+00 : f32
    %broadcast_in_dim3A_2430 = vector.broadcast %jit3A_2428 : f32 to vector<16xf32>
    %broadcast_in_dim3A_2431 = vector.broadcast %jit3A_2429 : f32 to vector<16xf32>
    %select_n3A_2432 = arith.select %gt3A_2424, %broadcast_in_dim3A_2430, %broadcast_in_dim3A_2431 : vector<16xi1>, vector<16xf32>
    %not3A_2433 = arith.constant dense<true> : vector<16xi1>
    %not3A_2434 = arith.xori %gt3A_2424, %not3A_2433 : vector<16xi1>
    %and3A_2435 = arith.andi %not3A_2434, %gt3A_2427 : vector<16xi1>
    %jit3A_2436 = arith.constant 1.000000e+00 : f32
    %jit3A_2437 = arith.constant 0.000000e+00 : f32
    %broadcast_in_dim3A_2438 = vector.broadcast %jit3A_2436 : f32 to vector<16xf32>
    %broadcast_in_dim3A_2439 = vector.broadcast %jit3A_2437 : f32 to vector<16xf32>
    %select_n3A_2440 = arith.select %and3A_2435, %broadcast_in_dim3A_2438, %broadcast_in_dim3A_2439 : vector<16xi1>, vector<16xf32>
    %sub3A_2441 = arith.constant 1.000000e+00 : f32
    %sub3A_2442 = vector.broadcast %sub3A_2441 : f32 to vector<16xf32>
    %sub3A_2443 = arith.subf %sub3A_2442, %select_n3A_2432 : vector<16xf32>
    %sub3A_2444 = arith.subf %sub3A_2443, %select_n3A_2440 : vector<16xf32>
    %swap3A_2445 = arith.constant 0 : i32
    %swap3A_2446 = arith.index_cast %swap3A_2445 : i32 to index
    %swap3A_2447 = arith.constant 672 : index
    %swap3A_2448 = tpu.vector_load %arg6[%swap3A_2446, %swap3A_2447] {strides = array<i32>} : memref<3x1024xf32, #tpu.memory_space<vmem>>, vector<16xf32>,
    tpu.vector_store %arg6[%swap3A_2446, %swap3A_2447], %select_n3A_2432 {strides = array<i32>} : memref<3x1024xf32, #tpu.memory_space<vmem>>, vector<16xf32>,
    %swap3A_2449 = arith.constant 1 : i32
    %swap3A_2450 = arith.index_cast %swap3A_2449 : i32 to index
    %swap3A_2451 = arith.constant 672 : index
    %swap3A_2452 = tpu.vector_load %arg6[%swap3A_2450, %swap3A_2451] {strides = array<i32>} : memref<3x1024xf32, #tpu.memory_space<vmem>>, vector<16xf32>,
    tpu.vector_store %arg6[%swap3A_2450, %swap3A_2451], %select_n3A_2440 {strides = array<i32>} : memref<3x1024xf32, #tpu.memory_space<vmem>>, vector<16xf32>,
    %swap3A_2453 = arith.constant 2 : i32
    %swap3A_2454 = arith.index_cast %swap3A_2453 : i32 to index
    %swap3A_2455 = arith.constant 672 : index
    %swap3A_2456 = tpu.vector_load %arg6[%swap3A_2454, %swap3A_2455] {strides = array<i32>} : memref<3x1024xf32, #tpu.memory_space<vmem>>, vector<16xf32>,
    tpu.vector_store %arg6[%swap3A_2454, %swap3A_2455], %sub3A_2444 {strides = array<i32>} : memref<3x1024xf32, #tpu.memory_space<vmem>>, vector<16xf32>,
    %get3A_2457 = arith.constant 0 : i32
    %get3A_2458 = arith.index_cast %get3A_2457 : i32 to index
    %get3A_2459 = arith.constant 688 : index
    %get3A_2460 = tpu.vector_load %arg5[%get3A_2458, %get3A_2459] {strides = array<i32>} : memref<1x1024xf32, #tpu.memory_space<vmem>>, vector<16xf32>,
    %get3A_2461 = arith.constant 0 : i32
    %get3A_2462 = arith.index_cast %get3A_2461 : i32 to index
    %get3A_2463 = arith.constant 688 : index
    %get3A_2464 = tpu.vector_load %arg4[%get3A_2462, %get3A_2463] {strides = array<i32>} : memref<4x1024xf32, #tpu.memory_space<vmem>>, vector<16xf32>,
    %get3A_2465 = arith.constant 1 : i32
    %get3A_2466 = arith.index_cast %get3A_2465 : i32 to index
    %get3A_2467 = arith.constant 688 : index
    %get3A_2468 = tpu.vector_load %arg4[%get3A_2466, %get3A_2467] {strides = array<i32>} : memref<4x1024xf32, #tpu.memory_space<vmem>>, vector<16xf32>,
    %get3A_2469 = arith.constant 2 : i32
    %get3A_2470 = arith.index_cast %get3A_2469 : i32 to index
    %get3A_2471 = arith.constant 688 : index
    %get3A_2472 = tpu.vector_load %arg4[%get3A_2470, %get3A_2471] {strides = array<i32>} : memref<4x1024xf32, #tpu.memory_space<vmem>>, vector<16xf32>,
    %get3A_2473 = arith.constant 3 : i32
    %get3A_2474 = arith.index_cast %get3A_2473 : i32 to index
    %get3A_2475 = arith.constant 688 : index
    %get3A_2476 = tpu.vector_load %arg4[%get3A_2474, %get3A_2475] {strides = array<i32>} : memref<4x1024xf32, #tpu.memory_space<vmem>>, vector<16xf32>,
    %gt3A_2477 = arith.constant 5.000000e-01 : f32
    %gt3A_2478 = vector.broadcast %gt3A_2477 : f32 to vector<16xf32>
    %gt3A_2479 = arith.cmpf ogt, %get3A_2460, %gt3A_2478 : vector<16xf32>
    %add3A_2480 = arith.addf %get3A_2464, %get3A_2468 : vector<16xf32>
    %add3A_2481 = arith.addf %get3A_2472, %get3A_2476 : vector<16xf32>
    %gt3A_2482 = arith.cmpf ogt, %add3A_2480, %add3A_2481 : vector<16xf32>
    %jit3A_2483 = arith.constant 1.000000e+00 : f32
    %jit3A_2484 = arith.constant 0.000000e+00 : f32
    %broadcast_in_dim3A_2485 = vector.broadcast %jit3A_2483 : f32 to vector<16xf32>
    %broadcast_in_dim3A_2486 = vector.broadcast %jit3A_2484 : f32 to vector<16xf32>
    %select_n3A_2487 = arith.select %gt3A_2479, %broadcast_in_dim3A_2485, %broadcast_in_dim3A_2486 : vector<16xi1>, vector<16xf32>
    %not3A_2488 = arith.constant dense<true> : vector<16xi1>
    %not3A_2489 = arith.xori %gt3A_2479, %not3A_2488 : vector<16xi1>
    %and3A_2490 = arith.andi %not3A_2489, %gt3A_2482 : vector<16xi1>
    %jit3A_2491 = arith.constant 1.000000e+00 : f32
    %jit3A_2492 = arith.constant 0.000000e+00 : f32
    %broadcast_in_dim3A_2493 = vector.broadcast %jit3A_2491 : f32 to vector<16xf32>
    %broadcast_in_dim3A_2494 = vector.broadcast %jit3A_2492 : f32 to vector<16xf32>
    %select_n3A_2495 = arith.select %and3A_2490, %broadcast_in_dim3A_2493, %broadcast_in_dim3A_2494 : vector<16xi1>, vector<16xf32>
    %sub3A_2496 = arith.constant 1.000000e+00 : f32
    %sub3A_2497 = vector.broadcast %sub3A_2496 : f32 to vector<16xf32>
    %sub3A_2498 = arith.subf %sub3A_2497, %select_n3A_2487 : vector<16xf32>
    %sub3A_2499 = arith.subf %sub3A_2498, %select_n3A_2495 : vector<16xf32>
    %swap3A_2500 = arith.constant 0 : i32
    %swap3A_2501 = arith.index_cast %swap3A_2500 : i32 to index
    %swap3A_2502 = arith.constant 688 : index
    %swap3A_2503 = tpu.vector_load %arg6[%swap3A_2501, %swap3A_2502] {strides = array<i32>} : memref<3x1024xf32, #tpu.memory_space<vmem>>, vector<16xf32>,
    tpu.vector_store %arg6[%swap3A_2501, %swap3A_2502], %select_n3A_2487 {strides = array<i32>} : memref<3x1024xf32, #tpu.memory_space<vmem>>, vector<16xf32>,
    %swap3A_2504 = arith.constant 1 : i32
    %swap3A_2505 = arith.index_cast %swap3A_2504 : i32 to index
    %swap3A_2506 = arith.constant 688 : index
    %swap3A_2507 = tpu.vector_load %arg6[%swap3A_2505, %swap3A_2506] {strides = array<i32>} : memref<3x1024xf32, #tpu.memory_space<vmem>>, vector<16xf32>,
    tpu.vector_store %arg6[%swap3A_2505, %swap3A_2506], %select_n3A_2495 {strides = array<i32>} : memref<3x1024xf32, #tpu.memory_space<vmem>>, vector<16xf32>,
    %swap3A_2508 = arith.constant 2 : i32
    %swap3A_2509 = arith.index_cast %swap3A_2508 : i32 to index
    %swap3A_2510 = arith.constant 688 : index
    %swap3A_2511 = tpu.vector_load %arg6[%swap3A_2509, %swap3A_2510] {strides = array<i32>} : memref<3x1024xf32, #tpu.memory_space<vmem>>, vector<16xf32>,
    tpu.vector_store %arg6[%swap3A_2509, %swap3A_2510], %sub3A_2499 {strides = array<i32>} : memref<3x1024xf32, #tpu.memory_space<vmem>>, vector<16xf32>,
    %get3A_2512 = arith.constant 0 : i32
    %get3A_2513 = arith.index_cast %get3A_2512 : i32 to index
    %get3A_2514 = arith.constant 704 : index
    %get3A_2515 = tpu.vector_load %arg5[%get3A_2513, %get3A_2514] {strides = array<i32>} : memref<1x1024xf32, #tpu.memory_space<vmem>>, vector<16xf32>,
    %get3A_2516 = arith.constant 0 : i32
    %get3A_2517 = arith.index_cast %get3A_2516 : i32 to index
    %get3A_2518 = arith.constant 704 : index
    %get3A_2519 = tpu.vector_load %arg4[%get3A_2517, %get3A_2518] {strides = array<i32>} : memref<4x1024xf32, #tpu.memory_space<vmem>>, vector<16xf32>,
    %get3A_2520 = arith.constant 1 : i32
    %get3A_2521 = arith.index_cast %get3A_2520 : i32 to index
    %get3A_2522 = arith.constant 704 : index
    %get3A_2523 = tpu.vector_load %arg4[%get3A_2521, %get3A_2522] {strides = array<i32>} : memref<4x1024xf32, #tpu.memory_space<vmem>>, vector<16xf32>,
    %get3A_2524 = arith.constant 2 : i32
    %get3A_2525 = arith.index_cast %get3A_2524 : i32 to index
    %get3A_2526 = arith.constant 704 : index
    %get3A_2527 = tpu.vector_load %arg4[%get3A_2525, %get3A_2526] {strides = array<i32>} : memref<4x1024xf32, #tpu.memory_space<vmem>>, vector<16xf32>,
    %get3A_2528 = arith.constant 3 : i32
    %get3A_2529 = arith.index_cast %get3A_2528 : i32 to index
    %get3A_2530 = arith.constant 704 : index
    %get3A_2531 = tpu.vector_load %arg4[%get3A_2529, %get3A_2530] {strides = array<i32>} : memref<4x1024xf32, #tpu.memory_space<vmem>>, vector<16xf32>,
    %gt3A_2532 = arith.constant 5.000000e-01 : f32
    %gt3A_2533 = vector.broadcast %gt3A_2532 : f32 to vector<16xf32>
    %gt3A_2534 = arith.cmpf ogt, %get3A_2515, %gt3A_2533 : vector<16xf32>
    %add3A_2535 = arith.addf %get3A_2519, %get3A_2523 : vector<16xf32>
    %add3A_2536 = arith.addf %get3A_2527, %get3A_2531 : vector<16xf32>
    %gt3A_2537 = arith.cmpf ogt, %add3A_2535, %add3A_2536 : vector<16xf32>
    %jit3A_2538 = arith.constant 1.000000e+00 : f32
    %jit3A_2539 = arith.constant 0.000000e+00 : f32
    %broadcast_in_dim3A_2540 = vector.broadcast %jit3A_2538 : f32 to vector<16xf32>
    %broadcast_in_dim3A_2541 = vector.broadcast %jit3A_2539 : f32 to vector<16xf32>
    %select_n3A_2542 = arith.select %gt3A_2534, %broadcast_in_dim3A_2540, %broadcast_in_dim3A_2541 : vector<16xi1>, vector<16xf32>
    %not3A_2543 = arith.constant dense<true> : vector<16xi1>
    %not3A_2544 = arith.xori %gt3A_2534, %not3A_2543 : vector<16xi1>
    %and3A_2545 = arith.andi %not3A_2544, %gt3A_2537 : vector<16xi1>
    %jit3A_2546 = arith.constant 1.000000e+00 : f32
    %jit3A_2547 = arith.constant 0.000000e+00 : f32
    %broadcast_in_dim3A_2548 = vector.broadcast %jit3A_2546 : f32 to vector<16xf32>
    %broadcast_in_dim3A_2549 = vector.broadcast %jit3A_2547 : f32 to vector<16xf32>
    %select_n3A_2550 = arith.select %and3A_2545, %broadcast_in_dim3A_2548, %broadcast_in_dim3A_2549 : vector<16xi1>, vector<16xf32>
    %sub3A_2551 = arith.constant 1.000000e+00 : f32
    %sub3A_2552 = vector.broadcast %sub3A_2551 : f32 to vector<16xf32>
    %sub3A_2553 = arith.subf %sub3A_2552, %select_n3A_2542 : vector<16xf32>
    %sub3A_2554 = arith.subf %sub3A_2553, %select_n3A_2550 : vector<16xf32>
    %swap3A_2555 = arith.constant 0 : i32
    %swap3A_2556 = arith.index_cast %swap3A_2555 : i32 to index
    %swap3A_2557 = arith.constant 704 : index
    %swap3A_2558 = tpu.vector_load %arg6[%swap3A_2556, %swap3A_2557] {strides = array<i32>} : memref<3x1024xf32, #tpu.memory_space<vmem>>, vector<16xf32>,
    tpu.vector_store %arg6[%swap3A_2556, %swap3A_2557], %select_n3A_2542 {strides = array<i32>} : memref<3x1024xf32, #tpu.memory_space<vmem>>, vector<16xf32>,
    %swap3A_2559 = arith.constant 1 : i32
    %swap3A_2560 = arith.index_cast %swap3A_2559 : i32 to index
    %swap3A_2561 = arith.constant 704 : index
    %swap3A_2562 = tpu.vector_load %arg6[%swap3A_2560, %swap3A_2561] {strides = array<i32>} : memref<3x1024xf32, #tpu.memory_space<vmem>>, vector<16xf32>,
    tpu.vector_store %arg6[%swap3A_2560, %swap3A_2561], %select_n3A_2550 {strides = array<i32>} : memref<3x1024xf32, #tpu.memory_space<vmem>>, vector<16xf32>,
    %swap3A_2563 = arith.constant 2 : i32
    %swap3A_2564 = arith.index_cast %swap3A_2563 : i32 to index
    %swap3A_2565 = arith.constant 704 : index
    %swap3A_2566 = tpu.vector_load %arg6[%swap3A_2564, %swap3A_2565] {strides = array<i32>} : memref<3x1024xf32, #tpu.memory_space<vmem>>, vector<16xf32>,
    tpu.vector_store %arg6[%swap3A_2564, %swap3A_2565], %sub3A_2554 {strides = array<i32>} : memref<3x1024xf32, #tpu.memory_space<vmem>>, vector<16xf32>,
    %get3A_2567 = arith.constant 0 : i32
    %get3A_2568 = arith.index_cast %get3A_2567 : i32 to index
    %get3A_2569 = arith.constant 720 : index
    %get3A_2570 = tpu.vector_load %arg5[%get3A_2568, %get3A_2569] {strides = array<i32>} : memref<1x1024xf32, #tpu.memory_space<vmem>>, vector<16xf32>,
    %get3A_2571 = arith.constant 0 : i32
    %get3A_2572 = arith.index_cast %get3A_2571 : i32 to index
    %get3A_2573 = arith.constant 720 : index
    %get3A_2574 = tpu.vector_load %arg4[%get3A_2572, %get3A_2573] {strides = array<i32>} : memref<4x1024xf32, #tpu.memory_space<vmem>>, vector<16xf32>,
    %get3A_2575 = arith.constant 1 : i32
    %get3A_2576 = arith.index_cast %get3A_2575 : i32 to index
    %get3A_2577 = arith.constant 720 : index
    %get3A_2578 = tpu.vector_load %arg4[%get3A_2576, %get3A_2577] {strides = array<i32>} : memref<4x1024xf32, #tpu.memory_space<vmem>>, vector<16xf32>,
    %get3A_2579 = arith.constant 2 : i32
    %get3A_2580 = arith.index_cast %get3A_2579 : i32 to index
    %get3A_2581 = arith.constant 720 : index
    %get3A_2582 = tpu.vector_load %arg4[%get3A_2580, %get3A_2581] {strides = array<i32>} : memref<4x1024xf32, #tpu.memory_space<vmem>>, vector<16xf32>,
    %get3A_2583 = arith.constant 3 : i32
    %get3A_2584 = arith.index_cast %get3A_2583 : i32 to index
    %get3A_2585 = arith.constant 720 : index
    %get3A_2586 = tpu.vector_load %arg4[%get3A_2584, %get3A_2585] {strides = array<i32>} : memref<4x1024xf32, #tpu.memory_space<vmem>>, vector<16xf32>,
    %gt3A_2587 = arith.constant 5.000000e-01 : f32
    %gt3A_2588 = vector.broadcast %gt3A_2587 : f32 to vector<16xf32>
    %gt3A_2589 = arith.cmpf ogt, %get3A_2570, %gt3A_2588 : vector<16xf32>
    %add3A_2590 = arith.addf %get3A_2574, %get3A_2578 : vector<16xf32>
    %add3A_2591 = arith.addf %get3A_2582, %get3A_2586 : vector<16xf32>
    %gt3A_2592 = arith.cmpf ogt, %add3A_2590, %add3A_2591 : vector<16xf32>
    %jit3A_2593 = arith.constant 1.000000e+00 : f32
    %jit3A_2594 = arith.constant 0.000000e+00 : f32
    %broadcast_in_dim3A_2595 = vector.broadcast %jit3A_2593 : f32 to vector<16xf32>
    %broadcast_in_dim3A_2596 = vector.broadcast %jit3A_2594 : f32 to vector<16xf32>
    %select_n3A_2597 = arith.select %gt3A_2589, %broadcast_in_dim3A_2595, %broadcast_in_dim3A_2596 : vector<16xi1>, vector<16xf32>
    %not3A_2598 = arith.constant dense<true> : vector<16xi1>
    %not3A_2599 = arith.xori %gt3A_2589, %not3A_2598 : vector<16xi1>
    %and3A_2600 = arith.andi %not3A_2599, %gt3A_2592 : vector<16xi1>
    %jit3A_2601 = arith.constant 1.000000e+00 : f32
    %jit3A_2602 = arith.constant 0.000000e+00 : f32
    %broadcast_in_dim3A_2603 = vector.broadcast %jit3A_2601 : f32 to vector<16xf32>
    %broadcast_in_dim3A_2604 = vector.broadcast %jit3A_2602 : f32 to vector<16xf32>
    %select_n3A_2605 = arith.select %and3A_2600, %broadcast_in_dim3A_2603, %broadcast_in_dim3A_2604 : vector<16xi1>, vector<16xf32>
    %sub3A_2606 = arith.constant 1.000000e+00 : f32
    %sub3A_2607 = vector.broadcast %sub3A_2606 : f32 to vector<16xf32>
    %sub3A_2608 = arith.subf %sub3A_2607, %select_n3A_2597 : vector<16xf32>
    %sub3A_2609 = arith.subf %sub3A_2608, %select_n3A_2605 : vector<16xf32>
    %swap3A_2610 = arith.constant 0 : i32
    %swap3A_2611 = arith.index_cast %swap3A_2610 : i32 to index
    %swap3A_2612 = arith.constant 720 : index
    %swap3A_2613 = tpu.vector_load %arg6[%swap3A_2611, %swap3A_2612] {strides = array<i32>} : memref<3x1024xf32, #tpu.memory_space<vmem>>, vector<16xf32>,
    tpu.vector_store %arg6[%swap3A_2611, %swap3A_2612], %select_n3A_2597 {strides = array<i32>} : memref<3x1024xf32, #tpu.memory_space<vmem>>, vector<16xf32>,
    %swap3A_2614 = arith.constant 1 : i32
    %swap3A_2615 = arith.index_cast %swap3A_2614 : i32 to index
    %swap3A_2616 = arith.constant 720 : index
    %swap3A_2617 = tpu.vector_load %arg6[%swap3A_2615, %swap3A_2616] {strides = array<i32>} : memref<3x1024xf32, #tpu.memory_space<vmem>>, vector<16xf32>,
    tpu.vector_store %arg6[%swap3A_2615, %swap3A_2616], %select_n3A_2605 {strides = array<i32>} : memref<3x1024xf32, #tpu.memory_space<vmem>>, vector<16xf32>,
    %swap3A_2618 = arith.constant 2 : i32
    %swap3A_2619 = arith.index_cast %swap3A_2618 : i32 to index
    %swap3A_2620 = arith.constant 720 : index
    %swap3A_2621 = tpu.vector_load %arg6[%swap3A_2619, %swap3A_2620] {strides = array<i32>} : memref<3x1024xf32, #tpu.memory_space<vmem>>, vector<16xf32>,
    tpu.vector_store %arg6[%swap3A_2619, %swap3A_2620], %sub3A_2609 {strides = array<i32>} : memref<3x1024xf32, #tpu.memory_space<vmem>>, vector<16xf32>,
    %get3A_2622 = arith.constant 0 : i32
    %get3A_2623 = arith.index_cast %get3A_2622 : i32 to index
    %get3A_2624 = arith.constant 736 : index
    %get3A_2625 = tpu.vector_load %arg5[%get3A_2623, %get3A_2624] {strides = array<i32>} : memref<1x1024xf32, #tpu.memory_space<vmem>>, vector<16xf32>,
    %get3A_2626 = arith.constant 0 : i32
    %get3A_2627 = arith.index_cast %get3A_2626 : i32 to index
    %get3A_2628 = arith.constant 736 : index
    %get3A_2629 = tpu.vector_load %arg4[%get3A_2627, %get3A_2628] {strides = array<i32>} : memref<4x1024xf32, #tpu.memory_space<vmem>>, vector<16xf32>,
    %get3A_2630 = arith.constant 1 : i32
    %get3A_2631 = arith.index_cast %get3A_2630 : i32 to index
    %get3A_2632 = arith.constant 736 : index
    %get3A_2633 = tpu.vector_load %arg4[%get3A_2631, %get3A_2632] {strides = array<i32>} : memref<4x1024xf32, #tpu.memory_space<vmem>>, vector<16xf32>,
    %get3A_2634 = arith.constant 2 : i32
    %get3A_2635 = arith.index_cast %get3A_2634 : i32 to index
    %get3A_2636 = arith.constant 736 : index
    %get3A_2637 = tpu.vector_load %arg4[%get3A_2635, %get3A_2636] {strides = array<i32>} : memref<4x1024xf32, #tpu.memory_space<vmem>>, vector<16xf32>,
    %get3A_2638 = arith.constant 3 : i32
    %get3A_2639 = arith.index_cast %get3A_2638 : i32 to index
    %get3A_2640 = arith.constant 736 : index
    %get3A_2641 = tpu.vector_load %arg4[%get3A_2639, %get3A_2640] {strides = array<i32>} : memref<4x1024xf32, #tpu.memory_space<vmem>>, vector<16xf32>,
    %gt3A_2642 = arith.constant 5.000000e-01 : f32
    %gt3A_2643 = vector.broadcast %gt3A_2642 : f32 to vector<16xf32>
    %gt3A_2644 = arith.cmpf ogt, %get3A_2625, %gt3A_2643 : vector<16xf32>
    %add3A_2645 = arith.addf %get3A_2629, %get3A_2633 : vector<16xf32>
    %add3A_2646 = arith.addf %get3A_2637, %get3A_2641 : vector<16xf32>
    %gt3A_2647 = arith.cmpf ogt, %add3A_2645, %add3A_2646 : vector<16xf32>
    %jit3A_2648 = arith.constant 1.000000e+00 : f32
    %jit3A_2649 = arith.constant 0.000000e+00 : f32
    %broadcast_in_dim3A_2650 = vector.broadcast %jit3A_2648 : f32 to vector<16xf32>
    %broadcast_in_dim3A_2651 = vector.broadcast %jit3A_2649 : f32 to vector<16xf32>
    %select_n3A_2652 = arith.select %gt3A_2644, %broadcast_in_dim3A_2650, %broadcast_in_dim3A_2651 : vector<16xi1>, vector<16xf32>
    %not3A_2653 = arith.constant dense<true> : vector<16xi1>
    %not3A_2654 = arith.xori %gt3A_2644, %not3A_2653 : vector<16xi1>
    %and3A_2655 = arith.andi %not3A_2654, %gt3A_2647 : vector<16xi1>
    %jit3A_2656 = arith.constant 1.000000e+00 : f32
    %jit3A_2657 = arith.constant 0.000000e+00 : f32
    %broadcast_in_dim3A_2658 = vector.broadcast %jit3A_2656 : f32 to vector<16xf32>
    %broadcast_in_dim3A_2659 = vector.broadcast %jit3A_2657 : f32 to vector<16xf32>
    %select_n3A_2660 = arith.select %and3A_2655, %broadcast_in_dim3A_2658, %broadcast_in_dim3A_2659 : vector<16xi1>, vector<16xf32>
    %sub3A_2661 = arith.constant 1.000000e+00 : f32
    %sub3A_2662 = vector.broadcast %sub3A_2661 : f32 to vector<16xf32>
    %sub3A_2663 = arith.subf %sub3A_2662, %select_n3A_2652 : vector<16xf32>
    %sub3A_2664 = arith.subf %sub3A_2663, %select_n3A_2660 : vector<16xf32>
    %swap3A_2665 = arith.constant 0 : i32
    %swap3A_2666 = arith.index_cast %swap3A_2665 : i32 to index
    %swap3A_2667 = arith.constant 736 : index
    %swap3A_2668 = tpu.vector_load %arg6[%swap3A_2666, %swap3A_2667] {strides = array<i32>} : memref<3x1024xf32, #tpu.memory_space<vmem>>, vector<16xf32>,
    tpu.vector_store %arg6[%swap3A_2666, %swap3A_2667], %select_n3A_2652 {strides = array<i32>} : memref<3x1024xf32, #tpu.memory_space<vmem>>, vector<16xf32>,
    %swap3A_2669 = arith.constant 1 : i32
    %swap3A_2670 = arith.index_cast %swap3A_2669 : i32 to index
    %swap3A_2671 = arith.constant 736 : index
    %swap3A_2672 = tpu.vector_load %arg6[%swap3A_2670, %swap3A_2671] {strides = array<i32>} : memref<3x1024xf32, #tpu.memory_space<vmem>>, vector<16xf32>,
    tpu.vector_store %arg6[%swap3A_2670, %swap3A_2671], %select_n3A_2660 {strides = array<i32>} : memref<3x1024xf32, #tpu.memory_space<vmem>>, vector<16xf32>,
    %swap3A_2673 = arith.constant 2 : i32
    %swap3A_2674 = arith.index_cast %swap3A_2673 : i32 to index
    %swap3A_2675 = arith.constant 736 : index
    %swap3A_2676 = tpu.vector_load %arg6[%swap3A_2674, %swap3A_2675] {strides = array<i32>} : memref<3x1024xf32, #tpu.memory_space<vmem>>, vector<16xf32>,
    tpu.vector_store %arg6[%swap3A_2674, %swap3A_2675], %sub3A_2664 {strides = array<i32>} : memref<3x1024xf32, #tpu.memory_space<vmem>>, vector<16xf32>,
    %get3A_2677 = arith.constant 0 : i32
    %get3A_2678 = arith.index_cast %get3A_2677 : i32 to index
    %get3A_2679 = arith.constant 752 : index
    %get3A_2680 = tpu.vector_load %arg5[%get3A_2678, %get3A_2679] {strides = array<i32>} : memref<1x1024xf32, #tpu.memory_space<vmem>>, vector<16xf32>,
    %get3A_2681 = arith.constant 0 : i32
    %get3A_2682 = arith.index_cast %get3A_2681 : i32 to index
    %get3A_2683 = arith.constant 752 : index
    %get3A_2684 = tpu.vector_load %arg4[%get3A_2682, %get3A_2683] {strides = array<i32>} : memref<4x1024xf32, #tpu.memory_space<vmem>>, vector<16xf32>,
    %get3A_2685 = arith.constant 1 : i32
    %get3A_2686 = arith.index_cast %get3A_2685 : i32 to index
    %get3A_2687 = arith.constant 752 : index
    %get3A_2688 = tpu.vector_load %arg4[%get3A_2686, %get3A_2687] {strides = array<i32>} : memref<4x1024xf32, #tpu.memory_space<vmem>>, vector<16xf32>,
    %get3A_2689 = arith.constant 2 : i32
    %get3A_2690 = arith.index_cast %get3A_2689 : i32 to index
    %get3A_2691 = arith.constant 752 : index
    %get3A_2692 = tpu.vector_load %arg4[%get3A_2690, %get3A_2691] {strides = array<i32>} : memref<4x1024xf32, #tpu.memory_space<vmem>>, vector<16xf32>,
    %get3A_2693 = arith.constant 3 : i32
    %get3A_2694 = arith.index_cast %get3A_2693 : i32 to index
    %get3A_2695 = arith.constant 752 : index
    %get3A_2696 = tpu.vector_load %arg4[%get3A_2694, %get3A_2695] {strides = array<i32>} : memref<4x1024xf32, #tpu.memory_space<vmem>>, vector<16xf32>,
    %gt3A_2697 = arith.constant 5.000000e-01 : f32
    %gt3A_2698 = vector.broadcast %gt3A_2697 : f32 to vector<16xf32>
    %gt3A_2699 = arith.cmpf ogt, %get3A_2680, %gt3A_2698 : vector<16xf32>
    %add3A_2700 = arith.addf %get3A_2684, %get3A_2688 : vector<16xf32>
    %add3A_2701 = arith.addf %get3A_2692, %get3A_2696 : vector<16xf32>
    %gt3A_2702 = arith.cmpf ogt, %add3A_2700, %add3A_2701 : vector<16xf32>
    %jit3A_2703 = arith.constant 1.000000e+00 : f32
    %jit3A_2704 = arith.constant 0.000000e+00 : f32
    %broadcast_in_dim3A_2705 = vector.broadcast %jit3A_2703 : f32 to vector<16xf32>
    %broadcast_in_dim3A_2706 = vector.broadcast %jit3A_2704 : f32 to vector<16xf32>
    %select_n3A_2707 = arith.select %gt3A_2699, %broadcast_in_dim3A_2705, %broadcast_in_dim3A_2706 : vector<16xi1>, vector<16xf32>
    %not3A_2708 = arith.constant dense<true> : vector<16xi1>
    %not3A_2709 = arith.xori %gt3A_2699, %not3A_2708 : vector<16xi1>
    %and3A_2710 = arith.andi %not3A_2709, %gt3A_2702 : vector<16xi1>
    %jit3A_2711 = arith.constant 1.000000e+00 : f32
    %jit3A_2712 = arith.constant 0.000000e+00 : f32
    %broadcast_in_dim3A_2713 = vector.broadcast %jit3A_2711 : f32 to vector<16xf32>
    %broadcast_in_dim3A_2714 = vector.broadcast %jit3A_2712 : f32 to vector<16xf32>
    %select_n3A_2715 = arith.select %and3A_2710, %broadcast_in_dim3A_2713, %broadcast_in_dim3A_2714 : vector<16xi1>, vector<16xf32>
    %sub3A_2716 = arith.constant 1.000000e+00 : f32
    %sub3A_2717 = vector.broadcast %sub3A_2716 : f32 to vector<16xf32>
    %sub3A_2718 = arith.subf %sub3A_2717, %select_n3A_2707 : vector<16xf32>
    %sub3A_2719 = arith.subf %sub3A_2718, %select_n3A_2715 : vector<16xf32>
    %swap3A_2720 = arith.constant 0 : i32
    %swap3A_2721 = arith.index_cast %swap3A_2720 : i32 to index
    %swap3A_2722 = arith.constant 752 : index
    %swap3A_2723 = tpu.vector_load %arg6[%swap3A_2721, %swap3A_2722] {strides = array<i32>} : memref<3x1024xf32, #tpu.memory_space<vmem>>, vector<16xf32>,
    tpu.vector_store %arg6[%swap3A_2721, %swap3A_2722], %select_n3A_2707 {strides = array<i32>} : memref<3x1024xf32, #tpu.memory_space<vmem>>, vector<16xf32>,
    %swap3A_2724 = arith.constant 1 : i32
    %swap3A_2725 = arith.index_cast %swap3A_2724 : i32 to index
    %swap3A_2726 = arith.constant 752 : index
    %swap3A_2727 = tpu.vector_load %arg6[%swap3A_2725, %swap3A_2726] {strides = array<i32>} : memref<3x1024xf32, #tpu.memory_space<vmem>>, vector<16xf32>,
    tpu.vector_store %arg6[%swap3A_2725, %swap3A_2726], %select_n3A_2715 {strides = array<i32>} : memref<3x1024xf32, #tpu.memory_space<vmem>>, vector<16xf32>,
    %swap3A_2728 = arith.constant 2 : i32
    %swap3A_2729 = arith.index_cast %swap3A_2728 : i32 to index
    %swap3A_2730 = arith.constant 752 : index
    %swap3A_2731 = tpu.vector_load %arg6[%swap3A_2729, %swap3A_2730] {strides = array<i32>} : memref<3x1024xf32, #tpu.memory_space<vmem>>, vector<16xf32>,
    tpu.vector_store %arg6[%swap3A_2729, %swap3A_2730], %sub3A_2719 {strides = array<i32>} : memref<3x1024xf32, #tpu.memory_space<vmem>>, vector<16xf32>,
    %get3A_2732 = arith.constant 0 : i32
    %get3A_2733 = arith.index_cast %get3A_2732 : i32 to index
    %get3A_2734 = arith.constant 768 : index
    %get3A_2735 = tpu.vector_load %arg5[%get3A_2733, %get3A_2734] {strides = array<i32>} : memref<1x1024xf32, #tpu.memory_space<vmem>>, vector<16xf32>,
    %get3A_2736 = arith.constant 0 : i32
    %get3A_2737 = arith.index_cast %get3A_2736 : i32 to index
    %get3A_2738 = arith.constant 768 : index
    %get3A_2739 = tpu.vector_load %arg4[%get3A_2737, %get3A_2738] {strides = array<i32>} : memref<4x1024xf32, #tpu.memory_space<vmem>>, vector<16xf32>,
    %get3A_2740 = arith.constant 1 : i32
    %get3A_2741 = arith.index_cast %get3A_2740 : i32 to index
    %get3A_2742 = arith.constant 768 : index
    %get3A_2743 = tpu.vector_load %arg4[%get3A_2741, %get3A_2742] {strides = array<i32>} : memref<4x1024xf32, #tpu.memory_space<vmem>>, vector<16xf32>,
    %get3A_2744 = arith.constant 2 : i32
    %get3A_2745 = arith.index_cast %get3A_2744 : i32 to index
    %get3A_2746 = arith.constant 768 : index
    %get3A_2747 = tpu.vector_load %arg4[%get3A_2745, %get3A_2746] {strides = array<i32>} : memref<4x1024xf32, #tpu.memory_space<vmem>>, vector<16xf32>,
    %get3A_2748 = arith.constant 3 : i32
    %get3A_2749 = arith.index_cast %get3A_2748 : i32 to index
    %get3A_2750 = arith.constant 768 : index
    %get3A_2751 = tpu.vector_load %arg4[%get3A_2749, %get3A_2750] {strides = array<i32>} : memref<4x1024xf32, #tpu.memory_space<vmem>>, vector<16xf32>,
    %gt3A_2752 = arith.constant 5.000000e-01 : f32
    %gt3A_2753 = vector.broadcast %gt3A_2752 : f32 to vector<16xf32>
    %gt3A_2754 = arith.cmpf ogt, %get3A_2735, %gt3A_2753 : vector<16xf32>
    %add3A_2755 = arith.addf %get3A_2739, %get3A_2743 : vector<16xf32>
    %add3A_2756 = arith.addf %get3A_2747, %get3A_2751 : vector<16xf32>
    %gt3A_2757 = arith.cmpf ogt, %add3A_2755, %add3A_2756 : vector<16xf32>
    %jit3A_2758 = arith.constant 1.000000e+00 : f32
    %jit3A_2759 = arith.constant 0.000000e+00 : f32
    %broadcast_in_dim3A_2760 = vector.broadcast %jit3A_2758 : f32 to vector<16xf32>
    %broadcast_in_dim3A_2761 = vector.broadcast %jit3A_2759 : f32 to vector<16xf32>
    %select_n3A_2762 = arith.select %gt3A_2754, %broadcast_in_dim3A_2760, %broadcast_in_dim3A_2761 : vector<16xi1>, vector<16xf32>
    %not3A_2763 = arith.constant dense<true> : vector<16xi1>
    %not3A_2764 = arith.xori %gt3A_2754, %not3A_2763 : vector<16xi1>
    %and3A_2765 = arith.andi %not3A_2764, %gt3A_2757 : vector<16xi1>
    %jit3A_2766 = arith.constant 1.000000e+00 : f32
    %jit3A_2767 = arith.constant 0.000000e+00 : f32
    %broadcast_in_dim3A_2768 = vector.broadcast %jit3A_2766 : f32 to vector<16xf32>
    %broadcast_in_dim3A_2769 = vector.broadcast %jit3A_2767 : f32 to vector<16xf32>
    %select_n3A_2770 = arith.select %and3A_2765, %broadcast_in_dim3A_2768, %broadcast_in_dim3A_2769 : vector<16xi1>, vector<16xf32>
    %sub3A_2771 = arith.constant 1.000000e+00 : f32
    %sub3A_2772 = vector.broadcast %sub3A_2771 : f32 to vector<16xf32>
    %sub3A_2773 = arith.subf %sub3A_2772, %select_n3A_2762 : vector<16xf32>
    %sub3A_2774 = arith.subf %sub3A_2773, %select_n3A_2770 : vector<16xf32>
    %swap3A_2775 = arith.constant 0 : i32
    %swap3A_2776 = arith.index_cast %swap3A_2775 : i32 to index
    %swap3A_2777 = arith.constant 768 : index
    %swap3A_2778 = tpu.vector_load %arg6[%swap3A_2776, %swap3A_2777] {strides = array<i32>} : memref<3x1024xf32, #tpu.memory_space<vmem>>, vector<16xf32>,
    tpu.vector_store %arg6[%swap3A_2776, %swap3A_2777], %select_n3A_2762 {strides = array<i32>} : memref<3x1024xf32, #tpu.memory_space<vmem>>, vector<16xf32>,
    %swap3A_2779 = arith.constant 1 : i32
    %swap3A_2780 = arith.index_cast %swap3A_2779 : i32 to index
    %swap3A_2781 = arith.constant 768 : index
    %swap3A_2782 = tpu.vector_load %arg6[%swap3A_2780, %swap3A_2781] {strides = array<i32>} : memref<3x1024xf32, #tpu.memory_space<vmem>>, vector<16xf32>,
    tpu.vector_store %arg6[%swap3A_2780, %swap3A_2781], %select_n3A_2770 {strides = array<i32>} : memref<3x1024xf32, #tpu.memory_space<vmem>>, vector<16xf32>,
    %swap3A_2783 = arith.constant 2 : i32
    %swap3A_2784 = arith.index_cast %swap3A_2783 : i32 to index
    %swap3A_2785 = arith.constant 768 : index
    %swap3A_2786 = tpu.vector_load %arg6[%swap3A_2784, %swap3A_2785] {strides = array<i32>} : memref<3x1024xf32, #tpu.memory_space<vmem>>, vector<16xf32>,
    tpu.vector_store %arg6[%swap3A_2784, %swap3A_2785], %sub3A_2774 {strides = array<i32>} : memref<3x1024xf32, #tpu.memory_space<vmem>>, vector<16xf32>,
    %get3A_2787 = arith.constant 0 : i32
    %get3A_2788 = arith.index_cast %get3A_2787 : i32 to index
    %get3A_2789 = arith.constant 784 : index
    %get3A_2790 = tpu.vector_load %arg5[%get3A_2788, %get3A_2789] {strides = array<i32>} : memref<1x1024xf32, #tpu.memory_space<vmem>>, vector<16xf32>,
    %get3A_2791 = arith.constant 0 : i32
    %get3A_2792 = arith.index_cast %get3A_2791 : i32 to index
    %get3A_2793 = arith.constant 784 : index
    %get3A_2794 = tpu.vector_load %arg4[%get3A_2792, %get3A_2793] {strides = array<i32>} : memref<4x1024xf32, #tpu.memory_space<vmem>>, vector<16xf32>,
    %get3A_2795 = arith.constant 1 : i32
    %get3A_2796 = arith.index_cast %get3A_2795 : i32 to index
    %get3A_2797 = arith.constant 784 : index
    %get3A_2798 = tpu.vector_load %arg4[%get3A_2796, %get3A_2797] {strides = array<i32>} : memref<4x1024xf32, #tpu.memory_space<vmem>>, vector<16xf32>,
    %get3A_2799 = arith.constant 2 : i32
    %get3A_2800 = arith.index_cast %get3A_2799 : i32 to index
    %get3A_2801 = arith.constant 784 : index
    %get3A_2802 = tpu.vector_load %arg4[%get3A_2800, %get3A_2801] {strides = array<i32>} : memref<4x1024xf32, #tpu.memory_space<vmem>>, vector<16xf32>,
    %get3A_2803 = arith.constant 3 : i32
    %get3A_2804 = arith.index_cast %get3A_2803 : i32 to index
    %get3A_2805 = arith.constant 784 : index
    %get3A_2806 = tpu.vector_load %arg4[%get3A_2804, %get3A_2805] {strides = array<i32>} : memref<4x1024xf32, #tpu.memory_space<vmem>>, vector<16xf32>,
    %gt3A_2807 = arith.constant 5.000000e-01 : f32
    %gt3A_2808 = vector.broadcast %gt3A_2807 : f32 to vector<16xf32>
    %gt3A_2809 = arith.cmpf ogt, %get3A_2790, %gt3A_2808 : vector<16xf32>
    %add3A_2810 = arith.addf %get3A_2794, %get3A_2798 : vector<16xf32>
    %add3A_2811 = arith.addf %get3A_2802, %get3A_2806 : vector<16xf32>
    %gt3A_2812 = arith.cmpf ogt, %add3A_2810, %add3A_2811 : vector<16xf32>
    %jit3A_2813 = arith.constant 1.000000e+00 : f32
    %jit3A_2814 = arith.constant 0.000000e+00 : f32
    %broadcast_in_dim3A_2815 = vector.broadcast %jit3A_2813 : f32 to vector<16xf32>
    %broadcast_in_dim3A_2816 = vector.broadcast %jit3A_2814 : f32 to vector<16xf32>
    %select_n3A_2817 = arith.select %gt3A_2809, %broadcast_in_dim3A_2815, %broadcast_in_dim3A_2816 : vector<16xi1>, vector<16xf32>
    %not3A_2818 = arith.constant dense<true> : vector<16xi1>
    %not3A_2819 = arith.xori %gt3A_2809, %not3A_2818 : vector<16xi1>
    %and3A_2820 = arith.andi %not3A_2819, %gt3A_2812 : vector<16xi1>
    %jit3A_2821 = arith.constant 1.000000e+00 : f32
    %jit3A_2822 = arith.constant 0.000000e+00 : f32
    %broadcast_in_dim3A_2823 = vector.broadcast %jit3A_2821 : f32 to vector<16xf32>
    %broadcast_in_dim3A_2824 = vector.broadcast %jit3A_2822 : f32 to vector<16xf32>
    %select_n3A_2825 = arith.select %and3A_2820, %broadcast_in_dim3A_2823, %broadcast_in_dim3A_2824 : vector<16xi1>, vector<16xf32>
    %sub3A_2826 = arith.constant 1.000000e+00 : f32
    %sub3A_2827 = vector.broadcast %sub3A_2826 : f32 to vector<16xf32>
    %sub3A_2828 = arith.subf %sub3A_2827, %select_n3A_2817 : vector<16xf32>
    %sub3A_2829 = arith.subf %sub3A_2828, %select_n3A_2825 : vector<16xf32>
    %swap3A_2830 = arith.constant 0 : i32
    %swap3A_2831 = arith.index_cast %swap3A_2830 : i32 to index
    %swap3A_2832 = arith.constant 784 : index
    %swap3A_2833 = tpu.vector_load %arg6[%swap3A_2831, %swap3A_2832] {strides = array<i32>} : memref<3x1024xf32, #tpu.memory_space<vmem>>, vector<16xf32>,
    tpu.vector_store %arg6[%swap3A_2831, %swap3A_2832], %select_n3A_2817 {strides = array<i32>} : memref<3x1024xf32, #tpu.memory_space<vmem>>, vector<16xf32>,
    %swap3A_2834 = arith.constant 1 : i32
    %swap3A_2835 = arith.index_cast %swap3A_2834 : i32 to index
    %swap3A_2836 = arith.constant 784 : index
    %swap3A_2837 = tpu.vector_load %arg6[%swap3A_2835, %swap3A_2836] {strides = array<i32>} : memref<3x1024xf32, #tpu.memory_space<vmem>>, vector<16xf32>,
    tpu.vector_store %arg6[%swap3A_2835, %swap3A_2836], %select_n3A_2825 {strides = array<i32>} : memref<3x1024xf32, #tpu.memory_space<vmem>>, vector<16xf32>,
    %swap3A_2838 = arith.constant 2 : i32
    %swap3A_2839 = arith.index_cast %swap3A_2838 : i32 to index
    %swap3A_2840 = arith.constant 784 : index
    %swap3A_2841 = tpu.vector_load %arg6[%swap3A_2839, %swap3A_2840] {strides = array<i32>} : memref<3x1024xf32, #tpu.memory_space<vmem>>, vector<16xf32>,
    tpu.vector_store %arg6[%swap3A_2839, %swap3A_2840], %sub3A_2829 {strides = array<i32>} : memref<3x1024xf32, #tpu.memory_space<vmem>>, vector<16xf32>,
    %get3A_2842 = arith.constant 0 : i32
    %get3A_2843 = arith.index_cast %get3A_2842 : i32 to index
    %get3A_2844 = arith.constant 800 : index
    %get3A_2845 = tpu.vector_load %arg5[%get3A_2843, %get3A_2844] {strides = array<i32>} : memref<1x1024xf32, #tpu.memory_space<vmem>>, vector<16xf32>,
    %get3A_2846 = arith.constant 0 : i32
    %get3A_2847 = arith.index_cast %get3A_2846 : i32 to index
    %get3A_2848 = arith.constant 800 : index
    %get3A_2849 = tpu.vector_load %arg4[%get3A_2847, %get3A_2848] {strides = array<i32>} : memref<4x1024xf32, #tpu.memory_space<vmem>>, vector<16xf32>,
    %get3A_2850 = arith.constant 1 : i32
    %get3A_2851 = arith.index_cast %get3A_2850 : i32 to index
    %get3A_2852 = arith.constant 800 : index
    %get3A_2853 = tpu.vector_load %arg4[%get3A_2851, %get3A_2852] {strides = array<i32>} : memref<4x1024xf32, #tpu.memory_space<vmem>>, vector<16xf32>,
    %get3A_2854 = arith.constant 2 : i32
    %get3A_2855 = arith.index_cast %get3A_2854 : i32 to index
    %get3A_2856 = arith.constant 800 : index
    %get3A_2857 = tpu.vector_load %arg4[%get3A_2855, %get3A_2856] {strides = array<i32>} : memref<4x1024xf32, #tpu.memory_space<vmem>>, vector<16xf32>,
    %get3A_2858 = arith.constant 3 : i32
    %get3A_2859 = arith.index_cast %get3A_2858 : i32 to index
    %get3A_2860 = arith.constant 800 : index
    %get3A_2861 = tpu.vector_load %arg4[%get3A_2859, %get3A_2860] {strides = array<i32>} : memref<4x1024xf32, #tpu.memory_space<vmem>>, vector<16xf32>,
    %gt3A_2862 = arith.constant 5.000000e-01 : f32
    %gt3A_2863 = vector.broadcast %gt3A_2862 : f32 to vector<16xf32>
    %gt3A_2864 = arith.cmpf ogt, %get3A_2845, %gt3A_2863 : vector<16xf32>
    %add3A_2865 = arith.addf %get3A_2849, %get3A_2853 : vector<16xf32>
    %add3A_2866 = arith.addf %get3A_2857, %get3A_2861 : vector<16xf32>
    %gt3A_2867 = arith.cmpf ogt, %add3A_2865, %add3A_2866 : vector<16xf32>
    %jit3A_2868 = arith.constant 1.000000e+00 : f32
    %jit3A_2869 = arith.constant 0.000000e+00 : f32
    %broadcast_in_dim3A_2870 = vector.broadcast %jit3A_2868 : f32 to vector<16xf32>
    %broadcast_in_dim3A_2871 = vector.broadcast %jit3A_2869 : f32 to vector<16xf32>
    %select_n3A_2872 = arith.select %gt3A_2864, %broadcast_in_dim3A_2870, %broadcast_in_dim3A_2871 : vector<16xi1>, vector<16xf32>
    %not3A_2873 = arith.constant dense<true> : vector<16xi1>
    %not3A_2874 = arith.xori %gt3A_2864, %not3A_2873 : vector<16xi1>
    %and3A_2875 = arith.andi %not3A_2874, %gt3A_2867 : vector<16xi1>
    %jit3A_2876 = arith.constant 1.000000e+00 : f32
    %jit3A_2877 = arith.constant 0.000000e+00 : f32
    %broadcast_in_dim3A_2878 = vector.broadcast %jit3A_2876 : f32 to vector<16xf32>
    %broadcast_in_dim3A_2879 = vector.broadcast %jit3A_2877 : f32 to vector<16xf32>
    %select_n3A_2880 = arith.select %and3A_2875, %broadcast_in_dim3A_2878, %broadcast_in_dim3A_2879 : vector<16xi1>, vector<16xf32>
    %sub3A_2881 = arith.constant 1.000000e+00 : f32
    %sub3A_2882 = vector.broadcast %sub3A_2881 : f32 to vector<16xf32>
    %sub3A_2883 = arith.subf %sub3A_2882, %select_n3A_2872 : vector<16xf32>
    %sub3A_2884 = arith.subf %sub3A_2883, %select_n3A_2880 : vector<16xf32>
    %swap3A_2885 = arith.constant 0 : i32
    %swap3A_2886 = arith.index_cast %swap3A_2885 : i32 to index
    %swap3A_2887 = arith.constant 800 : index
    %swap3A_2888 = tpu.vector_load %arg6[%swap3A_2886, %swap3A_2887] {strides = array<i32>} : memref<3x1024xf32, #tpu.memory_space<vmem>>, vector<16xf32>,
    tpu.vector_store %arg6[%swap3A_2886, %swap3A_2887], %select_n3A_2872 {strides = array<i32>} : memref<3x1024xf32, #tpu.memory_space<vmem>>, vector<16xf32>,
    %swap3A_2889 = arith.constant 1 : i32
    %swap3A_2890 = arith.index_cast %swap3A_2889 : i32 to index
    %swap3A_2891 = arith.constant 800 : index
    %swap3A_2892 = tpu.vector_load %arg6[%swap3A_2890, %swap3A_2891] {strides = array<i32>} : memref<3x1024xf32, #tpu.memory_space<vmem>>, vector<16xf32>,
    tpu.vector_store %arg6[%swap3A_2890, %swap3A_2891], %select_n3A_2880 {strides = array<i32>} : memref<3x1024xf32, #tpu.memory_space<vmem>>, vector<16xf32>,
    %swap3A_2893 = arith.constant 2 : i32
    %swap3A_2894 = arith.index_cast %swap3A_2893 : i32 to index
    %swap3A_2895 = arith.constant 800 : index
    %swap3A_2896 = tpu.vector_load %arg6[%swap3A_2894, %swap3A_2895] {strides = array<i32>} : memref<3x1024xf32, #tpu.memory_space<vmem>>, vector<16xf32>,
    tpu.vector_store %arg6[%swap3A_2894, %swap3A_2895], %sub3A_2884 {strides = array<i32>} : memref<3x1024xf32, #tpu.memory_space<vmem>>, vector<16xf32>,
    %get3A_2897 = arith.constant 0 : i32
    %get3A_2898 = arith.index_cast %get3A_2897 : i32 to index
    %get3A_2899 = arith.constant 816 : index
    %get3A_2900 = tpu.vector_load %arg5[%get3A_2898, %get3A_2899] {strides = array<i32>} : memref<1x1024xf32, #tpu.memory_space<vmem>>, vector<16xf32>,
    %get3A_2901 = arith.constant 0 : i32
    %get3A_2902 = arith.index_cast %get3A_2901 : i32 to index
    %get3A_2903 = arith.constant 816 : index
    %get3A_2904 = tpu.vector_load %arg4[%get3A_2902, %get3A_2903] {strides = array<i32>} : memref<4x1024xf32, #tpu.memory_space<vmem>>, vector<16xf32>,
    %get3A_2905 = arith.constant 1 : i32
    %get3A_2906 = arith.index_cast %get3A_2905 : i32 to index
    %get3A_2907 = arith.constant 816 : index
    %get3A_2908 = tpu.vector_load %arg4[%get3A_2906, %get3A_2907] {strides = array<i32>} : memref<4x1024xf32, #tpu.memory_space<vmem>>, vector<16xf32>,
    %get3A_2909 = arith.constant 2 : i32
    %get3A_2910 = arith.index_cast %get3A_2909 : i32 to index
    %get3A_2911 = arith.constant 816 : index
    %get3A_2912 = tpu.vector_load %arg4[%get3A_2910, %get3A_2911] {strides = array<i32>} : memref<4x1024xf32, #tpu.memory_space<vmem>>, vector<16xf32>,
    %get3A_2913 = arith.constant 3 : i32
    %get3A_2914 = arith.index_cast %get3A_2913 : i32 to index
    %get3A_2915 = arith.constant 816 : index
    %get3A_2916 = tpu.vector_load %arg4[%get3A_2914, %get3A_2915] {strides = array<i32>} : memref<4x1024xf32, #tpu.memory_space<vmem>>, vector<16xf32>,
    %gt3A_2917 = arith.constant 5.000000e-01 : f32
    %gt3A_2918 = vector.broadcast %gt3A_2917 : f32 to vector<16xf32>
    %gt3A_2919 = arith.cmpf ogt, %get3A_2900, %gt3A_2918 : vector<16xf32>
    %add3A_2920 = arith.addf %get3A_2904, %get3A_2908 : vector<16xf32>
    %add3A_2921 = arith.addf %get3A_2912, %get3A_2916 : vector<16xf32>
    %gt3A_2922 = arith.cmpf ogt, %add3A_2920, %add3A_2921 : vector<16xf32>
    %jit3A_2923 = arith.constant 1.000000e+00 : f32
    %jit3A_2924 = arith.constant 0.000000e+00 : f32
    %broadcast_in_dim3A_2925 = vector.broadcast %jit3A_2923 : f32 to vector<16xf32>
    %broadcast_in_dim3A_2926 = vector.broadcast %jit3A_2924 : f32 to vector<16xf32>
    %select_n3A_2927 = arith.select %gt3A_2919, %broadcast_in_dim3A_2925, %broadcast_in_dim3A_2926 : vector<16xi1>, vector<16xf32>
    %not3A_2928 = arith.constant dense<true> : vector<16xi1>
    %not3A_2929 = arith.xori %gt3A_2919, %not3A_2928 : vector<16xi1>
    %and3A_2930 = arith.andi %not3A_2929, %gt3A_2922 : vector<16xi1>
    %jit3A_2931 = arith.constant 1.000000e+00 : f32
    %jit3A_2932 = arith.constant 0.000000e+00 : f32
    %broadcast_in_dim3A_2933 = vector.broadcast %jit3A_2931 : f32 to vector<16xf32>
    %broadcast_in_dim3A_2934 = vector.broadcast %jit3A_2932 : f32 to vector<16xf32>
    %select_n3A_2935 = arith.select %and3A_2930, %broadcast_in_dim3A_2933, %broadcast_in_dim3A_2934 : vector<16xi1>, vector<16xf32>
    %sub3A_2936 = arith.constant 1.000000e+00 : f32
    %sub3A_2937 = vector.broadcast %sub3A_2936 : f32 to vector<16xf32>
    %sub3A_2938 = arith.subf %sub3A_2937, %select_n3A_2927 : vector<16xf32>
    %sub3A_2939 = arith.subf %sub3A_2938, %select_n3A_2935 : vector<16xf32>
    %swap3A_2940 = arith.constant 0 : i32
    %swap3A_2941 = arith.index_cast %swap3A_2940 : i32 to index
    %swap3A_2942 = arith.constant 816 : index
    %swap3A_2943 = tpu.vector_load %arg6[%swap3A_2941, %swap3A_2942] {strides = array<i32>} : memref<3x1024xf32, #tpu.memory_space<vmem>>, vector<16xf32>,
    tpu.vector_store %arg6[%swap3A_2941, %swap3A_2942], %select_n3A_2927 {strides = array<i32>} : memref<3x1024xf32, #tpu.memory_space<vmem>>, vector<16xf32>,
    %swap3A_2944 = arith.constant 1 : i32
    %swap3A_2945 = arith.index_cast %swap3A_2944 : i32 to index
    %swap3A_2946 = arith.constant 816 : index
    %swap3A_2947 = tpu.vector_load %arg6[%swap3A_2945, %swap3A_2946] {strides = array<i32>} : memref<3x1024xf32, #tpu.memory_space<vmem>>, vector<16xf32>,
    tpu.vector_store %arg6[%swap3A_2945, %swap3A_2946], %select_n3A_2935 {strides = array<i32>} : memref<3x1024xf32, #tpu.memory_space<vmem>>, vector<16xf32>,
    %swap3A_2948 = arith.constant 2 : i32
    %swap3A_2949 = arith.index_cast %swap3A_2948 : i32 to index
    %swap3A_2950 = arith.constant 816 : index
    %swap3A_2951 = tpu.vector_load %arg6[%swap3A_2949, %swap3A_2950] {strides = array<i32>} : memref<3x1024xf32, #tpu.memory_space<vmem>>, vector<16xf32>,
    tpu.vector_store %arg6[%swap3A_2949, %swap3A_2950], %sub3A_2939 {strides = array<i32>} : memref<3x1024xf32, #tpu.memory_space<vmem>>, vector<16xf32>,
    %get3A_2952 = arith.constant 0 : i32
    %get3A_2953 = arith.index_cast %get3A_2952 : i32 to index
    %get3A_2954 = arith.constant 832 : index
    %get3A_2955 = tpu.vector_load %arg5[%get3A_2953, %get3A_2954] {strides = array<i32>} : memref<1x1024xf32, #tpu.memory_space<vmem>>, vector<16xf32>,
    %get3A_2956 = arith.constant 0 : i32
    %get3A_2957 = arith.index_cast %get3A_2956 : i32 to index
    %get3A_2958 = arith.constant 832 : index
    %get3A_2959 = tpu.vector_load %arg4[%get3A_2957, %get3A_2958] {strides = array<i32>} : memref<4x1024xf32, #tpu.memory_space<vmem>>, vector<16xf32>,
    %get3A_2960 = arith.constant 1 : i32
    %get3A_2961 = arith.index_cast %get3A_2960 : i32 to index
    %get3A_2962 = arith.constant 832 : index
    %get3A_2963 = tpu.vector_load %arg4[%get3A_2961, %get3A_2962] {strides = array<i32>} : memref<4x1024xf32, #tpu.memory_space<vmem>>, vector<16xf32>,
    %get3A_2964 = arith.constant 2 : i32
    %get3A_2965 = arith.index_cast %get3A_2964 : i32 to index
    %get3A_2966 = arith.constant 832 : index
    %get3A_2967 = tpu.vector_load %arg4[%get3A_2965, %get3A_2966] {strides = array<i32>} : memref<4x1024xf32, #tpu.memory_space<vmem>>, vector<16xf32>,
    %get3A_2968 = arith.constant 3 : i32
    %get3A_2969 = arith.index_cast %get3A_2968 : i32 to index
    %get3A_2970 = arith.constant 832 : index
    %get3A_2971 = tpu.vector_load %arg4[%get3A_2969, %get3A_2970] {strides = array<i32>} : memref<4x1024xf32, #tpu.memory_space<vmem>>, vector<16xf32>,
    %gt3A_2972 = arith.constant 5.000000e-01 : f32
    %gt3A_2973 = vector.broadcast %gt3A_2972 : f32 to vector<16xf32>
    %gt3A_2974 = arith.cmpf ogt, %get3A_2955, %gt3A_2973 : vector<16xf32>
    %add3A_2975 = arith.addf %get3A_2959, %get3A_2963 : vector<16xf32>
    %add3A_2976 = arith.addf %get3A_2967, %get3A_2971 : vector<16xf32>
    %gt3A_2977 = arith.cmpf ogt, %add3A_2975, %add3A_2976 : vector<16xf32>
    %jit3A_2978 = arith.constant 1.000000e+00 : f32
    %jit3A_2979 = arith.constant 0.000000e+00 : f32
    %broadcast_in_dim3A_2980 = vector.broadcast %jit3A_2978 : f32 to vector<16xf32>
    %broadcast_in_dim3A_2981 = vector.broadcast %jit3A_2979 : f32 to vector<16xf32>
    %select_n3A_2982 = arith.select %gt3A_2974, %broadcast_in_dim3A_2980, %broadcast_in_dim3A_2981 : vector<16xi1>, vector<16xf32>
    %not3A_2983 = arith.constant dense<true> : vector<16xi1>
    %not3A_2984 = arith.xori %gt3A_2974, %not3A_2983 : vector<16xi1>
    %and3A_2985 = arith.andi %not3A_2984, %gt3A_2977 : vector<16xi1>
    %jit3A_2986 = arith.constant 1.000000e+00 : f32
    %jit3A_2987 = arith.constant 0.000000e+00 : f32
    %broadcast_in_dim3A_2988 = vector.broadcast %jit3A_2986 : f32 to vector<16xf32>
    %broadcast_in_dim3A_2989 = vector.broadcast %jit3A_2987 : f32 to vector<16xf32>
    %select_n3A_2990 = arith.select %and3A_2985, %broadcast_in_dim3A_2988, %broadcast_in_dim3A_2989 : vector<16xi1>, vector<16xf32>
    %sub3A_2991 = arith.constant 1.000000e+00 : f32
    %sub3A_2992 = vector.broadcast %sub3A_2991 : f32 to vector<16xf32>
    %sub3A_2993 = arith.subf %sub3A_2992, %select_n3A_2982 : vector<16xf32>
    %sub3A_2994 = arith.subf %sub3A_2993, %select_n3A_2990 : vector<16xf32>
    %swap3A_2995 = arith.constant 0 : i32
    %swap3A_2996 = arith.index_cast %swap3A_2995 : i32 to index
    %swap3A_2997 = arith.constant 832 : index
    %swap3A_2998 = tpu.vector_load %arg6[%swap3A_2996, %swap3A_2997] {strides = array<i32>} : memref<3x1024xf32, #tpu.memory_space<vmem>>, vector<16xf32>,
    tpu.vector_store %arg6[%swap3A_2996, %swap3A_2997], %select_n3A_2982 {strides = array<i32>} : memref<3x1024xf32, #tpu.memory_space<vmem>>, vector<16xf32>,
    %swap3A_2999 = arith.constant 1 : i32
    %swap3A_3000 = arith.index_cast %swap3A_2999 : i32 to index
    %swap3A_3001 = arith.constant 832 : index
    %swap3A_3002 = tpu.vector_load %arg6[%swap3A_3000, %swap3A_3001] {strides = array<i32>} : memref<3x1024xf32, #tpu.memory_space<vmem>>, vector<16xf32>,
    tpu.vector_store %arg6[%swap3A_3000, %swap3A_3001], %select_n3A_2990 {strides = array<i32>} : memref<3x1024xf32, #tpu.memory_space<vmem>>, vector<16xf32>,
    %swap3A_3003 = arith.constant 2 : i32
    %swap3A_3004 = arith.index_cast %swap3A_3003 : i32 to index
    %swap3A_3005 = arith.constant 832 : index
    %swap3A_3006 = tpu.vector_load %arg6[%swap3A_3004, %swap3A_3005] {strides = array<i32>} : memref<3x1024xf32, #tpu.memory_space<vmem>>, vector<16xf32>,
    tpu.vector_store %arg6[%swap3A_3004, %swap3A_3005], %sub3A_2994 {strides = array<i32>} : memref<3x1024xf32, #tpu.memory_space<vmem>>, vector<16xf32>,
    %get3A_3007 = arith.constant 0 : i32
    %get3A_3008 = arith.index_cast %get3A_3007 : i32 to index
    %get3A_3009 = arith.constant 848 : index
    %get3A_3010 = tpu.vector_load %arg5[%get3A_3008, %get3A_3009] {strides = array<i32>} : memref<1x1024xf32, #tpu.memory_space<vmem>>, vector<16xf32>,
    %get3A_3011 = arith.constant 0 : i32
    %get3A_3012 = arith.index_cast %get3A_3011 : i32 to index
    %get3A_3013 = arith.constant 848 : index
    %get3A_3014 = tpu.vector_load %arg4[%get3A_3012, %get3A_3013] {strides = array<i32>} : memref<4x1024xf32, #tpu.memory_space<vmem>>, vector<16xf32>,
    %get3A_3015 = arith.constant 1 : i32
    %get3A_3016 = arith.index_cast %get3A_3015 : i32 to index
    %get3A_3017 = arith.constant 848 : index
    %get3A_3018 = tpu.vector_load %arg4[%get3A_3016, %get3A_3017] {strides = array<i32>} : memref<4x1024xf32, #tpu.memory_space<vmem>>, vector<16xf32>,
    %get3A_3019 = arith.constant 2 : i32
    %get3A_3020 = arith.index_cast %get3A_3019 : i32 to index
    %get3A_3021 = arith.constant 848 : index
    %get3A_3022 = tpu.vector_load %arg4[%get3A_3020, %get3A_3021] {strides = array<i32>} : memref<4x1024xf32, #tpu.memory_space<vmem>>, vector<16xf32>,
    %get3A_3023 = arith.constant 3 : i32
    %get3A_3024 = arith.index_cast %get3A_3023 : i32 to index
    %get3A_3025 = arith.constant 848 : index
    %get3A_3026 = tpu.vector_load %arg4[%get3A_3024, %get3A_3025] {strides = array<i32>} : memref<4x1024xf32, #tpu.memory_space<vmem>>, vector<16xf32>,
    %gt3A_3027 = arith.constant 5.000000e-01 : f32
    %gt3A_3028 = vector.broadcast %gt3A_3027 : f32 to vector<16xf32>
    %gt3A_3029 = arith.cmpf ogt, %get3A_3010, %gt3A_3028 : vector<16xf32>
    %add3A_3030 = arith.addf %get3A_3014, %get3A_3018 : vector<16xf32>
    %add3A_3031 = arith.addf %get3A_3022, %get3A_3026 : vector<16xf32>
    %gt3A_3032 = arith.cmpf ogt, %add3A_3030, %add3A_3031 : vector<16xf32>
    %jit3A_3033 = arith.constant 1.000000e+00 : f32
    %jit3A_3034 = arith.constant 0.000000e+00 : f32
    %broadcast_in_dim3A_3035 = vector.broadcast %jit3A_3033 : f32 to vector<16xf32>
    %broadcast_in_dim3A_3036 = vector.broadcast %jit3A_3034 : f32 to vector<16xf32>
    %select_n3A_3037 = arith.select %gt3A_3029, %broadcast_in_dim3A_3035, %broadcast_in_dim3A_3036 : vector<16xi1>, vector<16xf32>
    %not3A_3038 = arith.constant dense<true> : vector<16xi1>
    %not3A_3039 = arith.xori %gt3A_3029, %not3A_3038 : vector<16xi1>
    %and3A_3040 = arith.andi %not3A_3039, %gt3A_3032 : vector<16xi1>
    %jit3A_3041 = arith.constant 1.000000e+00 : f32
    %jit3A_3042 = arith.constant 0.000000e+00 : f32
    %broadcast_in_dim3A_3043 = vector.broadcast %jit3A_3041 : f32 to vector<16xf32>
    %broadcast_in_dim3A_3044 = vector.broadcast %jit3A_3042 : f32 to vector<16xf32>
    %select_n3A_3045 = arith.select %and3A_3040, %broadcast_in_dim3A_3043, %broadcast_in_dim3A_3044 : vector<16xi1>, vector<16xf32>
    %sub3A_3046 = arith.constant 1.000000e+00 : f32
    %sub3A_3047 = vector.broadcast %sub3A_3046 : f32 to vector<16xf32>
    %sub3A_3048 = arith.subf %sub3A_3047, %select_n3A_3037 : vector<16xf32>
    %sub3A_3049 = arith.subf %sub3A_3048, %select_n3A_3045 : vector<16xf32>
    %swap3A_3050 = arith.constant 0 : i32
    %swap3A_3051 = arith.index_cast %swap3A_3050 : i32 to index
    %swap3A_3052 = arith.constant 848 : index
    %swap3A_3053 = tpu.vector_load %arg6[%swap3A_3051, %swap3A_3052] {strides = array<i32>} : memref<3x1024xf32, #tpu.memory_space<vmem>>, vector<16xf32>,
    tpu.vector_store %arg6[%swap3A_3051, %swap3A_3052], %select_n3A_3037 {strides = array<i32>} : memref<3x1024xf32, #tpu.memory_space<vmem>>, vector<16xf32>,
    %swap3A_3054 = arith.constant 1 : i32
    %swap3A_3055 = arith.index_cast %swap3A_3054 : i32 to index
    %swap3A_3056 = arith.constant 848 : index
    %swap3A_3057 = tpu.vector_load %arg6[%swap3A_3055, %swap3A_3056] {strides = array<i32>} : memref<3x1024xf32, #tpu.memory_space<vmem>>, vector<16xf32>,
    tpu.vector_store %arg6[%swap3A_3055, %swap3A_3056], %select_n3A_3045 {strides = array<i32>} : memref<3x1024xf32, #tpu.memory_space<vmem>>, vector<16xf32>,
    %swap3A_3058 = arith.constant 2 : i32
    %swap3A_3059 = arith.index_cast %swap3A_3058 : i32 to index
    %swap3A_3060 = arith.constant 848 : index
    %swap3A_3061 = tpu.vector_load %arg6[%swap3A_3059, %swap3A_3060] {strides = array<i32>} : memref<3x1024xf32, #tpu.memory_space<vmem>>, vector<16xf32>,
    tpu.vector_store %arg6[%swap3A_3059, %swap3A_3060], %sub3A_3049 {strides = array<i32>} : memref<3x1024xf32, #tpu.memory_space<vmem>>, vector<16xf32>,
    %get3A_3062 = arith.constant 0 : i32
    %get3A_3063 = arith.index_cast %get3A_3062 : i32 to index
    %get3A_3064 = arith.constant 864 : index
    %get3A_3065 = tpu.vector_load %arg5[%get3A_3063, %get3A_3064] {strides = array<i32>} : memref<1x1024xf32, #tpu.memory_space<vmem>>, vector<16xf32>,
    %get3A_3066 = arith.constant 0 : i32
    %get3A_3067 = arith.index_cast %get3A_3066 : i32 to index
    %get3A_3068 = arith.constant 864 : index
    %get3A_3069 = tpu.vector_load %arg4[%get3A_3067, %get3A_3068] {strides = array<i32>} : memref<4x1024xf32, #tpu.memory_space<vmem>>, vector<16xf32>,
    %get3A_3070 = arith.constant 1 : i32
    %get3A_3071 = arith.index_cast %get3A_3070 : i32 to index
    %get3A_3072 = arith.constant 864 : index
    %get3A_3073 = tpu.vector_load %arg4[%get3A_3071, %get3A_3072] {strides = array<i32>} : memref<4x1024xf32, #tpu.memory_space<vmem>>, vector<16xf32>,
    %get3A_3074 = arith.constant 2 : i32
    %get3A_3075 = arith.index_cast %get3A_3074 : i32 to index
    %get3A_3076 = arith.constant 864 : index
    %get3A_3077 = tpu.vector_load %arg4[%get3A_3075, %get3A_3076] {strides = array<i32>} : memref<4x1024xf32, #tpu.memory_space<vmem>>, vector<16xf32>,
    %get3A_3078 = arith.constant 3 : i32
    %get3A_3079 = arith.index_cast %get3A_3078 : i32 to index
    %get3A_3080 = arith.constant 864 : index
    %get3A_3081 = tpu.vector_load %arg4[%get3A_3079, %get3A_3080] {strides = array<i32>} : memref<4x1024xf32, #tpu.memory_space<vmem>>, vector<16xf32>,
    %gt3A_3082 = arith.constant 5.000000e-01 : f32
    %gt3A_3083 = vector.broadcast %gt3A_3082 : f32 to vector<16xf32>
    %gt3A_3084 = arith.cmpf ogt, %get3A_3065, %gt3A_3083 : vector<16xf32>
    %add3A_3085 = arith.addf %get3A_3069, %get3A_3073 : vector<16xf32>
    %add3A_3086 = arith.addf %get3A_3077, %get3A_3081 : vector<16xf32>
    %gt3A_3087 = arith.cmpf ogt, %add3A_3085, %add3A_3086 : vector<16xf32>
    %jit3A_3088 = arith.constant 1.000000e+00 : f32
    %jit3A_3089 = arith.constant 0.000000e+00 : f32
    %broadcast_in_dim3A_3090 = vector.broadcast %jit3A_3088 : f32 to vector<16xf32>
    %broadcast_in_dim3A_3091 = vector.broadcast %jit3A_3089 : f32 to vector<16xf32>
    %select_n3A_3092 = arith.select %gt3A_3084, %broadcast_in_dim3A_3090, %broadcast_in_dim3A_3091 : vector<16xi1>, vector<16xf32>
    %not3A_3093 = arith.constant dense<true> : vector<16xi1>
    %not3A_3094 = arith.xori %gt3A_3084, %not3A_3093 : vector<16xi1>
    %and3A_3095 = arith.andi %not3A_3094, %gt3A_3087 : vector<16xi1>
    %jit3A_3096 = arith.constant 1.000000e+00 : f32
    %jit3A_3097 = arith.constant 0.000000e+00 : f32
    %broadcast_in_dim3A_3098 = vector.broadcast %jit3A_3096 : f32 to vector<16xf32>
    %broadcast_in_dim3A_3099 = vector.broadcast %jit3A_3097 : f32 to vector<16xf32>
    %select_n3A_3100 = arith.select %and3A_3095, %broadcast_in_dim3A_3098, %broadcast_in_dim3A_3099 : vector<16xi1>, vector<16xf32>
    %sub3A_3101 = arith.constant 1.000000e+00 : f32
    %sub3A_3102 = vector.broadcast %sub3A_3101 : f32 to vector<16xf32>
    %sub3A_3103 = arith.subf %sub3A_3102, %select_n3A_3092 : vector<16xf32>
    %sub3A_3104 = arith.subf %sub3A_3103, %select_n3A_3100 : vector<16xf32>
    %swap3A_3105 = arith.constant 0 : i32
    %swap3A_3106 = arith.index_cast %swap3A_3105 : i32 to index
    %swap3A_3107 = arith.constant 864 : index
    %swap3A_3108 = tpu.vector_load %arg6[%swap3A_3106, %swap3A_3107] {strides = array<i32>} : memref<3x1024xf32, #tpu.memory_space<vmem>>, vector<16xf32>,
    tpu.vector_store %arg6[%swap3A_3106, %swap3A_3107], %select_n3A_3092 {strides = array<i32>} : memref<3x1024xf32, #tpu.memory_space<vmem>>, vector<16xf32>,
    %swap3A_3109 = arith.constant 1 : i32
    %swap3A_3110 = arith.index_cast %swap3A_3109 : i32 to index
    %swap3A_3111 = arith.constant 864 : index
    %swap3A_3112 = tpu.vector_load %arg6[%swap3A_3110, %swap3A_3111] {strides = array<i32>} : memref<3x1024xf32, #tpu.memory_space<vmem>>, vector<16xf32>,
    tpu.vector_store %arg6[%swap3A_3110, %swap3A_3111], %select_n3A_3100 {strides = array<i32>} : memref<3x1024xf32, #tpu.memory_space<vmem>>, vector<16xf32>,
    %swap3A_3113 = arith.constant 2 : i32
    %swap3A_3114 = arith.index_cast %swap3A_3113 : i32 to index
    %swap3A_3115 = arith.constant 864 : index
    %swap3A_3116 = tpu.vector_load %arg6[%swap3A_3114, %swap3A_3115] {strides = array<i32>} : memref<3x1024xf32, #tpu.memory_space<vmem>>, vector<16xf32>,
    tpu.vector_store %arg6[%swap3A_3114, %swap3A_3115], %sub3A_3104 {strides = array<i32>} : memref<3x1024xf32, #tpu.memory_space<vmem>>, vector<16xf32>,
    %get3A_3117 = arith.constant 0 : i32
    %get3A_3118 = arith.index_cast %get3A_3117 : i32 to index
    %get3A_3119 = arith.constant 880 : index
    %get3A_3120 = tpu.vector_load %arg5[%get3A_3118, %get3A_3119] {strides = array<i32>} : memref<1x1024xf32, #tpu.memory_space<vmem>>, vector<16xf32>,
    %get3A_3121 = arith.constant 0 : i32
    %get3A_3122 = arith.index_cast %get3A_3121 : i32 to index
    %get3A_3123 = arith.constant 880 : index
    %get3A_3124 = tpu.vector_load %arg4[%get3A_3122, %get3A_3123] {strides = array<i32>} : memref<4x1024xf32, #tpu.memory_space<vmem>>, vector<16xf32>,
    %get3A_3125 = arith.constant 1 : i32
    %get3A_3126 = arith.index_cast %get3A_3125 : i32 to index
    %get3A_3127 = arith.constant 880 : index
    %get3A_3128 = tpu.vector_load %arg4[%get3A_3126, %get3A_3127] {strides = array<i32>} : memref<4x1024xf32, #tpu.memory_space<vmem>>, vector<16xf32>,
    %get3A_3129 = arith.constant 2 : i32
    %get3A_3130 = arith.index_cast %get3A_3129 : i32 to index
    %get3A_3131 = arith.constant 880 : index
    %get3A_3132 = tpu.vector_load %arg4[%get3A_3130, %get3A_3131] {strides = array<i32>} : memref<4x1024xf32, #tpu.memory_space<vmem>>, vector<16xf32>,
    %get3A_3133 = arith.constant 3 : i32
    %get3A_3134 = arith.index_cast %get3A_3133 : i32 to index
    %get3A_3135 = arith.constant 880 : index
    %get3A_3136 = tpu.vector_load %arg4[%get3A_3134, %get3A_3135] {strides = array<i32>} : memref<4x1024xf32, #tpu.memory_space<vmem>>, vector<16xf32>,
    %gt3A_3137 = arith.constant 5.000000e-01 : f32
    %gt3A_3138 = vector.broadcast %gt3A_3137 : f32 to vector<16xf32>
    %gt3A_3139 = arith.cmpf ogt, %get3A_3120, %gt3A_3138 : vector<16xf32>
    %add3A_3140 = arith.addf %get3A_3124, %get3A_3128 : vector<16xf32>
    %add3A_3141 = arith.addf %get3A_3132, %get3A_3136 : vector<16xf32>
    %gt3A_3142 = arith.cmpf ogt, %add3A_3140, %add3A_3141 : vector<16xf32>
    %jit3A_3143 = arith.constant 1.000000e+00 : f32
    %jit3A_3144 = arith.constant 0.000000e+00 : f32
    %broadcast_in_dim3A_3145 = vector.broadcast %jit3A_3143 : f32 to vector<16xf32>
    %broadcast_in_dim3A_3146 = vector.broadcast %jit3A_3144 : f32 to vector<16xf32>
    %select_n3A_3147 = arith.select %gt3A_3139, %broadcast_in_dim3A_3145, %broadcast_in_dim3A_3146 : vector<16xi1>, vector<16xf32>
    %not3A_3148 = arith.constant dense<true> : vector<16xi1>
    %not3A_3149 = arith.xori %gt3A_3139, %not3A_3148 : vector<16xi1>
    %and3A_3150 = arith.andi %not3A_3149, %gt3A_3142 : vector<16xi1>
    %jit3A_3151 = arith.constant 1.000000e+00 : f32
    %jit3A_3152 = arith.constant 0.000000e+00 : f32
    %broadcast_in_dim3A_3153 = vector.broadcast %jit3A_3151 : f32 to vector<16xf32>
    %broadcast_in_dim3A_3154 = vector.broadcast %jit3A_3152 : f32 to vector<16xf32>
    %select_n3A_3155 = arith.select %and3A_3150, %broadcast_in_dim3A_3153, %broadcast_in_dim3A_3154 : vector<16xi1>, vector<16xf32>
    %sub3A_3156 = arith.constant 1.000000e+00 : f32
    %sub3A_3157 = vector.broadcast %sub3A_3156 : f32 to vector<16xf32>
    %sub3A_3158 = arith.subf %sub3A_3157, %select_n3A_3147 : vector<16xf32>
    %sub3A_3159 = arith.subf %sub3A_3158, %select_n3A_3155 : vector<16xf32>
    %swap3A_3160 = arith.constant 0 : i32
    %swap3A_3161 = arith.index_cast %swap3A_3160 : i32 to index
    %swap3A_3162 = arith.constant 880 : index
    %swap3A_3163 = tpu.vector_load %arg6[%swap3A_3161, %swap3A_3162] {strides = array<i32>} : memref<3x1024xf32, #tpu.memory_space<vmem>>, vector<16xf32>,
    tpu.vector_store %arg6[%swap3A_3161, %swap3A_3162], %select_n3A_3147 {strides = array<i32>} : memref<3x1024xf32, #tpu.memory_space<vmem>>, vector<16xf32>,
    %swap3A_3164 = arith.constant 1 : i32
    %swap3A_3165 = arith.index_cast %swap3A_3164 : i32 to index
    %swap3A_3166 = arith.constant 880 : index
    %swap3A_3167 = tpu.vector_load %arg6[%swap3A_3165, %swap3A_3166] {strides = array<i32>} : memref<3x1024xf32, #tpu.memory_space<vmem>>, vector<16xf32>,
    tpu.vector_store %arg6[%swap3A_3165, %swap3A_3166], %select_n3A_3155 {strides = array<i32>} : memref<3x1024xf32, #tpu.memory_space<vmem>>, vector<16xf32>,
    %swap3A_3168 = arith.constant 2 : i32
    %swap3A_3169 = arith.index_cast %swap3A_3168 : i32 to index
    %swap3A_3170 = arith.constant 880 : index
    %swap3A_3171 = tpu.vector_load %arg6[%swap3A_3169, %swap3A_3170] {strides = array<i32>} : memref<3x1024xf32, #tpu.memory_space<vmem>>, vector<16xf32>,
    tpu.vector_store %arg6[%swap3A_3169, %swap3A_3170], %sub3A_3159 {strides = array<i32>} : memref<3x1024xf32, #tpu.memory_space<vmem>>, vector<16xf32>,
    %get3A_3172 = arith.constant 0 : i32
    %get3A_3173 = arith.index_cast %get3A_3172 : i32 to index
    %get3A_3174 = arith.constant 896 : index
    %get3A_3175 = tpu.vector_load %arg5[%get3A_3173, %get3A_3174] {strides = array<i32>} : memref<1x1024xf32, #tpu.memory_space<vmem>>, vector<16xf32>,
    %get3A_3176 = arith.constant 0 : i32
    %get3A_3177 = arith.index_cast %get3A_3176 : i32 to index
    %get3A_3178 = arith.constant 896 : index
    %get3A_3179 = tpu.vector_load %arg4[%get3A_3177, %get3A_3178] {strides = array<i32>} : memref<4x1024xf32, #tpu.memory_space<vmem>>, vector<16xf32>,
    %get3A_3180 = arith.constant 1 : i32
    %get3A_3181 = arith.index_cast %get3A_3180 : i32 to index
    %get3A_3182 = arith.constant 896 : index
    %get3A_3183 = tpu.vector_load %arg4[%get3A_3181, %get3A_3182] {strides = array<i32>} : memref<4x1024xf32, #tpu.memory_space<vmem>>, vector<16xf32>,
    %get3A_3184 = arith.constant 2 : i32
    %get3A_3185 = arith.index_cast %get3A_3184 : i32 to index
    %get3A_3186 = arith.constant 896 : index
    %get3A_3187 = tpu.vector_load %arg4[%get3A_3185, %get3A_3186] {strides = array<i32>} : memref<4x1024xf32, #tpu.memory_space<vmem>>, vector<16xf32>,
    %get3A_3188 = arith.constant 3 : i32
    %get3A_3189 = arith.index_cast %get3A_3188 : i32 to index
    %get3A_3190 = arith.constant 896 : index
    %get3A_3191 = tpu.vector_load %arg4[%get3A_3189, %get3A_3190] {strides = array<i32>} : memref<4x1024xf32, #tpu.memory_space<vmem>>, vector<16xf32>,
    %gt3A_3192 = arith.constant 5.000000e-01 : f32
    %gt3A_3193 = vector.broadcast %gt3A_3192 : f32 to vector<16xf32>
    %gt3A_3194 = arith.cmpf ogt, %get3A_3175, %gt3A_3193 : vector<16xf32>
    %add3A_3195 = arith.addf %get3A_3179, %get3A_3183 : vector<16xf32>
    %add3A_3196 = arith.addf %get3A_3187, %get3A_3191 : vector<16xf32>
    %gt3A_3197 = arith.cmpf ogt, %add3A_3195, %add3A_3196 : vector<16xf32>
    %jit3A_3198 = arith.constant 1.000000e+00 : f32
    %jit3A_3199 = arith.constant 0.000000e+00 : f32
    %broadcast_in_dim3A_3200 = vector.broadcast %jit3A_3198 : f32 to vector<16xf32>
    %broadcast_in_dim3A_3201 = vector.broadcast %jit3A_3199 : f32 to vector<16xf32>
    %select_n3A_3202 = arith.select %gt3A_3194, %broadcast_in_dim3A_3200, %broadcast_in_dim3A_3201 : vector<16xi1>, vector<16xf32>
    %not3A_3203 = arith.constant dense<true> : vector<16xi1>
    %not3A_3204 = arith.xori %gt3A_3194, %not3A_3203 : vector<16xi1>
    %and3A_3205 = arith.andi %not3A_3204, %gt3A_3197 : vector<16xi1>
    %jit3A_3206 = arith.constant 1.000000e+00 : f32
    %jit3A_3207 = arith.constant 0.000000e+00 : f32
    %broadcast_in_dim3A_3208 = vector.broadcast %jit3A_3206 : f32 to vector<16xf32>
    %broadcast_in_dim3A_3209 = vector.broadcast %jit3A_3207 : f32 to vector<16xf32>
    %select_n3A_3210 = arith.select %and3A_3205, %broadcast_in_dim3A_3208, %broadcast_in_dim3A_3209 : vector<16xi1>, vector<16xf32>
    %sub3A_3211 = arith.constant 1.000000e+00 : f32
    %sub3A_3212 = vector.broadcast %sub3A_3211 : f32 to vector<16xf32>
    %sub3A_3213 = arith.subf %sub3A_3212, %select_n3A_3202 : vector<16xf32>
    %sub3A_3214 = arith.subf %sub3A_3213, %select_n3A_3210 : vector<16xf32>
    %swap3A_3215 = arith.constant 0 : i32
    %swap3A_3216 = arith.index_cast %swap3A_3215 : i32 to index
    %swap3A_3217 = arith.constant 896 : index
    %swap3A_3218 = tpu.vector_load %arg6[%swap3A_3216, %swap3A_3217] {strides = array<i32>} : memref<3x1024xf32, #tpu.memory_space<vmem>>, vector<16xf32>,
    tpu.vector_store %arg6[%swap3A_3216, %swap3A_3217], %select_n3A_3202 {strides = array<i32>} : memref<3x1024xf32, #tpu.memory_space<vmem>>, vector<16xf32>,
    %swap3A_3219 = arith.constant 1 : i32
    %swap3A_3220 = arith.index_cast %swap3A_3219 : i32 to index
    %swap3A_3221 = arith.constant 896 : index
    %swap3A_3222 = tpu.vector_load %arg6[%swap3A_3220, %swap3A_3221] {strides = array<i32>} : memref<3x1024xf32, #tpu.memory_space<vmem>>, vector<16xf32>,
    tpu.vector_store %arg6[%swap3A_3220, %swap3A_3221], %select_n3A_3210 {strides = array<i32>} : memref<3x1024xf32, #tpu.memory_space<vmem>>, vector<16xf32>,
    %swap3A_3223 = arith.constant 2 : i32
    %swap3A_3224 = arith.index_cast %swap3A_3223 : i32 to index
    %swap3A_3225 = arith.constant 896 : index
    %swap3A_3226 = tpu.vector_load %arg6[%swap3A_3224, %swap3A_3225] {strides = array<i32>} : memref<3x1024xf32, #tpu.memory_space<vmem>>, vector<16xf32>,
    tpu.vector_store %arg6[%swap3A_3224, %swap3A_3225], %sub3A_3214 {strides = array<i32>} : memref<3x1024xf32, #tpu.memory_space<vmem>>, vector<16xf32>,
    %get3A_3227 = arith.constant 0 : i32
    %get3A_3228 = arith.index_cast %get3A_3227 : i32 to index
    %get3A_3229 = arith.constant 912 : index
    %get3A_3230 = tpu.vector_load %arg5[%get3A_3228, %get3A_3229] {strides = array<i32>} : memref<1x1024xf32, #tpu.memory_space<vmem>>, vector<16xf32>,
    %get3A_3231 = arith.constant 0 : i32
    %get3A_3232 = arith.index_cast %get3A_3231 : i32 to index
    %get3A_3233 = arith.constant 912 : index
    %get3A_3234 = tpu.vector_load %arg4[%get3A_3232, %get3A_3233] {strides = array<i32>} : memref<4x1024xf32, #tpu.memory_space<vmem>>, vector<16xf32>,
    %get3A_3235 = arith.constant 1 : i32
    %get3A_3236 = arith.index_cast %get3A_3235 : i32 to index
    %get3A_3237 = arith.constant 912 : index
    %get3A_3238 = tpu.vector_load %arg4[%get3A_3236, %get3A_3237] {strides = array<i32>} : memref<4x1024xf32, #tpu.memory_space<vmem>>, vector<16xf32>,
    %get3A_3239 = arith.constant 2 : i32
    %get3A_3240 = arith.index_cast %get3A_3239 : i32 to index
    %get3A_3241 = arith.constant 912 : index
    %get3A_3242 = tpu.vector_load %arg4[%get3A_3240, %get3A_3241] {strides = array<i32>} : memref<4x1024xf32, #tpu.memory_space<vmem>>, vector<16xf32>,
    %get3A_3243 = arith.constant 3 : i32
    %get3A_3244 = arith.index_cast %get3A_3243 : i32 to index
    %get3A_3245 = arith.constant 912 : index
    %get3A_3246 = tpu.vector_load %arg4[%get3A_3244, %get3A_3245] {strides = array<i32>} : memref<4x1024xf32, #tpu.memory_space<vmem>>, vector<16xf32>,
    %gt3A_3247 = arith.constant 5.000000e-01 : f32
    %gt3A_3248 = vector.broadcast %gt3A_3247 : f32 to vector<16xf32>
    %gt3A_3249 = arith.cmpf ogt, %get3A_3230, %gt3A_3248 : vector<16xf32>
    %add3A_3250 = arith.addf %get3A_3234, %get3A_3238 : vector<16xf32>
    %add3A_3251 = arith.addf %get3A_3242, %get3A_3246 : vector<16xf32>
    %gt3A_3252 = arith.cmpf ogt, %add3A_3250, %add3A_3251 : vector<16xf32>
    %jit3A_3253 = arith.constant 1.000000e+00 : f32
    %jit3A_3254 = arith.constant 0.000000e+00 : f32
    %broadcast_in_dim3A_3255 = vector.broadcast %jit3A_3253 : f32 to vector<16xf32>
    %broadcast_in_dim3A_3256 = vector.broadcast %jit3A_3254 : f32 to vector<16xf32>
    %select_n3A_3257 = arith.select %gt3A_3249, %broadcast_in_dim3A_3255, %broadcast_in_dim3A_3256 : vector<16xi1>, vector<16xf32>
    %not3A_3258 = arith.constant dense<true> : vector<16xi1>
    %not3A_3259 = arith.xori %gt3A_3249, %not3A_3258 : vector<16xi1>
    %and3A_3260 = arith.andi %not3A_3259, %gt3A_3252 : vector<16xi1>
    %jit3A_3261 = arith.constant 1.000000e+00 : f32
    %jit3A_3262 = arith.constant 0.000000e+00 : f32
    %broadcast_in_dim3A_3263 = vector.broadcast %jit3A_3261 : f32 to vector<16xf32>
    %broadcast_in_dim3A_3264 = vector.broadcast %jit3A_3262 : f32 to vector<16xf32>
    %select_n3A_3265 = arith.select %and3A_3260, %broadcast_in_dim3A_3263, %broadcast_in_dim3A_3264 : vector<16xi1>, vector<16xf32>
    %sub3A_3266 = arith.constant 1.000000e+00 : f32
    %sub3A_3267 = vector.broadcast %sub3A_3266 : f32 to vector<16xf32>
    %sub3A_3268 = arith.subf %sub3A_3267, %select_n3A_3257 : vector<16xf32>
    %sub3A_3269 = arith.subf %sub3A_3268, %select_n3A_3265 : vector<16xf32>
    %swap3A_3270 = arith.constant 0 : i32
    %swap3A_3271 = arith.index_cast %swap3A_3270 : i32 to index
    %swap3A_3272 = arith.constant 912 : index
    %swap3A_3273 = tpu.vector_load %arg6[%swap3A_3271, %swap3A_3272] {strides = array<i32>} : memref<3x1024xf32, #tpu.memory_space<vmem>>, vector<16xf32>,
    tpu.vector_store %arg6[%swap3A_3271, %swap3A_3272], %select_n3A_3257 {strides = array<i32>} : memref<3x1024xf32, #tpu.memory_space<vmem>>, vector<16xf32>,
    %swap3A_3274 = arith.constant 1 : i32
    %swap3A_3275 = arith.index_cast %swap3A_3274 : i32 to index
    %swap3A_3276 = arith.constant 912 : index
    %swap3A_3277 = tpu.vector_load %arg6[%swap3A_3275, %swap3A_3276] {strides = array<i32>} : memref<3x1024xf32, #tpu.memory_space<vmem>>, vector<16xf32>,
    tpu.vector_store %arg6[%swap3A_3275, %swap3A_3276], %select_n3A_3265 {strides = array<i32>} : memref<3x1024xf32, #tpu.memory_space<vmem>>, vector<16xf32>,
    %swap3A_3278 = arith.constant 2 : i32
    %swap3A_3279 = arith.index_cast %swap3A_3278 : i32 to index
    %swap3A_3280 = arith.constant 912 : index
    %swap3A_3281 = tpu.vector_load %arg6[%swap3A_3279, %swap3A_3280] {strides = array<i32>} : memref<3x1024xf32, #tpu.memory_space<vmem>>, vector<16xf32>,
    tpu.vector_store %arg6[%swap3A_3279, %swap3A_3280], %sub3A_3269 {strides = array<i32>} : memref<3x1024xf32, #tpu.memory_space<vmem>>, vector<16xf32>,
    %get3A_3282 = arith.constant 0 : i32
    %get3A_3283 = arith.index_cast %get3A_3282 : i32 to index
    %get3A_3284 = arith.constant 928 : index
    %get3A_3285 = tpu.vector_load %arg5[%get3A_3283, %get3A_3284] {strides = array<i32>} : memref<1x1024xf32, #tpu.memory_space<vmem>>, vector<16xf32>,
    %get3A_3286 = arith.constant 0 : i32
    %get3A_3287 = arith.index_cast %get3A_3286 : i32 to index
    %get3A_3288 = arith.constant 928 : index
    %get3A_3289 = tpu.vector_load %arg4[%get3A_3287, %get3A_3288] {strides = array<i32>} : memref<4x1024xf32, #tpu.memory_space<vmem>>, vector<16xf32>,
    %get3A_3290 = arith.constant 1 : i32
    %get3A_3291 = arith.index_cast %get3A_3290 : i32 to index
    %get3A_3292 = arith.constant 928 : index
    %get3A_3293 = tpu.vector_load %arg4[%get3A_3291, %get3A_3292] {strides = array<i32>} : memref<4x1024xf32, #tpu.memory_space<vmem>>, vector<16xf32>,
    %get3A_3294 = arith.constant 2 : i32
    %get3A_3295 = arith.index_cast %get3A_3294 : i32 to index
    %get3A_3296 = arith.constant 928 : index
    %get3A_3297 = tpu.vector_load %arg4[%get3A_3295, %get3A_3296] {strides = array<i32>} : memref<4x1024xf32, #tpu.memory_space<vmem>>, vector<16xf32>,
    %get3A_3298 = arith.constant 3 : i32
    %get3A_3299 = arith.index_cast %get3A_3298 : i32 to index
    %get3A_3300 = arith.constant 928 : index
    %get3A_3301 = tpu.vector_load %arg4[%get3A_3299, %get3A_3300] {strides = array<i32>} : memref<4x1024xf32, #tpu.memory_space<vmem>>, vector<16xf32>,
    %gt3A_3302 = arith.constant 5.000000e-01 : f32
    %gt3A_3303 = vector.broadcast %gt3A_3302 : f32 to vector<16xf32>
    %gt3A_3304 = arith.cmpf ogt, %get3A_3285, %gt3A_3303 : vector<16xf32>
    %add3A_3305 = arith.addf %get3A_3289, %get3A_3293 : vector<16xf32>
    %add3A_3306 = arith.addf %get3A_3297, %get3A_3301 : vector<16xf32>
    %gt3A_3307 = arith.cmpf ogt, %add3A_3305, %add3A_3306 : vector<16xf32>
    %jit3A_3308 = arith.constant 1.000000e+00 : f32
    %jit3A_3309 = arith.constant 0.000000e+00 : f32
    %broadcast_in_dim3A_3310 = vector.broadcast %jit3A_3308 : f32 to vector<16xf32>
    %broadcast_in_dim3A_3311 = vector.broadcast %jit3A_3309 : f32 to vector<16xf32>
    %select_n3A_3312 = arith.select %gt3A_3304, %broadcast_in_dim3A_3310, %broadcast_in_dim3A_3311 : vector<16xi1>, vector<16xf32>
    %not3A_3313 = arith.constant dense<true> : vector<16xi1>
    %not3A_3314 = arith.xori %gt3A_3304, %not3A_3313 : vector<16xi1>
    %and3A_3315 = arith.andi %not3A_3314, %gt3A_3307 : vector<16xi1>
    %jit3A_3316 = arith.constant 1.000000e+00 : f32
    %jit3A_3317 = arith.constant 0.000000e+00 : f32
    %broadcast_in_dim3A_3318 = vector.broadcast %jit3A_3316 : f32 to vector<16xf32>
    %broadcast_in_dim3A_3319 = vector.broadcast %jit3A_3317 : f32 to vector<16xf32>
    %select_n3A_3320 = arith.select %and3A_3315, %broadcast_in_dim3A_3318, %broadcast_in_dim3A_3319 : vector<16xi1>, vector<16xf32>
    %sub3A_3321 = arith.constant 1.000000e+00 : f32
    %sub3A_3322 = vector.broadcast %sub3A_3321 : f32 to vector<16xf32>
    %sub3A_3323 = arith.subf %sub3A_3322, %select_n3A_3312 : vector<16xf32>
    %sub3A_3324 = arith.subf %sub3A_3323, %select_n3A_3320 : vector<16xf32>
    %swap3A_3325 = arith.constant 0 : i32
    %swap3A_3326 = arith.index_cast %swap3A_3325 : i32 to index
    %swap3A_3327 = arith.constant 928 : index
    %swap3A_3328 = tpu.vector_load %arg6[%swap3A_3326, %swap3A_3327] {strides = array<i32>} : memref<3x1024xf32, #tpu.memory_space<vmem>>, vector<16xf32>,
    tpu.vector_store %arg6[%swap3A_3326, %swap3A_3327], %select_n3A_3312 {strides = array<i32>} : memref<3x1024xf32, #tpu.memory_space<vmem>>, vector<16xf32>,
    %swap3A_3329 = arith.constant 1 : i32
    %swap3A_3330 = arith.index_cast %swap3A_3329 : i32 to index
    %swap3A_3331 = arith.constant 928 : index
    %swap3A_3332 = tpu.vector_load %arg6[%swap3A_3330, %swap3A_3331] {strides = array<i32>} : memref<3x1024xf32, #tpu.memory_space<vmem>>, vector<16xf32>,
    tpu.vector_store %arg6[%swap3A_3330, %swap3A_3331], %select_n3A_3320 {strides = array<i32>} : memref<3x1024xf32, #tpu.memory_space<vmem>>, vector<16xf32>,
    %swap3A_3333 = arith.constant 2 : i32
    %swap3A_3334 = arith.index_cast %swap3A_3333 : i32 to index
    %swap3A_3335 = arith.constant 928 : index
    %swap3A_3336 = tpu.vector_load %arg6[%swap3A_3334, %swap3A_3335] {strides = array<i32>} : memref<3x1024xf32, #tpu.memory_space<vmem>>, vector<16xf32>,
    tpu.vector_store %arg6[%swap3A_3334, %swap3A_3335], %sub3A_3324 {strides = array<i32>} : memref<3x1024xf32, #tpu.memory_space<vmem>>, vector<16xf32>,
    %get3A_3337 = arith.constant 0 : i32
    %get3A_3338 = arith.index_cast %get3A_3337 : i32 to index
    %get3A_3339 = arith.constant 944 : index
    %get3A_3340 = tpu.vector_load %arg5[%get3A_3338, %get3A_3339] {strides = array<i32>} : memref<1x1024xf32, #tpu.memory_space<vmem>>, vector<16xf32>,
    %get3A_3341 = arith.constant 0 : i32
    %get3A_3342 = arith.index_cast %get3A_3341 : i32 to index
    %get3A_3343 = arith.constant 944 : index
    %get3A_3344 = tpu.vector_load %arg4[%get3A_3342, %get3A_3343] {strides = array<i32>} : memref<4x1024xf32, #tpu.memory_space<vmem>>, vector<16xf32>,
    %get3A_3345 = arith.constant 1 : i32
    %get3A_3346 = arith.index_cast %get3A_3345 : i32 to index
    %get3A_3347 = arith.constant 944 : index
    %get3A_3348 = tpu.vector_load %arg4[%get3A_3346, %get3A_3347] {strides = array<i32>} : memref<4x1024xf32, #tpu.memory_space<vmem>>, vector<16xf32>,
    %get3A_3349 = arith.constant 2 : i32
    %get3A_3350 = arith.index_cast %get3A_3349 : i32 to index
    %get3A_3351 = arith.constant 944 : index
    %get3A_3352 = tpu.vector_load %arg4[%get3A_3350, %get3A_3351] {strides = array<i32>} : memref<4x1024xf32, #tpu.memory_space<vmem>>, vector<16xf32>,
    %get3A_3353 = arith.constant 3 : i32
    %get3A_3354 = arith.index_cast %get3A_3353 : i32 to index
    %get3A_3355 = arith.constant 944 : index
    %get3A_3356 = tpu.vector_load %arg4[%get3A_3354, %get3A_3355] {strides = array<i32>} : memref<4x1024xf32, #tpu.memory_space<vmem>>, vector<16xf32>,
    %gt3A_3357 = arith.constant 5.000000e-01 : f32
    %gt3A_3358 = vector.broadcast %gt3A_3357 : f32 to vector<16xf32>
    %gt3A_3359 = arith.cmpf ogt, %get3A_3340, %gt3A_3358 : vector<16xf32>
    %add3A_3360 = arith.addf %get3A_3344, %get3A_3348 : vector<16xf32>
    %add3A_3361 = arith.addf %get3A_3352, %get3A_3356 : vector<16xf32>
    %gt3A_3362 = arith.cmpf ogt, %add3A_3360, %add3A_3361 : vector<16xf32>
    %jit3A_3363 = arith.constant 1.000000e+00 : f32
    %jit3A_3364 = arith.constant 0.000000e+00 : f32
    %broadcast_in_dim3A_3365 = vector.broadcast %jit3A_3363 : f32 to vector<16xf32>
    %broadcast_in_dim3A_3366 = vector.broadcast %jit3A_3364 : f32 to vector<16xf32>
    %select_n3A_3367 = arith.select %gt3A_3359, %broadcast_in_dim3A_3365, %broadcast_in_dim3A_3366 : vector<16xi1>, vector<16xf32>
    %not3A_3368 = arith.constant dense<true> : vector<16xi1>
    %not3A_3369 = arith.xori %gt3A_3359, %not3A_3368 : vector<16xi1>
    %and3A_3370 = arith.andi %not3A_3369, %gt3A_3362 : vector<16xi1>
    %jit3A_3371 = arith.constant 1.000000e+00 : f32
    %jit3A_3372 = arith.constant 0.000000e+00 : f32
    %broadcast_in_dim3A_3373 = vector.broadcast %jit3A_3371 : f32 to vector<16xf32>
    %broadcast_in_dim3A_3374 = vector.broadcast %jit3A_3372 : f32 to vector<16xf32>
    %select_n3A_3375 = arith.select %and3A_3370, %broadcast_in_dim3A_3373, %broadcast_in_dim3A_3374 : vector<16xi1>, vector<16xf32>
    %sub3A_3376 = arith.constant 1.000000e+00 : f32
    %sub3A_3377 = vector.broadcast %sub3A_3376 : f32 to vector<16xf32>
    %sub3A_3378 = arith.subf %sub3A_3377, %select_n3A_3367 : vector<16xf32>
    %sub3A_3379 = arith.subf %sub3A_3378, %select_n3A_3375 : vector<16xf32>
    %swap3A_3380 = arith.constant 0 : i32
    %swap3A_3381 = arith.index_cast %swap3A_3380 : i32 to index
    %swap3A_3382 = arith.constant 944 : index
    %swap3A_3383 = tpu.vector_load %arg6[%swap3A_3381, %swap3A_3382] {strides = array<i32>} : memref<3x1024xf32, #tpu.memory_space<vmem>>, vector<16xf32>,
    tpu.vector_store %arg6[%swap3A_3381, %swap3A_3382], %select_n3A_3367 {strides = array<i32>} : memref<3x1024xf32, #tpu.memory_space<vmem>>, vector<16xf32>,
    %swap3A_3384 = arith.constant 1 : i32
    %swap3A_3385 = arith.index_cast %swap3A_3384 : i32 to index
    %swap3A_3386 = arith.constant 944 : index
    %swap3A_3387 = tpu.vector_load %arg6[%swap3A_3385, %swap3A_3386] {strides = array<i32>} : memref<3x1024xf32, #tpu.memory_space<vmem>>, vector<16xf32>,
    tpu.vector_store %arg6[%swap3A_3385, %swap3A_3386], %select_n3A_3375 {strides = array<i32>} : memref<3x1024xf32, #tpu.memory_space<vmem>>, vector<16xf32>,
    %swap3A_3388 = arith.constant 2 : i32
    %swap3A_3389 = arith.index_cast %swap3A_3388 : i32 to index
    %swap3A_3390 = arith.constant 944 : index
    %swap3A_3391 = tpu.vector_load %arg6[%swap3A_3389, %swap3A_3390] {strides = array<i32>} : memref<3x1024xf32, #tpu.memory_space<vmem>>, vector<16xf32>,
    tpu.vector_store %arg6[%swap3A_3389, %swap3A_3390], %sub3A_3379 {strides = array<i32>} : memref<3x1024xf32, #tpu.memory_space<vmem>>, vector<16xf32>,
    %get3A_3392 = arith.constant 0 : i32
    %get3A_3393 = arith.index_cast %get3A_3392 : i32 to index
    %get3A_3394 = arith.constant 960 : index
    %get3A_3395 = tpu.vector_load %arg5[%get3A_3393, %get3A_3394] {strides = array<i32>} : memref<1x1024xf32, #tpu.memory_space<vmem>>, vector<16xf32>,
    %get3A_3396 = arith.constant 0 : i32
    %get3A_3397 = arith.index_cast %get3A_3396 : i32 to index
    %get3A_3398 = arith.constant 960 : index
    %get3A_3399 = tpu.vector_load %arg4[%get3A_3397, %get3A_3398] {strides = array<i32>} : memref<4x1024xf32, #tpu.memory_space<vmem>>, vector<16xf32>,
    %get3A_3400 = arith.constant 1 : i32
    %get3A_3401 = arith.index_cast %get3A_3400 : i32 to index
    %get3A_3402 = arith.constant 960 : index
    %get3A_3403 = tpu.vector_load %arg4[%get3A_3401, %get3A_3402] {strides = array<i32>} : memref<4x1024xf32, #tpu.memory_space<vmem>>, vector<16xf32>,
    %get3A_3404 = arith.constant 2 : i32
    %get3A_3405 = arith.index_cast %get3A_3404 : i32 to index
    %get3A_3406 = arith.constant 960 : index
    %get3A_3407 = tpu.vector_load %arg4[%get3A_3405, %get3A_3406] {strides = array<i32>} : memref<4x1024xf32, #tpu.memory_space<vmem>>, vector<16xf32>,
    %get3A_3408 = arith.constant 3 : i32
    %get3A_3409 = arith.index_cast %get3A_3408 : i32 to index
    %get3A_3410 = arith.constant 960 : index
    %get3A_3411 = tpu.vector_load %arg4[%get3A_3409, %get3A_3410] {strides = array<i32>} : memref<4x1024xf32, #tpu.memory_space<vmem>>, vector<16xf32>,
    %gt3A_3412 = arith.constant 5.000000e-01 : f32
    %gt3A_3413 = vector.broadcast %gt3A_3412 : f32 to vector<16xf32>
    %gt3A_3414 = arith.cmpf ogt, %get3A_3395, %gt3A_3413 : vector<16xf32>
    %add3A_3415 = arith.addf %get3A_3399, %get3A_3403 : vector<16xf32>
    %add3A_3416 = arith.addf %get3A_3407, %get3A_3411 : vector<16xf32>
    %gt3A_3417 = arith.cmpf ogt, %add3A_3415, %add3A_3416 : vector<16xf32>
    %jit3A_3418 = arith.constant 1.000000e+00 : f32
    %jit3A_3419 = arith.constant 0.000000e+00 : f32
    %broadcast_in_dim3A_3420 = vector.broadcast %jit3A_3418 : f32 to vector<16xf32>
    %broadcast_in_dim3A_3421 = vector.broadcast %jit3A_3419 : f32 to vector<16xf32>
    %select_n3A_3422 = arith.select %gt3A_3414, %broadcast_in_dim3A_3420, %broadcast_in_dim3A_3421 : vector<16xi1>, vector<16xf32>
    %not3A_3423 = arith.constant dense<true> : vector<16xi1>
    %not3A_3424 = arith.xori %gt3A_3414, %not3A_3423 : vector<16xi1>
    %and3A_3425 = arith.andi %not3A_3424, %gt3A_3417 : vector<16xi1>
    %jit3A_3426 = arith.constant 1.000000e+00 : f32
    %jit3A_3427 = arith.constant 0.000000e+00 : f32
    %broadcast_in_dim3A_3428 = vector.broadcast %jit3A_3426 : f32 to vector<16xf32>
    %broadcast_in_dim3A_3429 = vector.broadcast %jit3A_3427 : f32 to vector<16xf32>
    %select_n3A_3430 = arith.select %and3A_3425, %broadcast_in_dim3A_3428, %broadcast_in_dim3A_3429 : vector<16xi1>, vector<16xf32>
    %sub3A_3431 = arith.constant 1.000000e+00 : f32
    %sub3A_3432 = vector.broadcast %sub3A_3431 : f32 to vector<16xf32>
    %sub3A_3433 = arith.subf %sub3A_3432, %select_n3A_3422 : vector<16xf32>
    %sub3A_3434 = arith.subf %sub3A_3433, %select_n3A_3430 : vector<16xf32>
    %swap3A_3435 = arith.constant 0 : i32
    %swap3A_3436 = arith.index_cast %swap3A_3435 : i32 to index
    %swap3A_3437 = arith.constant 960 : index
    %swap3A_3438 = tpu.vector_load %arg6[%swap3A_3436, %swap3A_3437] {strides = array<i32>} : memref<3x1024xf32, #tpu.memory_space<vmem>>, vector<16xf32>,
    tpu.vector_store %arg6[%swap3A_3436, %swap3A_3437], %select_n3A_3422 {strides = array<i32>} : memref<3x1024xf32, #tpu.memory_space<vmem>>, vector<16xf32>,
    %swap3A_3439 = arith.constant 1 : i32
    %swap3A_3440 = arith.index_cast %swap3A_3439 : i32 to index
    %swap3A_3441 = arith.constant 960 : index
    %swap3A_3442 = tpu.vector_load %arg6[%swap3A_3440, %swap3A_3441] {strides = array<i32>} : memref<3x1024xf32, #tpu.memory_space<vmem>>, vector<16xf32>,
    tpu.vector_store %arg6[%swap3A_3440, %swap3A_3441], %select_n3A_3430 {strides = array<i32>} : memref<3x1024xf32, #tpu.memory_space<vmem>>, vector<16xf32>,
    %swap3A_3443 = arith.constant 2 : i32
    %swap3A_3444 = arith.index_cast %swap3A_3443 : i32 to index
    %swap3A_3445 = arith.constant 960 : index
    %swap3A_3446 = tpu.vector_load %arg6[%swap3A_3444, %swap3A_3445] {strides = array<i32>} : memref<3x1024xf32, #tpu.memory_space<vmem>>, vector<16xf32>,
    tpu.vector_store %arg6[%swap3A_3444, %swap3A_3445], %sub3A_3434 {strides = array<i32>} : memref<3x1024xf32, #tpu.memory_space<vmem>>, vector<16xf32>,
    %get3A_3447 = arith.constant 0 : i32
    %get3A_3448 = arith.index_cast %get3A_3447 : i32 to index
    %get3A_3449 = arith.constant 976 : index
    %get3A_3450 = tpu.vector_load %arg5[%get3A_3448, %get3A_3449] {strides = array<i32>} : memref<1x1024xf32, #tpu.memory_space<vmem>>, vector<16xf32>,
    %get3A_3451 = arith.constant 0 : i32
    %get3A_3452 = arith.index_cast %get3A_3451 : i32 to index
    %get3A_3453 = arith.constant 976 : index
    %get3A_3454 = tpu.vector_load %arg4[%get3A_3452, %get3A_3453] {strides = array<i32>} : memref<4x1024xf32, #tpu.memory_space<vmem>>, vector<16xf32>,
    %get3A_3455 = arith.constant 1 : i32
    %get3A_3456 = arith.index_cast %get3A_3455 : i32 to index
    %get3A_3457 = arith.constant 976 : index
    %get3A_3458 = tpu.vector_load %arg4[%get3A_3456, %get3A_3457] {strides = array<i32>} : memref<4x1024xf32, #tpu.memory_space<vmem>>, vector<16xf32>,
    %get3A_3459 = arith.constant 2 : i32
    %get3A_3460 = arith.index_cast %get3A_3459 : i32 to index
    %get3A_3461 = arith.constant 976 : index
    %get3A_3462 = tpu.vector_load %arg4[%get3A_3460, %get3A_3461] {strides = array<i32>} : memref<4x1024xf32, #tpu.memory_space<vmem>>, vector<16xf32>,
    %get3A_3463 = arith.constant 3 : i32
    %get3A_3464 = arith.index_cast %get3A_3463 : i32 to index
    %get3A_3465 = arith.constant 976 : index
    %get3A_3466 = tpu.vector_load %arg4[%get3A_3464, %get3A_3465] {strides = array<i32>} : memref<4x1024xf32, #tpu.memory_space<vmem>>, vector<16xf32>,
    %gt3A_3467 = arith.constant 5.000000e-01 : f32
    %gt3A_3468 = vector.broadcast %gt3A_3467 : f32 to vector<16xf32>
    %gt3A_3469 = arith.cmpf ogt, %get3A_3450, %gt3A_3468 : vector<16xf32>
    %add3A_3470 = arith.addf %get3A_3454, %get3A_3458 : vector<16xf32>
    %add3A_3471 = arith.addf %get3A_3462, %get3A_3466 : vector<16xf32>
    %gt3A_3472 = arith.cmpf ogt, %add3A_3470, %add3A_3471 : vector<16xf32>
    %jit3A_3473 = arith.constant 1.000000e+00 : f32
    %jit3A_3474 = arith.constant 0.000000e+00 : f32
    %broadcast_in_dim3A_3475 = vector.broadcast %jit3A_3473 : f32 to vector<16xf32>
    %broadcast_in_dim3A_3476 = vector.broadcast %jit3A_3474 : f32 to vector<16xf32>
    %select_n3A_3477 = arith.select %gt3A_3469, %broadcast_in_dim3A_3475, %broadcast_in_dim3A_3476 : vector<16xi1>, vector<16xf32>
    %not3A_3478 = arith.constant dense<true> : vector<16xi1>
    %not3A_3479 = arith.xori %gt3A_3469, %not3A_3478 : vector<16xi1>
    %and3A_3480 = arith.andi %not3A_3479, %gt3A_3472 : vector<16xi1>
    %jit3A_3481 = arith.constant 1.000000e+00 : f32
    %jit3A_3482 = arith.constant 0.000000e+00 : f32
    %broadcast_in_dim3A_3483 = vector.broadcast %jit3A_3481 : f32 to vector<16xf32>
    %broadcast_in_dim3A_3484 = vector.broadcast %jit3A_3482 : f32 to vector<16xf32>
    %select_n3A_3485 = arith.select %and3A_3480, %broadcast_in_dim3A_3483, %broadcast_in_dim3A_3484 : vector<16xi1>, vector<16xf32>
    %sub3A_3486 = arith.constant 1.000000e+00 : f32
    %sub3A_3487 = vector.broadcast %sub3A_3486 : f32 to vector<16xf32>
    %sub3A_3488 = arith.subf %sub3A_3487, %select_n3A_3477 : vector<16xf32>
    %sub3A_3489 = arith.subf %sub3A_3488, %select_n3A_3485 : vector<16xf32>
    %swap3A_3490 = arith.constant 0 : i32
    %swap3A_3491 = arith.index_cast %swap3A_3490 : i32 to index
    %swap3A_3492 = arith.constant 976 : index
    %swap3A_3493 = tpu.vector_load %arg6[%swap3A_3491, %swap3A_3492] {strides = array<i32>} : memref<3x1024xf32, #tpu.memory_space<vmem>>, vector<16xf32>,
    tpu.vector_store %arg6[%swap3A_3491, %swap3A_3492], %select_n3A_3477 {strides = array<i32>} : memref<3x1024xf32, #tpu.memory_space<vmem>>, vector<16xf32>,
    %swap3A_3494 = arith.constant 1 : i32
    %swap3A_3495 = arith.index_cast %swap3A_3494 : i32 to index
    %swap3A_3496 = arith.constant 976 : index
    %swap3A_3497 = tpu.vector_load %arg6[%swap3A_3495, %swap3A_3496] {strides = array<i32>} : memref<3x1024xf32, #tpu.memory_space<vmem>>, vector<16xf32>,
    tpu.vector_store %arg6[%swap3A_3495, %swap3A_3496], %select_n3A_3485 {strides = array<i32>} : memref<3x1024xf32, #tpu.memory_space<vmem>>, vector<16xf32>,
    %swap3A_3498 = arith.constant 2 : i32
    %swap3A_3499 = arith.index_cast %swap3A_3498 : i32 to index
    %swap3A_3500 = arith.constant 976 : index
    %swap3A_3501 = tpu.vector_load %arg6[%swap3A_3499, %swap3A_3500] {strides = array<i32>} : memref<3x1024xf32, #tpu.memory_space<vmem>>, vector<16xf32>,
    tpu.vector_store %arg6[%swap3A_3499, %swap3A_3500], %sub3A_3489 {strides = array<i32>} : memref<3x1024xf32, #tpu.memory_space<vmem>>, vector<16xf32>,
    %get3A_3502 = arith.constant 0 : i32
    %get3A_3503 = arith.index_cast %get3A_3502 : i32 to index
    %get3A_3504 = arith.constant 992 : index
    %get3A_3505 = tpu.vector_load %arg5[%get3A_3503, %get3A_3504] {strides = array<i32>} : memref<1x1024xf32, #tpu.memory_space<vmem>>, vector<16xf32>,
    %get3A_3506 = arith.constant 0 : i32
    %get3A_3507 = arith.index_cast %get3A_3506 : i32 to index
    %get3A_3508 = arith.constant 992 : index
    %get3A_3509 = tpu.vector_load %arg4[%get3A_3507, %get3A_3508] {strides = array<i32>} : memref<4x1024xf32, #tpu.memory_space<vmem>>, vector<16xf32>,
    %get3A_3510 = arith.constant 1 : i32
    %get3A_3511 = arith.index_cast %get3A_3510 : i32 to index
    %get3A_3512 = arith.constant 992 : index
    %get3A_3513 = tpu.vector_load %arg4[%get3A_3511, %get3A_3512] {strides = array<i32>} : memref<4x1024xf32, #tpu.memory_space<vmem>>, vector<16xf32>,
    %get3A_3514 = arith.constant 2 : i32
    %get3A_3515 = arith.index_cast %get3A_3514 : i32 to index
    %get3A_3516 = arith.constant 992 : index
    %get3A_3517 = tpu.vector_load %arg4[%get3A_3515, %get3A_3516] {strides = array<i32>} : memref<4x1024xf32, #tpu.memory_space<vmem>>, vector<16xf32>,
    %get3A_3518 = arith.constant 3 : i32
    %get3A_3519 = arith.index_cast %get3A_3518 : i32 to index
    %get3A_3520 = arith.constant 992 : index
    %get3A_3521 = tpu.vector_load %arg4[%get3A_3519, %get3A_3520] {strides = array<i32>} : memref<4x1024xf32, #tpu.memory_space<vmem>>, vector<16xf32>,
    %gt3A_3522 = arith.constant 5.000000e-01 : f32
    %gt3A_3523 = vector.broadcast %gt3A_3522 : f32 to vector<16xf32>
    %gt3A_3524 = arith.cmpf ogt, %get3A_3505, %gt3A_3523 : vector<16xf32>
    %add3A_3525 = arith.addf %get3A_3509, %get3A_3513 : vector<16xf32>
    %add3A_3526 = arith.addf %get3A_3517, %get3A_3521 : vector<16xf32>
    %gt3A_3527 = arith.cmpf ogt, %add3A_3525, %add3A_3526 : vector<16xf32>
    %jit3A_3528 = arith.constant 1.000000e+00 : f32
    %jit3A_3529 = arith.constant 0.000000e+00 : f32
    %broadcast_in_dim3A_3530 = vector.broadcast %jit3A_3528 : f32 to vector<16xf32>
    %broadcast_in_dim3A_3531 = vector.broadcast %jit3A_3529 : f32 to vector<16xf32>
    %select_n3A_3532 = arith.select %gt3A_3524, %broadcast_in_dim3A_3530, %broadcast_in_dim3A_3531 : vector<16xi1>, vector<16xf32>
    %not3A_3533 = arith.constant dense<true> : vector<16xi1>
    %not3A_3534 = arith.xori %gt3A_3524, %not3A_3533 : vector<16xi1>
    %and3A_3535 = arith.andi %not3A_3534, %gt3A_3527 : vector<16xi1>
    %jit3A_3536 = arith.constant 1.000000e+00 : f32
    %jit3A_3537 = arith.constant 0.000000e+00 : f32
    %broadcast_in_dim3A_3538 = vector.broadcast %jit3A_3536 : f32 to vector<16xf32>
    %broadcast_in_dim3A_3539 = vector.broadcast %jit3A_3537 : f32 to vector<16xf32>
    %select_n3A_3540 = arith.select %and3A_3535, %broadcast_in_dim3A_3538, %broadcast_in_dim3A_3539 : vector<16xi1>, vector<16xf32>
    %sub3A_3541 = arith.constant 1.000000e+00 : f32
    %sub3A_3542 = vector.broadcast %sub3A_3541 : f32 to vector<16xf32>
    %sub3A_3543 = arith.subf %sub3A_3542, %select_n3A_3532 : vector<16xf32>
    %sub3A_3544 = arith.subf %sub3A_3543, %select_n3A_3540 : vector<16xf32>
    %swap3A_3545 = arith.constant 0 : i32
    %swap3A_3546 = arith.index_cast %swap3A_3545 : i32 to index
    %swap3A_3547 = arith.constant 992 : index
    %swap3A_3548 = tpu.vector_load %arg6[%swap3A_3546, %swap3A_3547] {strides = array<i32>} : memref<3x1024xf32, #tpu.memory_space<vmem>>, vector<16xf32>,
    tpu.vector_store %arg6[%swap3A_3546, %swap3A_3547], %select_n3A_3532 {strides = array<i32>} : memref<3x1024xf32, #tpu.memory_space<vmem>>, vector<16xf32>,
    %swap3A_3549 = arith.constant 1 : i32
    %swap3A_3550 = arith.index_cast %swap3A_3549 : i32 to index
    %swap3A_3551 = arith.constant 992 : index
    %swap3A_3552 = tpu.vector_load %arg6[%swap3A_3550, %swap3A_3551] {strides = array<i32>} : memref<3x1024xf32, #tpu.memory_space<vmem>>, vector<16xf32>,
    tpu.vector_store %arg6[%swap3A_3550, %swap3A_3551], %select_n3A_3540 {strides = array<i32>} : memref<3x1024xf32, #tpu.memory_space<vmem>>, vector<16xf32>,
    %swap3A_3553 = arith.constant 2 : i32
    %swap3A_3554 = arith.index_cast %swap3A_3553 : i32 to index
    %swap3A_3555 = arith.constant 992 : index
    %swap3A_3556 = tpu.vector_load %arg6[%swap3A_3554, %swap3A_3555] {strides = array<i32>} : memref<3x1024xf32, #tpu.memory_space<vmem>>, vector<16xf32>,
    tpu.vector_store %arg6[%swap3A_3554, %swap3A_3555], %sub3A_3544 {strides = array<i32>} : memref<3x1024xf32, #tpu.memory_space<vmem>>, vector<16xf32>,
    %get3A_3557 = arith.constant 0 : i32
    %get3A_3558 = arith.index_cast %get3A_3557 : i32 to index
    %get3A_3559 = arith.constant 1008 : index
    %get3A_3560 = tpu.vector_load %arg5[%get3A_3558, %get3A_3559] {strides = array<i32>} : memref<1x1024xf32, #tpu.memory_space<vmem>>, vector<16xf32>,
    %get3A_3561 = arith.constant 0 : i32
    %get3A_3562 = arith.index_cast %get3A_3561 : i32 to index
    %get3A_3563 = arith.constant 1008 : index
    %get3A_3564 = tpu.vector_load %arg4[%get3A_3562, %get3A_3563] {strides = array<i32>} : memref<4x1024xf32, #tpu.memory_space<vmem>>, vector<16xf32>,
    %get3A_3565 = arith.constant 1 : i32
    %get3A_3566 = arith.index_cast %get3A_3565 : i32 to index
    %get3A_3567 = arith.constant 1008 : index
    %get3A_3568 = tpu.vector_load %arg4[%get3A_3566, %get3A_3567] {strides = array<i32>} : memref<4x1024xf32, #tpu.memory_space<vmem>>, vector<16xf32>,
    %get3A_3569 = arith.constant 2 : i32
    %get3A_3570 = arith.index_cast %get3A_3569 : i32 to index
    %get3A_3571 = arith.constant 1008 : index
    %get3A_3572 = tpu.vector_load %arg4[%get3A_3570, %get3A_3571] {strides = array<i32>} : memref<4x1024xf32, #tpu.memory_space<vmem>>, vector<16xf32>,
    %get3A_3573 = arith.constant 3 : i32
    %get3A_3574 = arith.index_cast %get3A_3573 : i32 to index
    %get3A_3575 = arith.constant 1008 : index
    %get3A_3576 = tpu.vector_load %arg4[%get3A_3574, %get3A_3575] {strides = array<i32>} : memref<4x1024xf32, #tpu.memory_space<vmem>>, vector<16xf32>,
    %gt3A_3577 = arith.constant 5.000000e-01 : f32
    %gt3A_3578 = vector.broadcast %gt3A_3577 : f32 to vector<16xf32>
    %gt3A_3579 = arith.cmpf ogt, %get3A_3560, %gt3A_3578 : vector<16xf32>
    %add3A_3580 = arith.addf %get3A_3564, %get3A_3568 : vector<16xf32>
    %add3A_3581 = arith.addf %get3A_3572, %get3A_3576 : vector<16xf32>
    %gt3A_3582 = arith.cmpf ogt, %add3A_3580, %add3A_3581 : vector<16xf32>
    %jit3A_3583 = arith.constant 1.000000e+00 : f32
    %jit3A_3584 = arith.constant 0.000000e+00 : f32
    %broadcast_in_dim3A_3585 = vector.broadcast %jit3A_3583 : f32 to vector<16xf32>
    %broadcast_in_dim3A_3586 = vector.broadcast %jit3A_3584 : f32 to vector<16xf32>
    %select_n3A_3587 = arith.select %gt3A_3579, %broadcast_in_dim3A_3585, %broadcast_in_dim3A_3586 : vector<16xi1>, vector<16xf32>
    %not3A_3588 = arith.constant dense<true> : vector<16xi1>
    %not3A_3589 = arith.xori %gt3A_3579, %not3A_3588 : vector<16xi1>
    %and3A_3590 = arith.andi %not3A_3589, %gt3A_3582 : vector<16xi1>
    %jit3A_3591 = arith.constant 1.000000e+00 : f32
    %jit3A_3592 = arith.constant 0.000000e+00 : f32
    %broadcast_in_dim3A_3593 = vector.broadcast %jit3A_3591 : f32 to vector<16xf32>
    %broadcast_in_dim3A_3594 = vector.broadcast %jit3A_3592 : f32 to vector<16xf32>
    %select_n3A_3595 = arith.select %and3A_3590, %broadcast_in_dim3A_3593, %broadcast_in_dim3A_3594 : vector<16xi1>, vector<16xf32>
    %sub3A_3596 = arith.constant 1.000000e+00 : f32
    %sub3A_3597 = vector.broadcast %sub3A_3596 : f32 to vector<16xf32>
    %sub3A_3598 = arith.subf %sub3A_3597, %select_n3A_3587 : vector<16xf32>
    %sub3A_3599 = arith.subf %sub3A_3598, %select_n3A_3595 : vector<16xf32>
    %swap3A_3600 = arith.constant 0 : i32
    %swap3A_3601 = arith.index_cast %swap3A_3600 : i32 to index
    %swap3A_3602 = arith.constant 1008 : index
    %swap3A_3603 = tpu.vector_load %arg6[%swap3A_3601, %swap3A_3602] {strides = array<i32>} : memref<3x1024xf32, #tpu.memory_space<vmem>>, vector<16xf32>,
    tpu.vector_store %arg6[%swap3A_3601, %swap3A_3602], %select_n3A_3587 {strides = array<i32>} : memref<3x1024xf32, #tpu.memory_space<vmem>>, vector<16xf32>,
    %swap3A_3604 = arith.constant 1 : i32
    %swap3A_3605 = arith.index_cast %swap3A_3604 : i32 to index
    %swap3A_3606 = arith.constant 1008 : index
    %swap3A_3607 = tpu.vector_load %arg6[%swap3A_3605, %swap3A_3606] {strides = array<i32>} : memref<3x1024xf32, #tpu.memory_space<vmem>>, vector<16xf32>,
    tpu.vector_store %arg6[%swap3A_3605, %swap3A_3606], %select_n3A_3595 {strides = array<i32>} : memref<3x1024xf32, #tpu.memory_space<vmem>>, vector<16xf32>,
    %swap3A_3608 = arith.constant 2 : i32
    %swap3A_3609 = arith.index_cast %swap3A_3608 : i32 to index
    %swap3A_3610 = arith.constant 1008 : index
    %swap3A_3611 = tpu.vector_load %arg6[%swap3A_3609, %swap3A_3610] {strides = array<i32>} : memref<3x1024xf32, #tpu.memory_space<vmem>>, vector<16xf32>,
    tpu.vector_store %arg6[%swap3A_3609, %swap3A_3610], %sub3A_3599 {strides = array<i32>} : memref<3x1024xf32, #tpu.memory_space<vmem>>, vector<16xf32>,
    %add3A_3612 = arith.constant 512 : i32
    %add3A_3613 = arith.addi %mul3A_2, %add3A_3612 : i32
    %dma_start3A_3614 = arith.constant 0 : i32
    %dma_start3A_3615 = arith.constant 512 : i32
    %dma_start3A_3616 = tpu.memref_slice %arg6[%dma_start3A_3614, %dma_start3A_3615] : memref<3x1024xf32, #tpu.memory_space<vmem>> -> memref<3x512xf32, #tpu.memory_space<vmem>>
    %dma_start3A_3617 = arith.constant 0 : i32
    %dma_start3A_3618 = tpu.memref_slice %arg3[%dma_start3A_3617, %add3A_3613] : memref<3x32768xf32, #tpu.memory_space<hbm>> -> memref<3x512xf32, #tpu.memory_space<hbm>>
    %dma_start3A_3619 = arith.constant 0 : i32
    %dma_start3A_3620 = tpu.memref_slice %arg3[%dma_start3A_3619, %add3A_3613] : memref<3x32768xf32, #tpu.memory_space<hbm>> -> memref<3x512xf32, #tpu.memory_space<hbm>>
    %dma_start3A_3621 = arith.constant 0 : i32
    %dma_start3A_3622 = arith.constant 512 : i32
    %dma_start3A_3623 = tpu.memref_slice %arg6[%dma_start3A_3621, %dma_start3A_3622] : memref<3x1024xf32, #tpu.memory_space<vmem>> -> memref<3x512xf32, #tpu.memory_space<vmem>>
    tpu.enqueue_dma source(%dma_start3A_3623 : memref<3x512xf32, #tpu.memory_space<vmem>>) target(%dma_start3A_3620 : memref<3x512xf32, #tpu.memory_space<hbm>>) target_semaphore(%arg11 : memref<!tpu.dma_semaphore, #tpu.memory_space<semaphore_mem>>)
    %dma_wait3A_3624 = arith.constant 0 : i32
    %dma_wait3A_3625 = arith.constant 0 : i32
    %dma_wait3A_3626 = tpu.memref_slice %arg6[%dma_wait3A_3624, %dma_wait3A_3625] : memref<3x1024xf32, #tpu.memory_space<vmem>> -> memref<3x512xf32, #tpu.memory_space<vmem>>
    %dma_wait3A_3627 = arith.constant 0 : i32
    %dma_wait3A_3628 = tpu.memref_slice %arg3[%dma_wait3A_3627, %add3A_1821] : memref<3x32768xf32, #tpu.memory_space<hbm>> -> memref<3x512xf32, #tpu.memory_space<hbm>>
    %dma_wait3A_3629 = arith.constant 0 : i32
    %dma_wait3A_3630 = tpu.memref_slice %arg3[%dma_wait3A_3629, %add3A_1821] : memref<3x32768xf32, #tpu.memory_space<hbm>> -> memref<3x512xf32, #tpu.memory_space<hbm>>
    %dma_wait3A_3631 = arith.constant 0 : i32
    %dma_wait3A_3632 = arith.constant 0 : i32
    %dma_wait3A_3633 = tpu.memref_slice %arg6[%dma_wait3A_3631, %dma_wait3A_3632] : memref<3x1024xf32, #tpu.memory_space<vmem>> -> memref<3x512xf32, #tpu.memory_space<vmem>>
    tpu.wait_dma2 semaphore(%arg11 : memref<!tpu.dma_semaphore, #tpu.memory_space<semaphore_mem>>) src(%dma_wait3A_3633 : memref<3x512xf32, #tpu.memory_space<vmem>>) dst(%dma_wait3A_3630 : memref<3x512xf32, #tpu.memory_space<hbm>>)
    %dma_wait3A_3634 = arith.constant 0 : i32
    %dma_wait3A_3635 = arith.constant 512 : i32
    %dma_wait3A_3636 = tpu.memref_slice %arg6[%dma_wait3A_3634, %dma_wait3A_3635] : memref<3x1024xf32, #tpu.memory_space<vmem>> -> memref<3x512xf32, #tpu.memory_space<vmem>>
    %dma_wait3A_3637 = arith.constant 0 : i32
    %dma_wait3A_3638 = tpu.memref_slice %arg3[%dma_wait3A_3637, %add3A_3613] : memref<3x32768xf32, #tpu.memory_space<hbm>> -> memref<3x512xf32, #tpu.memory_space<hbm>>
    %dma_wait3A_3639 = arith.constant 0 : i32
    %dma_wait3A_3640 = tpu.memref_slice %arg3[%dma_wait3A_3639, %add3A_3613] : memref<3x32768xf32, #tpu.memory_space<hbm>> -> memref<3x512xf32, #tpu.memory_space<hbm>>
    %dma_wait3A_3641 = arith.constant 0 : i32
    %dma_wait3A_3642 = arith.constant 512 : i32
    %dma_wait3A_3643 = tpu.memref_slice %arg6[%dma_wait3A_3641, %dma_wait3A_3642] : memref<3x1024xf32, #tpu.memory_space<vmem>> -> memref<3x512xf32, #tpu.memory_space<vmem>>
    tpu.wait_dma2 semaphore(%arg11 : memref<!tpu.dma_semaphore, #tpu.memory_space<semaphore_mem>>) src(%dma_wait3A_3643 : memref<3x512xf32, #tpu.memory_space<vmem>>) dst(%dma_wait3A_3640 : memref<3x512xf32, #tpu.memory_space<hbm>>)
    return
  }
}

</mosaic_0001>

<sc_bundles>
// kernel: kernel.3.cloned.1.call-start
scs
__scs_entry_jumppad:
0x0: {  	(pc) =	sbr.rel $0x88, $3  }
0x1: {  	(tag) =	ssettag $0x0;
	lr =	simm.s32 $0x1  }
0x2: {  	[smem:$0x3FA0] =	sst lr;
	_ =	strace $0xD0000000  }
0x3: {  	_ = 	snop  }
0x4: {  	_ = 	snop  }
0x5: {  	_ = 	snop  }
0x6: {  	_ = 	snop  }
0x7: {  	_ = 	snop  }
__scs_overlays_trampoline_lowered:
0x8: {  	[smem:$0x3FAF] =	sst s0  }
0x9: {  	[smem:$0x3FB0] =	sst s1  }
0xa: {  	[smem:$0x3FB1] =	sst s2  }
0xb: {  	[smem:$0x3FB2] =	sst s3  }
0xc: {  	[smem:$0x3FB3] =	sst s4  }
0xd: {  	[smem:$0x3FB4] =	sst s5  }
0xe: {  	[smem:$0x3FB5] =	sst s6  }
0xf: {  	[smem:$0x3FB6] =	sst s7  }
0x10: {  	[smem:$0x3FB7] =	sst s8  }
0x11: {  	[smem:$0x3FB8] =	sst s9;
	s0 =	simm.s32 @!p0 $0x0  }
0x12: {  	s1 =	sld [smem:$0x3F9E];
	s0 =	simm.s32 @p0 $0x1  }
0x13: {  	[smem:$0x3FB9] =	sst s0;
	s0 =	simm.s32 @!p1 $0x0  }
0x14: {  	s2 =	sld [smem:$0x3F9D];
	s0 =	simm.s32 @p1 $0x1  }
0x15: {  	[smem:$0x3FBA] =	sst s0;
	s0 =	simm.s32 @!p2 $0x0  }
0x16: {  	s3 =	sld [smem:$0x3FDB];
	s0 =	simm.s32 @p2 $0x1  }
0x17: {  	s4 =	simm.s32 $0x1BF5;
	[smem:$0x3FBC] =	sst s0  }
0x18: {  	s0 =	sld [smem:$0x3F9F];
	_ =	swait.ge [sflag:s4], $0x0  }
0x19: {  	s7 =	sld [smem:$0x3FA0]  }
0x1a: {  	s8 =	sadd.s32 $0xFFFFE003, lr  }
0x1b: {  	s9 =	sadd.s32 $0xFFFFFEF7, lr;
	s5 =	simm.s32 $0xFFFFFFFF;
	p2 =	slt.u32 s8, $0xFFFFF086  }
0x1c: {  	p1 =	slt.u32 s9, $0xF7A;
	s5 =	simm.s32 @!p2 $0x0  }
0x1d: {  	s5 =	simm.s32 @p1 $0x1;
	p0 =	seq.s32 s7, s2  }
0x1e: {  	s7 =	smul.u32 @!p0 $0xF7A, s2;
	p2 =	seq.s32 @!p0 s5, $0x0  }
0x1f: {  	s9 =	smul.u32 $0xF7A, s1;
	s8 =	simm.s32 @!p0 $0x1BF5;
	p2 =	por !p2, p0  }
0x20: {  	[sflag:s8] =	ssyncset.s32 @!p0 $0xFFFFF086;
	s6 =	sadd.s32 @!p0 s3, s7;
	s7 =	simm.s32 @!p0 $0x108  }
0x21: {  	s3 =	sadd.s32 s3, s9;
	s6 =	sadd.s32 @!p0 $0x88, s6;
	s7 =	simm.s32 @p2 $0x1082  }
0x22: {  	[simem:s7], [sflag:s8] =	dma.local @!p0 [hbm:s6], $0xF7A  }
0x23: {  	s9 =	sor.u32 $0xD0000000, s2;
	s6 =	simm.s32 $0x108;
	_ =	swait.ge @!p0 [sflag:s8], $0x0  }
0x24: {  	s3 =	sadd.s32 $0x88, s3;
	s6 =	simm.s32 @!p1 $0x1082;
	[sflag:s4] =	ssyncset.s32 $0xFFFFF086  }
0x25: {  	[simem:s6], [sflag:s4] =	dma.local [hbm:s3], $0xF7A  }
0x26: {  	[smem:$0x3FA0] =	sst s1;
	(tag) =	ssettag s2;
	_ =	strace s9  }
0x27: {  	s1 =	sld [smem:$0x3FB0]  }
0x28: {  	s2 =	sld [smem:$0x3FB1]  }
0x29: {  	s4 =	sld [smem:$0x3FB3]  }
0x2a: {  	p0 =	seq.s32 s5, $0x0;
	s5 =	sld [smem:$0x3FB4]  }
0x2b: {  	s6 =	sld [smem:$0x3FB5]  }
0x2c: {  	s7 =	sld [smem:$0x3FB6]  }
0x2d: {  	s3 =	simm.s32 $0x108;
	s8 =	sld [smem:$0x3FB7]  }
0x2e: {  	s3 =	simm.s32 @!p0 $0x1082;
	s9 =	sld [smem:$0x3FB8]  }
0x2f: {  	lr =	sadd.s32 s0, s3;
	s0 =	sld [smem:$0x3FAF]  }
0x30: {  	s3 =	sld [smem:$0x3FB2]  }
0x31: {  	[smem:$0x3FBB] =	sst s10  }
0x32: {  	s10 =	sld [smem:$0x3FB9];
	_ =	sdelay $0x3  }
0x33: {  	p0 =	seq.s32 s10, $0x1;
	s10 =	sld [smem:$0x3FBB];
	_ =	sdelay $0x3  }
0x34: {  	[smem:$0x3FBB] =	sst s10  }
0x35: {  	s10 =	sld [smem:$0x3FBA];
	_ =	sdelay $0x3  }
0x36: {  	p1 =	seq.s32 s10, $0x1;
	s10 =	sld [smem:$0x3FBB];
	_ =	sdelay $0x3  }
0x37: {  	[smem:$0x3FBB] =	sst s10  }
0x38: {  	s10 =	sld [smem:$0x3FBC]  }
0x39: {  	_ = 	snop;
	(pc) =	sbr.ind lr, $3  }
0x3a: {  	_ = 	snop  }
0x3b: {  	_ = 	snop  }
0x3c: {  	p2 =	seq.s32 s10, $0x1;
	s10 =	sld [smem:$0x3FBB]  }
0x3d: {  	_ =	shalt  }
0x3e: {  	_ =	shalt  }
0x3f: {  	_ =	shalt  }
0x40: {  	_ =	shalt  }
0x41: {  	_ =	shalt  }
0x42: {  	_ =	shalt  }
0x43: {  	_ =	shalt  }
0x44: {  	_ =	shalt  }
0x45: {  	_ =	shalt  }
0x46: {  	_ =	shalt  }
0x47: {  	_ =	shalt  }
0x48: {  	_ =	shalt  }
0x49: {  	_ =	shalt  }
0x4a: {  	_ =	shalt  }
0x4b: {  	_ =	shalt  }
0x4c: {  	_ =	shalt  }
0x4d: {  	_ =	shalt  }
0x4e: {  	_ =	shalt  }
0x4f: {  	_ =	shalt  }
0x50: {  	_ =	shalt  }
0x51: {  	_ =	shalt  }
0x52: {  	_ =	shalt  }
0x53: {  	_ =	shalt  }
0x54: {  	_ =	shalt  }
0x55: {  	_ =	shalt  }
0x56: {  	_ =	shalt  }
0x57: {  	_ =	shalt  }
0x58: {  	_ =	shalt  }
0x59: {  	_ =	shalt  }
0x5a: {  	_ =	shalt  }
0x5b: {  	_ =	shalt  }
0x5c: {  	_ =	shalt  }
0x5d: {  	_ =	shalt  }
0x5e: {  	_ =	shalt  }
0x5f: {  	_ =	shalt  }
0x60: {  	_ =	shalt  }
0x61: {  	_ =	shalt  }
0x62: {  	_ =	shalt  }
0x63: {  	_ =	shalt  }
0x64: {  	_ =	shalt  }
0x65: {  	_ =	shalt  }
0x66: {  	_ =	shalt  }
0x67: {  	_ =	shalt  }
0x68: {  	_ =	shalt  }
0x69: {  	_ =	shalt  }
0x6a: {  	_ =	shalt  }
0x6b: {  	_ =	shalt  }
0x6c: {  	_ =	shalt  }
0x6d: {  	_ =	shalt  }
0x6e: {  	_ =	shalt  }
0x6f: {  	_ =	shalt  }
0x70: {  	_ =	shalt  }
0x71: {  	_ =	shalt  }
0x72: {  	_ =	shalt  }
0x73: {  	_ =	shalt  }
0x74: {  	_ =	shalt  }
0x75: {  	_ =	shalt  }
0x76: {  	_ =	shalt  }
0x77: {  	_ =	shalt  }
0x78: {  	_ =	shalt  }
0x79: {  	_ =	shalt  }
0x7a: {  	_ =	shalt  }
0x7b: {  	_ =	shalt  }
0x7c: {  	_ =	shalt  }
0x7d: {  	_ =	shalt  }
0x7e: {  	_ =	shalt  }
0x7f: {  	_ =	shalt  }
0x80: {  	_ =	shalt  }
0x81: {  	_ =	shalt  }
0x82: {  	_ =	shalt  }
0x83: {  	_ =	shalt  }
0x84: {  	_ =	shalt  }
0x85: {  	_ =	shalt  }
0x86: {  	_ =	shalt  }
0x87: {  	_ =	shalt  }
.Lfunc_end0:
.L_simem_size_0:
called_computation_lowered:
.L_overlay_start_0:
0x88: {  	s2 =	sld [smem:$0x3FD9]  }
0x89: {  	s3 =	sld [smem:$0x3FFE];
	_ =	sdelay $0x1  }
0x8a: {  	s1 =	srdreg.scid  }
0x8b: {  	s0 =	sand.u32 $0x1, s1  }
0x8c: {  	s18 =	sshll.u32 s0, $0xA;
	s2 =	sadd.s32 s3, s2  }
0x8d: {  	s2 =	sadd.s32 s2, s18  }
0x8e: {  	[smem:$0x3FC7] =	sst s2  }
0x8f: {  	_ = 	snop  }
0x90: {  	s2 =	sld [smem:$0x3FC9]  }
0x91: {  	s19 =	sld [smem:$0x3FD0];
	(tm) =	ssettm $0x1  }
0x92: {  	s4 =	sld [smem:$0x3FFB];
	_ =	sdelay $0x3  }
0x93: {  	_ =	strace s4  }
0x94: {  	s4 =	sld [smem:$0x3FFC];
	_ =	sdelay $0x3  }
0x95: {  	_ =	strace s4  }
0x96: {  	s4 =	sld [smem:$0x3FFD];
	_ =	sdelay $0x3  }
0x97: {  	_ =	strace s4  }
0x98: {  	_ =	strace $0x8FFFFFFF  }
0x99: {  	s20 =	sld [smem:$0x3FDB];
	_ =	sdelay $0x1  }
0x9a: {  	s5 =	simm.s32 $_scs_section_size  }
0x9b: {  	s6 =	simm.s32 $_size__tile_overlayer_lowered;
	s7 =	simm.s32 $_tile_overlayer_lowered  }
0x9c: {  	s23 =	simm.s32 $0x1BFF;
	s22 =	sshll.u32 s7, $0x1;
	s4 =	sadd.s32 s5, s20  }
0x9d: {  	s8 =	simm.s32 $0x0;
	s21 =	sshll.u32 s6, $0x1;
	s6 =	sadd.s32 s22, s4  }
0x9e: {  	[timem:s8], [sflag:s23] =	dma.local [hbm:s6], s21  }
0x9f: {  	_ =	swait.ge [sflag:s23], s21  }
0xa0: {  	s5 =	ssub.s32 $0x0, s21;
	[sflag:s23] =	ssyncset.done $0x0  }
0xa1: {  	[sflag:s23] =	ssyncadd.s32 s5;
	_ =	sdelay $0x1  }
0xa2: {  	s24 =	simm.s32 $0x1B8B  }
0xa3: {  	_ =	swait.ge [sflag:s24], $0x1  }
0xa4: {  	[sflag:s24] =	ssyncset.done $0x0  }
0xa5: {  	s25 =	simm.s32 $0x1B8E;
	[sflag:s24] =	ssyncadd.s32 $0xFFFFFFFF  }
0xa6: {  	s26 =	simm.s32 $execute0_lowered;
	[smem:$0x3FD2] =	sst s25  }
0xa7: {  	s5 =	sshll.u32 s26, $0x1;
	_ =	strace $0x80000046;
	[dreg:$0x1] =	wrdreg $0xFFFFFFFF  }
0xa8: {  	s28 =	simm.s32 $_size_execute0_lowered;
	s4 =	sadd.s32 s4, s5;
	[dreg:$0x0] =	wrdreg $0x0  }
0xa9: {  	s5 =	sshll.u32 s28, $0x1;
	[dreg:$0x2] =	wrdreg s4  }
0xaa: {  	[dreg:$0x3] =	wrdreg s5  }
0xab: {  	[dreg:$0x4] =	wrdreg $0xC0  }
0xac: {  	_ =	task [dreg:s8], $0x5FFFF  }
0xad: {  	[dreg:$0x1] =	wrdreg $0xFFFFFFFF  }
0xae: {  	[dreg:$0x0] =	wrdreg $0x60  }
0xaf: {  	[dreg:$0x2] =	wrdreg s2  }
0xb0: {  	[dreg:$0x3] =	wrdreg s19  }
0xb1: {  	[dreg:$0x4] =	wrdreg $0x9  }
0xb2: {  	_ =	task.clear_ibuf [dreg:s8], $0x5FFFF;
	_ =	strace $0x90000046  }
0xb3: {  	s29 =	simm.s32 $0x9;
	_ =	strace $0x80000048  }
0xb4: {  	_ =	swait.ge [sflag:s29], $0x1  }
0xb5: {  	[sflag:s29] =	ssyncadd.s32 $0xFFFFFFFF  }
0xb6: {  	_ =	strace $0x90000048  }
0xb7: {  	_ =	sfence  }
0xb8: {  	s30 =	sld [smem:$0x0];
	_ =	sdelay $0x2  }
0xb9: {  	s31 =	sshll.u32 s1, $0xD;
	s1 =	sshrl.u32 s1, $0x2  }
0xba: {  	s3 =	sand.u32 $0x4000, s31;
	s1 =	sadd.s32 s1, s30  }
0xbb: {  	s0 =	sor.u32 s3, s0;
	s1 =	sshll.u32 s1, $0x11  }
0xbc: {  	s0 =	sor.u32 s1, s0  }
0xbd: {  	s0 =	sadd.s32 $0x8F2B, s0  }
0xbe: {  	[sflag:s0] =	ssyncadd.remote.s32 $0x1  }
0xbf: {  	_ =	sfence.sel $0xFFFF  }
0xc0: {  	[dreg:$0x0] =	wrdreg $0xFFFFFFFF;
	(pc) =	sbr.abs _section_cstart, $3  }
0xc1: {  	[dreg:$0x1] =	wrdreg $0xFFFFFFFF  }
0xc2: {  	_ =	task.clear_ibuf [dreg:s8], $0x2FFFF;
	_ =	strace $0x9FFFFFFF  }
0xc3: {  	(tm) =	ssettm $0x7FFFFFFF  }
tec
execute0_lowered:
.L_overlay_start_1:
0x0: {  	(tag) =	ssettag $0x1  }
0x1: {  	s4 =	rddreg [dreg:$0x0]  }
0x2: {  	s8 =	rddreg [dreg:$0x1];
	s2 =	srdreg.scid  }
0x3: {  	s0 =	rddreg [dreg:$0x2];
	s1 =	stileid.u32;
	s13 =	simm.s32 $0x1000  }
0x4: {  	s14 =	simm.s32 $0x800;
	s15 =	simm.s32 $0x1200;
	s16 =	simm.s32 $0x1  }
0x5: {  	s17 =	simm.s32 $0x2;
	s18 =	simm.s32 $0x1400;
	s19 =	simm.s32 $0x3  }
0x6: {  	s20 =	simm.s32 $0x4;
	s21 =	simm.s32 $0x1C00;
	s22 =	simm.s32 $0x5  }
0x7: {  	s3 =	sand.u32 $0x1, s2;
	s2 =	simm.s32 $0x0;
	s5 =	sshll.u32 s1, $0xB  }
0x8: {  	s30 =	sadd.s32 $0x40, s4;
	s31 =	sadd.s32 $0x8030, s4;
	s6 =	sshll.u32 s3, $0xA  }
0x9: {  	[smem:$0x7FF] =	sst s2;
	s3 =	ssub.s32 $0x2, s3;
	s6 =	sor.u32 s6, s5  }
0xa: {  	_ =	strace $0x80000047;
	s29 =	sshrl.u32 s3, $0x1;
	s7 =	sshrl.u32 s6, $0x7  }
0xb: {  	s9 =	ssub.s32 s3, s29;
	s3 =	sadd.s32 s6, s30;
	s12 =	sshrl.u32 s6, $0x1  }
0xc: {  	s4 =	sadd.s32 s6, s31;
	s10 =	sor.u32 $0x4, s7;
	s7 =	sadd.s32 s8, s12  }
0xd: {  	s9 =	smax.u32 s9, $0x1;
	s12 =	simm.s32 $0x80;
	s11 =	sshll.u32 s10, $0x7  }
0xe: {  	s10 =	sshll.u32 s10, $0x6;
	s5 =	sadd.s32 s11, s30;
	s6 =	sadd.s32 s11, s31  }
0xf: {  	v58 =	vimm.f32 $1.000000000e+00;
	v1 =	vimm.f32 $0.0e+00;
	s8 =	sadd.s32 s8, s10;
	s10 =	simm.s32 $0x200;
	s11 =	simm.s32 $0x400  }
.LBB2_1:
0x10: {  	[tilespmem:s2], [sflag:$0x1] =	stream.strided.gather [hbm4b:s3+s10], $0x800, s11, s10, $0x38;
	[tilespmem:$0x2400] =	vst v63  }
0x11: {  	_ = 	snop  }
0x12: {  	[tilespmem:s13], [sflag:$0x2] =	stream.strided.gather [hbm4b:s4+s12], $0x200, s11, s12, $0x38;
	[tilespmem:$0x2400] =	vst v63  }
0x13: {  	_ = 	snop  }
0x14: {  	[tilespmem:s14], [sflag:$0x3] =	stream.strided.gather [hbm4b:s5+s10], $0x800, s11, s10, $0x38;
	[tilespmem:$0x2400] =	vst v63  }
0x15: {  	_ = 	snop  }
0x16: {  	[tilespmem:s15], [sflag:$0x4] =	stream.strided.gather [hbm4b:s6+s12], $0x200, s11, s12, $0x38;
	[tilespmem:$0x2400] =	vst v63  }
0x17: {  	_ =	swait.ge [sflag:s16], $0x800  }
0x18: {  	[sflag:s16] =	ssyncset.done $0x0  }
0x19: {  	[sflag:s16] =	ssyncadd.s32 $0xFFFFF800  }
0x1a: {  	_ =	swait.ge [sflag:s17], $0x200  }
0x1b: {  	[sflag:s17] =	ssyncset.done $0x0  }
0x1c: {  	[sflag:s17] =	ssyncadd.s32 $0xFFFFFE00  }
0x1d: {  	v2 =	vld [tilespmem:$0x1000]  }
0x1e: {  	v3 =	vld [tilespmem:$0x0]  }
0x1f: {  	v4 =	vld [tilespmem:$0x80]  }
0x20: {  	v5 =	vld [tilespmem:$0x100]  }
0x21: {  	v6 =	vld [tilespmem:$0x180]  }
0x22: {  	v7 =	vld [tilespmem:$0x1010]  }
0x23: {  	v8 =	vld [tilespmem:$0x10]  }
0x24: {  	v9 =	vld [tilespmem:$0x90]  }
0x25: {  	v10 =	vld [tilespmem:$0x110]  }
0x26: {  	v11 =	vld [tilespmem:$0x190]  }
0x27: {  	v49 =	vld [tilespmem:$0x20]  }
0x28: {  	v50 =	vld [tilespmem:$0xA0];
	_ =	sdelay $0x1  }
0x29: {  	vm0 =	vgt.f32 v2, $5.000000000e-01;
	v2 =	vadd.f32 v4, v3;
	v3 =	vadd.f32 v6, v5  }
0x2a: {  	v12 =	vld [tilespmem:$0x1A0]  }
0x2b: {  	v52 =	vadd.f32 v9, v8;
	v53 =	vadd.f32 v11, v10;
	vm1 =	vgt.f32 v2, v3;
	v3 =	vld [tilespmem:$0x120]  }
0x2c: {  	v54 =	vld [tilespmem:$0x1020];
	vm14 =	vgt.f32 v7, $5.000000000e-01;
	v4 =	vadd.f32 v50, v49;
	vm0 =	vmneg vm0  }
0x2d: {  	vm15 =	vmneg vm14;
	v2 =	vsel vm0, $0x0, v58;
	vm4 =	vgt.f32 v52, v53  }
0x2e: {  	vm0 =	vmand vm0, vm1;
	v51 =	vsub.f32 $1.000000000e+00, v2;
	[tilespmem:$0x1400] =	vst v2;
	v2 =	vsel vm15, $0x0, v58  }
0x2f: {  	v60 =	vld [tilespmem:$0x30];
	v55 =	vsel vm0, $0x3F800000, v1;
	vm0 =	vmand vm15, vm4;
	v56 =	vsub.f32 $1.000000000e+00, v2;
	[tilespmem:$0x1410] =	vst v2  }
0x30: {  	v61 =	vld [tilespmem:$0xB0];
	v6 =	vsub.f32 v51, v55;
	[tilespmem:$0x1480] =	vst v55;
	v57 =	vsel vm0, $0x3F800000, v1;
	v3 =	vadd.f32 v12, v3  }
0x31: {  	v62 =	vld [tilespmem:$0x130];
	vm5 =	vgt.f32 v54, $5.000000000e-01;
	v59 =	vsub.f32 v56, v57;
	[tilespmem:$0x1490] =	vst v57  }
0x32: {  	v63 =	vld [tilespmem:$0x1B0];
	vm0 =	vmneg vm5;
	[tilespmem:$0x1500] =	vst v6;
	vm6 =	vgt.f32 v4, v3  }
0x33: {  	v10 =	vld [tilespmem:$0x1040];
	[tilespmem:$0x1510] =	vst v59;
	v3 =	vsel vm0, $0x0, v58;
	vm0 =	vmand vm0, vm6  }
0x34: {  	v2 =	vld [tilespmem:$0x1030];
	[tilespmem:$0x1420] =	vst v3;
	v6 =	vsel vm0, $0x3F800000, v1  }
0x35: {  	v12 =	vld [tilespmem:$0x40];
	[tilespmem:$0x14A0] =	vst v6  }
0x36: {  	v15 =	vld [tilespmem:$0xC0]  }
0x37: {  	v16 =	vld [tilespmem:$0x140]  }
0x38: {  	v18 =	vld [tilespmem:$0x1C0]  }
0x39: {  	v20 =	vld [tilespmem:$0x1050]  }
0x3a: {  	v21 =	vld [tilespmem:$0x50]  }
0x3b: {  	v22 =	vld [tilespmem:$0xD0]  }
0x3c: {  	v27 =	vld [tilespmem:$0x150]  }
0x3d: {  	v28 =	vld [tilespmem:$0x1D0]  }
0x3e: {  	v29 =	vld [tilespmem:$0x1060]  }
0x3f: {  	v31 =	vld [tilespmem:$0x60]  }
0x40: {  	v32 =	vld [tilespmem:$0xE0]  }
0x41: {  	v33 =	vld [tilespmem:$0x160]  }
0x42: {  	v35 =	vld [tilespmem:$0x1E0]  }
0x43: {  	v36 =	vld [tilespmem:$0x1070]  }
0x44: {  	v37 =	vld [tilespmem:$0x70]  }
0x45: {  	v42 =	vld [tilespmem:$0xF0]  }
0x46: {  	v43 =	vld [tilespmem:$0x170]  }
0x47: {  	v44 =	vld [tilespmem:$0x1F0]  }
0x48: {  	v45 =	vld [tilespmem:$0x1080]  }
0x49: {  	v46 =	vld [tilespmem:$0x200]  }
0x4a: {  	v47 =	vld [tilespmem:$0x280]  }
0x4b: {  	v48 =	vld [tilespmem:$0x300]  }
0x4c: {  	v49 =	vld [tilespmem:$0x380]  }
0x4d: {  	v50 =	vld [tilespmem:$0x1090]  }
0x4e: {  	v51 =	vld [tilespmem:$0x210]  }
0x4f: {  	v52 =	vld [tilespmem:$0x290]  }
0x50: {  	v53 =	vld [tilespmem:$0x310]  }
0x51: {  	v54 =	vld [tilespmem:$0x390]  }
0x52: {  	v55 =	vld [tilespmem:$0x10A0]  }
0x53: {  	v56 =	vld [tilespmem:$0x220]  }
0x54: {  	v57 =	vld [tilespmem:$0x2A0]  }
0x55: {  	v38 =	vld [tilespmem:$0x320]  }
0x56: {  	v59 =	vld [tilespmem:$0x3A0]  }
0x57: {  	v34 =	vld [tilespmem:$0x10B0]  }
0x58: {  	v0 =	vld [tilespmem:$0x230]  }
0x59: {  	v39 =	vld [tilespmem:$0x2B0]  }
0x5a: {  	v40 =	vld [tilespmem:$0x330]  }
0x5b: {  	v41 =	vld [tilespmem:$0x3B0]  }
0x5c: {  	v30 =	vld [tilespmem:$0x10C0]  }
0x5d: {  	v23 =	vld [tilespmem:$0x240]  }
0x5e: {  	v24 =	vld [tilespmem:$0x2C0]  }
0x5f: {  	v25 =	vld [tilespmem:$0x340]  }
0x60: {  	v26 =	vld [tilespmem:$0x3C0]  }
0x61: {  	v4 =	vld [tilespmem:$0x10D0]  }
0x62: {  	v11 =	vld [tilespmem:$0x250]  }
0x63: {  	v13 =	vld [tilespmem:$0x2D0]  }
0x64: {  	v14 =	vld [tilespmem:$0x350]  }
0x65: {  	v17 =	vld [tilespmem:$0x3D0]  }
0x66: {  	v7 =	vadd.f32 v61, v60;
	v8 =	vadd.f32 v63, v62;
	vm7 =	vgt.f32 v2, $5.000000000e-01;
	v2 =	vld [tilespmem:$0x10E0]  }
0x67: {  	vm0 =	vmneg vm7;
	v5 =	vld [tilespmem:$0x260]  }
0x68: {  	vm8 =	vgt.f32 v7, v8;
	v3 =	vsub.f32 $1.000000000e+00, v3;
	v60 =	vsel vm0, $0x0, v58;
	v9 =	vld [tilespmem:$0x2E0]  }
0x69: {  	vm0 =	vmand vm0, vm8;
	v7 =	vsub.f32 $1.000000000e+00, v60;
	v19 =	vld [tilespmem:$0x3E0]  }
0x6a: {  	v61 =	vsub.f32 v3, v6;
	v62 =	vsel vm0, $0x3F800000, v1;
	v6 =	vld [tilespmem:$0x10F0]  }
0x6b: {  	vm9 =	vgt.f32 v10, $5.000000000e-01;
	v10 =	vld [tilespmem:$0x2F0];
	v63 =	vsub.f32 v7, v62  }
0x6c: {  	[tilespmem:$0x1430] =	vst v60;
	v60 =	vld [tilespmem:$0x1110];
	v8 =	vadd.f32 v15, v12;
	v12 =	vadd.f32 v18, v16  }
0x6d: {  	[tilespmem:$0x1520] =	vst v61;
	v61 =	vld [tilespmem:$0x580];
	v3 =	vadd.f32 v22, v21;
	v21 =	vadd.f32 v28, v27  }
0x6e: {  	v7 =	vld [tilespmem:$0x270];
	v18 =	vadd.f32 v32, v31;
	v32 =	vadd.f32 v42, v37  }
0x6f: {  	vm0 =	vmneg vm9;
	v15 =	vld [tilespmem:$0x360];
	v47 =	vadd.f32 v47, v46;
	v48 =	vadd.f32 v49, v48  }
0x70: {  	vm11 =	vgt.f32 v20, $5.000000000e-01;
	v16 =	vld [tilespmem:$0x370];
	v52 =	vadd.f32 v52, v51;
	v53 =	vadd.f32 v54, v53  }
0x71: {  	[tilespmem:$0x1530] =	vst v63;
	vm2 =	vgt.f32 v29, $5.000000000e-01;
	v20 =	vld [tilespmem:$0x3F0];
	v57 =	vadd.f32 v57, v56;
	v63 =	vadd.f32 v59, v38  }
0x72: {  	vm15 =	vgt.f32 v36, $5.000000000e-01;
	v36 =	vld [tilespmem:$0x590];
	v39 =	vadd.f32 v39, v0;
	v40 =	vadd.f32 v41, v40  }
0x73: {  	vm5 =	vgt.f32 v45, $5.000000000e-01;
	v42 =	vld [tilespmem:$0x5A0];
	v24 =	vadd.f32 v24, v23;
	v25 =	vadd.f32 v26, v25  }
0x74: {  	vm8 =	vgt.f32 v50, $5.000000000e-01;
	v0 =	vld [tilespmem:$0x430];
	v11 =	vadd.f32 v13, v11;
	v50 =	vadd.f32 v17, v14  }
0x75: {  	v23 =	vld [tilespmem:$0x1140];
	v5 =	vadd.f32 v9, v5;
	vm12 =	vmneg vm11;
	vm2 =	vmneg vm2  }
0x76: {  	v14 =	vld [tilespmem:$0x540];
	vm6 =	vmneg vm5;
	vm5 =	vgt.f32 v4, $5.000000000e-01;
	vm10 =	vgt.f32 v8, v12  }
0x77: {  	v13 =	vld [tilespmem:$0x450];
	v8 =	vsel vm0, $0x0, v58;
	vm13 =	vgt.f32 v3, v21;
	v29 =	vsel vm12, $0x0, v58  }
0x78: {  	[tilespmem:$0x14B0] =	vst v62;
	v9 =	vld [tilespmem:$0x4E0];
	v27 =	vsel vm2, $0x0, v58;
	vm7 =	vgt.f32 v47, v48;
	v46 =	vsel vm6, $0x0, v58  }
0x79: {  	[tilespmem:$0x1FFC0] =	vst v2;
	v17 =	vld [tilespmem:$0x5F0];
	vm9 =	vgt.f32 v52, v53;
	vm11 =	vgt.f32 v57, v63;
	v7 =	vadd.f32 v10, v7  }
0x7a: {  	v26 =	vld [tilespmem:$0x6F0];
	vm0 =	vmand vm0, vm10;
	v22 =	vsub.f32 $1.000000000e+00, v8;
	vm1 =	vmand vm12, vm13;
	[tilespmem:$0x1440] =	vst v8  }
0x7b: {  	v4 =	vld [tilespmem:$0x5C0];
	v31 =	vsub.f32 $1.000000000e+00, v29;
	[tilespmem:$0x1450] =	vst v29;
	v54 =	vsub.f32 $1.000000000e+00, v46;
	vm12 =	vgt.f32 v34, $5.000000000e-01  }
0x7c: {  	v3 =	vld [tilespmem:$0x1100];
	[tilespmem:$0x1460] =	vst v27;
	vm10 =	vgt.f32 v55, $5.000000000e-01;
	v28 =	vsel vm0, $0x3F800000, v1;
	vm13 =	vmneg vm12  }
0x7d: {  	v12 =	vld [tilespmem:$0x400];
	[tilespmem:$0x1600] =	vst v46;
	v21 =	vsub.f32 v22, v28;
	v22 =	vadd.f32 v35, v33;
	v35 =	vsel vm1, $0x3F800000, v1  }
0x7e: {  	v10 =	vld [tilespmem:$0x1160];
	v33 =	vadd.f32 v44, v43;
	[tilespmem:$0x14C0] =	vst v28;
	vm1 =	vmand vm6, vm7;
	v63 =	vsel vm13, $0x0, v58  }
0x7f: {  	v29 =	vld [tilespmem:$0x1130];
	vm6 =	vgt.f32 v11, v50;
	v55 =	vadd.f32 v19, v15;
	v37 =	vsub.f32 v31, v35;
	[tilespmem:$0x14D0] =	vst v35  }
0x80: {  	v34 =	vld [tilespmem:$0x4B0];
	v47 =	vsel vm1, $0x3F800000, v1;
	[tilespmem:$0x1630] =	vst v63;
	v4 =	vadd.f32 v4, v14;
	vm14 =	vgt.f32 v18, v22  }
0x81: {  	v44 =	vld [tilespmem:$0x500];
	v22 =	vsub.f32 $1.000000000e+00, v27;
	vm4 =	vgt.f32 v32, v33;
	[tilespmem:$0x1540] =	vst v21;
	v54 =	vsub.f32 v54, v47  }
0x82: {  	v28 =	vld [tilespmem:$0x1120];
	[tilespmem:$0x1680] =	vst v47;
	v47 =	vsub.f32 $1.000000000e+00, v63;
	vm12 =	vgt.f32 v3, $5.000000000e-01;
	vm0 =	vmand vm2, vm14  }
0x83: {  	v15 =	vld [tilespmem:$0x4D0];
	vm2 =	vmneg vm8;
	[tilespmem:$0x1550] =	vst v37;
	vm14 =	vgt.f32 v39, v40;
	v43 =	vsel vm0, $0x3F800000, v1  }
0x84: {  	v31 =	vld [tilespmem:$0x490];
	vm0 =	vmneg vm15;
	v48 =	vsel vm2, $0x0, v58;
	vm1 =	vmand vm13, vm14;
	[tilespmem:$0x1700] =	vst v54  }
0x85: {  	v18 =	vld [tilespmem:$0x480];
	vm15 =	vgt.f32 v30, $5.000000000e-01;
	vm14 =	vgt.f32 v60, $5.000000000e-01;
	v2 =	vsub.f32 v22, v43;
	[tilespmem:$0x14E0] =	vst v43  }
0x86: {  	v33 =	vld [tilespmem:$0x510];
	v62 =	vsel vm0, $0x0, v58;
	vm0 =	vmand vm0, vm4;
	v21 =	vsub.f32 $1.000000000e+00, v48;
	[tilespmem:$0x1610] =	vst v48  }
0x87: {  	v27 =	vld [tilespmem:$0x560];
	v38 =	vsel vm1, $0x3F800000, v1;
	vm4 =	vgt.f32 v24, v25;
	v44 =	vadd.f32 v61, v44;
	[tilespmem:$0x1470] =	vst v62  }
0x88: {  	v3 =	vld [tilespmem:$0x5E0];
	v13 =	vadd.f32 v15, v13;
	v49 =	vsub.f32 $1.000000000e+00, v62;
	v8 =	vsel vm0, $0x3F800000, v1;
	[tilespmem:$0x16B0] =	vst v38  }
0x89: {  	v35 =	vld [tilespmem:$0x4A0];
	vm0 =	vmand vm2, vm9;
	vm2 =	vmneg vm15;
	v52 =	vsub.f32 v47, v38;
	[tilespmem:$0x1560] =	vst v2  }
0x8a: {  	v32 =	vld [tilespmem:$0x420];
	vm9 =	vgt.f32 v5, v55;
	vm15 =	vmneg vm14;
	v56 =	vsel vm0, $0x3F800000, v1;
	[tilespmem:$0x14F0] =	vst v8  }
0x8b: {  	v39 =	vld [tilespmem:$0x530];
	vm14 =	vgt.f32 v10, $5.000000000e-01;
	vm0 =	vmneg vm10;
	v43 =	vsel vm2, $0x0, v58;
	[tilespmem:$0x1690] =	vst v56  }
0x8c: {  	v30 =	vld [tilespmem:$0x5B0];
	vm10 =	vgt.f32 v6, $5.000000000e-01;
	v12 =	vadd.f32 v18, v12;
	v50 =	vadd.f32 v36, v33;
	[tilespmem:$0x1730] =	vst v52  }
0x8d: {  	v37 =	vld [tilespmem:$0x520];
	v55 =	vsel vm15, $0x0, v58;
	v3 =	vadd.f32 v3, v27;
	v45 =	vsub.f32 v49, v8;
	[tilespmem:$0x1640] =	vst v43  }
0x8e: {  	v22 =	vld [tilespmem:$0x410];
	v21 =	vsub.f32 v21, v56;
	v2 =	vsel vm0, $0x0, v58;
	vm0 =	vmand vm0, vm11;
	[tilespmem:$0x1810] =	vst v55  }
0x8f: {  	v25 =	vld [tilespmem:$0x4C0];
	v49 =	vsub.f32 $1.000000000e+00, v43;
	v57 =	vsub.f32 $1.000000000e+00, v2;
	v59 =	vsel vm0, $0x3F800000, v1;
	[tilespmem:$0x1620] =	vst v2  }
0x90: {  	v5 =	vld [tilespmem:$0x550];
	vm0 =	vmand vm2, vm4;
	vm2 =	vmneg vm10;
	vm13 =	vgt.f32 v12, v44;
	[tilespmem:$0x1570] =	vst v45  }
0x91: {  	v6 =	vld [tilespmem:$0x5D0];
	v30 =	vadd.f32 v30, v39;
	v53 =	vsel vm0, $0x3F800000, v1;
	[tilespmem:$0x1710] =	vst v21;
	vm0 =	vmneg vm5  }
0x92: {  	v24 =	vld [tilespmem:$0x460];
	[tilespmem:$0x16A0] =	vst v59;
	v40 =	vsel vm2, $0x0, v58;
	vm5 =	vgt.f32 v28, $5.000000000e-01;
	v62 =	vsub.f32 v57, v59  }
0x93: {  	v18 =	vld [tilespmem:$0x570];
	v54 =	vsub.f32 v49, v53;
	v2 =	vsel vm0, $0x0, v58;
	v43 =	vsub.f32 $1.000000000e+00, v40;
	[tilespmem:$0x16C0] =	vst v53  }
0x94: {  	vm0 =	vmand vm0, vm6;
	v57 =	vld [tilespmem:$0x1FFC0];
	v49 =	vadd.f32 v31, v22;
	v53 =	vadd.f32 v35, v32;
	[tilespmem:$0x1670] =	vst v40  }
0x95: {  	v45 =	vld [tilespmem:$0x440];
	v56 =	vsub.f32 $1.000000000e+00, v2;
	v59 =	vsel vm0, $0x3F800000, v1;
	[tilespmem:$0x1720] =	vst v62;
	v62 =	vadd.f32 v20, v16  }
0x96: {  	v22 =	vld [tilespmem:$0x470];
	v5 =	vadd.f32 v6, v5;
	[tilespmem:$0x1740] =	vst v54;
	vm4 =	vgt.f32 v49, v50;
	v54 =	vadd.f32 v42, v37  }
0x97: {  	v31 =	vld [tilespmem:$0x4F0];
	[tilespmem:$0x1650] =	vst v2;
	v49 =	vadd.f32 v9, v24;
	v8 =	vsub.f32 v56, v59;
	vm11 =	vgt.f32 v7, v62  }
0x98: {  	v11 =	vld [tilespmem:$0x1150];
	[tilespmem:$0x16D0] =	vst v59;
	v59 =	vsub.f32 $1.000000000e+00, v55;
	v55 =	vadd.f32 v17, v18;
	vm0 =	vmand vm2, vm11  }
0x99: {  	v14 =	vld [tilespmem:$0x610];
	vm7 =	vgt.f32 v57, $5.000000000e-01;
	[tilespmem:$0x1750] =	vst v8;
	vm2 =	vmneg vm5;
	v47 =	vsel vm0, $0x3F800000, v1  }
0x9a: {  	v39 =	vld [tilespmem:$0x710];
	vm6 =	vgt.f32 v53, v54;
	vm8 =	vmneg vm7;
	v57 =	vsel vm2, $0x0, v58;
	[tilespmem:$0x16F0] =	vst v47  }
0x9b: {  	v28 =	vld [tilespmem:$0x1180];
	v36 =	vadd.f32 v25, v45;
	vm0 =	vmneg vm12;
	v63 =	vsel vm8, $0x0, v58;
	[tilespmem:$0x1820] =	vst v57  }
0x9c: {  	v21 =	vld [tilespmem:$0x680];
	v54 =	vadd.f32 v31, v22;
	vm1 =	vmand vm8, vm9;
	v48 =	vsel vm0, $0x0, v58;
	[tilespmem:$0x1660] =	vst v63  }
0x9d: {  	v35 =	vld [tilespmem:$0x600];
	vm7 =	vgt.f32 v29, $5.000000000e-01;
	v2 =	vsub.f32 v43, v47;
	v38 =	vsel vm1, $0x3F800000, v1;
	[tilespmem:$0x1800] =	vst v48  }
0x9e: {  	v6 =	vld [tilespmem:$0x11A0];
	vm11 =	vgt.f32 v36, v4;
	vm12 =	vgt.f32 v11, $5.000000000e-01;
	vm0 =	vmand vm0, vm13;
	[tilespmem:$0x16E0] =	vst v38  }
0x9f: {  	v50 =	vld [tilespmem:$0x720];
	v60 =	vsub.f32 $1.000000000e+00, v57;
	v52 =	vsel vm0, $0x3F800000, v1;
	vm1 =	vmand vm15, vm4;
	[tilespmem:$0x1770] =	vst v2  }
0xa0: {  	v20 =	vld [tilespmem:$0x7E0];
	vm9 =	vgt.f32 v23, $5.000000000e-01;
	vm0 =	vmand vm2, vm6;
	v56 =	vsel vm1, $0x3F800000, v1;
	[tilespmem:$0x1880] =	vst v52  }
0xa1: {  	v7 =	vld [tilespmem:$0x1170];
	vm13 =	vgt.f32 v13, v5;
	vm10 =	vmneg vm9;
	v62 =	vsel vm0, $0x3F800000, v1;
	[tilespmem:$0x1890] =	vst v56  }
0xa2: {  	v24 =	vld [tilespmem:$0x670];
	v41 =	vsub.f32 $1.000000000e+00, v63;
	vm2 =	vmneg vm12;
	v42 =	vsel vm10, $0x0, v58;
	[tilespmem:$0x18A0] =	vst v62  }
0xa3: {  	v45 =	vld [tilespmem:$0x620];
	v51 =	vsub.f32 $1.000000000e+00, v48;
	vm1 =	vmand vm10, vm11;
	v44 =	vsel vm2, $0x0, v58;
	[tilespmem:$0x1840] =	vst v42  }
0xa4: {  	v31 =	vld [tilespmem:$0x11C0];
	vm15 =	vgt.f32 v49, v3;
	v46 =	vsub.f32 v41, v38;
	v43 =	vsel vm1, $0x3F800000, v1;
	[tilespmem:$0x1850] =	vst v44  }
0xa5: {  	v29 =	vld [tilespmem:$0x780];
	vm6 =	vgt.f32 v54, v55;
	v2 =	vadd.f32 v34, v0;
	v8 =	vsub.f32 v51, v52;
	[tilespmem:$0x18C0] =	vst v43  }
0xa6: {  	v23 =	vld [tilespmem:$0x690];
	vm0 =	vmneg vm7;
	vm4 =	vgt.f32 v7, $5.000000000e-01;
	v61 =	vsub.f32 v59, v56;
	[tilespmem:$0x1760] =	vst v46  }
0xa7: {  	v48 =	vld [tilespmem:$0x6A0];
	vm7 =	vgt.f32 v28, $5.000000000e-01;
	v28 =	vadd.f32 v21, v35;
	v63 =	vsub.f32 v60, v62;
	[tilespmem:$0x1900] =	vst v8  }
0xa8: {  	v3 =	vld [tilespmem:$0x11B0];
	vm11 =	vgt.f32 v6, $5.000000000e-01;
	v47 =	vsub.f32 $1.000000000e+00, v44;
	vm5 =	vmneg vm4;
	[tilespmem:$0x1910] =	vst v61  }
0xa9: {  	v34 =	vld [tilespmem:$0x700];
	vm12 =	vmneg vm11;
	vm8 =	vgt.f32 v2, v30;
	v30 =	vsel vm0, $0x0, v58;
	[tilespmem:$0x1920] =	vst v63  }
0xaa: {  	v49 =	vld [tilespmem:$0x750];
	vm1 =	vmand vm5, vm6;
	v32 =	vsel vm5, $0x0, v58;
	vm5 =	vgt.f32 v31, $5.000000000e-01;
	[tilespmem:$0x1830] =	vst v30  }
0xab: {  	v54 =	vld [tilespmem:$0x11E0];
	vm0 =	vmand vm0, vm8;
	v37 =	vsub.f32 $1.000000000e+00, v30;
	v33 =	vsel vm1, $0x3F800000, v1;
	[tilespmem:$0x1870] =	vst v32  }
0xac: {  	v41 =	vld [tilespmem:$0x790];
	v46 =	vsub.f32 $1.000000000e+00, v42;
	v38 =	vsel vm0, $0x3F800000, v1;
	vm0 =	vmand vm2, vm13;
	[tilespmem:$0x18F0] =	vst v33  }
0xad: {  	v52 =	vld [tilespmem:$0x7A0];
	v36 =	vsub.f32 $1.000000000e+00, v32;
	vm2 =	vmneg vm7;
	[tilespmem:$0x18B0] =	vst v38;
	v51 =	vsel vm0, $0x3F800000, v1  }
0xae: {  	v56 =	vld [tilespmem:$0x630];
	v40 =	vsub.f32 v37, v38;
	v30 =	vadd.f32 v29, v34;
	v34 =	vsel vm2, $0x0, v58;
	[tilespmem:$0x18D0] =	vst v51  }
0xaf: {  	v59 =	vld [tilespmem:$0x6B0];
	v16 =	vsub.f32 v46, v43;
	v43 =	vadd.f32 v48, v45;
	v48 =	vsel vm12, $0x0, v58;
	[tilespmem:$0x1A00] =	vst v34  }
0xb0: {  	v2 =	vld [tilespmem:$0x1190];
	v14 =	vadd.f32 v23, v14;
	vm6 =	vmneg vm5;
	vm0 =	vmneg vm14;
	[tilespmem:$0x1A20] =	vst v48  }
0xb1: {  	v61 =	vld [tilespmem:$0x730];
	v8 =	vsub.f32 v36, v33;
	vm14 =	vgt.f32 v3, $5.000000000e-01;
	v5 =	vsub.f32 v47, v51;
	[tilespmem:$0x1930] =	vst v40  }
0xb2: {  	v63 =	vld [tilespmem:$0x7B0];
	v53 =	vsel vm0, $0x0, v58;
	v37 =	vsub.f32 $1.000000000e+00, v34;
	v4 =	vadd.f32 v41, v39;
	[tilespmem:$0x1940] =	vst v16  }
0xb3: {  	v35 =	vld [tilespmem:$0x640];
	vm0 =	vmand vm0, vm15;
	v9 =	vadd.f32 v52, v50;
	v51 =	vsub.f32 $1.000000000e+00, v48;
	[tilespmem:$0x1860] =	vst v53  }
0xb4: {  	v44 =	vld [tilespmem:$0x650];
	v3 =	vadd.f32 v59, v56;
	v57 =	vsub.f32 $1.000000000e+00, v53;
	vm8 =	vgt.f32 v28, v30;
	[tilespmem:$0x1970] =	vst v8  }
0xb5: {  	v42 =	vld [tilespmem:$0x11D0];
	vm15 =	vmneg vm14;
	v60 =	vsel vm0, $0x3F800000, v1;
	[tilespmem:$0x1950] =	vst v5;
	vm0 =	vmand vm2, vm8  }
0xb6: {  	v46 =	vld [tilespmem:$0x6D0];
	vm9 =	vgt.f32 v2, $5.000000000e-01;
	[tilespmem:$0x18E0] =	vst v60;
	v62 =	vsub.f32 v57, v60;
	v40 =	vsel vm0, $0x3F800000, v1  }
0xb7: {  	v52 =	vld [tilespmem:$0x7D0];
	vm10 =	vgt.f32 v14, v4;
	v53 =	vadd.f32 v63, v61;
	vm0 =	vmneg vm9;
	[tilespmem:$0x1A80] =	vst v40  }
0xb8: {  	v38 =	vld [tilespmem:$0x6C0];
	vm13 =	vgt.f32 v43, v9;
	v41 =	vsub.f32 v37, v40;
	v45 =	vsel vm0, $0x0, v58;
	[tilespmem:$0x1960] =	vst v62  }
0xb9: {  	v39 =	vld [tilespmem:$0x740];
	vm0 =	vmand vm0, vm10;
	vm4 =	vgt.f32 v3, v53;
	v3 =	vsel vm15, $0x0, v58;
	[tilespmem:$0x1A10] =	vst v45  }
0xba: {  	v2 =	vld [tilespmem:$0x7C0];
	vm8 =	vgt.f32 v42, $5.000000000e-01;
	v47 =	vsel vm0, $0x3F800000, v1;
	v50 =	vsub.f32 $1.000000000e+00, v45;
	[tilespmem:$0x1A30] =	vst v3  }
0xbb: {  	v22 =	vld [tilespmem:$0x11F0];
	vm0 =	vmand vm12, vm13;
	v63 =	vsub.f32 $1.000000000e+00, v3;
	v3 =	vadd.f32 v46, v44;
	[tilespmem:$0x1B00] =	vst v41  }
0xbc: {  	v57 =	vld [tilespmem:$0x660];
	v25 =	vadd.f32 v52, v49;
	v56 =	vsel vm0, $0x3F800000, v1;
	[tilespmem:$0x1A90] =	vst v47;
	vm0 =	vmand vm15, vm4  }
0xbd: {  	v60 =	vld [tilespmem:$0x6E0];
	vm9 =	vmneg vm8;
	v61 =	vadd.f32 v38, v35;
	[tilespmem:$0x1AA0] =	vst v56;
	v21 =	vsel vm0, $0x3F800000, v1  }
0xbe: {  	v62 =	vld [tilespmem:$0x760];
	v55 =	vsub.f32 v50, v47;
	vm10 =	vgt.f32 v3, v25;
	v3 =	vsel vm9, $0x0, v58;
	[tilespmem:$0x1AB0] =	vst v21  }
0xbf: {  	vm11 =	vgt.f32 v54, $5.000000000e-01;
	v28 =	vld [tilespmem:$0x770];
	v2 =	vadd.f32 v2, v39;
	v59 =	vsub.f32 v51, v56;
	[tilespmem:$0x1A50] =	vst v3  }
0xc0: {  	vm14 =	vgt.f32 v22, $5.000000000e-01;
	v30 =	vld [tilespmem:$0x7F0];
	v35 =	vadd.f32 v26, v24;
	vm12 =	vmneg vm11;
	[tilespmem:$0x1B10] =	vst v55  }
0xc1: {  	vm7 =	vgt.f32 v61, v2;
	v2 =	vsel vm6, $0x0, v58;
	v6 =	vsub.f32 v63, v21;
	[tilespmem:$0x1B20] =	vst v59  }
0xc2: {  	vm0 =	vmand vm6, vm7;
	v23 =	vsub.f32 $1.000000000e+00, v2;
	[tilespmem:$0x1A40] =	vst v2;
	v2 =	vadd.f32 v60, v57  }
0xc3: {  	v27 =	vsel vm0, $0x3F800000, v1;
	[tilespmem:$0x1B30] =	vst v6;
	v31 =	vadd.f32 v20, v62;
	vm0 =	vmand vm9, vm10  }
0xc4: {  	v32 =	vsub.f32 $1.000000000e+00, v3;
	v29 =	vsub.f32 v23, v27;
	[tilespmem:$0x1AC0] =	vst v27;
	v33 =	vsel vm0, $0x3F800000, v1  }
0xc5: {  	v4 =	vadd.f32 v30, v28;
	vm13 =	vgt.f32 v2, v31;
	v2 =	vsel vm12, $0x0, v58;
	[tilespmem:$0x1AD0] =	vst v33  }
0xc6: {  	v34 =	vsub.f32 v32, v33;
	[tilespmem:$0x1B40] =	vst v29;
	vm0 =	vmand vm12, vm13;
	v3 =	vsub.f32 $1.000000000e+00, v2  }
0xc7: {  	vm15 =	vmneg vm14;
	[tilespmem:$0x1A60] =	vst v2;
	v36 =	vsel vm0, $0x3F800000, v1  }
0xc8: {  	vm4 =	vgt.f32 v35, v4;
	v2 =	vsel vm15, $0x0, v58;
	[tilespmem:$0x1B50] =	vst v34;
	v3 =	vsub.f32 v3, v36  }
0xc9: {  	vm0 =	vmand vm15, vm4;
	v37 =	vsub.f32 $1.000000000e+00, v2;
	[tilespmem:$0x1A70] =	vst v2  }
0xca: {  	[tilespmem:$0x1B60] =	vst v3;
	v3 =	vsel vm0, $0x3F800000, v1  }
0xcb: {  	[tilespmem:$0x1AE0] =	vst v36;
	v4 =	vsub.f32 v37, v3  }
0xcc: {  	[tilespmem:$0x1AF0] =	vst v3  }
0xcd: {  	[tilespmem:$0x1B70] =	vst v4  }
0xce: {  	[hbm4b:s7+s2] =	stream.linear.scatter [tilespmem:s18], [sflag:$0x5], $0x800, $0x38;
	[tilespmem:$0x2400] =	vst v63  }
0xcf: {  	_ =	swait.ge [sflag:s19], $0x800  }
0xd0: {  	[sflag:s19] =	ssyncset.done $0x0  }
0xd1: {  	[sflag:s19] =	ssyncadd.s32 $0xFFFFF800  }
0xd2: {  	_ =	swait.ge [sflag:s20], $0x200  }
0xd3: {  	[sflag:s20] =	ssyncset.done $0x0  }
0xd4: {  	[sflag:s20] =	ssyncadd.s32 $0xFFFFFE00  }
0xd5: {  	v2 =	vld [tilespmem:$0x1200]  }
0xd6: {  	v3 =	vld [tilespmem:$0x800]  }
0xd7: {  	v4 =	vld [tilespmem:$0x880]  }
0xd8: {  	v5 =	vld [tilespmem:$0x900]  }
0xd9: {  	v7 =	vld [tilespmem:$0x980]  }
0xda: {  	v12 =	vld [tilespmem:$0x1210]  }
0xdb: {  	v9 =	vld [tilespmem:$0x810]  }
0xdc: {  	v15 =	vld [tilespmem:$0x890]  }
0xdd: {  	v16 =	vld [tilespmem:$0x910]  }
0xde: {  	v18 =	vld [tilespmem:$0x990]  }
0xdf: {  	v21 =	vld [tilespmem:$0x1220]  }
0xe0: {  	v22 =	vld [tilespmem:$0x820]  }
0xe1: {  	v24 =	vld [tilespmem:$0x8A0]  }
0xe2: {  	v25 =	vld [tilespmem:$0x920]  }
0xe3: {  	v26 =	vld [tilespmem:$0x9A0]  }
0xe4: {  	v27 =	vld [tilespmem:$0x1230]  }
0xe5: {  	v28 =	vld [tilespmem:$0x830]  }
0xe6: {  	v29 =	vld [tilespmem:$0x8B0]  }
0xe7: {  	v31 =	vld [tilespmem:$0x930]  }
0xe8: {  	v34 =	vld [tilespmem:$0x9B0]  }
0xe9: {  	v39 =	vld [tilespmem:$0x1240]  }
0xea: {  	v40 =	vld [tilespmem:$0x840]  }
0xeb: {  	v41 =	vld [tilespmem:$0x8C0]  }
0xec: {  	v44 =	vld [tilespmem:$0x940]  }
0xed: {  	v45 =	vld [tilespmem:$0x9C0]  }
0xee: {  	v46 =	vld [tilespmem:$0x1250]  }
0xef: {  	v47 =	vld [tilespmem:$0x850]  }
0xf0: {  	v48 =	vld [tilespmem:$0x8D0]  }
0xf1: {  	v49 =	vld [tilespmem:$0x950]  }
0xf2: {  	v50 =	vld [tilespmem:$0x9D0]  }
0xf3: {  	v51 =	vld [tilespmem:$0x1260]  }
0xf4: {  	v52 =	vld [tilespmem:$0x860]  }
0xf5: {  	v53 =	vld [tilespmem:$0x8E0]  }
0xf6: {  	v54 =	vld [tilespmem:$0x960]  }
0xf7: {  	v55 =	vld [tilespmem:$0x9E0]  }
0xf8: {  	v13 =	vld [tilespmem:$0x1270]  }
0xf9: {  	v56 =	vld [tilespmem:$0x870]  }
0xfa: {  	v57 =	vld [tilespmem:$0x8F0]  }
0xfb: {  	v6 =	vld [tilespmem:$0x970]  }
0xfc: {  	v59 =	vld [tilespmem:$0x9F0]  }
0xfd: {  	v35 =	vld [tilespmem:$0x1280]  }
0xfe: {  	v60 =	vld [tilespmem:$0xA00]  }
0xff: {  	v61 =	vld [tilespmem:$0xA80]  }
0x100: {  	v62 =	vld [tilespmem:$0xB00]  }
0x101: {  	v63 =	vld [tilespmem:$0xB80]  }
0x102: {  	v30 =	vld [tilespmem:$0x1290]  }
0x103: {  	v42 =	vld [tilespmem:$0xA10]  }
0x104: {  	v43 =	vld [tilespmem:$0xA90]  }
0x105: {  	v37 =	vld [tilespmem:$0xB10]  }
0x106: {  	v8 =	vld [tilespmem:$0xB90]  }
0x107: {  	v10 =	vld [tilespmem:$0x12A0]  }
0x108: {  	v19 =	vld [tilespmem:$0xA20]  }
0x109: {  	v36 =	vld [tilespmem:$0xAA0]  }
0x10a: {  	v32 =	vld [tilespmem:$0xB20]  }
0x10b: {  	v33 =	vld [tilespmem:$0xBA0]  }
0x10c: {  	v0 =	vld [tilespmem:$0x12B0]  }
0x10d: {  	v20 =	vld [tilespmem:$0xA30]  }
0x10e: {  	v23 =	vld [tilespmem:$0xAB0]  }
0x10f: {  	v14 =	vld [tilespmem:$0xB30]  }
0x110: {  	v17 =	vld [tilespmem:$0xBB0]  }
0x111: {  	v11 =	vld [tilespmem:$0xAC0]  }
0x112: {  	[tilespmem:$0x1FFD0] =	vst v0;
	v0 =	vld [tilespmem:$0x12C0]  }
0x113: {  	v4 =	vadd.f32 v4, v3;
	v3 =	vld [tilespmem:$0xA40]  }
0x114: {  	vm5 =	vgt.f32 v2, $5.000000000e-01;
	v2 =	vadd.f32 v15, v9;
	v9 =	vld [tilespmem:$0xB40]  }
0x115: {  	v5 =	vadd.f32 v7, v5;
	vm7 =	vgt.f32 v12, $5.000000000e-01;
	v12 =	vld [tilespmem:$0xBC0]  }
0x116: {  	v15 =	vld [tilespmem:$0xA50];
	v45 =	vadd.f32 v45, v44;
	vm15 =	vgt.f32 v39, $5.000000000e-01;
	v39 =	vadd.f32 v50, v49  }
0x117: {  	vm9 =	vgt.f32 v21, $5.000000000e-01;
	v21 =	vld [tilespmem:$0xB50];
	v53 =	vadd.f32 v53, v52;
	v54 =	vadd.f32 v55, v54  }
0x118: {  	v55 =	vadd.f32 v57, v56;
	v8 =	vadd.f32 v8, v37;
	v37 =	vld [tilespmem:$0xD90]  }
0x119: {  	v6 =	vadd.f32 v59, v6;
	v36 =	vadd.f32 v36, v19;
	v19 =	vld [tilespmem:$0x1320]  }
0x11a: {  	v57 =	vadd.f32 v61, v60;
	v33 =	vadd.f32 v33, v32;
	v32 =	vld [tilespmem:$0xCA0]  }
0x11b: {  	vm11 =	vgt.f32 v27, $5.000000000e-01;
	v42 =	vadd.f32 v43, v42;
	v20 =	vadd.f32 v23, v20;
	v23 =	vld [tilespmem:$0xDA0]  }
0x11c: {  	vm0 =	vmneg vm5;
	vm4 =	vmneg vm15;
	vm15 =	vgt.f32 v35, $5.000000000e-01;
	v35 =	vld [tilespmem:$0xD10]  }
0x11d: {  	vm6 =	vgt.f32 v4, v5;
	v4 =	vadd.f32 v18, v16;
	v7 =	vsel vm0, $0x0, v58;
	v16 =	vld [tilespmem:$0xA60]  }
0x11e: {  	vm12 =	vmneg vm11;
	vm1 =	vmand vm0, vm6;
	v38 =	vsub.f32 $1.000000000e+00, v7;
	[tilespmem:$0x1C00] =	vst v7;
	v7 =	vld [tilespmem:$0x1300]  }
0x11f: {  	vm6 =	vgt.f32 v46, $5.000000000e-01;
	vm8 =	vgt.f32 v2, v4;
	v4 =	vadd.f32 v24, v22;
	v24 =	vld [tilespmem:$0xAD0]  }
0x120: {  	vm0 =	vmneg vm7;
	vm7 =	vmneg vm6;
	vm6 =	vgt.f32 v42, v8;
	v42 =	vld [tilespmem:$0xC30]  }
0x121: {  	v5 =	vsel vm1, $0x3F800000, v1;
	v22 =	vadd.f32 v26, v25;
	v25 =	vadd.f32 v34, v31;
	[tilespmem:$0x1FFE0] =	vst v0;
	v0 =	vld [tilespmem:$0x12D0]  }
0x122: {  	v34 =	vadd.f32 v41, v40;
	v41 =	vsel vm12, $0x0, v58;
	v26 =	vsub.f32 v38, v5;
	[tilespmem:$0x1C80] =	vst v5;
	v5 =	vld [tilespmem:$0xAF0]  }
0x123: {  	v60 =	vadd.f32 v63, v62;
	v27 =	vsub.f32 $1.000000000e+00, v41;
	[tilespmem:$0x1C30] =	vst v41;
	v41 =	vld [tilespmem:$0xC10]  }
0x124: {  	v14 =	vadd.f32 v17, v14;
	v3 =	vadd.f32 v11, v3;
	v11 =	vld [tilespmem:$0xD30]  }
0x125: {  	v50 =	vsel vm4, $0x0, v58;
	vm11 =	vgt.f32 v55, v6;
	v9 =	vadd.f32 v12, v9;
	v12 =	vld [tilespmem:$0xDB0]  }
0x126: {  	[tilespmem:$0x1C40] =	vst v50;
	v18 =	vsel vm0, $0x0, v58;
	vm10 =	vgt.f32 v4, v22;
	v22 =	vadd.f32 v29, v28;
	v28 =	vld [tilespmem:$0xBD0]  }
0x127: {  	v46 =	vsub.f32 $1.000000000e+00, v50;
	vm1 =	vmneg vm9;
	vm9 =	vgt.f32 v53, v54;
	[tilespmem:$0x1C10] =	vst v18;
	v4 =	vld [tilespmem:$0x12E0]  }
0x128: {  	vm0 =	vmand vm0, vm8;
	v38 =	vsub.f32 $1.000000000e+00, v18;
	vm8 =	vgt.f32 v51, $5.000000000e-01;
	v29 =	vld [tilespmem:$0xBE0];
	[tilespmem:$0x1D00] =	vst v26  }
0x129: {  	vm14 =	vgt.f32 v34, v45;
	v34 =	vadd.f32 v48, v47;
	v47 =	vld [tilespmem:$0x12F0];
	[tilespmem:$0x1FFF0] =	vst v0;
	v0 =	vsel vm0, $0x3F800000, v1  }
0x12a: {  	v48 =	vld [tilespmem:$0xA70];
	vm0 =	vmand vm1, vm10;
	v2 =	vsub.f32 v38, v0;
	v38 =	vsel vm1, $0x0, v58;
	[tilespmem:$0x1C90] =	vst v0  }
0x12b: {  	vm13 =	vgt.f32 v22, v25;
	v25 =	vld [tilespmem:$0xAE0];
	vm10 =	vmneg vm8;
	v40 =	vsel vm0, $0x3F800000, v1;
	[tilespmem:$0x1C20] =	vst v38  }
0x12c: {  	v22 =	vld [tilespmem:$0xB60];
	vm5 =	vgt.f32 v34, v39;
	vm8 =	vgt.f32 v36, v33;
	v6 =	vsel vm10, $0x0, v58;
	[tilespmem:$0x1CA0] =	vst v40  }
0x12d: {  	v34 =	vld [tilespmem:$0xC00];
	v11 =	vadd.f32 v12, v11;
	vm0 =	vmand vm12, vm13;
	vm1 =	vmand vm7, vm5;
	[tilespmem:$0x1C60] =	vst v6  }
0x12e: {  	v39 =	vld [tilespmem:$0xC80];
	vm12 =	vgt.f32 v13, $5.000000000e-01;
	vm5 =	vgt.f32 v30, $5.000000000e-01;
	v45 =	vsel vm0, $0x3F800000, v1;
	[tilespmem:$0x1D10] =	vst v2  }
0x12f: {  	v33 =	vld [tilespmem:$0xD20];
	v5 =	vadd.f32 v5, v48;
	vm0 =	vmand vm4, vm14;
	v26 =	vsel vm1, $0x3F800000, v1;
	[tilespmem:$0x1CB0] =	vst v45  }
0x130: {  	v12 =	vld [tilespmem:$0x1380];
	v48 =	vadd.f32 v37, v35;
	v31 =	vsub.f32 $1.000000000e+00, v38;
	v18 =	vsel vm0, $0x3F800000, v1;
	[tilespmem:$0x1CD0] =	vst v26  }
0x131: {  	v36 =	vld [tilespmem:$0xE50];
	v56 =	vsub.f32 $1.000000000e+00, v6;
	vm13 =	vmneg vm12;
	v2 =	vsel vm7, $0x0, v58;
	[tilespmem:$0x1CC0] =	vst v18  }
0x132: {  	v13 =	vld [tilespmem:$0x1310];
	vm14 =	vgt.f32 v57, v60;
	v49 =	vsub.f32 v27, v45;
	v61 =	vsel vm13, $0x0, v58;
	[tilespmem:$0x1C50] =	vst v2  }
0x133: {  	v30 =	vld [tilespmem:$0xC20];
	vm4 =	vmneg vm15;
	vm15 =	vgt.f32 v3, v9;
	vm0 =	vmand vm10, vm9;
	[tilespmem:$0x1C70] =	vst v61  }
0x134: {  	v35 =	vld [tilespmem:$0x1370];
	vm1 =	vmand vm4, vm14;
	vm7 =	vmneg vm5;
	v59 =	vsel vm0, $0x3F800000, v1;
	[tilespmem:$0x1D30] =	vst v49  }
0x135: {  	v6 =	vld [tilespmem:$0x1340];
	vm9 =	vgt.f32 v10, $5.000000000e-01;
	v38 =	vsub.f32 $1.000000000e+00, v2;
	v2 =	vsel vm4, $0x0, v58;
	[tilespmem:$0x1CE0] =	vst v59  }
0x136: {  	v9 =	vld [tilespmem:$0xCC0];
	v16 =	vadd.f32 v25, v16;
	v22 =	vadd.f32 v29, v22;
	v51 =	vsel vm1, $0x3F800000, v1;
	[tilespmem:$0x1E00] =	vst v2  }
0x137: {  	v27 =	vld [tilespmem:$0xB70];
	v44 =	vsub.f32 v31, v40;
	v0 =	vsub.f32 v46, v18;
	v54 =	vsel vm7, $0x0, v58;
	[tilespmem:$0x1E80] =	vst v51  }
0x138: {  	v45 =	vld [tilespmem:$0xC90];
	vm0 =	vmand vm13, vm11;
	v62 =	vsub.f32 $1.000000000e+00, v61;
	vm10 =	vmneg vm9;
	[tilespmem:$0x1E10] =	vst v54  }
0x139: {  	v10 =	vld [tilespmem:$0x1330];
	vm11 =	vgt.f32 v20, v14;
	vm9 =	vgt.f32 v4, $5.000000000e-01;
	v46 =	vsub.f32 v56, v59;
	[tilespmem:$0x1D20] =	vst v44  }
0x13a: {  	v25 =	vld [tilespmem:$0xDC0];
	v63 =	vsel vm0, $0x3F800000, v1;
	v53 =	vsub.f32 $1.000000000e+00, v2;
	v55 =	vsub.f32 $1.000000000e+00, v54;
	[tilespmem:$0x1D40] =	vst v0  }
0x13b: {  	v61 =	vld [tilespmem:$0x1FFD0];
	v60 =	vsel vm10, $0x0, v58;
	v2 =	vadd.f32 v24, v15;
	v23 =	vadd.f32 v23, v33;
	[tilespmem:$0x1CF0] =	vst v63  }
0x13c: {  	v31 =	vld [tilespmem:$0xBF0];
	vm0 =	vmand vm7, vm6;
	v38 =	vsub.f32 v38, v26;
	v0 =	vsub.f32 v62, v63;
	[tilespmem:$0x1E20] =	vst v60  }
0x13d: {  	v24 =	vld [tilespmem:$0x1FFE0];
	v56 =	vsel vm0, $0x3F800000, v1;
	vm0 =	vmand vm10, vm8;
	v62 =	vsub.f32 $1.000000000e+00, v60;
	[tilespmem:$0x1D60] =	vst v46  }
0x13e: {  	v40 =	vld [tilespmem:$0xD00];
	vm8 =	vgt.f32 v16, v22;
	vm10 =	vmneg vm9;
	v57 =	vsub.f32 v53, v51;
	[tilespmem:$0x1E90] =	vst v56  }
0x13f: {  	v44 =	vld [tilespmem:$0xD80];
	v59 =	vsub.f32 v55, v56;
	v46 =	vadd.f32 v28, v21;
	[tilespmem:$0x1D70] =	vst v0;
	v0 =	vsel vm0, $0x3F800000, v1  }
0x140: {  	v29 =	vld [tilespmem:$0x1360];
	v60 =	vsel vm10, $0x0, v58;
	vm12 =	vgt.f32 v61, $5.000000000e-01;
	v63 =	vsub.f32 v62, v0;
	[tilespmem:$0x1F00] =	vst v57  }
0x141: {  	v20 =	vld [tilespmem:$0xCB0];
	vm5 =	vgt.f32 v2, v46;
	[tilespmem:$0x1F10] =	vst v59;
	v57 =	vadd.f32 v31, v27;
	v59 =	vadd.f32 v39, v34  }
0x142: {  	v18 =	vld [tilespmem:$0xD50];
	[tilespmem:$0x1D50] =	vst v38;
	v46 =	vadd.f32 v45, v41;
	vm13 =	vmneg vm12;
	vm14 =	vgt.f32 v24, $5.000000000e-01  }
0x143: {  	v21 =	vld [tilespmem:$0xC40];
	[tilespmem:$0x1E60] =	vst v60;
	vm1 =	vmand vm13, vm11;
	v43 =	vsel vm13, $0x0, v58;
	vm4 =	vmneg vm14  }
0x144: {  	v15 =	vld [tilespmem:$0xCE0];
	[tilespmem:$0x1EA0] =	vst v0;
	vm11 =	vgt.f32 v47, $5.000000000e-01;
	v61 =	vadd.f32 v44, v40;
	vm12 =	vgt.f32 v5, v57  }
0x145: {  	v33 =	vld [tilespmem:$0xF10];
	[tilespmem:$0x1F20] =	vst v63;
	v63 =	vsub.f32 $1.000000000e+00, v60;
	v3 =	vsel vm1, $0x3F800000, v1;
	v49 =	vsub.f32 $1.000000000e+00, v43  }
0x146: {  	v2 =	vld [tilespmem:$0x1FFF0];
	v50 =	vsel vm4, $0x0, v58;
	vm0 =	vmand vm4, vm15;
	[tilespmem:$0x1E30] =	vst v43;
	vm1 =	vmand vm10, vm8  }
0x147: {  	v27 =	vld [tilespmem:$0xDD0];
	vm13 =	vmneg vm11;
	vm15 =	vgt.f32 v7, $5.000000000e-01;
	vm10 =	vgt.f32 v19, $5.000000000e-01;
	[tilespmem:$0x1EB0] =	vst v3  }
0x148: {  	v24 =	vld [tilespmem:$0xD40];
	vm11 =	vgt.f32 v10, $5.000000000e-01;
	v9 =	vadd.f32 v9, v21;
	v52 =	vsel vm0, $0x3F800000, v1;
	[tilespmem:$0x1E40] =	vst v50  }
0x149: {  	v39 =	vld [tilespmem:$0xF90];
	v51 =	vsub.f32 $1.000000000e+00, v50;
	v62 =	vsel vm1, $0x3F800000, v1;
	vm14 =	vgt.f32 v59, v61;
	[tilespmem:$0x1EC0] =	vst v52  }
0x14a: {  	v16 =	vld [tilespmem:$0xCD0];
	v40 =	vsel vm13, $0x0, v58;
	vm4 =	vmneg vm15;
	v53 =	vsub.f32 v49, v3;
	[tilespmem:$0x1EE0] =	vst v62  }
0x14b: {  	v22 =	vld [tilespmem:$0xC70];
	vm1 =	vmneg vm11;
	vm6 =	vgt.f32 v2, $5.000000000e-01;
	v49 =	vsub.f32 v63, v62;
	[tilespmem:$0x1E70] =	vst v40  }
0x14c: {  	v47 =	vld [tilespmem:$0xDE0];
	v44 =	vsub.f32 $1.000000000e+00, v40;
	v54 =	vsub.f32 v51, v52;
	vm7 =	vmneg vm6;
	[tilespmem:$0x1F30] =	vst v53  }
0x14d: {  	v57 =	vld [tilespmem:$0xE00];
	v51 =	vadd.f32 v32, v30;
	v62 =	vadd.f32 v25, v24;
	v25 =	vsel vm1, $0x0, v58;
	[tilespmem:$0x1F60] =	vst v49  }
0x14e: {  	v60 =	vld [tilespmem:$0xF00];
	vm6 =	vgt.f32 v13, $5.000000000e-01;
	v32 =	vadd.f32 v27, v18;
	v27 =	vadd.f32 v39, v33;
	[tilespmem:$0x2030] =	vst v25  }
0x14f: {  	v43 =	vld [tilespmem:$0xD60];
	v0 =	vsel vm7, $0x0, v58;
	vm0 =	vmand vm7, vm5;
	vm5 =	vgt.f32 v46, v48;
	[tilespmem:$0x1F40] =	vst v54  }
0x150: {  	v59 =	vld [tilespmem:$0xE80];
	vm7 =	vmneg vm6;
	v56 =	vsel vm0, $0x3F800000, v1;
	vm0 =	vmand vm13, vm12;
	[tilespmem:$0x1E50] =	vst v0  }
0x151: {  	v61 =	vld [tilespmem:$0xF80];
	v55 =	vsub.f32 $1.000000000e+00, v0;
	v0 =	vsel vm0, $0x3F800000, v1;
	[tilespmem:$0x1ED0] =	vst v56;
	vm0 =	vmand vm4, vm14  }
0x152: {  	v28 =	vld [tilespmem:$0xC50];
	v38 =	vsub.f32 $1.000000000e+00, v25;
	vm13 =	vgt.f32 v6, $5.000000000e-01;
	v50 =	vsel vm0, $0x3F800000, v1;
	[tilespmem:$0x1EF0] =	vst v0  }
0x153: {  	v2 =	vld [tilespmem:$0x1350];
	vm2 =	vmneg vm13;
	v3 =	vsub.f32 v55, v56;
	v55 =	vsel vm7, $0x0, v58;
	[tilespmem:$0x2080] =	vst v50  }
0x154: {  	v34 =	vld [tilespmem:$0xC60];
	v54 =	vadd.f32 v20, v42;
	vm8 =	vgt.f32 v51, v23;
	v40 =	vsel vm2, $0x0, v58;
	[tilespmem:$0x2010] =	vst v55  }
0x155: {  	v31 =	vld [tilespmem:$0xF40];
	v42 =	vadd.f32 v47, v43;
	vm14 =	vgt.f32 v9, v62;
	v17 =	vsub.f32 v44, v0;
	[tilespmem:$0x2040] =	vst v40  }
0x156: {  	v7 =	vld [tilespmem:$0xCF0];
	v8 =	vadd.f32 v59, v57;
	v10 =	vadd.f32 v61, v60;
	vm0 =	vmand vm7, vm5;
	[tilespmem:$0x1F50] =	vst v3  }
0x157: {  	v21 =	vld [tilespmem:$0xE10];
	vm9 =	vgt.f32 v54, v11;
	vm15 =	vmand vm2, vm14;
	v0 =	vsel vm0, $0x3F800000, v1;
	[tilespmem:$0x1F70] =	vst v17  }
0x158: {  	v30 =	vld [tilespmem:$0xD70];
	vm5 =	vgt.f32 v2, $5.000000000e-01;
	vm7 =	vgt.f32 v29, $5.000000000e-01;
	v41 =	vsel vm15, $0x3F800000, v1;
	[tilespmem:$0x2090] =	vst v0  }
0x159: {  	v46 =	vld [tilespmem:$0xF20];
	v56 =	vsub.f32 $1.000000000e+00, v55;
	vm12 =	vmand vm1, vm9;
	v3 =	vsel vm4, $0x0, v58;
	[tilespmem:$0x20C0] =	vst v41  }
0x15a: {  	v48 =	vld [tilespmem:$0xFA0];
	vm0 =	vmneg vm10;
	vm1 =	vmneg vm7;
	v37 =	vsel vm12, $0x3F800000, v1;
	[tilespmem:$0x2000] =	vst v3  }
0x15b: {  	v33 =	vld [tilespmem:$0xFC0];
	v44 =	vsub.f32 $1.000000000e+00, v40;
	vm11 =	vgt.f32 v8, v10;
	v54 =	vsel vm1, $0x0, v58;
	[tilespmem:$0x20B0] =	vst v37  }
0x15c: {  	v53 =	vld [tilespmem:$0xDF0];
	v52 =	vsub.f32 $1.000000000e+00, v3;
	v4 =	vsub.f32 v56, v0;
	v3 =	vsel vm0, $0x0, v58;
	[tilespmem:$0x2060] =	vst v54  }
0x15d: {  	v25 =	vld [tilespmem:$0xE40];
	vm0 =	vmand vm0, vm8;
	v0 =	vadd.f32 v16, v28;
	v49 =	vsub.f32 v44, v41;
	[tilespmem:$0x2020] =	vst v3  }
0x15e: {  	v9 =	vld [tilespmem:$0xE90];
	vm8 =	vgt.f32 v35, $5.000000000e-01;
	v59 =	vsub.f32 $1.000000000e+00, v54;
	v63 =	vsel vm0, $0x3F800000, v1;
	[tilespmem:$0x2110] =	vst v4  }
0x15f: {  	v35 =	vadd.f32 v48, v46;
	v24 =	vsub.f32 $1.000000000e+00, v3;
	v3 =	vld [tilespmem:$0x13A0];
	vm0 =	vmneg vm5;
	[tilespmem:$0x20A0] =	vst v63  }
0x160: {  	v43 =	vld [tilespmem:$0xEA0];
	vm9 =	vmneg vm8;
	v5 =	vsub.f32 v52, v50;
	v45 =	vsel vm0, $0x0, v58;
	[tilespmem:$0x2140] =	vst v49  }
0x161: {  	v57 =	vld [tilespmem:$0xF30];
	vm4 =	vgt.f32 v0, v32;
	v61 =	vsel vm9, $0x0, v58;
	v0 =	vsub.f32 v24, v63;
	[tilespmem:$0x2050] =	vst v45  }
0x162: {  	v60 =	vld [tilespmem:$0xFB0];
	vm12 =	vgt.f32 v12, $5.000000000e-01;
	v4 =	vsub.f32 v38, v37;
	v50 =	vadd.f32 v7, v22;
	[tilespmem:$0x2070] =	vst v61  }
0x163: {  	v51 =	vld [tilespmem:$0x13B0];
	v52 =	vadd.f32 v53, v30;
	vm0 =	vmand vm0, vm4;
	[tilespmem:$0x2120] =	vst v0;
	v0 =	vadd.f32 v15, v34  }
0x164: {  	v2 =	vld [tilespmem:$0xE20];
	v26 =	vadd.f32 v9, v21;
	[tilespmem:$0x2100] =	vst v5;
	v47 =	vsel vm0, $0x3F800000, v1;
	vm15 =	vgt.f32 v3, $5.000000000e-01  }
0x165: {  	v17 =	vld [tilespmem:$0x1390];
	[tilespmem:$0x2130] =	vst v4;
	vm10 =	vgt.f32 v50, v52;
	vm6 =	vgt.f32 v0, v42;
	vm4 =	vmneg vm15  }
0x166: {  	v62 =	vld [tilespmem:$0x13C0];
	[tilespmem:$0x20D0] =	vst v47;
	v0 =	vsub.f32 $1.000000000e+00, v45;
	vm0 =	vmand vm1, vm6;
	v39 =	vsel vm4, $0x0, v58  }
0x167: {  	v55 =	vld [tilespmem:$0xEB0];
	v6 =	vadd.f32 v60, v57;
	vm1 =	vmand vm9, vm10;
	v56 =	vsel vm0, $0x3F800000, v1;
	[tilespmem:$0x2220] =	vst v39  }
0x168: {  	v53 =	vld [tilespmem:$0xE30];
	v29 =	vsub.f32 $1.000000000e+00, v61;
	v0 =	vsub.f32 v0, v47;
	v63 =	vsel vm1, $0x3F800000, v1;
	[tilespmem:$0x20E0] =	vst v56  }
0x169: {  	v40 =	vld [tilespmem:$0xFD0];
	v9 =	vadd.f32 v33, v31;
	v2 =	vadd.f32 v43, v2;
	vm1 =	vmneg vm12;
	[tilespmem:$0x20F0] =	vst v63  }
0x16a: {  	v28 =	vld [tilespmem:$0xEC0];
	vm14 =	vgt.f32 v17, $5.000000000e-01;
	v30 =	vsel vm1, $0x0, v58;
	v4 =	vsub.f32 v29, v63;
	[tilespmem:$0x2150] =	vst v0  }
0x16b: {  	v44 =	vld [tilespmem:$0xE60];
	vm8 =	vgt.f32 v62, $5.000000000e-01;
	vm0 =	vmand vm1, vm11;
	vm1 =	vmneg vm14;
	[tilespmem:$0x2200] =	vst v30  }
0x16c: {  	vm5 =	vgt.f32 v2, v35;
	v2 =	vld [tilespmem:$0xF50];
	v0 =	vsub.f32 v59, v56;
	v37 =	vsel vm1, $0x0, v58;
	[tilespmem:$0x2170] =	vst v4  }
0x16d: {  	v57 =	vld [tilespmem:$0xFF0];
	vm13 =	vgt.f32 v26, v27;
	v14 =	vadd.f32 v55, v53;
	vm6 =	vgt.f32 v51, $5.000000000e-01;
	[tilespmem:$0x2210] =	vst v37  }
0x16e: {  	v3 =	vld [tilespmem:$0xED0];
	v32 =	vsub.f32 $1.000000000e+00, v30;
	[tilespmem:$0x2160] =	vst v0;
	v0 =	vsel vm0, $0x3F800000, v1;
	vm0 =	vmand vm1, vm13  }
0x16f: {  	v34 =	vld [tilespmem:$0x13D0];
	v41 =	vsub.f32 $1.000000000e+00, v39;
	vm1 =	vmneg vm8;
	v38 =	vsel vm0, $0x3F800000, v1;
	[tilespmem:$0x2280] =	vst v0  }
0x170: {  	v42 =	vld [tilespmem:$0x13E0];
	v5 =	vsub.f32 v32, v0;
	v0 =	vsub.f32 $1.000000000e+00, v37;
	v53 =	vsel vm1, $0x0, v58;
	[tilespmem:$0x2290] =	vst v38  }
0x171: {  	v49 =	vld [tilespmem:$0xFE0];
	vm7 =	vgt.f32 v14, v6;
	v2 =	vadd.f32 v40, v2;
	vm0 =	vmand vm4, vm5;
	[tilespmem:$0x2240] =	vst v53  }
0x172: {  	v51 =	vld [tilespmem:$0x13F0];
	v43 =	vsel vm0, $0x3F800000, v1;
	vm0 =	vmneg vm6;
	[tilespmem:$0x2300] =	vst v5;
	v0 =	vsub.f32 v0, v38  }
0x173: {  	v47 =	vld [tilespmem:$0xF60];
	v3 =	vadd.f32 v3, v36;
	v5 =	vsub.f32 v41, v43;
	v46 =	vsel vm0, $0x0, v58;
	[tilespmem:$0x22A0] =	vst v43  }
0x174: {  	v45 =	vld [tilespmem:$0xEE0];
	vm0 =	vmand vm0, vm7;
	v48 =	vsub.f32 $1.000000000e+00, v46;
	[tilespmem:$0x2310] =	vst v0;
	v0 =	vadd.f32 v28, v25  }
0x175: {  	v52 =	vld [tilespmem:$0xE70];
	vm11 =	vgt.f32 v34, $5.000000000e-01;
	vm12 =	vgt.f32 v42, $5.000000000e-01;
	v50 =	vsel vm0, $0x3F800000, v1;
	[tilespmem:$0x2230] =	vst v46  }
0x176: {  	vm10 =	vgt.f32 v3, v2;
	v2 =	vld [tilespmem:$0xEF0];
	[tilespmem:$0x2320] =	vst v5;
	vm9 =	vgt.f32 v0, v9;
	v0 =	vsub.f32 v48, v50  }
0x177: {  	v55 =	vld [tilespmem:$0xF70];
	vm14 =	vgt.f32 v51, $5.000000000e-01;
	v54 =	vsub.f32 $1.000000000e+00, v53;
	[tilespmem:$0x22B0] =	vst v50;
	vm0 =	vmand vm1, vm9  }
0x178: {  	v56 =	vadd.f32 v49, v47;
	v3 =	vsel vm0, $0x3F800000, v1;
	[tilespmem:$0x2330] =	vst v0;
	vm0 =	vmneg vm11  }
0x179: {  	v0 =	vadd.f32 v45, v44;
	v4 =	vsub.f32 v54, v3;
	v59 =	vsel vm0, $0x0, v58;
	[tilespmem:$0x22C0] =	vst v3  }
0x17a: {  	vm1 =	vmand vm0, vm10;
	vm0 =	vmneg vm12;
	v60 =	vsub.f32 $1.000000000e+00, v59;
	[tilespmem:$0x2250] =	vst v59  }
0x17b: {  	v3 =	vsel vm1, $0x3F800000, v1;
	vm13 =	vgt.f32 v0, v56;
	v0 =	vadd.f32 v2, v52;
	[tilespmem:$0x2340] =	vst v4  }
0x17c: {  	v61 =	vsel vm0, $0x0, v58;
	[tilespmem:$0x22D0] =	vst v3;
	v2 =	vsub.f32 v60, v3;
	v3 =	vadd.f32 v57, v55  }
0x17d: {  	vm1 =	vmand vm0, vm13;
	v62 =	vsub.f32 $1.000000000e+00, v61;
	vm0 =	vmneg vm14;
	[tilespmem:$0x2260] =	vst v61  }
0x17e: {  	[tilespmem:$0x2350] =	vst v2;
	v2 =	vsel vm1, $0x3F800000, v1;
	vm15 =	vgt.f32 v0, v3;
	v0 =	vsel vm0, $0x0, v58  }
0x17f: {  	v63 =	vsub.f32 v62, v2;
	[tilespmem:$0x22E0] =	vst v2;
	vm0 =	vmand vm0, vm15;
	v2 =	vsub.f32 $1.000000000e+00, v0  }
0x180: {  	[tilespmem:$0x2270] =	vst v0;
	v3 =	vsel vm0, $0x3F800000, v1  }
0x181: {  	[tilespmem:$0x2360] =	vst v63;
	v2 =	vsub.f32 v2, v3  }
0x182: {  	[tilespmem:$0x22F0] =	vst v3  }
0x183: {  	[tilespmem:$0x2370] =	vst v2  }
0x184: {  	[hbm4b:s8+s2] =	stream.linear.scatter [tilespmem:s21], [sflag:$0x5], $0x800, $0x38;
	[tilespmem:$0x2400] =	vst v63  }
0x185: {  	p0 =	sne.s32 s9, $0x1;
	_ =	swait.ge [sflag:s22], $0x800  }
.Ltmp0:
0x186: {  	[sflag:s22] =	ssyncset.done $0x0;
	(pc) =	sbr.rel @p0 .LBB2_1-.Ltmp0, $4  }
0x187: {  	[sflag:s22] =	ssyncadd.s32 $0xFFFFF800  }
0x188: {  	_ =	swait.ge [sflag:s22], $0x800  }
0x189: {  	[sflag:s22] =	ssyncset.done $0x0  }
0x18a: {  	s9 =	sadd.s32 $0xFFFFFFFF, s9;
	[sflag:s22] =	ssyncadd.s32 $0xFFFFF800  }
0x18b: {  	_ =	sfence.sel $0x180000  }
0x18c: {  	[bflag:$0x0] =	sbarrier.arrive $0xFFFF  }
0x18d: {  	p0 =	sne.s32 s1, $0x0;
	_ =	strace $0x90000047  }
0x18e: {  	s0 =	sadd.s32 @!p0 $0x100000, s0;
	[bflag:$0x2] =	sbarrier.arrive $0xFFFF  }
0x18f: {  	[sflag:s0] =	ssyncadd.tile.s32 @!p0 $0x1;
	_ =	shalt  }
.Lfunc_end2:
_tile_overlayer_lowered:
.L_overlay_start_2:
0x190: {  	(tag) =	ssettag $0x2  }
0x191: {  	s0 =	rddreg [dreg:$0x0];
	s2 =	stileid.u32  }
0x192: {  	s1 =	rddreg [dreg:$0x1];
	p0 =	sne.s32 s2, $0x0  }
0x193: {  	s3 =	rddreg [dreg:$0x2];
	[bflag:$0x3] =	sbarrier.arrive $0xFFFF;
	s2 =	simm.s32 @!p0 $0x1C06  }
0x194: {  	[timem:s3], [sflag:s2] =	dma.local @!p0 [hbm:s0], s1  }
0x195: {  	s0 =	simm.s32 @!p0 $0x6  }
0x196: {  	_ =	swait.ge @!p0 [sflag:s0], s1  }
0x197: {  	s1 =	ssub.s32 @!p0 $0x0, s1;
	[sflag:s0] =	ssyncset.done @!p0 $0x0  }
0x198: {  	[sflag:s0] =	ssyncadd.s32 @!p0 s1  }
0x199: {  	[bflag:$0x3] =	sbarrier.arrive $0xFFFF  }
0x19a: {  	_ =	shalt  }

</sc_bundles>
